<compile_context>
chip_gen: v7x
topology: tpu7x:2x2x1
jax: 0.10.2.dev20260603
libtpu: 0.0.44.dev20260713+nightly
codegen_flags: <defaults>
</compile_context>

<pallas_src>
import functools

import jax
import jax.numpy as jnp
from jax import lax
from jax.experimental import pallas as pl
from jax.experimental.pallas import tpu as pltpu
from jax.experimental.pallas import tpu_sc as plsc

N_NODES = 10000
D_FEAT = 128
N_EDGES = 320000

NC = 2
NS = 16
NW = NC * NS
CK = 128
NCH = 80
E_PAD = NW * NCH * CK
N_PAD = 10240
ROWS_PER_TILE = N_PAD // NS


def _layer_body(table, srcs, dsts, ews, zeros, part,
                acc, src_v, dst_v, ew_v, rows_v, sem):
    c = lax.axis_index("c")
    s = lax.axis_index("s")
    wid = c * NS + s

    pltpu.sync_copy(srcs.at[wid], src_v)
    pltpu.sync_copy(dsts.at[wid], dst_v)
    pltpu.sync_copy(ews.at[wid], ew_v)

    pltpu.sync_copy(zeros, acc.at[pl.ds(s * ROWS_PER_TILE, ROWS_PER_TILE)])
    plsc.subcore_barrier()

    def chunk(j, carry):
        pltpu.async_copy(table.at[src_v.at[j]], rows_v, sem).wait()

        def rowgrp(rb, carry2):
            for i in range(16):
                r = rb * 16 + i
                w = plsc.load_gather(
                    ew_v, [jnp.full((16,), j * CK + r, jnp.int32)])
                for cb in range(8):
                    sl = rows_v[r, pl.ds(cb * 16, 16)]
                    rows_v[r, pl.ds(cb * 16, 16)] = sl * w
            return carry2

        lax.fori_loop(0, 8, rowgrp, 0)

        pltpu.sync_copy(rows_v, acc.at[dst_v.at[j]], add=True)
        return carry

    lax.fori_loop(0, NCH, chunk, 0)
    plsc.subcore_barrier()

    pltpu.sync_copy(acc.at[pl.ds(s * ROWS_PER_TILE, ROWS_PER_TILE)],
                    part.at[c, pl.ds(s * ROWS_PER_TILE, ROWS_PER_TILE)])


@functools.cache
def _get_layer():
    return pl.kernel(
        _layer_body,
        out_type=jax.ShapeDtypeStruct((NC, N_PAD, D_FEAT), jnp.float32),
        mesh=plsc.VectorSubcoreMesh(core_axis_name="c", subcore_axis_name="s",
                                    num_cores=NC, num_subcores=NS),
        compiler_params=pltpu.CompilerParams(needs_layout_passes=False),
        scratch_types=[
            pltpu.VMEM_SHARED((N_PAD, D_FEAT), jnp.float32),
            pltpu.VMEM((NCH, CK), jnp.int32),
            pltpu.VMEM((NCH, CK), jnp.int32),
            pltpu.VMEM((NCH * CK,), jnp.float32),
            pltpu.VMEM((CK, D_FEAT), jnp.float32),
            pltpu.SemaphoreType.DMA,
        ],
    )


def _combine_body(p_ref, o_ref):
    o_ref[...] = p_ref[0] + p_ref[1]


def _final_body(x_ref, h1_ref, p_ref, o_ref):
    o_ref[...] = (x_ref[...] + h1_ref[...] + p_ref[0] + p_ref[1]) * (1.0 / 3.0)


_GB = 1000

_combine = pl.pallas_call(
    _combine_body,
    grid=(N_NODES // _GB,),
    in_specs=[pl.BlockSpec((NC, _GB, D_FEAT), lambda i: (0, i, 0))],
    out_specs=pl.BlockSpec((_GB, D_FEAT), lambda i: (i, 0)),
    out_shape=jax.ShapeDtypeStruct((N_NODES, D_FEAT), jnp.float32),
)

_final = pl.pallas_call(
    _final_body,
    grid=(N_NODES // _GB,),
    in_specs=[
        pl.BlockSpec((_GB, D_FEAT), lambda i: (i, 0)),
        pl.BlockSpec((_GB, D_FEAT), lambda i: (i, 0)),
        pl.BlockSpec((NC, _GB, D_FEAT), lambda i: (0, i, 0)),
    ],
    out_specs=pl.BlockSpec((_GB, D_FEAT), lambda i: (i, 0)),
    out_shape=jax.ShapeDtypeStruct((N_NODES, D_FEAT), jnp.float32),
)


def kernel(x, edge_index, edge_weight):
    src = edge_index[0].astype(jnp.int32)
    dst = edge_index[1].astype(jnp.int32)
    ew = edge_weight.astype(jnp.float32)

    pad = E_PAD - N_EDGES
    src = jnp.pad(src, (0, pad)).reshape(NW, NCH, CK)
    dst = jnp.pad(dst, (0, pad)).reshape(NW, NCH, CK)
    ew = jnp.pad(ew, (0, pad)).reshape(NW, NCH * CK)

    zeros = jnp.zeros((ROWS_PER_TILE, D_FEAT), jnp.float32)

    layer = _get_layer()
    p1 = layer(x, src, dst, ew, zeros)
    h1 = _combine(p1)
    p2 = layer(h1, src, dst, ew, zeros)
    return _final(x, h1, p2)

# --- scband reference (transcript-rebuilt; emitter-appended) ---
"""Pipeline reference for scband-light-gcnconv-3358664426026 (READ-ONLY COPY).

The authoritative reference and input builder live on the scoring server;
editing this copy changes nothing except your own understanding.
"""

import jax, jax.numpy as jnp
import numpy as np

NUM_LAYERS = 2
STACK_LAYERS = True
N_NODES = 10000
N_EDGES = 320000
D_FEAT = 128


def setup_inputs(seed: int = 0) -> dict:
    key = jax.random.key(seed)
    k1, k2, k3 = jax.random.split(key, 3)
    x = jax.random.normal(k1, (N_NODES, D_FEAT), dtype=jnp.float32)
    edge_index = jax.random.randint(k2, (2, N_EDGES), 0, N_NODES, dtype=jnp.int64)
    edge_weight = jax.random.uniform(k3, (N_EDGES,), dtype=jnp.float32)
    return {"x": x, "edge_index": edge_index, "edge_weight": edge_weight}


def reference(x, edge_index, edge_weight):
    # LightGCNConv: per layer, message m = h[src] * ew, reduce = segment sum over dst.
    # stack_layers=True: average embeddings across layers (including input layer).
    src = edge_index[0]
    dst = edge_index[1]
    n = x.shape[0]
    x_list = [x]
    for _ in range(NUM_LAYERS):
        m = jnp.take(x_list[-1], src, axis=0) * edge_weight[:, None]
        h = jax.ops.segment_sum(m, dst, num_segments=n)
        x_list.append(h)
    if STACK_LAYERS:
        x_out = jnp.stack(x_list, axis=1).mean(axis=1)
    else:
        x_out = x_list[-1]
    return x_out

if __name__ == "__main__":
    import jax
    _d = setup_inputs()
    print(jax.jit(kernel)(*tuple(_d.values())))

</pallas_src>

<mosaic_0001>
#map = affine_map<(d0, d1) -> (0, 0)>
#map1 = affine_map<(d0, d1) -> (0, 0, 0)>
module attributes {stable_mosaic.version = 14 : i64} {
  func.func @_layer_body(%arg0: i32, %arg1: i32, %arg2: memref<10000x128xf32, #tpu.memory_space<hbm>>, %arg3: memref<32x80x128xi32, #tpu.memory_space<hbm>>, %arg4: memref<32x80x128xi32, #tpu.memory_space<hbm>>, %arg5: memref<32x10240xf32, #tpu.memory_space<hbm>>, %arg6: memref<640x128xf32, #tpu.memory_space<hbm>>, %arg7: memref<2x10240x128xf32, #tpu.memory_space<hbm>>, %arg8: memref<10240x128xf32, #tpu.memory_space<vmem_shared>>, %arg9: memref<80x128xi32, #tpu.memory_space<vmem>>, %arg10: memref<80x128xi32, #tpu.memory_space<vmem>>, %arg11: memref<10240xf32, #tpu.memory_space<vmem>>, %arg12: memref<128x128xf32, #tpu.memory_space<vmem>>, %arg13: memref<!tpu.dma_semaphore, #tpu.memory_space<semaphore_mem>>) attributes {dimension_semantics = [#tpu.dimension_semantics<core_parallel>, #tpu.dimension_semantics<subcore_parallel>], iteration_bounds = array<i64: 2, 16>, scalar_prefetch = 0 : i64, scratch_operands = 6 : i64, tpu.core_type = #tpu.core_type<sc_vector_subcore>, window_params = [{transform_indices = #map}, {transform_indices = #map1}, {transform_indices = #map1}, {transform_indices = #map}, {transform_indices = #map}, {transform_indices = #map1}]} {
    %mul3A = arith.constant 16 : i32
    %mul3A_0 = arith.muli %arg0, %mul3A : i32
    %add3A = arith.addi %mul3A_0, %arg1 : i32
    "tpu.region"() ({
      %run_scoped3A = tpu.sem_alloc : memref<!tpu.dma_semaphore, #tpu.memory_space<semaphore_mem>>
      %dma_start3A = arith.constant 0 : i32
      %dma_start3A_13 = arith.constant 0 : i32
      %dma_start3A_14 = tpu.memref_slice %arg3[%add3A, %dma_start3A, %dma_start3A_13] : memref<32x80x128xi32, #tpu.memory_space<hbm>> -> memref<1x80x128xi32, #tpu.memory_space<hbm>>
      %dma_start3A_15 = tpu.memref_squeeze %dma_start3A_14 : memref<1x80x128xi32, #tpu.memory_space<hbm>> -> memref<80x128xi32, #tpu.memory_space<hbm>>
      %dma_start3A_16 = arith.constant 0 : i32
      %dma_start3A_17 = arith.constant 0 : i32
      %dma_start3A_18 = tpu.memref_slice %arg3[%add3A, %dma_start3A_16, %dma_start3A_17] : memref<32x80x128xi32, #tpu.memory_space<hbm>> -> memref<1x80x128xi32, #tpu.memory_space<hbm>>
      %dma_start3A_19 = tpu.memref_squeeze %dma_start3A_18 : memref<1x80x128xi32, #tpu.memory_space<hbm>> -> memref<80x128xi32, #tpu.memory_space<hbm>>
      tpu.enqueue_dma source(%dma_start3A_19 : memref<80x128xi32, #tpu.memory_space<hbm>>) target(%arg9 : memref<80x128xi32, #tpu.memory_space<vmem>>) target_semaphore(%run_scoped3A : memref<!tpu.dma_semaphore, #tpu.memory_space<semaphore_mem>>)
      %dma_wait3A = arith.constant 0 : i32
      %dma_wait3A_20 = arith.constant 0 : i32
      %dma_wait3A_21 = tpu.memref_slice %arg3[%add3A, %dma_wait3A, %dma_wait3A_20] : memref<32x80x128xi32, #tpu.memory_space<hbm>> -> memref<1x80x128xi32, #tpu.memory_space<hbm>>
      %dma_wait3A_22 = tpu.memref_squeeze %dma_wait3A_21 : memref<1x80x128xi32, #tpu.memory_space<hbm>> -> memref<80x128xi32, #tpu.memory_space<hbm>>
      %dma_wait3A_23 = arith.constant 0 : i32
      %dma_wait3A_24 = arith.constant 0 : i32
      %dma_wait3A_25 = tpu.memref_slice %arg3[%add3A, %dma_wait3A_23, %dma_wait3A_24] : memref<32x80x128xi32, #tpu.memory_space<hbm>> -> memref<1x80x128xi32, #tpu.memory_space<hbm>>
      %dma_wait3A_26 = tpu.memref_squeeze %dma_wait3A_25 : memref<1x80x128xi32, #tpu.memory_space<hbm>> -> memref<80x128xi32, #tpu.memory_space<hbm>>
      tpu.wait_dma2 semaphore(%run_scoped3A : memref<!tpu.dma_semaphore, #tpu.memory_space<semaphore_mem>>) src(%dma_wait3A_26 : memref<80x128xi32, #tpu.memory_space<hbm>>) dst(%arg9 : memref<80x128xi32, #tpu.memory_space<vmem>>)
      tpu.yield
    }) : () -> ()
    "tpu.region"() ({
      %run_scoped3A = tpu.sem_alloc : memref<!tpu.dma_semaphore, #tpu.memory_space<semaphore_mem>>
      %dma_start3A = arith.constant 0 : i32
      %dma_start3A_13 = arith.constant 0 : i32
      %dma_start3A_14 = tpu.memref_slice %arg4[%add3A, %dma_start3A, %dma_start3A_13] : memref<32x80x128xi32, #tpu.memory_space<hbm>> -> memref<1x80x128xi32, #tpu.memory_space<hbm>>
      %dma_start3A_15 = tpu.memref_squeeze %dma_start3A_14 : memref<1x80x128xi32, #tpu.memory_space<hbm>> -> memref<80x128xi32, #tpu.memory_space<hbm>>
      %dma_start3A_16 = arith.constant 0 : i32
      %dma_start3A_17 = arith.constant 0 : i32
      %dma_start3A_18 = tpu.memref_slice %arg4[%add3A, %dma_start3A_16, %dma_start3A_17] : memref<32x80x128xi32, #tpu.memory_space<hbm>> -> memref<1x80x128xi32, #tpu.memory_space<hbm>>
      %dma_start3A_19 = tpu.memref_squeeze %dma_start3A_18 : memref<1x80x128xi32, #tpu.memory_space<hbm>> -> memref<80x128xi32, #tpu.memory_space<hbm>>
      tpu.enqueue_dma source(%dma_start3A_19 : memref<80x128xi32, #tpu.memory_space<hbm>>) target(%arg10 : memref<80x128xi32, #tpu.memory_space<vmem>>) target_semaphore(%run_scoped3A : memref<!tpu.dma_semaphore, #tpu.memory_space<semaphore_mem>>)
      %dma_wait3A = arith.constant 0 : i32
      %dma_wait3A_20 = arith.constant 0 : i32
      %dma_wait3A_21 = tpu.memref_slice %arg4[%add3A, %dma_wait3A, %dma_wait3A_20] : memref<32x80x128xi32, #tpu.memory_space<hbm>> -> memref<1x80x128xi32, #tpu.memory_space<hbm>>
      %dma_wait3A_22 = tpu.memref_squeeze %dma_wait3A_21 : memref<1x80x128xi32, #tpu.memory_space<hbm>> -> memref<80x128xi32, #tpu.memory_space<hbm>>
      %dma_wait3A_23 = arith.constant 0 : i32
      %dma_wait3A_24 = arith.constant 0 : i32
      %dma_wait3A_25 = tpu.memref_slice %arg4[%add3A, %dma_wait3A_23, %dma_wait3A_24] : memref<32x80x128xi32, #tpu.memory_space<hbm>> -> memref<1x80x128xi32, #tpu.memory_space<hbm>>
      %dma_wait3A_26 = tpu.memref_squeeze %dma_wait3A_25 : memref<1x80x128xi32, #tpu.memory_space<hbm>> -> memref<80x128xi32, #tpu.memory_space<hbm>>
      tpu.wait_dma2 semaphore(%run_scoped3A : memref<!tpu.dma_semaphore, #tpu.memory_space<semaphore_mem>>) src(%dma_wait3A_26 : memref<80x128xi32, #tpu.memory_space<hbm>>) dst(%arg10 : memref<80x128xi32, #tpu.memory_space<vmem>>)
      tpu.yield
    }) : () -> ()
    "tpu.region"() ({
      %run_scoped3A = tpu.sem_alloc : memref<!tpu.dma_semaphore, #tpu.memory_space<semaphore_mem>>
      %dma_start3A = arith.constant 0 : i32
      %dma_start3A_13 = tpu.memref_slice %arg5[%add3A, %dma_start3A] : memref<32x10240xf32, #tpu.memory_space<hbm>> -> memref<1x10240xf32, #tpu.memory_space<hbm>>
      %dma_start3A_14 = tpu.memref_squeeze %dma_start3A_13 : memref<1x10240xf32, #tpu.memory_space<hbm>> -> memref<10240xf32, #tpu.memory_space<hbm>>
      %dma_start3A_15 = arith.constant 0 : i32
      %dma_start3A_16 = tpu.memref_slice %arg5[%add3A, %dma_start3A_15] : memref<32x10240xf32, #tpu.memory_space<hbm>> -> memref<1x10240xf32, #tpu.memory_space<hbm>>
      %dma_start3A_17 = tpu.memref_squeeze %dma_start3A_16 : memref<1x10240xf32, #tpu.memory_space<hbm>> -> memref<10240xf32, #tpu.memory_space<hbm>>
      tpu.enqueue_dma source(%dma_start3A_17 : memref<10240xf32, #tpu.memory_space<hbm>>) target(%arg11 : memref<10240xf32, #tpu.memory_space<vmem>>) target_semaphore(%run_scoped3A : memref<!tpu.dma_semaphore, #tpu.memory_space<semaphore_mem>>)
      %dma_wait3A = arith.constant 0 : i32
      %dma_wait3A_18 = tpu.memref_slice %arg5[%add3A, %dma_wait3A] : memref<32x10240xf32, #tpu.memory_space<hbm>> -> memref<1x10240xf32, #tpu.memory_space<hbm>>
      %dma_wait3A_19 = tpu.memref_squeeze %dma_wait3A_18 : memref<1x10240xf32, #tpu.memory_space<hbm>> -> memref<10240xf32, #tpu.memory_space<hbm>>
      %dma_wait3A_20 = arith.constant 0 : i32
      %dma_wait3A_21 = tpu.memref_slice %arg5[%add3A, %dma_wait3A_20] : memref<32x10240xf32, #tpu.memory_space<hbm>> -> memref<1x10240xf32, #tpu.memory_space<hbm>>
      %dma_wait3A_22 = tpu.memref_squeeze %dma_wait3A_21 : memref<1x10240xf32, #tpu.memory_space<hbm>> -> memref<10240xf32, #tpu.memory_space<hbm>>
      tpu.wait_dma2 semaphore(%run_scoped3A : memref<!tpu.dma_semaphore, #tpu.memory_space<semaphore_mem>>) src(%dma_wait3A_22 : memref<10240xf32, #tpu.memory_space<hbm>>) dst(%arg11 : memref<10240xf32, #tpu.memory_space<vmem>>)
      tpu.yield
    }) : () -> ()
    %mul3A_1 = arith.constant 640 : i32
    %mul3A_2 = arith.muli %arg1, %mul3A_1 : i32
    "tpu.region"() ({
      %run_scoped3A = tpu.sem_alloc : memref<!tpu.dma_semaphore, #tpu.memory_space<semaphore_mem>>
      %dma_start3A = arith.constant 0 : i32
      %dma_start3A_13 = tpu.memref_slice %arg8[%mul3A_2, %dma_start3A] : memref<10240x128xf32, #tpu.memory_space<vmem_shared>> -> memref<640x128xf32, #tpu.memory_space<vmem_shared>>
      tpu.enqueue_dma source(%arg6 : memref<640x128xf32, #tpu.memory_space<hbm>>) target(%dma_start3A_13 : memref<640x128xf32, #tpu.memory_space<vmem_shared>>) target_semaphore(%run_scoped3A : memref<!tpu.dma_semaphore, #tpu.memory_space<semaphore_mem>>)
      %dma_wait3A = arith.constant 0 : i32
      %dma_wait3A_14 = tpu.memref_slice %arg8[%mul3A_2, %dma_wait3A] : memref<10240x128xf32, #tpu.memory_space<vmem_shared>> -> memref<640x128xf32, #tpu.memory_space<vmem_shared>>
      tpu.wait_dma2 semaphore(%run_scoped3A : memref<!tpu.dma_semaphore, #tpu.memory_space<semaphore_mem>>) src(%arg6 : memref<640x128xf32, #tpu.memory_space<hbm>>) dst(%dma_wait3A_14 : memref<640x128xf32, #tpu.memory_space<vmem_shared>>)
      tpu.yield
    }) : () -> ()
    %barrier3A = arith.constant 0 : index
    tpu.barrier barrier_id(%barrier3A)
    %scan3A = arith.constant 0 : i32
    %scan3A_3 = arith.constant 0 : i32
    %scan3A_4 = arith.constant 80 : i32
    %scan3A_5 = arith.addi %scan3A_3, %scan3A_4 : i32
    %scan3A_6 = arith.constant 1 : i32
    scf.for %scan3A_13 = %scan3A_3 to %scan3A_5 step %scan3A_6  : i32 {
      %dma_start3A = arith.constant 0 : i32
      %dma_start3A_14 = tpu.memref_slice %arg9[%scan3A_13, %dma_start3A] : memref<80x128xi32, #tpu.memory_space<vmem>> -> memref<1x128xi32, #tpu.memory_space<vmem>>
      %dma_start3A_15 = tpu.memref_squeeze %dma_start3A_14 : memref<1x128xi32, #tpu.memory_space<vmem>> -> memref<128xi32, #tpu.memory_space<vmem>>
      %dma_start3A_16 = arith.constant 0 : i32
      %dma_start3A_17 = arith.constant 0 : i32
      %dma_start3A_18 = tpu.memref_slice %arg2[%dma_start3A_16, %dma_start3A_17] : memref<10000x128xf32, #tpu.memory_space<hbm>> -> memref<10000x128xf32, #tpu.memory_space<hbm>>
      tpu.enqueue_indirect_dma source(%dma_start3A_18 : memref<10000x128xf32, #tpu.memory_space<hbm>>) target(%arg12 : memref<128x128xf32, #tpu.memory_space<vmem>>) offsets(%dma_start3A_15 : memref<128xi32, #tpu.memory_space<vmem>>) semaphore(%arg13 : memref<!tpu.dma_semaphore, #tpu.memory_space<semaphore_mem>>)
      %dma_wait3A = arith.constant 0 : i32
      %dma_wait3A_19 = tpu.memref_slice %arg9[%scan3A_13, %dma_wait3A] : memref<80x128xi32, #tpu.memory_space<vmem>> -> memref<1x128xi32, #tpu.memory_space<vmem>>
      %dma_wait3A_20 = tpu.memref_squeeze %dma_wait3A_19 : memref<1x128xi32, #tpu.memory_space<vmem>> -> memref<128xi32, #tpu.memory_space<vmem>>
      %dma_wait3A_21 = arith.constant 0 : i32
      %dma_wait3A_22 = arith.constant 0 : i32
      %dma_wait3A_23 = tpu.memref_slice %arg2[%dma_wait3A_21, %dma_wait3A_22] : memref<10000x128xf32, #tpu.memory_space<hbm>> -> memref<10000x128xf32, #tpu.memory_space<hbm>>
      tpu.wait_indirect_dma semaphore(%arg13 : memref<!tpu.dma_semaphore, #tpu.memory_space<semaphore_mem>>) src(%dma_wait3A_23 : memref<10000x128xf32, #tpu.memory_space<hbm>>) dst(%arg12 : memref<128x128xf32, #tpu.memory_space<vmem>>)
      %scan3A_24 = arith.constant 0 : i32
      %scan3A_25 = arith.constant 0 : i32
      %scan3A_26 = arith.constant 8 : i32
      %scan3A_27 = arith.addi %scan3A_25, %scan3A_26 : i32
      %scan3A_28 = arith.constant 1 : i32
      scf.for %scan3A_30 = %scan3A_25 to %scan3A_27 step %scan3A_28  : i32 {
        %mul3A_31 = arith.constant 16 : i32
        %mul3A_32 = arith.muli %scan3A_30, %mul3A_31 : i32
        %add3A_33 = arith.constant 0 : i32
        %add3A_34 = arith.addi %mul3A_32, %add3A_33 : i32
        %mul3A_35 = arith.constant 128 : i32
        %mul3A_36 = arith.muli %scan3A_13, %mul3A_35 : i32
        %add3A_37 = arith.addi %mul3A_36, %add3A_34 : i32
        %broadcast_in_dim3A = vector.broadcast %add3A_37 : i32 to vector<16xi32>
        %gather3A = tpu.vector_load_idx %arg11[%broadcast_in_dim3A] : memref<10240xf32, #tpu.memory_space<vmem>>[vector<16xi32>], vector<16xf32>,
        %get3A = arith.index_cast %add3A_34 : i32 to index
        %get3A_38 = arith.constant 0 : index
        %get3A_39 = tpu.vector_load %arg12[%get3A, %get3A_38] {strides = array<i32>} : memref<128x128xf32, #tpu.memory_space<vmem>>, vector<16xf32>,
        %mul3A_40 = arith.mulf %get3A_39, %gather3A : vector<16xf32>
        %swap3A = arith.index_cast %add3A_34 : i32 to index
        %swap3A_41 = arith.constant 0 : index
        %swap3A_42 = tpu.vector_load %arg12[%swap3A, %swap3A_41] {strides = array<i32>} : memref<128x128xf32, #tpu.memory_space<vmem>>, vector<16xf32>,
        tpu.vector_store %arg12[%swap3A, %swap3A_41], %mul3A_40 {strides = array<i32>} : memref<128x128xf32, #tpu.memory_space<vmem>>, vector<16xf32>,
        %get3A_43 = arith.index_cast %add3A_34 : i32 to index
        %get3A_44 = arith.constant 16 : index
        %get3A_45 = tpu.vector_load %arg12[%get3A_43, %get3A_44] {strides = array<i32>} : memref<128x128xf32, #tpu.memory_space<vmem>>, vector<16xf32>,
        %mul3A_46 = arith.mulf %get3A_45, %gather3A : vector<16xf32>
        %swap3A_47 = arith.index_cast %add3A_34 : i32 to index
        %swap3A_48 = arith.constant 16 : index
        %swap3A_49 = tpu.vector_load %arg12[%swap3A_47, %swap3A_48] {strides = array<i32>} : memref<128x128xf32, #tpu.memory_space<vmem>>, vector<16xf32>,
        tpu.vector_store %arg12[%swap3A_47, %swap3A_48], %mul3A_46 {strides = array<i32>} : memref<128x128xf32, #tpu.memory_space<vmem>>, vector<16xf32>,
        %get3A_50 = arith.index_cast %add3A_34 : i32 to index
        %get3A_51 = arith.constant 32 : index
        %get3A_52 = tpu.vector_load %arg12[%get3A_50, %get3A_51] {strides = array<i32>} : memref<128x128xf32, #tpu.memory_space<vmem>>, vector<16xf32>,
        %mul3A_53 = arith.mulf %get3A_52, %gather3A : vector<16xf32>
        %swap3A_54 = arith.index_cast %add3A_34 : i32 to index
        %swap3A_55 = arith.constant 32 : index
        %swap3A_56 = tpu.vector_load %arg12[%swap3A_54, %swap3A_55] {strides = array<i32>} : memref<128x128xf32, #tpu.memory_space<vmem>>, vector<16xf32>,
        tpu.vector_store %arg12[%swap3A_54, %swap3A_55], %mul3A_53 {strides = array<i32>} : memref<128x128xf32, #tpu.memory_space<vmem>>, vector<16xf32>,
        %get3A_57 = arith.index_cast %add3A_34 : i32 to index
        %get3A_58 = arith.constant 48 : index
        %get3A_59 = tpu.vector_load %arg12[%get3A_57, %get3A_58] {strides = array<i32>} : memref<128x128xf32, #tpu.memory_space<vmem>>, vector<16xf32>,
        %mul3A_60 = arith.mulf %get3A_59, %gather3A : vector<16xf32>
        %swap3A_61 = arith.index_cast %add3A_34 : i32 to index
        %swap3A_62 = arith.constant 48 : index
        %swap3A_63 = tpu.vector_load %arg12[%swap3A_61, %swap3A_62] {strides = array<i32>} : memref<128x128xf32, #tpu.memory_space<vmem>>, vector<16xf32>,
        tpu.vector_store %arg12[%swap3A_61, %swap3A_62], %mul3A_60 {strides = array<i32>} : memref<128x128xf32, #tpu.memory_space<vmem>>, vector<16xf32>,
        %get3A_64 = arith.index_cast %add3A_34 : i32 to index
        %get3A_65 = arith.constant 64 : index
        %get3A_66 = tpu.vector_load %arg12[%get3A_64, %get3A_65] {strides = array<i32>} : memref<128x128xf32, #tpu.memory_space<vmem>>, vector<16xf32>,
        %mul3A_67 = arith.mulf %get3A_66, %gather3A : vector<16xf32>
        %swap3A_68 = arith.index_cast %add3A_34 : i32 to index
        %swap3A_69 = arith.constant 64 : index
        %swap3A_70 = tpu.vector_load %arg12[%swap3A_68, %swap3A_69] {strides = array<i32>} : memref<128x128xf32, #tpu.memory_space<vmem>>, vector<16xf32>,
        tpu.vector_store %arg12[%swap3A_68, %swap3A_69], %mul3A_67 {strides = array<i32>} : memref<128x128xf32, #tpu.memory_space<vmem>>, vector<16xf32>,
        %get3A_71 = arith.index_cast %add3A_34 : i32 to index
        %get3A_72 = arith.constant 80 : index
        %get3A_73 = tpu.vector_load %arg12[%get3A_71, %get3A_72] {strides = array<i32>} : memref<128x128xf32, #tpu.memory_space<vmem>>, vector<16xf32>,
        %mul3A_74 = arith.mulf %get3A_73, %gather3A : vector<16xf32>
        %swap3A_75 = arith.index_cast %add3A_34 : i32 to index
        %swap3A_76 = arith.constant 80 : index
        %swap3A_77 = tpu.vector_load %arg12[%swap3A_75, %swap3A_76] {strides = array<i32>} : memref<128x128xf32, #tpu.memory_space<vmem>>, vector<16xf32>,
        tpu.vector_store %arg12[%swap3A_75, %swap3A_76], %mul3A_74 {strides = array<i32>} : memref<128x128xf32, #tpu.memory_space<vmem>>, vector<16xf32>,
        %get3A_78 = arith.index_cast %add3A_34 : i32 to index
        %get3A_79 = arith.constant 96 : index
        %get3A_80 = tpu.vector_load %arg12[%get3A_78, %get3A_79] {strides = array<i32>} : memref<128x128xf32, #tpu.memory_space<vmem>>, vector<16xf32>,
        %mul3A_81 = arith.mulf %get3A_80, %gather3A : vector<16xf32>
        %swap3A_82 = arith.index_cast %add3A_34 : i32 to index
        %swap3A_83 = arith.constant 96 : index
        %swap3A_84 = tpu.vector_load %arg12[%swap3A_82, %swap3A_83] {strides = array<i32>} : memref<128x128xf32, #tpu.memory_space<vmem>>, vector<16xf32>,
        tpu.vector_store %arg12[%swap3A_82, %swap3A_83], %mul3A_81 {strides = array<i32>} : memref<128x128xf32, #tpu.memory_space<vmem>>, vector<16xf32>,
        %get3A_85 = arith.index_cast %add3A_34 : i32 to index
        %get3A_86 = arith.constant 112 : index
        %get3A_87 = tpu.vector_load %arg12[%get3A_85, %get3A_86] {strides = array<i32>} : memref<128x128xf32, #tpu.memory_space<vmem>>, vector<16xf32>,
        %mul3A_88 = arith.mulf %get3A_87, %gather3A : vector<16xf32>
        %swap3A_89 = arith.index_cast %add3A_34 : i32 to index
        %swap3A_90 = arith.constant 112 : index
        %swap3A_91 = tpu.vector_load %arg12[%swap3A_89, %swap3A_90] {strides = array<i32>} : memref<128x128xf32, #tpu.memory_space<vmem>>, vector<16xf32>,
        tpu.vector_store %arg12[%swap3A_89, %swap3A_90], %mul3A_88 {strides = array<i32>} : memref<128x128xf32, #tpu.memory_space<vmem>>, vector<16xf32>,
        %mul3A_92 = arith.constant 16 : i32
        %mul3A_93 = arith.muli %scan3A_30, %mul3A_92 : i32
        %add3A_94 = arith.constant 1 : i32
        %add3A_95 = arith.addi %mul3A_93, %add3A_94 : i32
        %mul3A_96 = arith.constant 128 : i32
        %mul3A_97 = arith.muli %scan3A_13, %mul3A_96 : i32
        %add3A_98 = arith.addi %mul3A_97, %add3A_95 : i32
        %broadcast_in_dim3A_99 = vector.broadcast %add3A_98 : i32 to vector<16xi32>
        %gather3A_100 = tpu.vector_load_idx %arg11[%broadcast_in_dim3A_99] : memref<10240xf32, #tpu.memory_space<vmem>>[vector<16xi32>], vector<16xf32>,
        %get3A_101 = arith.index_cast %add3A_95 : i32 to index
        %get3A_102 = arith.constant 0 : index
        %get3A_103 = tpu.vector_load %arg12[%get3A_101, %get3A_102] {strides = array<i32>} : memref<128x128xf32, #tpu.memory_space<vmem>>, vector<16xf32>,
        %mul3A_104 = arith.mulf %get3A_103, %gather3A_100 : vector<16xf32>
        %swap3A_105 = arith.index_cast %add3A_95 : i32 to index
        %swap3A_106 = arith.constant 0 : index
        %swap3A_107 = tpu.vector_load %arg12[%swap3A_105, %swap3A_106] {strides = array<i32>} : memref<128x128xf32, #tpu.memory_space<vmem>>, vector<16xf32>,
        tpu.vector_store %arg12[%swap3A_105, %swap3A_106], %mul3A_104 {strides = array<i32>} : memref<128x128xf32, #tpu.memory_space<vmem>>, vector<16xf32>,
        %get3A_108 = arith.index_cast %add3A_95 : i32 to index
        %get3A_109 = arith.constant 16 : index
        %get3A_110 = tpu.vector_load %arg12[%get3A_108, %get3A_109] {strides = array<i32>} : memref<128x128xf32, #tpu.memory_space<vmem>>, vector<16xf32>,
        %mul3A_111 = arith.mulf %get3A_110, %gather3A_100 : vector<16xf32>
        %swap3A_112 = arith.index_cast %add3A_95 : i32 to index
        %swap3A_113 = arith.constant 16 : index
        %swap3A_114 = tpu.vector_load %arg12[%swap3A_112, %swap3A_113] {strides = array<i32>} : memref<128x128xf32, #tpu.memory_space<vmem>>, vector<16xf32>,
        tpu.vector_store %arg12[%swap3A_112, %swap3A_113], %mul3A_111 {strides = array<i32>} : memref<128x128xf32, #tpu.memory_space<vmem>>, vector<16xf32>,
        %get3A_115 = arith.index_cast %add3A_95 : i32 to index
        %get3A_116 = arith.constant 32 : index
        %get3A_117 = tpu.vector_load %arg12[%get3A_115, %get3A_116] {strides = array<i32>} : memref<128x128xf32, #tpu.memory_space<vmem>>, vector<16xf32>,
        %mul3A_118 = arith.mulf %get3A_117, %gather3A_100 : vector<16xf32>
        %swap3A_119 = arith.index_cast %add3A_95 : i32 to index
        %swap3A_120 = arith.constant 32 : index
        %swap3A_121 = tpu.vector_load %arg12[%swap3A_119, %swap3A_120] {strides = array<i32>} : memref<128x128xf32, #tpu.memory_space<vmem>>, vector<16xf32>,
        tpu.vector_store %arg12[%swap3A_119, %swap3A_120], %mul3A_118 {strides = array<i32>} : memref<128x128xf32, #tpu.memory_space<vmem>>, vector<16xf32>,
        %get3A_122 = arith.index_cast %add3A_95 : i32 to index
        %get3A_123 = arith.constant 48 : index
        %get3A_124 = tpu.vector_load %arg12[%get3A_122, %get3A_123] {strides = array<i32>} : memref<128x128xf32, #tpu.memory_space<vmem>>, vector<16xf32>,
        %mul3A_125 = arith.mulf %get3A_124, %gather3A_100 : vector<16xf32>
        %swap3A_126 = arith.index_cast %add3A_95 : i32 to index
        %swap3A_127 = arith.constant 48 : index
        %swap3A_128 = tpu.vector_load %arg12[%swap3A_126, %swap3A_127] {strides = array<i32>} : memref<128x128xf32, #tpu.memory_space<vmem>>, vector<16xf32>,
        tpu.vector_store %arg12[%swap3A_126, %swap3A_127], %mul3A_125 {strides = array<i32>} : memref<128x128xf32, #tpu.memory_space<vmem>>, vector<16xf32>,
        %get3A_129 = arith.index_cast %add3A_95 : i32 to index
        %get3A_130 = arith.constant 64 : index
        %get3A_131 = tpu.vector_load %arg12[%get3A_129, %get3A_130] {strides = array<i32>} : memref<128x128xf32, #tpu.memory_space<vmem>>, vector<16xf32>,
        %mul3A_132 = arith.mulf %get3A_131, %gather3A_100 : vector<16xf32>
        %swap3A_133 = arith.index_cast %add3A_95 : i32 to index
        %swap3A_134 = arith.constant 64 : index
        %swap3A_135 = tpu.vector_load %arg12[%swap3A_133, %swap3A_134] {strides = array<i32>} : memref<128x128xf32, #tpu.memory_space<vmem>>, vector<16xf32>,
        tpu.vector_store %arg12[%swap3A_133, %swap3A_134], %mul3A_132 {strides = array<i32>} : memref<128x128xf32, #tpu.memory_space<vmem>>, vector<16xf32>,
        %get3A_136 = arith.index_cast %add3A_95 : i32 to index
        %get3A_137 = arith.constant 80 : index
        %get3A_138 = tpu.vector_load %arg12[%get3A_136, %get3A_137] {strides = array<i32>} : memref<128x128xf32, #tpu.memory_space<vmem>>, vector<16xf32>,
        %mul3A_139 = arith.mulf %get3A_138, %gather3A_100 : vector<16xf32>
        %swap3A_140 = arith.index_cast %add3A_95 : i32 to index
        %swap3A_141 = arith.constant 80 : index
        %swap3A_142 = tpu.vector_load %arg12[%swap3A_140, %swap3A_141] {strides = array<i32>} : memref<128x128xf32, #tpu.memory_space<vmem>>, vector<16xf32>,
        tpu.vector_store %arg12[%swap3A_140, %swap3A_141], %mul3A_139 {strides = array<i32>} : memref<128x128xf32, #tpu.memory_space<vmem>>, vector<16xf32>,
        %get3A_143 = arith.index_cast %add3A_95 : i32 to index
        %get3A_144 = arith.constant 96 : index
        %get3A_145 = tpu.vector_load %arg12[%get3A_143, %get3A_144] {strides = array<i32>} : memref<128x128xf32, #tpu.memory_space<vmem>>, vector<16xf32>,
        %mul3A_146 = arith.mulf %get3A_145, %gather3A_100 : vector<16xf32>
        %swap3A_147 = arith.index_cast %add3A_95 : i32 to index
        %swap3A_148 = arith.constant 96 : index
        %swap3A_149 = tpu.vector_load %arg12[%swap3A_147, %swap3A_148] {strides = array<i32>} : memref<128x128xf32, #tpu.memory_space<vmem>>, vector<16xf32>,
        tpu.vector_store %arg12[%swap3A_147, %swap3A_148], %mul3A_146 {strides = array<i32>} : memref<128x128xf32, #tpu.memory_space<vmem>>, vector<16xf32>,
        %get3A_150 = arith.index_cast %add3A_95 : i32 to index
        %get3A_151 = arith.constant 112 : index
        %get3A_152 = tpu.vector_load %arg12[%get3A_150, %get3A_151] {strides = array<i32>} : memref<128x128xf32, #tpu.memory_space<vmem>>, vector<16xf32>,
        %mul3A_153 = arith.mulf %get3A_152, %gather3A_100 : vector<16xf32>
        %swap3A_154 = arith.index_cast %add3A_95 : i32 to index
        %swap3A_155 = arith.constant 112 : index
        %swap3A_156 = tpu.vector_load %arg12[%swap3A_154, %swap3A_155] {strides = array<i32>} : memref<128x128xf32, #tpu.memory_space<vmem>>, vector<16xf32>,
        tpu.vector_store %arg12[%swap3A_154, %swap3A_155], %mul3A_153 {strides = array<i32>} : memref<128x128xf32, #tpu.memory_space<vmem>>, vector<16xf32>,
        %mul3A_157 = arith.constant 16 : i32
        %mul3A_158 = arith.muli %scan3A_30, %mul3A_157 : i32
        %add3A_159 = arith.constant 2 : i32
        %add3A_160 = arith.addi %mul3A_158, %add3A_159 : i32
        %mul3A_161 = arith.constant 128 : i32
        %mul3A_162 = arith.muli %scan3A_13, %mul3A_161 : i32
        %add3A_163 = arith.addi %mul3A_162, %add3A_160 : i32
        %broadcast_in_dim3A_164 = vector.broadcast %add3A_163 : i32 to vector<16xi32>
        %gather3A_165 = tpu.vector_load_idx %arg11[%broadcast_in_dim3A_164] : memref<10240xf32, #tpu.memory_space<vmem>>[vector<16xi32>], vector<16xf32>,
        %get3A_166 = arith.index_cast %add3A_160 : i32 to index
        %get3A_167 = arith.constant 0 : index
        %get3A_168 = tpu.vector_load %arg12[%get3A_166, %get3A_167] {strides = array<i32>} : memref<128x128xf32, #tpu.memory_space<vmem>>, vector<16xf32>,
        %mul3A_169 = arith.mulf %get3A_168, %gather3A_165 : vector<16xf32>
        %swap3A_170 = arith.index_cast %add3A_160 : i32 to index
        %swap3A_171 = arith.constant 0 : index
        %swap3A_172 = tpu.vector_load %arg12[%swap3A_170, %swap3A_171] {strides = array<i32>} : memref<128x128xf32, #tpu.memory_space<vmem>>, vector<16xf32>,
        tpu.vector_store %arg12[%swap3A_170, %swap3A_171], %mul3A_169 {strides = array<i32>} : memref<128x128xf32, #tpu.memory_space<vmem>>, vector<16xf32>,
        %get3A_173 = arith.index_cast %add3A_160 : i32 to index
        %get3A_174 = arith.constant 16 : index
        %get3A_175 = tpu.vector_load %arg12[%get3A_173, %get3A_174] {strides = array<i32>} : memref<128x128xf32, #tpu.memory_space<vmem>>, vector<16xf32>,
        %mul3A_176 = arith.mulf %get3A_175, %gather3A_165 : vector<16xf32>
        %swap3A_177 = arith.index_cast %add3A_160 : i32 to index
        %swap3A_178 = arith.constant 16 : index
        %swap3A_179 = tpu.vector_load %arg12[%swap3A_177, %swap3A_178] {strides = array<i32>} : memref<128x128xf32, #tpu.memory_space<vmem>>, vector<16xf32>,
        tpu.vector_store %arg12[%swap3A_177, %swap3A_178], %mul3A_176 {strides = array<i32>} : memref<128x128xf32, #tpu.memory_space<vmem>>, vector<16xf32>,
        %get3A_180 = arith.index_cast %add3A_160 : i32 to index
        %get3A_181 = arith.constant 32 : index
        %get3A_182 = tpu.vector_load %arg12[%get3A_180, %get3A_181] {strides = array<i32>} : memref<128x128xf32, #tpu.memory_space<vmem>>, vector<16xf32>,
        %mul3A_183 = arith.mulf %get3A_182, %gather3A_165 : vector<16xf32>
        %swap3A_184 = arith.index_cast %add3A_160 : i32 to index
        %swap3A_185 = arith.constant 32 : index
        %swap3A_186 = tpu.vector_load %arg12[%swap3A_184, %swap3A_185] {strides = array<i32>} : memref<128x128xf32, #tpu.memory_space<vmem>>, vector<16xf32>,
        tpu.vector_store %arg12[%swap3A_184, %swap3A_185], %mul3A_183 {strides = array<i32>} : memref<128x128xf32, #tpu.memory_space<vmem>>, vector<16xf32>,
        %get3A_187 = arith.index_cast %add3A_160 : i32 to index
        %get3A_188 = arith.constant 48 : index
        %get3A_189 = tpu.vector_load %arg12[%get3A_187, %get3A_188] {strides = array<i32>} : memref<128x128xf32, #tpu.memory_space<vmem>>, vector<16xf32>,
        %mul3A_190 = arith.mulf %get3A_189, %gather3A_165 : vector<16xf32>
        %swap3A_191 = arith.index_cast %add3A_160 : i32 to index
        %swap3A_192 = arith.constant 48 : index
        %swap3A_193 = tpu.vector_load %arg12[%swap3A_191, %swap3A_192] {strides = array<i32>} : memref<128x128xf32, #tpu.memory_space<vmem>>, vector<16xf32>,
        tpu.vector_store %arg12[%swap3A_191, %swap3A_192], %mul3A_190 {strides = array<i32>} : memref<128x128xf32, #tpu.memory_space<vmem>>, vector<16xf32>,
        %get3A_194 = arith.index_cast %add3A_160 : i32 to index
        %get3A_195 = arith.constant 64 : index
        %get3A_196 = tpu.vector_load %arg12[%get3A_194, %get3A_195] {strides = array<i32>} : memref<128x128xf32, #tpu.memory_space<vmem>>, vector<16xf32>,
        %mul3A_197 = arith.mulf %get3A_196, %gather3A_165 : vector<16xf32>
        %swap3A_198 = arith.index_cast %add3A_160 : i32 to index
        %swap3A_199 = arith.constant 64 : index
        %swap3A_200 = tpu.vector_load %arg12[%swap3A_198, %swap3A_199] {strides = array<i32>} : memref<128x128xf32, #tpu.memory_space<vmem>>, vector<16xf32>,
        tpu.vector_store %arg12[%swap3A_198, %swap3A_199], %mul3A_197 {strides = array<i32>} : memref<128x128xf32, #tpu.memory_space<vmem>>, vector<16xf32>,
        %get3A_201 = arith.index_cast %add3A_160 : i32 to index
        %get3A_202 = arith.constant 80 : index
        %get3A_203 = tpu.vector_load %arg12[%get3A_201, %get3A_202] {strides = array<i32>} : memref<128x128xf32, #tpu.memory_space<vmem>>, vector<16xf32>,
        %mul3A_204 = arith.mulf %get3A_203, %gather3A_165 : vector<16xf32>
        %swap3A_205 = arith.index_cast %add3A_160 : i32 to index
        %swap3A_206 = arith.constant 80 : index
        %swap3A_207 = tpu.vector_load %arg12[%swap3A_205, %swap3A_206] {strides = array<i32>} : memref<128x128xf32, #tpu.memory_space<vmem>>, vector<16xf32>,
        tpu.vector_store %arg12[%swap3A_205, %swap3A_206], %mul3A_204 {strides = array<i32>} : memref<128x128xf32, #tpu.memory_space<vmem>>, vector<16xf32>,
        %get3A_208 = arith.index_cast %add3A_160 : i32 to index
        %get3A_209 = arith.constant 96 : index
        %get3A_210 = tpu.vector_load %arg12[%get3A_208, %get3A_209] {strides = array<i32>} : memref<128x128xf32, #tpu.memory_space<vmem>>, vector<16xf32>,
        %mul3A_211 = arith.mulf %get3A_210, %gather3A_165 : vector<16xf32>
        %swap3A_212 = arith.index_cast %add3A_160 : i32 to index
        %swap3A_213 = arith.constant 96 : index
        %swap3A_214 = tpu.vector_load %arg12[%swap3A_212, %swap3A_213] {strides = array<i32>} : memref<128x128xf32, #tpu.memory_space<vmem>>, vector<16xf32>,
        tpu.vector_store %arg12[%swap3A_212, %swap3A_213], %mul3A_211 {strides = array<i32>} : memref<128x128xf32, #tpu.memory_space<vmem>>, vector<16xf32>,
        %get3A_215 = arith.index_cast %add3A_160 : i32 to index
        %get3A_216 = arith.constant 112 : index
        %get3A_217 = tpu.vector_load %arg12[%get3A_215, %get3A_216] {strides = array<i32>} : memref<128x128xf32, #tpu.memory_space<vmem>>, vector<16xf32>,
        %mul3A_218 = arith.mulf %get3A_217, %gather3A_165 : vector<16xf32>
        %swap3A_219 = arith.index_cast %add3A_160 : i32 to index
        %swap3A_220 = arith.constant 112 : index
        %swap3A_221 = tpu.vector_load %arg12[%swap3A_219, %swap3A_220] {strides = array<i32>} : memref<128x128xf32, #tpu.memory_space<vmem>>, vector<16xf32>,
        tpu.vector_store %arg12[%swap3A_219, %swap3A_220], %mul3A_218 {strides = array<i32>} : memref<128x128xf32, #tpu.memory_space<vmem>>, vector<16xf32>,
        %mul3A_222 = arith.constant 16 : i32
        %mul3A_223 = arith.muli %scan3A_30, %mul3A_222 : i32
        %add3A_224 = arith.constant 3 : i32
        %add3A_225 = arith.addi %mul3A_223, %add3A_224 : i32
        %mul3A_226 = arith.constant 128 : i32
        %mul3A_227 = arith.muli %scan3A_13, %mul3A_226 : i32
        %add3A_228 = arith.addi %mul3A_227, %add3A_225 : i32
        %broadcast_in_dim3A_229 = vector.broadcast %add3A_228 : i32 to vector<16xi32>
        %gather3A_230 = tpu.vector_load_idx %arg11[%broadcast_in_dim3A_229] : memref<10240xf32, #tpu.memory_space<vmem>>[vector<16xi32>], vector<16xf32>,
        %get3A_231 = arith.index_cast %add3A_225 : i32 to index
        %get3A_232 = arith.constant 0 : index
        %get3A_233 = tpu.vector_load %arg12[%get3A_231, %get3A_232] {strides = array<i32>} : memref<128x128xf32, #tpu.memory_space<vmem>>, vector<16xf32>,
        %mul3A_234 = arith.mulf %get3A_233, %gather3A_230 : vector<16xf32>
        %swap3A_235 = arith.index_cast %add3A_225 : i32 to index
        %swap3A_236 = arith.constant 0 : index
        %swap3A_237 = tpu.vector_load %arg12[%swap3A_235, %swap3A_236] {strides = array<i32>} : memref<128x128xf32, #tpu.memory_space<vmem>>, vector<16xf32>,
        tpu.vector_store %arg12[%swap3A_235, %swap3A_236], %mul3A_234 {strides = array<i32>} : memref<128x128xf32, #tpu.memory_space<vmem>>, vector<16xf32>,
        %get3A_238 = arith.index_cast %add3A_225 : i32 to index
        %get3A_239 = arith.constant 16 : index
        %get3A_240 = tpu.vector_load %arg12[%get3A_238, %get3A_239] {strides = array<i32>} : memref<128x128xf32, #tpu.memory_space<vmem>>, vector<16xf32>,
        %mul3A_241 = arith.mulf %get3A_240, %gather3A_230 : vector<16xf32>
        %swap3A_242 = arith.index_cast %add3A_225 : i32 to index
        %swap3A_243 = arith.constant 16 : index
        %swap3A_244 = tpu.vector_load %arg12[%swap3A_242, %swap3A_243] {strides = array<i32>} : memref<128x128xf32, #tpu.memory_space<vmem>>, vector<16xf32>,
        tpu.vector_store %arg12[%swap3A_242, %swap3A_243], %mul3A_241 {strides = array<i32>} : memref<128x128xf32, #tpu.memory_space<vmem>>, vector<16xf32>,
        %get3A_245 = arith.index_cast %add3A_225 : i32 to index
        %get3A_246 = arith.constant 32 : index
        %get3A_247 = tpu.vector_load %arg12[%get3A_245, %get3A_246] {strides = array<i32>} : memref<128x128xf32, #tpu.memory_space<vmem>>, vector<16xf32>,
        %mul3A_248 = arith.mulf %get3A_247, %gather3A_230 : vector<16xf32>
        %swap3A_249 = arith.index_cast %add3A_225 : i32 to index
        %swap3A_250 = arith.constant 32 : index
        %swap3A_251 = tpu.vector_load %arg12[%swap3A_249, %swap3A_250] {strides = array<i32>} : memref<128x128xf32, #tpu.memory_space<vmem>>, vector<16xf32>,
        tpu.vector_store %arg12[%swap3A_249, %swap3A_250], %mul3A_248 {strides = array<i32>} : memref<128x128xf32, #tpu.memory_space<vmem>>, vector<16xf32>,
        %get3A_252 = arith.index_cast %add3A_225 : i32 to index
        %get3A_253 = arith.constant 48 : index
        %get3A_254 = tpu.vector_load %arg12[%get3A_252, %get3A_253] {strides = array<i32>} : memref<128x128xf32, #tpu.memory_space<vmem>>, vector<16xf32>,
        %mul3A_255 = arith.mulf %get3A_254, %gather3A_230 : vector<16xf32>
        %swap3A_256 = arith.index_cast %add3A_225 : i32 to index
        %swap3A_257 = arith.constant 48 : index
        %swap3A_258 = tpu.vector_load %arg12[%swap3A_256, %swap3A_257] {strides = array<i32>} : memref<128x128xf32, #tpu.memory_space<vmem>>, vector<16xf32>,
        tpu.vector_store %arg12[%swap3A_256, %swap3A_257], %mul3A_255 {strides = array<i32>} : memref<128x128xf32, #tpu.memory_space<vmem>>, vector<16xf32>,
        %get3A_259 = arith.index_cast %add3A_225 : i32 to index
        %get3A_260 = arith.constant 64 : index
        %get3A_261 = tpu.vector_load %arg12[%get3A_259, %get3A_260] {strides = array<i32>} : memref<128x128xf32, #tpu.memory_space<vmem>>, vector<16xf32>,
        %mul3A_262 = arith.mulf %get3A_261, %gather3A_230 : vector<16xf32>
        %swap3A_263 = arith.index_cast %add3A_225 : i32 to index
        %swap3A_264 = arith.constant 64 : index
        %swap3A_265 = tpu.vector_load %arg12[%swap3A_263, %swap3A_264] {strides = array<i32>} : memref<128x128xf32, #tpu.memory_space<vmem>>, vector<16xf32>,
        tpu.vector_store %arg12[%swap3A_263, %swap3A_264], %mul3A_262 {strides = array<i32>} : memref<128x128xf32, #tpu.memory_space<vmem>>, vector<16xf32>,
        %get3A_266 = arith.index_cast %add3A_225 : i32 to index
        %get3A_267 = arith.constant 80 : index
        %get3A_268 = tpu.vector_load %arg12[%get3A_266, %get3A_267] {strides = array<i32>} : memref<128x128xf32, #tpu.memory_space<vmem>>, vector<16xf32>,
        %mul3A_269 = arith.mulf %get3A_268, %gather3A_230 : vector<16xf32>
        %swap3A_270 = arith.index_cast %add3A_225 : i32 to index
        %swap3A_271 = arith.constant 80 : index
        %swap3A_272 = tpu.vector_load %arg12[%swap3A_270, %swap3A_271] {strides = array<i32>} : memref<128x128xf32, #tpu.memory_space<vmem>>, vector<16xf32>,
        tpu.vector_store %arg12[%swap3A_270, %swap3A_271], %mul3A_269 {strides = array<i32>} : memref<128x128xf32, #tpu.memory_space<vmem>>, vector<16xf32>,
        %get3A_273 = arith.index_cast %add3A_225 : i32 to index
        %get3A_274 = arith.constant 96 : index
        %get3A_275 = tpu.vector_load %arg12[%get3A_273, %get3A_274] {strides = array<i32>} : memref<128x128xf32, #tpu.memory_space<vmem>>, vector<16xf32>,
        %mul3A_276 = arith.mulf %get3A_275, %gather3A_230 : vector<16xf32>
        %swap3A_277 = arith.index_cast %add3A_225 : i32 to index
        %swap3A_278 = arith.constant 96 : index
        %swap3A_279 = tpu.vector_load %arg12[%swap3A_277, %swap3A_278] {strides = array<i32>} : memref<128x128xf32, #tpu.memory_space<vmem>>, vector<16xf32>,
        tpu.vector_store %arg12[%swap3A_277, %swap3A_278], %mul3A_276 {strides = array<i32>} : memref<128x128xf32, #tpu.memory_space<vmem>>, vector<16xf32>,
        %get3A_280 = arith.index_cast %add3A_225 : i32 to index
        %get3A_281 = arith.constant 112 : index
        %get3A_282 = tpu.vector_load %arg12[%get3A_280, %get3A_281] {strides = array<i32>} : memref<128x128xf32, #tpu.memory_space<vmem>>, vector<16xf32>,
        %mul3A_283 = arith.mulf %get3A_282, %gather3A_230 : vector<16xf32>
        %swap3A_284 = arith.index_cast %add3A_225 : i32 to index
        %swap3A_285 = arith.constant 112 : index
        %swap3A_286 = tpu.vector_load %arg12[%swap3A_284, %swap3A_285] {strides = array<i32>} : memref<128x128xf32, #tpu.memory_space<vmem>>, vector<16xf32>,
        tpu.vector_store %arg12[%swap3A_284, %swap3A_285], %mul3A_283 {strides = array<i32>} : memref<128x128xf32, #tpu.memory_space<vmem>>, vector<16xf32>,
        %mul3A_287 = arith.constant 16 : i32
        %mul3A_288 = arith.muli %scan3A_30, %mul3A_287 : i32
        %add3A_289 = arith.constant 4 : i32
        %add3A_290 = arith.addi %mul3A_288, %add3A_289 : i32
        %mul3A_291 = arith.constant 128 : i32
        %mul3A_292 = arith.muli %scan3A_13, %mul3A_291 : i32
        %add3A_293 = arith.addi %mul3A_292, %add3A_290 : i32
        %broadcast_in_dim3A_294 = vector.broadcast %add3A_293 : i32 to vector<16xi32>
        %gather3A_295 = tpu.vector_load_idx %arg11[%broadcast_in_dim3A_294] : memref<10240xf32, #tpu.memory_space<vmem>>[vector<16xi32>], vector<16xf32>,
        %get3A_296 = arith.index_cast %add3A_290 : i32 to index
        %get3A_297 = arith.constant 0 : index
        %get3A_298 = tpu.vector_load %arg12[%get3A_296, %get3A_297] {strides = array<i32>} : memref<128x128xf32, #tpu.memory_space<vmem>>, vector<16xf32>,
        %mul3A_299 = arith.mulf %get3A_298, %gather3A_295 : vector<16xf32>
        %swap3A_300 = arith.index_cast %add3A_290 : i32 to index
        %swap3A_301 = arith.constant 0 : index
        %swap3A_302 = tpu.vector_load %arg12[%swap3A_300, %swap3A_301] {strides = array<i32>} : memref<128x128xf32, #tpu.memory_space<vmem>>, vector<16xf32>,
        tpu.vector_store %arg12[%swap3A_300, %swap3A_301], %mul3A_299 {strides = array<i32>} : memref<128x128xf32, #tpu.memory_space<vmem>>, vector<16xf32>,
        %get3A_303 = arith.index_cast %add3A_290 : i32 to index
        %get3A_304 = arith.constant 16 : index
        %get3A_305 = tpu.vector_load %arg12[%get3A_303, %get3A_304] {strides = array<i32>} : memref<128x128xf32, #tpu.memory_space<vmem>>, vector<16xf32>,
        %mul3A_306 = arith.mulf %get3A_305, %gather3A_295 : vector<16xf32>
        %swap3A_307 = arith.index_cast %add3A_290 : i32 to index
        %swap3A_308 = arith.constant 16 : index
        %swap3A_309 = tpu.vector_load %arg12[%swap3A_307, %swap3A_308] {strides = array<i32>} : memref<128x128xf32, #tpu.memory_space<vmem>>, vector<16xf32>,
        tpu.vector_store %arg12[%swap3A_307, %swap3A_308], %mul3A_306 {strides = array<i32>} : memref<128x128xf32, #tpu.memory_space<vmem>>, vector<16xf32>,
        %get3A_310 = arith.index_cast %add3A_290 : i32 to index
        %get3A_311 = arith.constant 32 : index
        %get3A_312 = tpu.vector_load %arg12[%get3A_310, %get3A_311] {strides = array<i32>} : memref<128x128xf32, #tpu.memory_space<vmem>>, vector<16xf32>,
        %mul3A_313 = arith.mulf %get3A_312, %gather3A_295 : vector<16xf32>
        %swap3A_314 = arith.index_cast %add3A_290 : i32 to index
        %swap3A_315 = arith.constant 32 : index
        %swap3A_316 = tpu.vector_load %arg12[%swap3A_314, %swap3A_315] {strides = array<i32>} : memref<128x128xf32, #tpu.memory_space<vmem>>, vector<16xf32>,
        tpu.vector_store %arg12[%swap3A_314, %swap3A_315], %mul3A_313 {strides = array<i32>} : memref<128x128xf32, #tpu.memory_space<vmem>>, vector<16xf32>,
        %get3A_317 = arith.index_cast %add3A_290 : i32 to index
        %get3A_318 = arith.constant 48 : index
        %get3A_319 = tpu.vector_load %arg12[%get3A_317, %get3A_318] {strides = array<i32>} : memref<128x128xf32, #tpu.memory_space<vmem>>, vector<16xf32>,
        %mul3A_320 = arith.mulf %get3A_319, %gather3A_295 : vector<16xf32>
        %swap3A_321 = arith.index_cast %add3A_290 : i32 to index
        %swap3A_322 = arith.constant 48 : index
        %swap3A_323 = tpu.vector_load %arg12[%swap3A_321, %swap3A_322] {strides = array<i32>} : memref<128x128xf32, #tpu.memory_space<vmem>>, vector<16xf32>,
        tpu.vector_store %arg12[%swap3A_321, %swap3A_322], %mul3A_320 {strides = array<i32>} : memref<128x128xf32, #tpu.memory_space<vmem>>, vector<16xf32>,
        %get3A_324 = arith.index_cast %add3A_290 : i32 to index
        %get3A_325 = arith.constant 64 : index
        %get3A_326 = tpu.vector_load %arg12[%get3A_324, %get3A_325] {strides = array<i32>} : memref<128x128xf32, #tpu.memory_space<vmem>>, vector<16xf32>,
        %mul3A_327 = arith.mulf %get3A_326, %gather3A_295 : vector<16xf32>
        %swap3A_328 = arith.index_cast %add3A_290 : i32 to index
        %swap3A_329 = arith.constant 64 : index
        %swap3A_330 = tpu.vector_load %arg12[%swap3A_328, %swap3A_329] {strides = array<i32>} : memref<128x128xf32, #tpu.memory_space<vmem>>, vector<16xf32>,
        tpu.vector_store %arg12[%swap3A_328, %swap3A_329], %mul3A_327 {strides = array<i32>} : memref<128x128xf32, #tpu.memory_space<vmem>>, vector<16xf32>,
        %get3A_331 = arith.index_cast %add3A_290 : i32 to index
        %get3A_332 = arith.constant 80 : index
        %get3A_333 = tpu.vector_load %arg12[%get3A_331, %get3A_332] {strides = array<i32>} : memref<128x128xf32, #tpu.memory_space<vmem>>, vector<16xf32>,
        %mul3A_334 = arith.mulf %get3A_333, %gather3A_295 : vector<16xf32>
        %swap3A_335 = arith.index_cast %add3A_290 : i32 to index
        %swap3A_336 = arith.constant 80 : index
        %swap3A_337 = tpu.vector_load %arg12[%swap3A_335, %swap3A_336] {strides = array<i32>} : memref<128x128xf32, #tpu.memory_space<vmem>>, vector<16xf32>,
        tpu.vector_store %arg12[%swap3A_335, %swap3A_336], %mul3A_334 {strides = array<i32>} : memref<128x128xf32, #tpu.memory_space<vmem>>, vector<16xf32>,
        %get3A_338 = arith.index_cast %add3A_290 : i32 to index
        %get3A_339 = arith.constant 96 : index
        %get3A_340 = tpu.vector_load %arg12[%get3A_338, %get3A_339] {strides = array<i32>} : memref<128x128xf32, #tpu.memory_space<vmem>>, vector<16xf32>,
        %mul3A_341 = arith.mulf %get3A_340, %gather3A_295 : vector<16xf32>
        %swap3A_342 = arith.index_cast %add3A_290 : i32 to index
        %swap3A_343 = arith.constant 96 : index
        %swap3A_344 = tpu.vector_load %arg12[%swap3A_342, %swap3A_343] {strides = array<i32>} : memref<128x128xf32, #tpu.memory_space<vmem>>, vector<16xf32>,
        tpu.vector_store %arg12[%swap3A_342, %swap3A_343], %mul3A_341 {strides = array<i32>} : memref<128x128xf32, #tpu.memory_space<vmem>>, vector<16xf32>,
        %get3A_345 = arith.index_cast %add3A_290 : i32 to index
        %get3A_346 = arith.constant 112 : index
        %get3A_347 = tpu.vector_load %arg12[%get3A_345, %get3A_346] {strides = array<i32>} : memref<128x128xf32, #tpu.memory_space<vmem>>, vector<16xf32>,
        %mul3A_348 = arith.mulf %get3A_347, %gather3A_295 : vector<16xf32>
        %swap3A_349 = arith.index_cast %add3A_290 : i32 to index
        %swap3A_350 = arith.constant 112 : index
        %swap3A_351 = tpu.vector_load %arg12[%swap3A_349, %swap3A_350] {strides = array<i32>} : memref<128x128xf32, #tpu.memory_space<vmem>>, vector<16xf32>,
        tpu.vector_store %arg12[%swap3A_349, %swap3A_350], %mul3A_348 {strides = array<i32>} : memref<128x128xf32, #tpu.memory_space<vmem>>, vector<16xf32>,
        %mul3A_352 = arith.constant 16 : i32
        %mul3A_353 = arith.muli %scan3A_30, %mul3A_352 : i32
        %add3A_354 = arith.constant 5 : i32
        %add3A_355 = arith.addi %mul3A_353, %add3A_354 : i32
        %mul3A_356 = arith.constant 128 : i32
        %mul3A_357 = arith.muli %scan3A_13, %mul3A_356 : i32
        %add3A_358 = arith.addi %mul3A_357, %add3A_355 : i32
        %broadcast_in_dim3A_359 = vector.broadcast %add3A_358 : i32 to vector<16xi32>
        %gather3A_360 = tpu.vector_load_idx %arg11[%broadcast_in_dim3A_359] : memref<10240xf32, #tpu.memory_space<vmem>>[vector<16xi32>], vector<16xf32>,
        %get3A_361 = arith.index_cast %add3A_355 : i32 to index
        %get3A_362 = arith.constant 0 : index
        %get3A_363 = tpu.vector_load %arg12[%get3A_361, %get3A_362] {strides = array<i32>} : memref<128x128xf32, #tpu.memory_space<vmem>>, vector<16xf32>,
        %mul3A_364 = arith.mulf %get3A_363, %gather3A_360 : vector<16xf32>
        %swap3A_365 = arith.index_cast %add3A_355 : i32 to index
        %swap3A_366 = arith.constant 0 : index
        %swap3A_367 = tpu.vector_load %arg12[%swap3A_365, %swap3A_366] {strides = array<i32>} : memref<128x128xf32, #tpu.memory_space<vmem>>, vector<16xf32>,
        tpu.vector_store %arg12[%swap3A_365, %swap3A_366], %mul3A_364 {strides = array<i32>} : memref<128x128xf32, #tpu.memory_space<vmem>>, vector<16xf32>,
        %get3A_368 = arith.index_cast %add3A_355 : i32 to index
        %get3A_369 = arith.constant 16 : index
        %get3A_370 = tpu.vector_load %arg12[%get3A_368, %get3A_369] {strides = array<i32>} : memref<128x128xf32, #tpu.memory_space<vmem>>, vector<16xf32>,
        %mul3A_371 = arith.mulf %get3A_370, %gather3A_360 : vector<16xf32>
        %swap3A_372 = arith.index_cast %add3A_355 : i32 to index
        %swap3A_373 = arith.constant 16 : index
        %swap3A_374 = tpu.vector_load %arg12[%swap3A_372, %swap3A_373] {strides = array<i32>} : memref<128x128xf32, #tpu.memory_space<vmem>>, vector<16xf32>,
        tpu.vector_store %arg12[%swap3A_372, %swap3A_373], %mul3A_371 {strides = array<i32>} : memref<128x128xf32, #tpu.memory_space<vmem>>, vector<16xf32>,
        %get3A_375 = arith.index_cast %add3A_355 : i32 to index
        %get3A_376 = arith.constant 32 : index
        %get3A_377 = tpu.vector_load %arg12[%get3A_375, %get3A_376] {strides = array<i32>} : memref<128x128xf32, #tpu.memory_space<vmem>>, vector<16xf32>,
        %mul3A_378 = arith.mulf %get3A_377, %gather3A_360 : vector<16xf32>
        %swap3A_379 = arith.index_cast %add3A_355 : i32 to index
        %swap3A_380 = arith.constant 32 : index
        %swap3A_381 = tpu.vector_load %arg12[%swap3A_379, %swap3A_380] {strides = array<i32>} : memref<128x128xf32, #tpu.memory_space<vmem>>, vector<16xf32>,
        tpu.vector_store %arg12[%swap3A_379, %swap3A_380], %mul3A_378 {strides = array<i32>} : memref<128x128xf32, #tpu.memory_space<vmem>>, vector<16xf32>,
        %get3A_382 = arith.index_cast %add3A_355 : i32 to index
        %get3A_383 = arith.constant 48 : index
        %get3A_384 = tpu.vector_load %arg12[%get3A_382, %get3A_383] {strides = array<i32>} : memref<128x128xf32, #tpu.memory_space<vmem>>, vector<16xf32>,
        %mul3A_385 = arith.mulf %get3A_384, %gather3A_360 : vector<16xf32>
        %swap3A_386 = arith.index_cast %add3A_355 : i32 to index
        %swap3A_387 = arith.constant 48 : index
        %swap3A_388 = tpu.vector_load %arg12[%swap3A_386, %swap3A_387] {strides = array<i32>} : memref<128x128xf32, #tpu.memory_space<vmem>>, vector<16xf32>,
        tpu.vector_store %arg12[%swap3A_386, %swap3A_387], %mul3A_385 {strides = array<i32>} : memref<128x128xf32, #tpu.memory_space<vmem>>, vector<16xf32>,
        %get3A_389 = arith.index_cast %add3A_355 : i32 to index
        %get3A_390 = arith.constant 64 : index
        %get3A_391 = tpu.vector_load %arg12[%get3A_389, %get3A_390] {strides = array<i32>} : memref<128x128xf32, #tpu.memory_space<vmem>>, vector<16xf32>,
        %mul3A_392 = arith.mulf %get3A_391, %gather3A_360 : vector<16xf32>
        %swap3A_393 = arith.index_cast %add3A_355 : i32 to index
        %swap3A_394 = arith.constant 64 : index
        %swap3A_395 = tpu.vector_load %arg12[%swap3A_393, %swap3A_394] {strides = array<i32>} : memref<128x128xf32, #tpu.memory_space<vmem>>, vector<16xf32>,
        tpu.vector_store %arg12[%swap3A_393, %swap3A_394], %mul3A_392 {strides = array<i32>} : memref<128x128xf32, #tpu.memory_space<vmem>>, vector<16xf32>,
        %get3A_396 = arith.index_cast %add3A_355 : i32 to index
        %get3A_397 = arith.constant 80 : index
        %get3A_398 = tpu.vector_load %arg12[%get3A_396, %get3A_397] {strides = array<i32>} : memref<128x128xf32, #tpu.memory_space<vmem>>, vector<16xf32>,
        %mul3A_399 = arith.mulf %get3A_398, %gather3A_360 : vector<16xf32>
        %swap3A_400 = arith.index_cast %add3A_355 : i32 to index
        %swap3A_401 = arith.constant 80 : index
        %swap3A_402 = tpu.vector_load %arg12[%swap3A_400, %swap3A_401] {strides = array<i32>} : memref<128x128xf32, #tpu.memory_space<vmem>>, vector<16xf32>,
        tpu.vector_store %arg12[%swap3A_400, %swap3A_401], %mul3A_399 {strides = array<i32>} : memref<128x128xf32, #tpu.memory_space<vmem>>, vector<16xf32>,
        %get3A_403 = arith.index_cast %add3A_355 : i32 to index
        %get3A_404 = arith.constant 96 : index
        %get3A_405 = tpu.vector_load %arg12[%get3A_403, %get3A_404] {strides = array<i32>} : memref<128x128xf32, #tpu.memory_space<vmem>>, vector<16xf32>,
        %mul3A_406 = arith.mulf %get3A_405, %gather3A_360 : vector<16xf32>
        %swap3A_407 = arith.index_cast %add3A_355 : i32 to index
        %swap3A_408 = arith.constant 96 : index
        %swap3A_409 = tpu.vector_load %arg12[%swap3A_407, %swap3A_408] {strides = array<i32>} : memref<128x128xf32, #tpu.memory_space<vmem>>, vector<16xf32>,
        tpu.vector_store %arg12[%swap3A_407, %swap3A_408], %mul3A_406 {strides = array<i32>} : memref<128x128xf32, #tpu.memory_space<vmem>>, vector<16xf32>,
        %get3A_410 = arith.index_cast %add3A_355 : i32 to index
        %get3A_411 = arith.constant 112 : index
        %get3A_412 = tpu.vector_load %arg12[%get3A_410, %get3A_411] {strides = array<i32>} : memref<128x128xf32, #tpu.memory_space<vmem>>, vector<16xf32>,
        %mul3A_413 = arith.mulf %get3A_412, %gather3A_360 : vector<16xf32>
        %swap3A_414 = arith.index_cast %add3A_355 : i32 to index
        %swap3A_415 = arith.constant 112 : index
        %swap3A_416 = tpu.vector_load %arg12[%swap3A_414, %swap3A_415] {strides = array<i32>} : memref<128x128xf32, #tpu.memory_space<vmem>>, vector<16xf32>,
        tpu.vector_store %arg12[%swap3A_414, %swap3A_415], %mul3A_413 {strides = array<i32>} : memref<128x128xf32, #tpu.memory_space<vmem>>, vector<16xf32>,
        %mul3A_417 = arith.constant 16 : i32
        %mul3A_418 = arith.muli %scan3A_30, %mul3A_417 : i32
        %add3A_419 = arith.constant 6 : i32
        %add3A_420 = arith.addi %mul3A_418, %add3A_419 : i32
        %mul3A_421 = arith.constant 128 : i32
        %mul3A_422 = arith.muli %scan3A_13, %mul3A_421 : i32
        %add3A_423 = arith.addi %mul3A_422, %add3A_420 : i32
        %broadcast_in_dim3A_424 = vector.broadcast %add3A_423 : i32 to vector<16xi32>
        %gather3A_425 = tpu.vector_load_idx %arg11[%broadcast_in_dim3A_424] : memref<10240xf32, #tpu.memory_space<vmem>>[vector<16xi32>], vector<16xf32>,
        %get3A_426 = arith.index_cast %add3A_420 : i32 to index
        %get3A_427 = arith.constant 0 : index
        %get3A_428 = tpu.vector_load %arg12[%get3A_426, %get3A_427] {strides = array<i32>} : memref<128x128xf32, #tpu.memory_space<vmem>>, vector<16xf32>,
        %mul3A_429 = arith.mulf %get3A_428, %gather3A_425 : vector<16xf32>
        %swap3A_430 = arith.index_cast %add3A_420 : i32 to index
        %swap3A_431 = arith.constant 0 : index
        %swap3A_432 = tpu.vector_load %arg12[%swap3A_430, %swap3A_431] {strides = array<i32>} : memref<128x128xf32, #tpu.memory_space<vmem>>, vector<16xf32>,
        tpu.vector_store %arg12[%swap3A_430, %swap3A_431], %mul3A_429 {strides = array<i32>} : memref<128x128xf32, #tpu.memory_space<vmem>>, vector<16xf32>,
        %get3A_433 = arith.index_cast %add3A_420 : i32 to index
        %get3A_434 = arith.constant 16 : index
        %get3A_435 = tpu.vector_load %arg12[%get3A_433, %get3A_434] {strides = array<i32>} : memref<128x128xf32, #tpu.memory_space<vmem>>, vector<16xf32>,
        %mul3A_436 = arith.mulf %get3A_435, %gather3A_425 : vector<16xf32>
        %swap3A_437 = arith.index_cast %add3A_420 : i32 to index
        %swap3A_438 = arith.constant 16 : index
        %swap3A_439 = tpu.vector_load %arg12[%swap3A_437, %swap3A_438] {strides = array<i32>} : memref<128x128xf32, #tpu.memory_space<vmem>>, vector<16xf32>,
        tpu.vector_store %arg12[%swap3A_437, %swap3A_438], %mul3A_436 {strides = array<i32>} : memref<128x128xf32, #tpu.memory_space<vmem>>, vector<16xf32>,
        %get3A_440 = arith.index_cast %add3A_420 : i32 to index
        %get3A_441 = arith.constant 32 : index
        %get3A_442 = tpu.vector_load %arg12[%get3A_440, %get3A_441] {strides = array<i32>} : memref<128x128xf32, #tpu.memory_space<vmem>>, vector<16xf32>,
        %mul3A_443 = arith.mulf %get3A_442, %gather3A_425 : vector<16xf32>
        %swap3A_444 = arith.index_cast %add3A_420 : i32 to index
        %swap3A_445 = arith.constant 32 : index
        %swap3A_446 = tpu.vector_load %arg12[%swap3A_444, %swap3A_445] {strides = array<i32>} : memref<128x128xf32, #tpu.memory_space<vmem>>, vector<16xf32>,
        tpu.vector_store %arg12[%swap3A_444, %swap3A_445], %mul3A_443 {strides = array<i32>} : memref<128x128xf32, #tpu.memory_space<vmem>>, vector<16xf32>,
        %get3A_447 = arith.index_cast %add3A_420 : i32 to index
        %get3A_448 = arith.constant 48 : index
        %get3A_449 = tpu.vector_load %arg12[%get3A_447, %get3A_448] {strides = array<i32>} : memref<128x128xf32, #tpu.memory_space<vmem>>, vector<16xf32>,
        %mul3A_450 = arith.mulf %get3A_449, %gather3A_425 : vector<16xf32>
        %swap3A_451 = arith.index_cast %add3A_420 : i32 to index
        %swap3A_452 = arith.constant 48 : index
        %swap3A_453 = tpu.vector_load %arg12[%swap3A_451, %swap3A_452] {strides = array<i32>} : memref<128x128xf32, #tpu.memory_space<vmem>>, vector<16xf32>,
        tpu.vector_store %arg12[%swap3A_451, %swap3A_452], %mul3A_450 {strides = array<i32>} : memref<128x128xf32, #tpu.memory_space<vmem>>, vector<16xf32>,
        %get3A_454 = arith.index_cast %add3A_420 : i32 to index
        %get3A_455 = arith.constant 64 : index
        %get3A_456 = tpu.vector_load %arg12[%get3A_454, %get3A_455] {strides = array<i32>} : memref<128x128xf32, #tpu.memory_space<vmem>>, vector<16xf32>,
        %mul3A_457 = arith.mulf %get3A_456, %gather3A_425 : vector<16xf32>
        %swap3A_458 = arith.index_cast %add3A_420 : i32 to index
        %swap3A_459 = arith.constant 64 : index
        %swap3A_460 = tpu.vector_load %arg12[%swap3A_458, %swap3A_459] {strides = array<i32>} : memref<128x128xf32, #tpu.memory_space<vmem>>, vector<16xf32>,
        tpu.vector_store %arg12[%swap3A_458, %swap3A_459], %mul3A_457 {strides = array<i32>} : memref<128x128xf32, #tpu.memory_space<vmem>>, vector<16xf32>,
        %get3A_461 = arith.index_cast %add3A_420 : i32 to index
        %get3A_462 = arith.constant 80 : index
        %get3A_463 = tpu.vector_load %arg12[%get3A_461, %get3A_462] {strides = array<i32>} : memref<128x128xf32, #tpu.memory_space<vmem>>, vector<16xf32>,
        %mul3A_464 = arith.mulf %get3A_463, %gather3A_425 : vector<16xf32>
        %swap3A_465 = arith.index_cast %add3A_420 : i32 to index
        %swap3A_466 = arith.constant 80 : index
        %swap3A_467 = tpu.vector_load %arg12[%swap3A_465, %swap3A_466] {strides = array<i32>} : memref<128x128xf32, #tpu.memory_space<vmem>>, vector<16xf32>,
        tpu.vector_store %arg12[%swap3A_465, %swap3A_466], %mul3A_464 {strides = array<i32>} : memref<128x128xf32, #tpu.memory_space<vmem>>, vector<16xf32>,
        %get3A_468 = arith.index_cast %add3A_420 : i32 to index
        %get3A_469 = arith.constant 96 : index
        %get3A_470 = tpu.vector_load %arg12[%get3A_468, %get3A_469] {strides = array<i32>} : memref<128x128xf32, #tpu.memory_space<vmem>>, vector<16xf32>,
        %mul3A_471 = arith.mulf %get3A_470, %gather3A_425 : vector<16xf32>
        %swap3A_472 = arith.index_cast %add3A_420 : i32 to index
        %swap3A_473 = arith.constant 96 : index
        %swap3A_474 = tpu.vector_load %arg12[%swap3A_472, %swap3A_473] {strides = array<i32>} : memref<128x128xf32, #tpu.memory_space<vmem>>, vector<16xf32>,
        tpu.vector_store %arg12[%swap3A_472, %swap3A_473], %mul3A_471 {strides = array<i32>} : memref<128x128xf32, #tpu.memory_space<vmem>>, vector<16xf32>,
        %get3A_475 = arith.index_cast %add3A_420 : i32 to index
        %get3A_476 = arith.constant 112 : index
        %get3A_477 = tpu.vector_load %arg12[%get3A_475, %get3A_476] {strides = array<i32>} : memref<128x128xf32, #tpu.memory_space<vmem>>, vector<16xf32>,
        %mul3A_478 = arith.mulf %get3A_477, %gather3A_425 : vector<16xf32>
        %swap3A_479 = arith.index_cast %add3A_420 : i32 to index
        %swap3A_480 = arith.constant 112 : index
        %swap3A_481 = tpu.vector_load %arg12[%swap3A_479, %swap3A_480] {strides = array<i32>} : memref<128x128xf32, #tpu.memory_space<vmem>>, vector<16xf32>,
        tpu.vector_store %arg12[%swap3A_479, %swap3A_480], %mul3A_478 {strides = array<i32>} : memref<128x128xf32, #tpu.memory_space<vmem>>, vector<16xf32>,
        %mul3A_482 = arith.constant 16 : i32
        %mul3A_483 = arith.muli %scan3A_30, %mul3A_482 : i32
        %add3A_484 = arith.constant 7 : i32
        %add3A_485 = arith.addi %mul3A_483, %add3A_484 : i32
        %mul3A_486 = arith.constant 128 : i32
        %mul3A_487 = arith.muli %scan3A_13, %mul3A_486 : i32
        %add3A_488 = arith.addi %mul3A_487, %add3A_485 : i32
        %broadcast_in_dim3A_489 = vector.broadcast %add3A_488 : i32 to vector<16xi32>
        %gather3A_490 = tpu.vector_load_idx %arg11[%broadcast_in_dim3A_489] : memref<10240xf32, #tpu.memory_space<vmem>>[vector<16xi32>], vector<16xf32>,
        %get3A_491 = arith.index_cast %add3A_485 : i32 to index
        %get3A_492 = arith.constant 0 : index
        %get3A_493 = tpu.vector_load %arg12[%get3A_491, %get3A_492] {strides = array<i32>} : memref<128x128xf32, #tpu.memory_space<vmem>>, vector<16xf32>,
        %mul3A_494 = arith.mulf %get3A_493, %gather3A_490 : vector<16xf32>
        %swap3A_495 = arith.index_cast %add3A_485 : i32 to index
        %swap3A_496 = arith.constant 0 : index
        %swap3A_497 = tpu.vector_load %arg12[%swap3A_495, %swap3A_496] {strides = array<i32>} : memref<128x128xf32, #tpu.memory_space<vmem>>, vector<16xf32>,
        tpu.vector_store %arg12[%swap3A_495, %swap3A_496], %mul3A_494 {strides = array<i32>} : memref<128x128xf32, #tpu.memory_space<vmem>>, vector<16xf32>,
        %get3A_498 = arith.index_cast %add3A_485 : i32 to index
        %get3A_499 = arith.constant 16 : index
        %get3A_500 = tpu.vector_load %arg12[%get3A_498, %get3A_499] {strides = array<i32>} : memref<128x128xf32, #tpu.memory_space<vmem>>, vector<16xf32>,
        %mul3A_501 = arith.mulf %get3A_500, %gather3A_490 : vector<16xf32>
        %swap3A_502 = arith.index_cast %add3A_485 : i32 to index
        %swap3A_503 = arith.constant 16 : index
        %swap3A_504 = tpu.vector_load %arg12[%swap3A_502, %swap3A_503] {strides = array<i32>} : memref<128x128xf32, #tpu.memory_space<vmem>>, vector<16xf32>,
        tpu.vector_store %arg12[%swap3A_502, %swap3A_503], %mul3A_501 {strides = array<i32>} : memref<128x128xf32, #tpu.memory_space<vmem>>, vector<16xf32>,
        %get3A_505 = arith.index_cast %add3A_485 : i32 to index
        %get3A_506 = arith.constant 32 : index
        %get3A_507 = tpu.vector_load %arg12[%get3A_505, %get3A_506] {strides = array<i32>} : memref<128x128xf32, #tpu.memory_space<vmem>>, vector<16xf32>,
        %mul3A_508 = arith.mulf %get3A_507, %gather3A_490 : vector<16xf32>
        %swap3A_509 = arith.index_cast %add3A_485 : i32 to index
        %swap3A_510 = arith.constant 32 : index
        %swap3A_511 = tpu.vector_load %arg12[%swap3A_509, %swap3A_510] {strides = array<i32>} : memref<128x128xf32, #tpu.memory_space<vmem>>, vector<16xf32>,
        tpu.vector_store %arg12[%swap3A_509, %swap3A_510], %mul3A_508 {strides = array<i32>} : memref<128x128xf32, #tpu.memory_space<vmem>>, vector<16xf32>,
        %get3A_512 = arith.index_cast %add3A_485 : i32 to index
        %get3A_513 = arith.constant 48 : index
        %get3A_514 = tpu.vector_load %arg12[%get3A_512, %get3A_513] {strides = array<i32>} : memref<128x128xf32, #tpu.memory_space<vmem>>, vector<16xf32>,
        %mul3A_515 = arith.mulf %get3A_514, %gather3A_490 : vector<16xf32>
        %swap3A_516 = arith.index_cast %add3A_485 : i32 to index
        %swap3A_517 = arith.constant 48 : index
        %swap3A_518 = tpu.vector_load %arg12[%swap3A_516, %swap3A_517] {strides = array<i32>} : memref<128x128xf32, #tpu.memory_space<vmem>>, vector<16xf32>,
        tpu.vector_store %arg12[%swap3A_516, %swap3A_517], %mul3A_515 {strides = array<i32>} : memref<128x128xf32, #tpu.memory_space<vmem>>, vector<16xf32>,
        %get3A_519 = arith.index_cast %add3A_485 : i32 to index
        %get3A_520 = arith.constant 64 : index
        %get3A_521 = tpu.vector_load %arg12[%get3A_519, %get3A_520] {strides = array<i32>} : memref<128x128xf32, #tpu.memory_space<vmem>>, vector<16xf32>,
        %mul3A_522 = arith.mulf %get3A_521, %gather3A_490 : vector<16xf32>
        %swap3A_523 = arith.index_cast %add3A_485 : i32 to index
        %swap3A_524 = arith.constant 64 : index
        %swap3A_525 = tpu.vector_load %arg12[%swap3A_523, %swap3A_524] {strides = array<i32>} : memref<128x128xf32, #tpu.memory_space<vmem>>, vector<16xf32>,
        tpu.vector_store %arg12[%swap3A_523, %swap3A_524], %mul3A_522 {strides = array<i32>} : memref<128x128xf32, #tpu.memory_space<vmem>>, vector<16xf32>,
        %get3A_526 = arith.index_cast %add3A_485 : i32 to index
        %get3A_527 = arith.constant 80 : index
        %get3A_528 = tpu.vector_load %arg12[%get3A_526, %get3A_527] {strides = array<i32>} : memref<128x128xf32, #tpu.memory_space<vmem>>, vector<16xf32>,
        %mul3A_529 = arith.mulf %get3A_528, %gather3A_490 : vector<16xf32>
        %swap3A_530 = arith.index_cast %add3A_485 : i32 to index
        %swap3A_531 = arith.constant 80 : index
        %swap3A_532 = tpu.vector_load %arg12[%swap3A_530, %swap3A_531] {strides = array<i32>} : memref<128x128xf32, #tpu.memory_space<vmem>>, vector<16xf32>,
        tpu.vector_store %arg12[%swap3A_530, %swap3A_531], %mul3A_529 {strides = array<i32>} : memref<128x128xf32, #tpu.memory_space<vmem>>, vector<16xf32>,
        %get3A_533 = arith.index_cast %add3A_485 : i32 to index
        %get3A_534 = arith.constant 96 : index
        %get3A_535 = tpu.vector_load %arg12[%get3A_533, %get3A_534] {strides = array<i32>} : memref<128x128xf32, #tpu.memory_space<vmem>>, vector<16xf32>,
        %mul3A_536 = arith.mulf %get3A_535, %gather3A_490 : vector<16xf32>
        %swap3A_537 = arith.index_cast %add3A_485 : i32 to index
        %swap3A_538 = arith.constant 96 : index
        %swap3A_539 = tpu.vector_load %arg12[%swap3A_537, %swap3A_538] {strides = array<i32>} : memref<128x128xf32, #tpu.memory_space<vmem>>, vector<16xf32>,
        tpu.vector_store %arg12[%swap3A_537, %swap3A_538], %mul3A_536 {strides = array<i32>} : memref<128x128xf32, #tpu.memory_space<vmem>>, vector<16xf32>,
        %get3A_540 = arith.index_cast %add3A_485 : i32 to index
        %get3A_541 = arith.constant 112 : index
        %get3A_542 = tpu.vector_load %arg12[%get3A_540, %get3A_541] {strides = array<i32>} : memref<128x128xf32, #tpu.memory_space<vmem>>, vector<16xf32>,
        %mul3A_543 = arith.mulf %get3A_542, %gather3A_490 : vector<16xf32>
        %swap3A_544 = arith.index_cast %add3A_485 : i32 to index
        %swap3A_545 = arith.constant 112 : index
        %swap3A_546 = tpu.vector_load %arg12[%swap3A_544, %swap3A_545] {strides = array<i32>} : memref<128x128xf32, #tpu.memory_space<vmem>>, vector<16xf32>,
        tpu.vector_store %arg12[%swap3A_544, %swap3A_545], %mul3A_543 {strides = array<i32>} : memref<128x128xf32, #tpu.memory_space<vmem>>, vector<16xf32>,
        %mul3A_547 = arith.constant 16 : i32
        %mul3A_548 = arith.muli %scan3A_30, %mul3A_547 : i32
        %add3A_549 = arith.constant 8 : i32
        %add3A_550 = arith.addi %mul3A_548, %add3A_549 : i32
        %mul3A_551 = arith.constant 128 : i32
        %mul3A_552 = arith.muli %scan3A_13, %mul3A_551 : i32
        %add3A_553 = arith.addi %mul3A_552, %add3A_550 : i32
        %broadcast_in_dim3A_554 = vector.broadcast %add3A_553 : i32 to vector<16xi32>
        %gather3A_555 = tpu.vector_load_idx %arg11[%broadcast_in_dim3A_554] : memref<10240xf32, #tpu.memory_space<vmem>>[vector<16xi32>], vector<16xf32>,
        %get3A_556 = arith.index_cast %add3A_550 : i32 to index
        %get3A_557 = arith.constant 0 : index
        %get3A_558 = tpu.vector_load %arg12[%get3A_556, %get3A_557] {strides = array<i32>} : memref<128x128xf32, #tpu.memory_space<vmem>>, vector<16xf32>,
        %mul3A_559 = arith.mulf %get3A_558, %gather3A_555 : vector<16xf32>
        %swap3A_560 = arith.index_cast %add3A_550 : i32 to index
        %swap3A_561 = arith.constant 0 : index
        %swap3A_562 = tpu.vector_load %arg12[%swap3A_560, %swap3A_561] {strides = array<i32>} : memref<128x128xf32, #tpu.memory_space<vmem>>, vector<16xf32>,
        tpu.vector_store %arg12[%swap3A_560, %swap3A_561], %mul3A_559 {strides = array<i32>} : memref<128x128xf32, #tpu.memory_space<vmem>>, vector<16xf32>,
        %get3A_563 = arith.index_cast %add3A_550 : i32 to index
        %get3A_564 = arith.constant 16 : index
        %get3A_565 = tpu.vector_load %arg12[%get3A_563, %get3A_564] {strides = array<i32>} : memref<128x128xf32, #tpu.memory_space<vmem>>, vector<16xf32>,
        %mul3A_566 = arith.mulf %get3A_565, %gather3A_555 : vector<16xf32>
        %swap3A_567 = arith.index_cast %add3A_550 : i32 to index
        %swap3A_568 = arith.constant 16 : index
        %swap3A_569 = tpu.vector_load %arg12[%swap3A_567, %swap3A_568] {strides = array<i32>} : memref<128x128xf32, #tpu.memory_space<vmem>>, vector<16xf32>,
        tpu.vector_store %arg12[%swap3A_567, %swap3A_568], %mul3A_566 {strides = array<i32>} : memref<128x128xf32, #tpu.memory_space<vmem>>, vector<16xf32>,
        %get3A_570 = arith.index_cast %add3A_550 : i32 to index
        %get3A_571 = arith.constant 32 : index
        %get3A_572 = tpu.vector_load %arg12[%get3A_570, %get3A_571] {strides = array<i32>} : memref<128x128xf32, #tpu.memory_space<vmem>>, vector<16xf32>,
        %mul3A_573 = arith.mulf %get3A_572, %gather3A_555 : vector<16xf32>
        %swap3A_574 = arith.index_cast %add3A_550 : i32 to index
        %swap3A_575 = arith.constant 32 : index
        %swap3A_576 = tpu.vector_load %arg12[%swap3A_574, %swap3A_575] {strides = array<i32>} : memref<128x128xf32, #tpu.memory_space<vmem>>, vector<16xf32>,
        tpu.vector_store %arg12[%swap3A_574, %swap3A_575], %mul3A_573 {strides = array<i32>} : memref<128x128xf32, #tpu.memory_space<vmem>>, vector<16xf32>,
        %get3A_577 = arith.index_cast %add3A_550 : i32 to index
        %get3A_578 = arith.constant 48 : index
        %get3A_579 = tpu.vector_load %arg12[%get3A_577, %get3A_578] {strides = array<i32>} : memref<128x128xf32, #tpu.memory_space<vmem>>, vector<16xf32>,
        %mul3A_580 = arith.mulf %get3A_579, %gather3A_555 : vector<16xf32>
        %swap3A_581 = arith.index_cast %add3A_550 : i32 to index
        %swap3A_582 = arith.constant 48 : index
        %swap3A_583 = tpu.vector_load %arg12[%swap3A_581, %swap3A_582] {strides = array<i32>} : memref<128x128xf32, #tpu.memory_space<vmem>>, vector<16xf32>,
        tpu.vector_store %arg12[%swap3A_581, %swap3A_582], %mul3A_580 {strides = array<i32>} : memref<128x128xf32, #tpu.memory_space<vmem>>, vector<16xf32>,
        %get3A_584 = arith.index_cast %add3A_550 : i32 to index
        %get3A_585 = arith.constant 64 : index
        %get3A_586 = tpu.vector_load %arg12[%get3A_584, %get3A_585] {strides = array<i32>} : memref<128x128xf32, #tpu.memory_space<vmem>>, vector<16xf32>,
        %mul3A_587 = arith.mulf %get3A_586, %gather3A_555 : vector<16xf32>
        %swap3A_588 = arith.index_cast %add3A_550 : i32 to index
        %swap3A_589 = arith.constant 64 : index
        %swap3A_590 = tpu.vector_load %arg12[%swap3A_588, %swap3A_589] {strides = array<i32>} : memref<128x128xf32, #tpu.memory_space<vmem>>, vector<16xf32>,
        tpu.vector_store %arg12[%swap3A_588, %swap3A_589], %mul3A_587 {strides = array<i32>} : memref<128x128xf32, #tpu.memory_space<vmem>>, vector<16xf32>,
        %get3A_591 = arith.index_cast %add3A_550 : i32 to index
        %get3A_592 = arith.constant 80 : index
        %get3A_593 = tpu.vector_load %arg12[%get3A_591, %get3A_592] {strides = array<i32>} : memref<128x128xf32, #tpu.memory_space<vmem>>, vector<16xf32>,
        %mul3A_594 = arith.mulf %get3A_593, %gather3A_555 : vector<16xf32>
        %swap3A_595 = arith.index_cast %add3A_550 : i32 to index
        %swap3A_596 = arith.constant 80 : index
        %swap3A_597 = tpu.vector_load %arg12[%swap3A_595, %swap3A_596] {strides = array<i32>} : memref<128x128xf32, #tpu.memory_space<vmem>>, vector<16xf32>,
        tpu.vector_store %arg12[%swap3A_595, %swap3A_596], %mul3A_594 {strides = array<i32>} : memref<128x128xf32, #tpu.memory_space<vmem>>, vector<16xf32>,
        %get3A_598 = arith.index_cast %add3A_550 : i32 to index
        %get3A_599 = arith.constant 96 : index
        %get3A_600 = tpu.vector_load %arg12[%get3A_598, %get3A_599] {strides = array<i32>} : memref<128x128xf32, #tpu.memory_space<vmem>>, vector<16xf32>,
        %mul3A_601 = arith.mulf %get3A_600, %gather3A_555 : vector<16xf32>
        %swap3A_602 = arith.index_cast %add3A_550 : i32 to index
        %swap3A_603 = arith.constant 96 : index
        %swap3A_604 = tpu.vector_load %arg12[%swap3A_602, %swap3A_603] {strides = array<i32>} : memref<128x128xf32, #tpu.memory_space<vmem>>, vector<16xf32>,
        tpu.vector_store %arg12[%swap3A_602, %swap3A_603], %mul3A_601 {strides = array<i32>} : memref<128x128xf32, #tpu.memory_space<vmem>>, vector<16xf32>,
        %get3A_605 = arith.index_cast %add3A_550 : i32 to index
        %get3A_606 = arith.constant 112 : index
        %get3A_607 = tpu.vector_load %arg12[%get3A_605, %get3A_606] {strides = array<i32>} : memref<128x128xf32, #tpu.memory_space<vmem>>, vector<16xf32>,
        %mul3A_608 = arith.mulf %get3A_607, %gather3A_555 : vector<16xf32>
        %swap3A_609 = arith.index_cast %add3A_550 : i32 to index
        %swap3A_610 = arith.constant 112 : index
        %swap3A_611 = tpu.vector_load %arg12[%swap3A_609, %swap3A_610] {strides = array<i32>} : memref<128x128xf32, #tpu.memory_space<vmem>>, vector<16xf32>,
        tpu.vector_store %arg12[%swap3A_609, %swap3A_610], %mul3A_608 {strides = array<i32>} : memref<128x128xf32, #tpu.memory_space<vmem>>, vector<16xf32>,
        %mul3A_612 = arith.constant 16 : i32
        %mul3A_613 = arith.muli %scan3A_30, %mul3A_612 : i32
        %add3A_614 = arith.constant 9 : i32
        %add3A_615 = arith.addi %mul3A_613, %add3A_614 : i32
        %mul3A_616 = arith.constant 128 : i32
        %mul3A_617 = arith.muli %scan3A_13, %mul3A_616 : i32
        %add3A_618 = arith.addi %mul3A_617, %add3A_615 : i32
        %broadcast_in_dim3A_619 = vector.broadcast %add3A_618 : i32 to vector<16xi32>
        %gather3A_620 = tpu.vector_load_idx %arg11[%broadcast_in_dim3A_619] : memref<10240xf32, #tpu.memory_space<vmem>>[vector<16xi32>], vector<16xf32>,
        %get3A_621 = arith.index_cast %add3A_615 : i32 to index
        %get3A_622 = arith.constant 0 : index
        %get3A_623 = tpu.vector_load %arg12[%get3A_621, %get3A_622] {strides = array<i32>} : memref<128x128xf32, #tpu.memory_space<vmem>>, vector<16xf32>,
        %mul3A_624 = arith.mulf %get3A_623, %gather3A_620 : vector<16xf32>
        %swap3A_625 = arith.index_cast %add3A_615 : i32 to index
        %swap3A_626 = arith.constant 0 : index
        %swap3A_627 = tpu.vector_load %arg12[%swap3A_625, %swap3A_626] {strides = array<i32>} : memref<128x128xf32, #tpu.memory_space<vmem>>, vector<16xf32>,
        tpu.vector_store %arg12[%swap3A_625, %swap3A_626], %mul3A_624 {strides = array<i32>} : memref<128x128xf32, #tpu.memory_space<vmem>>, vector<16xf32>,
        %get3A_628 = arith.index_cast %add3A_615 : i32 to index
        %get3A_629 = arith.constant 16 : index
        %get3A_630 = tpu.vector_load %arg12[%get3A_628, %get3A_629] {strides = array<i32>} : memref<128x128xf32, #tpu.memory_space<vmem>>, vector<16xf32>,
        %mul3A_631 = arith.mulf %get3A_630, %gather3A_620 : vector<16xf32>
        %swap3A_632 = arith.index_cast %add3A_615 : i32 to index
        %swap3A_633 = arith.constant 16 : index
        %swap3A_634 = tpu.vector_load %arg12[%swap3A_632, %swap3A_633] {strides = array<i32>} : memref<128x128xf32, #tpu.memory_space<vmem>>, vector<16xf32>,
        tpu.vector_store %arg12[%swap3A_632, %swap3A_633], %mul3A_631 {strides = array<i32>} : memref<128x128xf32, #tpu.memory_space<vmem>>, vector<16xf32>,
        %get3A_635 = arith.index_cast %add3A_615 : i32 to index
        %get3A_636 = arith.constant 32 : index
        %get3A_637 = tpu.vector_load %arg12[%get3A_635, %get3A_636] {strides = array<i32>} : memref<128x128xf32, #tpu.memory_space<vmem>>, vector<16xf32>,
        %mul3A_638 = arith.mulf %get3A_637, %gather3A_620 : vector<16xf32>
        %swap3A_639 = arith.index_cast %add3A_615 : i32 to index
        %swap3A_640 = arith.constant 32 : index
        %swap3A_641 = tpu.vector_load %arg12[%swap3A_639, %swap3A_640] {strides = array<i32>} : memref<128x128xf32, #tpu.memory_space<vmem>>, vector<16xf32>,
        tpu.vector_store %arg12[%swap3A_639, %swap3A_640], %mul3A_638 {strides = array<i32>} : memref<128x128xf32, #tpu.memory_space<vmem>>, vector<16xf32>,
        %get3A_642 = arith.index_cast %add3A_615 : i32 to index
        %get3A_643 = arith.constant 48 : index
        %get3A_644 = tpu.vector_load %arg12[%get3A_642, %get3A_643] {strides = array<i32>} : memref<128x128xf32, #tpu.memory_space<vmem>>, vector<16xf32>,
        %mul3A_645 = arith.mulf %get3A_644, %gather3A_620 : vector<16xf32>
        %swap3A_646 = arith.index_cast %add3A_615 : i32 to index
        %swap3A_647 = arith.constant 48 : index
        %swap3A_648 = tpu.vector_load %arg12[%swap3A_646, %swap3A_647] {strides = array<i32>} : memref<128x128xf32, #tpu.memory_space<vmem>>, vector<16xf32>,
        tpu.vector_store %arg12[%swap3A_646, %swap3A_647], %mul3A_645 {strides = array<i32>} : memref<128x128xf32, #tpu.memory_space<vmem>>, vector<16xf32>,
        %get3A_649 = arith.index_cast %add3A_615 : i32 to index
        %get3A_650 = arith.constant 64 : index
        %get3A_651 = tpu.vector_load %arg12[%get3A_649, %get3A_650] {strides = array<i32>} : memref<128x128xf32, #tpu.memory_space<vmem>>, vector<16xf32>,
        %mul3A_652 = arith.mulf %get3A_651, %gather3A_620 : vector<16xf32>
        %swap3A_653 = arith.index_cast %add3A_615 : i32 to index
        %swap3A_654 = arith.constant 64 : index
        %swap3A_655 = tpu.vector_load %arg12[%swap3A_653, %swap3A_654] {strides = array<i32>} : memref<128x128xf32, #tpu.memory_space<vmem>>, vector<16xf32>,
        tpu.vector_store %arg12[%swap3A_653, %swap3A_654], %mul3A_652 {strides = array<i32>} : memref<128x128xf32, #tpu.memory_space<vmem>>, vector<16xf32>,
        %get3A_656 = arith.index_cast %add3A_615 : i32 to index
        %get3A_657 = arith.constant 80 : index
        %get3A_658 = tpu.vector_load %arg12[%get3A_656, %get3A_657] {strides = array<i32>} : memref<128x128xf32, #tpu.memory_space<vmem>>, vector<16xf32>,
        %mul3A_659 = arith.mulf %get3A_658, %gather3A_620 : vector<16xf32>
        %swap3A_660 = arith.index_cast %add3A_615 : i32 to index
        %swap3A_661 = arith.constant 80 : index
        %swap3A_662 = tpu.vector_load %arg12[%swap3A_660, %swap3A_661] {strides = array<i32>} : memref<128x128xf32, #tpu.memory_space<vmem>>, vector<16xf32>,
        tpu.vector_store %arg12[%swap3A_660, %swap3A_661], %mul3A_659 {strides = array<i32>} : memref<128x128xf32, #tpu.memory_space<vmem>>, vector<16xf32>,
        %get3A_663 = arith.index_cast %add3A_615 : i32 to index
        %get3A_664 = arith.constant 96 : index
        %get3A_665 = tpu.vector_load %arg12[%get3A_663, %get3A_664] {strides = array<i32>} : memref<128x128xf32, #tpu.memory_space<vmem>>, vector<16xf32>,
        %mul3A_666 = arith.mulf %get3A_665, %gather3A_620 : vector<16xf32>
        %swap3A_667 = arith.index_cast %add3A_615 : i32 to index
        %swap3A_668 = arith.constant 96 : index
        %swap3A_669 = tpu.vector_load %arg12[%swap3A_667, %swap3A_668] {strides = array<i32>} : memref<128x128xf32, #tpu.memory_space<vmem>>, vector<16xf32>,
        tpu.vector_store %arg12[%swap3A_667, %swap3A_668], %mul3A_666 {strides = array<i32>} : memref<128x128xf32, #tpu.memory_space<vmem>>, vector<16xf32>,
        %get3A_670 = arith.index_cast %add3A_615 : i32 to index
        %get3A_671 = arith.constant 112 : index
        %get3A_672 = tpu.vector_load %arg12[%get3A_670, %get3A_671] {strides = array<i32>} : memref<128x128xf32, #tpu.memory_space<vmem>>, vector<16xf32>,
        %mul3A_673 = arith.mulf %get3A_672, %gather3A_620 : vector<16xf32>
        %swap3A_674 = arith.index_cast %add3A_615 : i32 to index
        %swap3A_675 = arith.constant 112 : index
        %swap3A_676 = tpu.vector_load %arg12[%swap3A_674, %swap3A_675] {strides = array<i32>} : memref<128x128xf32, #tpu.memory_space<vmem>>, vector<16xf32>,
        tpu.vector_store %arg12[%swap3A_674, %swap3A_675], %mul3A_673 {strides = array<i32>} : memref<128x128xf32, #tpu.memory_space<vmem>>, vector<16xf32>,
        %mul3A_677 = arith.constant 16 : i32
        %mul3A_678 = arith.muli %scan3A_30, %mul3A_677 : i32
        %add3A_679 = arith.constant 10 : i32
        %add3A_680 = arith.addi %mul3A_678, %add3A_679 : i32
        %mul3A_681 = arith.constant 128 : i32
        %mul3A_682 = arith.muli %scan3A_13, %mul3A_681 : i32
        %add3A_683 = arith.addi %mul3A_682, %add3A_680 : i32
        %broadcast_in_dim3A_684 = vector.broadcast %add3A_683 : i32 to vector<16xi32>
        %gather3A_685 = tpu.vector_load_idx %arg11[%broadcast_in_dim3A_684] : memref<10240xf32, #tpu.memory_space<vmem>>[vector<16xi32>], vector<16xf32>,
        %get3A_686 = arith.index_cast %add3A_680 : i32 to index
        %get3A_687 = arith.constant 0 : index
        %get3A_688 = tpu.vector_load %arg12[%get3A_686, %get3A_687] {strides = array<i32>} : memref<128x128xf32, #tpu.memory_space<vmem>>, vector<16xf32>,
        %mul3A_689 = arith.mulf %get3A_688, %gather3A_685 : vector<16xf32>
        %swap3A_690 = arith.index_cast %add3A_680 : i32 to index
        %swap3A_691 = arith.constant 0 : index
        %swap3A_692 = tpu.vector_load %arg12[%swap3A_690, %swap3A_691] {strides = array<i32>} : memref<128x128xf32, #tpu.memory_space<vmem>>, vector<16xf32>,
        tpu.vector_store %arg12[%swap3A_690, %swap3A_691], %mul3A_689 {strides = array<i32>} : memref<128x128xf32, #tpu.memory_space<vmem>>, vector<16xf32>,
        %get3A_693 = arith.index_cast %add3A_680 : i32 to index
        %get3A_694 = arith.constant 16 : index
        %get3A_695 = tpu.vector_load %arg12[%get3A_693, %get3A_694] {strides = array<i32>} : memref<128x128xf32, #tpu.memory_space<vmem>>, vector<16xf32>,
        %mul3A_696 = arith.mulf %get3A_695, %gather3A_685 : vector<16xf32>
        %swap3A_697 = arith.index_cast %add3A_680 : i32 to index
        %swap3A_698 = arith.constant 16 : index
        %swap3A_699 = tpu.vector_load %arg12[%swap3A_697, %swap3A_698] {strides = array<i32>} : memref<128x128xf32, #tpu.memory_space<vmem>>, vector<16xf32>,
        tpu.vector_store %arg12[%swap3A_697, %swap3A_698], %mul3A_696 {strides = array<i32>} : memref<128x128xf32, #tpu.memory_space<vmem>>, vector<16xf32>,
        %get3A_700 = arith.index_cast %add3A_680 : i32 to index
        %get3A_701 = arith.constant 32 : index
        %get3A_702 = tpu.vector_load %arg12[%get3A_700, %get3A_701] {strides = array<i32>} : memref<128x128xf32, #tpu.memory_space<vmem>>, vector<16xf32>,
        %mul3A_703 = arith.mulf %get3A_702, %gather3A_685 : vector<16xf32>
        %swap3A_704 = arith.index_cast %add3A_680 : i32 to index
        %swap3A_705 = arith.constant 32 : index
        %swap3A_706 = tpu.vector_load %arg12[%swap3A_704, %swap3A_705] {strides = array<i32>} : memref<128x128xf32, #tpu.memory_space<vmem>>, vector<16xf32>,
        tpu.vector_store %arg12[%swap3A_704, %swap3A_705], %mul3A_703 {strides = array<i32>} : memref<128x128xf32, #tpu.memory_space<vmem>>, vector<16xf32>,
        %get3A_707 = arith.index_cast %add3A_680 : i32 to index
        %get3A_708 = arith.constant 48 : index
        %get3A_709 = tpu.vector_load %arg12[%get3A_707, %get3A_708] {strides = array<i32>} : memref<128x128xf32, #tpu.memory_space<vmem>>, vector<16xf32>,
        %mul3A_710 = arith.mulf %get3A_709, %gather3A_685 : vector<16xf32>
        %swap3A_711 = arith.index_cast %add3A_680 : i32 to index
        %swap3A_712 = arith.constant 48 : index
        %swap3A_713 = tpu.vector_load %arg12[%swap3A_711, %swap3A_712] {strides = array<i32>} : memref<128x128xf32, #tpu.memory_space<vmem>>, vector<16xf32>,
        tpu.vector_store %arg12[%swap3A_711, %swap3A_712], %mul3A_710 {strides = array<i32>} : memref<128x128xf32, #tpu.memory_space<vmem>>, vector<16xf32>,
        %get3A_714 = arith.index_cast %add3A_680 : i32 to index
        %get3A_715 = arith.constant 64 : index
        %get3A_716 = tpu.vector_load %arg12[%get3A_714, %get3A_715] {strides = array<i32>} : memref<128x128xf32, #tpu.memory_space<vmem>>, vector<16xf32>,
        %mul3A_717 = arith.mulf %get3A_716, %gather3A_685 : vector<16xf32>
        %swap3A_718 = arith.index_cast %add3A_680 : i32 to index
        %swap3A_719 = arith.constant 64 : index
        %swap3A_720 = tpu.vector_load %arg12[%swap3A_718, %swap3A_719] {strides = array<i32>} : memref<128x128xf32, #tpu.memory_space<vmem>>, vector<16xf32>,
        tpu.vector_store %arg12[%swap3A_718, %swap3A_719], %mul3A_717 {strides = array<i32>} : memref<128x128xf32, #tpu.memory_space<vmem>>, vector<16xf32>,
        %get3A_721 = arith.index_cast %add3A_680 : i32 to index
        %get3A_722 = arith.constant 80 : index
        %get3A_723 = tpu.vector_load %arg12[%get3A_721, %get3A_722] {strides = array<i32>} : memref<128x128xf32, #tpu.memory_space<vmem>>, vector<16xf32>,
        %mul3A_724 = arith.mulf %get3A_723, %gather3A_685 : vector<16xf32>
        %swap3A_725 = arith.index_cast %add3A_680 : i32 to index
        %swap3A_726 = arith.constant 80 : index
        %swap3A_727 = tpu.vector_load %arg12[%swap3A_725, %swap3A_726] {strides = array<i32>} : memref<128x128xf32, #tpu.memory_space<vmem>>, vector<16xf32>,
        tpu.vector_store %arg12[%swap3A_725, %swap3A_726], %mul3A_724 {strides = array<i32>} : memref<128x128xf32, #tpu.memory_space<vmem>>, vector<16xf32>,
        %get3A_728 = arith.index_cast %add3A_680 : i32 to index
        %get3A_729 = arith.constant 96 : index
        %get3A_730 = tpu.vector_load %arg12[%get3A_728, %get3A_729] {strides = array<i32>} : memref<128x128xf32, #tpu.memory_space<vmem>>, vector<16xf32>,
        %mul3A_731 = arith.mulf %get3A_730, %gather3A_685 : vector<16xf32>
        %swap3A_732 = arith.index_cast %add3A_680 : i32 to index
        %swap3A_733 = arith.constant 96 : index
        %swap3A_734 = tpu.vector_load %arg12[%swap3A_732, %swap3A_733] {strides = array<i32>} : memref<128x128xf32, #tpu.memory_space<vmem>>, vector<16xf32>,
        tpu.vector_store %arg12[%swap3A_732, %swap3A_733], %mul3A_731 {strides = array<i32>} : memref<128x128xf32, #tpu.memory_space<vmem>>, vector<16xf32>,
        %get3A_735 = arith.index_cast %add3A_680 : i32 to index
        %get3A_736 = arith.constant 112 : index
        %get3A_737 = tpu.vector_load %arg12[%get3A_735, %get3A_736] {strides = array<i32>} : memref<128x128xf32, #tpu.memory_space<vmem>>, vector<16xf32>,
        %mul3A_738 = arith.mulf %get3A_737, %gather3A_685 : vector<16xf32>
        %swap3A_739 = arith.index_cast %add3A_680 : i32 to index
        %swap3A_740 = arith.constant 112 : index
        %swap3A_741 = tpu.vector_load %arg12[%swap3A_739, %swap3A_740] {strides = array<i32>} : memref<128x128xf32, #tpu.memory_space<vmem>>, vector<16xf32>,
        tpu.vector_store %arg12[%swap3A_739, %swap3A_740], %mul3A_738 {strides = array<i32>} : memref<128x128xf32, #tpu.memory_space<vmem>>, vector<16xf32>,
        %mul3A_742 = arith.constant 16 : i32
        %mul3A_743 = arith.muli %scan3A_30, %mul3A_742 : i32
        %add3A_744 = arith.constant 11 : i32
        %add3A_745 = arith.addi %mul3A_743, %add3A_744 : i32
        %mul3A_746 = arith.constant 128 : i32
        %mul3A_747 = arith.muli %scan3A_13, %mul3A_746 : i32
        %add3A_748 = arith.addi %mul3A_747, %add3A_745 : i32
        %broadcast_in_dim3A_749 = vector.broadcast %add3A_748 : i32 to vector<16xi32>
        %gather3A_750 = tpu.vector_load_idx %arg11[%broadcast_in_dim3A_749] : memref<10240xf32, #tpu.memory_space<vmem>>[vector<16xi32>], vector<16xf32>,
        %get3A_751 = arith.index_cast %add3A_745 : i32 to index
        %get3A_752 = arith.constant 0 : index
        %get3A_753 = tpu.vector_load %arg12[%get3A_751, %get3A_752] {strides = array<i32>} : memref<128x128xf32, #tpu.memory_space<vmem>>, vector<16xf32>,
        %mul3A_754 = arith.mulf %get3A_753, %gather3A_750 : vector<16xf32>
        %swap3A_755 = arith.index_cast %add3A_745 : i32 to index
        %swap3A_756 = arith.constant 0 : index
        %swap3A_757 = tpu.vector_load %arg12[%swap3A_755, %swap3A_756] {strides = array<i32>} : memref<128x128xf32, #tpu.memory_space<vmem>>, vector<16xf32>,
        tpu.vector_store %arg12[%swap3A_755, %swap3A_756], %mul3A_754 {strides = array<i32>} : memref<128x128xf32, #tpu.memory_space<vmem>>, vector<16xf32>,
        %get3A_758 = arith.index_cast %add3A_745 : i32 to index
        %get3A_759 = arith.constant 16 : index
        %get3A_760 = tpu.vector_load %arg12[%get3A_758, %get3A_759] {strides = array<i32>} : memref<128x128xf32, #tpu.memory_space<vmem>>, vector<16xf32>,
        %mul3A_761 = arith.mulf %get3A_760, %gather3A_750 : vector<16xf32>
        %swap3A_762 = arith.index_cast %add3A_745 : i32 to index
        %swap3A_763 = arith.constant 16 : index
        %swap3A_764 = tpu.vector_load %arg12[%swap3A_762, %swap3A_763] {strides = array<i32>} : memref<128x128xf32, #tpu.memory_space<vmem>>, vector<16xf32>,
        tpu.vector_store %arg12[%swap3A_762, %swap3A_763], %mul3A_761 {strides = array<i32>} : memref<128x128xf32, #tpu.memory_space<vmem>>, vector<16xf32>,
        %get3A_765 = arith.index_cast %add3A_745 : i32 to index
        %get3A_766 = arith.constant 32 : index
        %get3A_767 = tpu.vector_load %arg12[%get3A_765, %get3A_766] {strides = array<i32>} : memref<128x128xf32, #tpu.memory_space<vmem>>, vector<16xf32>,
        %mul3A_768 = arith.mulf %get3A_767, %gather3A_750 : vector<16xf32>
        %swap3A_769 = arith.index_cast %add3A_745 : i32 to index
        %swap3A_770 = arith.constant 32 : index
        %swap3A_771 = tpu.vector_load %arg12[%swap3A_769, %swap3A_770] {strides = array<i32>} : memref<128x128xf32, #tpu.memory_space<vmem>>, vector<16xf32>,
        tpu.vector_store %arg12[%swap3A_769, %swap3A_770], %mul3A_768 {strides = array<i32>} : memref<128x128xf32, #tpu.memory_space<vmem>>, vector<16xf32>,
        %get3A_772 = arith.index_cast %add3A_745 : i32 to index
        %get3A_773 = arith.constant 48 : index
        %get3A_774 = tpu.vector_load %arg12[%get3A_772, %get3A_773] {strides = array<i32>} : memref<128x128xf32, #tpu.memory_space<vmem>>, vector<16xf32>,
        %mul3A_775 = arith.mulf %get3A_774, %gather3A_750 : vector<16xf32>
        %swap3A_776 = arith.index_cast %add3A_745 : i32 to index
        %swap3A_777 = arith.constant 48 : index
        %swap3A_778 = tpu.vector_load %arg12[%swap3A_776, %swap3A_777] {strides = array<i32>} : memref<128x128xf32, #tpu.memory_space<vmem>>, vector<16xf32>,
        tpu.vector_store %arg12[%swap3A_776, %swap3A_777], %mul3A_775 {strides = array<i32>} : memref<128x128xf32, #tpu.memory_space<vmem>>, vector<16xf32>,
        %get3A_779 = arith.index_cast %add3A_745 : i32 to index
        %get3A_780 = arith.constant 64 : index
        %get3A_781 = tpu.vector_load %arg12[%get3A_779, %get3A_780] {strides = array<i32>} : memref<128x128xf32, #tpu.memory_space<vmem>>, vector<16xf32>,
        %mul3A_782 = arith.mulf %get3A_781, %gather3A_750 : vector<16xf32>
        %swap3A_783 = arith.index_cast %add3A_745 : i32 to index
        %swap3A_784 = arith.constant 64 : index
        %swap3A_785 = tpu.vector_load %arg12[%swap3A_783, %swap3A_784] {strides = array<i32>} : memref<128x128xf32, #tpu.memory_space<vmem>>, vector<16xf32>,
        tpu.vector_store %arg12[%swap3A_783, %swap3A_784], %mul3A_782 {strides = array<i32>} : memref<128x128xf32, #tpu.memory_space<vmem>>, vector<16xf32>,
        %get3A_786 = arith.index_cast %add3A_745 : i32 to index
        %get3A_787 = arith.constant 80 : index
        %get3A_788 = tpu.vector_load %arg12[%get3A_786, %get3A_787] {strides = array<i32>} : memref<128x128xf32, #tpu.memory_space<vmem>>, vector<16xf32>,
        %mul3A_789 = arith.mulf %get3A_788, %gather3A_750 : vector<16xf32>
        %swap3A_790 = arith.index_cast %add3A_745 : i32 to index
        %swap3A_791 = arith.constant 80 : index
        %swap3A_792 = tpu.vector_load %arg12[%swap3A_790, %swap3A_791] {strides = array<i32>} : memref<128x128xf32, #tpu.memory_space<vmem>>, vector<16xf32>,
        tpu.vector_store %arg12[%swap3A_790, %swap3A_791], %mul3A_789 {strides = array<i32>} : memref<128x128xf32, #tpu.memory_space<vmem>>, vector<16xf32>,
        %get3A_793 = arith.index_cast %add3A_745 : i32 to index
        %get3A_794 = arith.constant 96 : index
        %get3A_795 = tpu.vector_load %arg12[%get3A_793, %get3A_794] {strides = array<i32>} : memref<128x128xf32, #tpu.memory_space<vmem>>, vector<16xf32>,
        %mul3A_796 = arith.mulf %get3A_795, %gather3A_750 : vector<16xf32>
        %swap3A_797 = arith.index_cast %add3A_745 : i32 to index
        %swap3A_798 = arith.constant 96 : index
        %swap3A_799 = tpu.vector_load %arg12[%swap3A_797, %swap3A_798] {strides = array<i32>} : memref<128x128xf32, #tpu.memory_space<vmem>>, vector<16xf32>,
        tpu.vector_store %arg12[%swap3A_797, %swap3A_798], %mul3A_796 {strides = array<i32>} : memref<128x128xf32, #tpu.memory_space<vmem>>, vector<16xf32>,
        %get3A_800 = arith.index_cast %add3A_745 : i32 to index
        %get3A_801 = arith.constant 112 : index
        %get3A_802 = tpu.vector_load %arg12[%get3A_800, %get3A_801] {strides = array<i32>} : memref<128x128xf32, #tpu.memory_space<vmem>>, vector<16xf32>,
        %mul3A_803 = arith.mulf %get3A_802, %gather3A_750 : vector<16xf32>
        %swap3A_804 = arith.index_cast %add3A_745 : i32 to index
        %swap3A_805 = arith.constant 112 : index
        %swap3A_806 = tpu.vector_load %arg12[%swap3A_804, %swap3A_805] {strides = array<i32>} : memref<128x128xf32, #tpu.memory_space<vmem>>, vector<16xf32>,
        tpu.vector_store %arg12[%swap3A_804, %swap3A_805], %mul3A_803 {strides = array<i32>} : memref<128x128xf32, #tpu.memory_space<vmem>>, vector<16xf32>,
        %mul3A_807 = arith.constant 16 : i32
        %mul3A_808 = arith.muli %scan3A_30, %mul3A_807 : i32
        %add3A_809 = arith.constant 12 : i32
        %add3A_810 = arith.addi %mul3A_808, %add3A_809 : i32
        %mul3A_811 = arith.constant 128 : i32
        %mul3A_812 = arith.muli %scan3A_13, %mul3A_811 : i32
        %add3A_813 = arith.addi %mul3A_812, %add3A_810 : i32
        %broadcast_in_dim3A_814 = vector.broadcast %add3A_813 : i32 to vector<16xi32>
        %gather3A_815 = tpu.vector_load_idx %arg11[%broadcast_in_dim3A_814] : memref<10240xf32, #tpu.memory_space<vmem>>[vector<16xi32>], vector<16xf32>,
        %get3A_816 = arith.index_cast %add3A_810 : i32 to index
        %get3A_817 = arith.constant 0 : index
        %get3A_818 = tpu.vector_load %arg12[%get3A_816, %get3A_817] {strides = array<i32>} : memref<128x128xf32, #tpu.memory_space<vmem>>, vector<16xf32>,
        %mul3A_819 = arith.mulf %get3A_818, %gather3A_815 : vector<16xf32>
        %swap3A_820 = arith.index_cast %add3A_810 : i32 to index
        %swap3A_821 = arith.constant 0 : index
        %swap3A_822 = tpu.vector_load %arg12[%swap3A_820, %swap3A_821] {strides = array<i32>} : memref<128x128xf32, #tpu.memory_space<vmem>>, vector<16xf32>,
        tpu.vector_store %arg12[%swap3A_820, %swap3A_821], %mul3A_819 {strides = array<i32>} : memref<128x128xf32, #tpu.memory_space<vmem>>, vector<16xf32>,
        %get3A_823 = arith.index_cast %add3A_810 : i32 to index
        %get3A_824 = arith.constant 16 : index
        %get3A_825 = tpu.vector_load %arg12[%get3A_823, %get3A_824] {strides = array<i32>} : memref<128x128xf32, #tpu.memory_space<vmem>>, vector<16xf32>,
        %mul3A_826 = arith.mulf %get3A_825, %gather3A_815 : vector<16xf32>
        %swap3A_827 = arith.index_cast %add3A_810 : i32 to index
        %swap3A_828 = arith.constant 16 : index
        %swap3A_829 = tpu.vector_load %arg12[%swap3A_827, %swap3A_828] {strides = array<i32>} : memref<128x128xf32, #tpu.memory_space<vmem>>, vector<16xf32>,
        tpu.vector_store %arg12[%swap3A_827, %swap3A_828], %mul3A_826 {strides = array<i32>} : memref<128x128xf32, #tpu.memory_space<vmem>>, vector<16xf32>,
        %get3A_830 = arith.index_cast %add3A_810 : i32 to index
        %get3A_831 = arith.constant 32 : index
        %get3A_832 = tpu.vector_load %arg12[%get3A_830, %get3A_831] {strides = array<i32>} : memref<128x128xf32, #tpu.memory_space<vmem>>, vector<16xf32>,
        %mul3A_833 = arith.mulf %get3A_832, %gather3A_815 : vector<16xf32>
        %swap3A_834 = arith.index_cast %add3A_810 : i32 to index
        %swap3A_835 = arith.constant 32 : index
        %swap3A_836 = tpu.vector_load %arg12[%swap3A_834, %swap3A_835] {strides = array<i32>} : memref<128x128xf32, #tpu.memory_space<vmem>>, vector<16xf32>,
        tpu.vector_store %arg12[%swap3A_834, %swap3A_835], %mul3A_833 {strides = array<i32>} : memref<128x128xf32, #tpu.memory_space<vmem>>, vector<16xf32>,
        %get3A_837 = arith.index_cast %add3A_810 : i32 to index
        %get3A_838 = arith.constant 48 : index
        %get3A_839 = tpu.vector_load %arg12[%get3A_837, %get3A_838] {strides = array<i32>} : memref<128x128xf32, #tpu.memory_space<vmem>>, vector<16xf32>,
        %mul3A_840 = arith.mulf %get3A_839, %gather3A_815 : vector<16xf32>
        %swap3A_841 = arith.index_cast %add3A_810 : i32 to index
        %swap3A_842 = arith.constant 48 : index
        %swap3A_843 = tpu.vector_load %arg12[%swap3A_841, %swap3A_842] {strides = array<i32>} : memref<128x128xf32, #tpu.memory_space<vmem>>, vector<16xf32>,
        tpu.vector_store %arg12[%swap3A_841, %swap3A_842], %mul3A_840 {strides = array<i32>} : memref<128x128xf32, #tpu.memory_space<vmem>>, vector<16xf32>,
        %get3A_844 = arith.index_cast %add3A_810 : i32 to index
        %get3A_845 = arith.constant 64 : index
        %get3A_846 = tpu.vector_load %arg12[%get3A_844, %get3A_845] {strides = array<i32>} : memref<128x128xf32, #tpu.memory_space<vmem>>, vector<16xf32>,
        %mul3A_847 = arith.mulf %get3A_846, %gather3A_815 : vector<16xf32>
        %swap3A_848 = arith.index_cast %add3A_810 : i32 to index
        %swap3A_849 = arith.constant 64 : index
        %swap3A_850 = tpu.vector_load %arg12[%swap3A_848, %swap3A_849] {strides = array<i32>} : memref<128x128xf32, #tpu.memory_space<vmem>>, vector<16xf32>,
        tpu.vector_store %arg12[%swap3A_848, %swap3A_849], %mul3A_847 {strides = array<i32>} : memref<128x128xf32, #tpu.memory_space<vmem>>, vector<16xf32>,
        %get3A_851 = arith.index_cast %add3A_810 : i32 to index
        %get3A_852 = arith.constant 80 : index
        %get3A_853 = tpu.vector_load %arg12[%get3A_851, %get3A_852] {strides = array<i32>} : memref<128x128xf32, #tpu.memory_space<vmem>>, vector<16xf32>,
        %mul3A_854 = arith.mulf %get3A_853, %gather3A_815 : vector<16xf32>
        %swap3A_855 = arith.index_cast %add3A_810 : i32 to index
        %swap3A_856 = arith.constant 80 : index
        %swap3A_857 = tpu.vector_load %arg12[%swap3A_855, %swap3A_856] {strides = array<i32>} : memref<128x128xf32, #tpu.memory_space<vmem>>, vector<16xf32>,
        tpu.vector_store %arg12[%swap3A_855, %swap3A_856], %mul3A_854 {strides = array<i32>} : memref<128x128xf32, #tpu.memory_space<vmem>>, vector<16xf32>,
        %get3A_858 = arith.index_cast %add3A_810 : i32 to index
        %get3A_859 = arith.constant 96 : index
        %get3A_860 = tpu.vector_load %arg12[%get3A_858, %get3A_859] {strides = array<i32>} : memref<128x128xf32, #tpu.memory_space<vmem>>, vector<16xf32>,
        %mul3A_861 = arith.mulf %get3A_860, %gather3A_815 : vector<16xf32>
        %swap3A_862 = arith.index_cast %add3A_810 : i32 to index
        %swap3A_863 = arith.constant 96 : index
        %swap3A_864 = tpu.vector_load %arg12[%swap3A_862, %swap3A_863] {strides = array<i32>} : memref<128x128xf32, #tpu.memory_space<vmem>>, vector<16xf32>,
        tpu.vector_store %arg12[%swap3A_862, %swap3A_863], %mul3A_861 {strides = array<i32>} : memref<128x128xf32, #tpu.memory_space<vmem>>, vector<16xf32>,
        %get3A_865 = arith.index_cast %add3A_810 : i32 to index
        %get3A_866 = arith.constant 112 : index
        %get3A_867 = tpu.vector_load %arg12[%get3A_865, %get3A_866] {strides = array<i32>} : memref<128x128xf32, #tpu.memory_space<vmem>>, vector<16xf32>,
        %mul3A_868 = arith.mulf %get3A_867, %gather3A_815 : vector<16xf32>
        %swap3A_869 = arith.index_cast %add3A_810 : i32 to index
        %swap3A_870 = arith.constant 112 : index
        %swap3A_871 = tpu.vector_load %arg12[%swap3A_869, %swap3A_870] {strides = array<i32>} : memref<128x128xf32, #tpu.memory_space<vmem>>, vector<16xf32>,
        tpu.vector_store %arg12[%swap3A_869, %swap3A_870], %mul3A_868 {strides = array<i32>} : memref<128x128xf32, #tpu.memory_space<vmem>>, vector<16xf32>,
        %mul3A_872 = arith.constant 16 : i32
        %mul3A_873 = arith.muli %scan3A_30, %mul3A_872 : i32
        %add3A_874 = arith.constant 13 : i32
        %add3A_875 = arith.addi %mul3A_873, %add3A_874 : i32
        %mul3A_876 = arith.constant 128 : i32
        %mul3A_877 = arith.muli %scan3A_13, %mul3A_876 : i32
        %add3A_878 = arith.addi %mul3A_877, %add3A_875 : i32
        %broadcast_in_dim3A_879 = vector.broadcast %add3A_878 : i32 to vector<16xi32>
        %gather3A_880 = tpu.vector_load_idx %arg11[%broadcast_in_dim3A_879] : memref<10240xf32, #tpu.memory_space<vmem>>[vector<16xi32>], vector<16xf32>,
        %get3A_881 = arith.index_cast %add3A_875 : i32 to index
        %get3A_882 = arith.constant 0 : index
        %get3A_883 = tpu.vector_load %arg12[%get3A_881, %get3A_882] {strides = array<i32>} : memref<128x128xf32, #tpu.memory_space<vmem>>, vector<16xf32>,
        %mul3A_884 = arith.mulf %get3A_883, %gather3A_880 : vector<16xf32>
        %swap3A_885 = arith.index_cast %add3A_875 : i32 to index
        %swap3A_886 = arith.constant 0 : index
        %swap3A_887 = tpu.vector_load %arg12[%swap3A_885, %swap3A_886] {strides = array<i32>} : memref<128x128xf32, #tpu.memory_space<vmem>>, vector<16xf32>,
        tpu.vector_store %arg12[%swap3A_885, %swap3A_886], %mul3A_884 {strides = array<i32>} : memref<128x128xf32, #tpu.memory_space<vmem>>, vector<16xf32>,
        %get3A_888 = arith.index_cast %add3A_875 : i32 to index
        %get3A_889 = arith.constant 16 : index
        %get3A_890 = tpu.vector_load %arg12[%get3A_888, %get3A_889] {strides = array<i32>} : memref<128x128xf32, #tpu.memory_space<vmem>>, vector<16xf32>,
        %mul3A_891 = arith.mulf %get3A_890, %gather3A_880 : vector<16xf32>
        %swap3A_892 = arith.index_cast %add3A_875 : i32 to index
        %swap3A_893 = arith.constant 16 : index
        %swap3A_894 = tpu.vector_load %arg12[%swap3A_892, %swap3A_893] {strides = array<i32>} : memref<128x128xf32, #tpu.memory_space<vmem>>, vector<16xf32>,
        tpu.vector_store %arg12[%swap3A_892, %swap3A_893], %mul3A_891 {strides = array<i32>} : memref<128x128xf32, #tpu.memory_space<vmem>>, vector<16xf32>,
        %get3A_895 = arith.index_cast %add3A_875 : i32 to index
        %get3A_896 = arith.constant 32 : index
        %get3A_897 = tpu.vector_load %arg12[%get3A_895, %get3A_896] {strides = array<i32>} : memref<128x128xf32, #tpu.memory_space<vmem>>, vector<16xf32>,
        %mul3A_898 = arith.mulf %get3A_897, %gather3A_880 : vector<16xf32>
        %swap3A_899 = arith.index_cast %add3A_875 : i32 to index
        %swap3A_900 = arith.constant 32 : index
        %swap3A_901 = tpu.vector_load %arg12[%swap3A_899, %swap3A_900] {strides = array<i32>} : memref<128x128xf32, #tpu.memory_space<vmem>>, vector<16xf32>,
        tpu.vector_store %arg12[%swap3A_899, %swap3A_900], %mul3A_898 {strides = array<i32>} : memref<128x128xf32, #tpu.memory_space<vmem>>, vector<16xf32>,
        %get3A_902 = arith.index_cast %add3A_875 : i32 to index
        %get3A_903 = arith.constant 48 : index
        %get3A_904 = tpu.vector_load %arg12[%get3A_902, %get3A_903] {strides = array<i32>} : memref<128x128xf32, #tpu.memory_space<vmem>>, vector<16xf32>,
        %mul3A_905 = arith.mulf %get3A_904, %gather3A_880 : vector<16xf32>
        %swap3A_906 = arith.index_cast %add3A_875 : i32 to index
        %swap3A_907 = arith.constant 48 : index
        %swap3A_908 = tpu.vector_load %arg12[%swap3A_906, %swap3A_907] {strides = array<i32>} : memref<128x128xf32, #tpu.memory_space<vmem>>, vector<16xf32>,
        tpu.vector_store %arg12[%swap3A_906, %swap3A_907], %mul3A_905 {strides = array<i32>} : memref<128x128xf32, #tpu.memory_space<vmem>>, vector<16xf32>,
        %get3A_909 = arith.index_cast %add3A_875 : i32 to index
        %get3A_910 = arith.constant 64 : index
        %get3A_911 = tpu.vector_load %arg12[%get3A_909, %get3A_910] {strides = array<i32>} : memref<128x128xf32, #tpu.memory_space<vmem>>, vector<16xf32>,
        %mul3A_912 = arith.mulf %get3A_911, %gather3A_880 : vector<16xf32>
        %swap3A_913 = arith.index_cast %add3A_875 : i32 to index
        %swap3A_914 = arith.constant 64 : index
        %swap3A_915 = tpu.vector_load %arg12[%swap3A_913, %swap3A_914] {strides = array<i32>} : memref<128x128xf32, #tpu.memory_space<vmem>>, vector<16xf32>,
        tpu.vector_store %arg12[%swap3A_913, %swap3A_914], %mul3A_912 {strides = array<i32>} : memref<128x128xf32, #tpu.memory_space<vmem>>, vector<16xf32>,
        %get3A_916 = arith.index_cast %add3A_875 : i32 to index
        %get3A_917 = arith.constant 80 : index
        %get3A_918 = tpu.vector_load %arg12[%get3A_916, %get3A_917] {strides = array<i32>} : memref<128x128xf32, #tpu.memory_space<vmem>>, vector<16xf32>,
        %mul3A_919 = arith.mulf %get3A_918, %gather3A_880 : vector<16xf32>
        %swap3A_920 = arith.index_cast %add3A_875 : i32 to index
        %swap3A_921 = arith.constant 80 : index
        %swap3A_922 = tpu.vector_load %arg12[%swap3A_920, %swap3A_921] {strides = array<i32>} : memref<128x128xf32, #tpu.memory_space<vmem>>, vector<16xf32>,
        tpu.vector_store %arg12[%swap3A_920, %swap3A_921], %mul3A_919 {strides = array<i32>} : memref<128x128xf32, #tpu.memory_space<vmem>>, vector<16xf32>,
        %get3A_923 = arith.index_cast %add3A_875 : i32 to index
        %get3A_924 = arith.constant 96 : index
        %get3A_925 = tpu.vector_load %arg12[%get3A_923, %get3A_924] {strides = array<i32>} : memref<128x128xf32, #tpu.memory_space<vmem>>, vector<16xf32>,
        %mul3A_926 = arith.mulf %get3A_925, %gather3A_880 : vector<16xf32>
        %swap3A_927 = arith.index_cast %add3A_875 : i32 to index
        %swap3A_928 = arith.constant 96 : index
        %swap3A_929 = tpu.vector_load %arg12[%swap3A_927, %swap3A_928] {strides = array<i32>} : memref<128x128xf32, #tpu.memory_space<vmem>>, vector<16xf32>,
        tpu.vector_store %arg12[%swap3A_927, %swap3A_928], %mul3A_926 {strides = array<i32>} : memref<128x128xf32, #tpu.memory_space<vmem>>, vector<16xf32>,
        %get3A_930 = arith.index_cast %add3A_875 : i32 to index
        %get3A_931 = arith.constant 112 : index
        %get3A_932 = tpu.vector_load %arg12[%get3A_930, %get3A_931] {strides = array<i32>} : memref<128x128xf32, #tpu.memory_space<vmem>>, vector<16xf32>,
        %mul3A_933 = arith.mulf %get3A_932, %gather3A_880 : vector<16xf32>
        %swap3A_934 = arith.index_cast %add3A_875 : i32 to index
        %swap3A_935 = arith.constant 112 : index
        %swap3A_936 = tpu.vector_load %arg12[%swap3A_934, %swap3A_935] {strides = array<i32>} : memref<128x128xf32, #tpu.memory_space<vmem>>, vector<16xf32>,
        tpu.vector_store %arg12[%swap3A_934, %swap3A_935], %mul3A_933 {strides = array<i32>} : memref<128x128xf32, #tpu.memory_space<vmem>>, vector<16xf32>,
        %mul3A_937 = arith.constant 16 : i32
        %mul3A_938 = arith.muli %scan3A_30, %mul3A_937 : i32
        %add3A_939 = arith.constant 14 : i32
        %add3A_940 = arith.addi %mul3A_938, %add3A_939 : i32
        %mul3A_941 = arith.constant 128 : i32
        %mul3A_942 = arith.muli %scan3A_13, %mul3A_941 : i32
        %add3A_943 = arith.addi %mul3A_942, %add3A_940 : i32
        %broadcast_in_dim3A_944 = vector.broadcast %add3A_943 : i32 to vector<16xi32>
        %gather3A_945 = tpu.vector_load_idx %arg11[%broadcast_in_dim3A_944] : memref<10240xf32, #tpu.memory_space<vmem>>[vector<16xi32>], vector<16xf32>,
        %get3A_946 = arith.index_cast %add3A_940 : i32 to index
        %get3A_947 = arith.constant 0 : index
        %get3A_948 = tpu.vector_load %arg12[%get3A_946, %get3A_947] {strides = array<i32>} : memref<128x128xf32, #tpu.memory_space<vmem>>, vector<16xf32>,
        %mul3A_949 = arith.mulf %get3A_948, %gather3A_945 : vector<16xf32>
        %swap3A_950 = arith.index_cast %add3A_940 : i32 to index
        %swap3A_951 = arith.constant 0 : index
        %swap3A_952 = tpu.vector_load %arg12[%swap3A_950, %swap3A_951] {strides = array<i32>} : memref<128x128xf32, #tpu.memory_space<vmem>>, vector<16xf32>,
        tpu.vector_store %arg12[%swap3A_950, %swap3A_951], %mul3A_949 {strides = array<i32>} : memref<128x128xf32, #tpu.memory_space<vmem>>, vector<16xf32>,
        %get3A_953 = arith.index_cast %add3A_940 : i32 to index
        %get3A_954 = arith.constant 16 : index
        %get3A_955 = tpu.vector_load %arg12[%get3A_953, %get3A_954] {strides = array<i32>} : memref<128x128xf32, #tpu.memory_space<vmem>>, vector<16xf32>,
        %mul3A_956 = arith.mulf %get3A_955, %gather3A_945 : vector<16xf32>
        %swap3A_957 = arith.index_cast %add3A_940 : i32 to index
        %swap3A_958 = arith.constant 16 : index
        %swap3A_959 = tpu.vector_load %arg12[%swap3A_957, %swap3A_958] {strides = array<i32>} : memref<128x128xf32, #tpu.memory_space<vmem>>, vector<16xf32>,
        tpu.vector_store %arg12[%swap3A_957, %swap3A_958], %mul3A_956 {strides = array<i32>} : memref<128x128xf32, #tpu.memory_space<vmem>>, vector<16xf32>,
        %get3A_960 = arith.index_cast %add3A_940 : i32 to index
        %get3A_961 = arith.constant 32 : index
        %get3A_962 = tpu.vector_load %arg12[%get3A_960, %get3A_961] {strides = array<i32>} : memref<128x128xf32, #tpu.memory_space<vmem>>, vector<16xf32>,
        %mul3A_963 = arith.mulf %get3A_962, %gather3A_945 : vector<16xf32>
        %swap3A_964 = arith.index_cast %add3A_940 : i32 to index
        %swap3A_965 = arith.constant 32 : index
        %swap3A_966 = tpu.vector_load %arg12[%swap3A_964, %swap3A_965] {strides = array<i32>} : memref<128x128xf32, #tpu.memory_space<vmem>>, vector<16xf32>,
        tpu.vector_store %arg12[%swap3A_964, %swap3A_965], %mul3A_963 {strides = array<i32>} : memref<128x128xf32, #tpu.memory_space<vmem>>, vector<16xf32>,
        %get3A_967 = arith.index_cast %add3A_940 : i32 to index
        %get3A_968 = arith.constant 48 : index
        %get3A_969 = tpu.vector_load %arg12[%get3A_967, %get3A_968] {strides = array<i32>} : memref<128x128xf32, #tpu.memory_space<vmem>>, vector<16xf32>,
        %mul3A_970 = arith.mulf %get3A_969, %gather3A_945 : vector<16xf32>
        %swap3A_971 = arith.index_cast %add3A_940 : i32 to index
        %swap3A_972 = arith.constant 48 : index
        %swap3A_973 = tpu.vector_load %arg12[%swap3A_971, %swap3A_972] {strides = array<i32>} : memref<128x128xf32, #tpu.memory_space<vmem>>, vector<16xf32>,
        tpu.vector_store %arg12[%swap3A_971, %swap3A_972], %mul3A_970 {strides = array<i32>} : memref<128x128xf32, #tpu.memory_space<vmem>>, vector<16xf32>,
        %get3A_974 = arith.index_cast %add3A_940 : i32 to index
        %get3A_975 = arith.constant 64 : index
        %get3A_976 = tpu.vector_load %arg12[%get3A_974, %get3A_975] {strides = array<i32>} : memref<128x128xf32, #tpu.memory_space<vmem>>, vector<16xf32>,
        %mul3A_977 = arith.mulf %get3A_976, %gather3A_945 : vector<16xf32>
        %swap3A_978 = arith.index_cast %add3A_940 : i32 to index
        %swap3A_979 = arith.constant 64 : index
        %swap3A_980 = tpu.vector_load %arg12[%swap3A_978, %swap3A_979] {strides = array<i32>} : memref<128x128xf32, #tpu.memory_space<vmem>>, vector<16xf32>,
        tpu.vector_store %arg12[%swap3A_978, %swap3A_979], %mul3A_977 {strides = array<i32>} : memref<128x128xf32, #tpu.memory_space<vmem>>, vector<16xf32>,
        %get3A_981 = arith.index_cast %add3A_940 : i32 to index
        %get3A_982 = arith.constant 80 : index
        %get3A_983 = tpu.vector_load %arg12[%get3A_981, %get3A_982] {strides = array<i32>} : memref<128x128xf32, #tpu.memory_space<vmem>>, vector<16xf32>,
        %mul3A_984 = arith.mulf %get3A_983, %gather3A_945 : vector<16xf32>
        %swap3A_985 = arith.index_cast %add3A_940 : i32 to index
        %swap3A_986 = arith.constant 80 : index
        %swap3A_987 = tpu.vector_load %arg12[%swap3A_985, %swap3A_986] {strides = array<i32>} : memref<128x128xf32, #tpu.memory_space<vmem>>, vector<16xf32>,
        tpu.vector_store %arg12[%swap3A_985, %swap3A_986], %mul3A_984 {strides = array<i32>} : memref<128x128xf32, #tpu.memory_space<vmem>>, vector<16xf32>,
        %get3A_988 = arith.index_cast %add3A_940 : i32 to index
        %get3A_989 = arith.constant 96 : index
        %get3A_990 = tpu.vector_load %arg12[%get3A_988, %get3A_989] {strides = array<i32>} : memref<128x128xf32, #tpu.memory_space<vmem>>, vector<16xf32>,
        %mul3A_991 = arith.mulf %get3A_990, %gather3A_945 : vector<16xf32>
        %swap3A_992 = arith.index_cast %add3A_940 : i32 to index
        %swap3A_993 = arith.constant 96 : index
        %swap3A_994 = tpu.vector_load %arg12[%swap3A_992, %swap3A_993] {strides = array<i32>} : memref<128x128xf32, #tpu.memory_space<vmem>>, vector<16xf32>,
        tpu.vector_store %arg12[%swap3A_992, %swap3A_993], %mul3A_991 {strides = array<i32>} : memref<128x128xf32, #tpu.memory_space<vmem>>, vector<16xf32>,
        %get3A_995 = arith.index_cast %add3A_940 : i32 to index
        %get3A_996 = arith.constant 112 : index
        %get3A_997 = tpu.vector_load %arg12[%get3A_995, %get3A_996] {strides = array<i32>} : memref<128x128xf32, #tpu.memory_space<vmem>>, vector<16xf32>,
        %mul3A_998 = arith.mulf %get3A_997, %gather3A_945 : vector<16xf32>
        %swap3A_999 = arith.index_cast %add3A_940 : i32 to index
        %swap3A_1000 = arith.constant 112 : index
        %swap3A_1001 = tpu.vector_load %arg12[%swap3A_999, %swap3A_1000] {strides = array<i32>} : memref<128x128xf32, #tpu.memory_space<vmem>>, vector<16xf32>,
        tpu.vector_store %arg12[%swap3A_999, %swap3A_1000], %mul3A_998 {strides = array<i32>} : memref<128x128xf32, #tpu.memory_space<vmem>>, vector<16xf32>,
        %mul3A_1002 = arith.constant 16 : i32
        %mul3A_1003 = arith.muli %scan3A_30, %mul3A_1002 : i32
        %add3A_1004 = arith.constant 15 : i32
        %add3A_1005 = arith.addi %mul3A_1003, %add3A_1004 : i32
        %mul3A_1006 = arith.constant 128 : i32
        %mul3A_1007 = arith.muli %scan3A_13, %mul3A_1006 : i32
        %add3A_1008 = arith.addi %mul3A_1007, %add3A_1005 : i32
        %broadcast_in_dim3A_1009 = vector.broadcast %add3A_1008 : i32 to vector<16xi32>
        %gather3A_1010 = tpu.vector_load_idx %arg11[%broadcast_in_dim3A_1009] : memref<10240xf32, #tpu.memory_space<vmem>>[vector<16xi32>], vector<16xf32>,
        %get3A_1011 = arith.index_cast %add3A_1005 : i32 to index
        %get3A_1012 = arith.constant 0 : index
        %get3A_1013 = tpu.vector_load %arg12[%get3A_1011, %get3A_1012] {strides = array<i32>} : memref<128x128xf32, #tpu.memory_space<vmem>>, vector<16xf32>,
        %mul3A_1014 = arith.mulf %get3A_1013, %gather3A_1010 : vector<16xf32>
        %swap3A_1015 = arith.index_cast %add3A_1005 : i32 to index
        %swap3A_1016 = arith.constant 0 : index
        %swap3A_1017 = tpu.vector_load %arg12[%swap3A_1015, %swap3A_1016] {strides = array<i32>} : memref<128x128xf32, #tpu.memory_space<vmem>>, vector<16xf32>,
        tpu.vector_store %arg12[%swap3A_1015, %swap3A_1016], %mul3A_1014 {strides = array<i32>} : memref<128x128xf32, #tpu.memory_space<vmem>>, vector<16xf32>,
        %get3A_1018 = arith.index_cast %add3A_1005 : i32 to index
        %get3A_1019 = arith.constant 16 : index
        %get3A_1020 = tpu.vector_load %arg12[%get3A_1018, %get3A_1019] {strides = array<i32>} : memref<128x128xf32, #tpu.memory_space<vmem>>, vector<16xf32>,
        %mul3A_1021 = arith.mulf %get3A_1020, %gather3A_1010 : vector<16xf32>
        %swap3A_1022 = arith.index_cast %add3A_1005 : i32 to index
        %swap3A_1023 = arith.constant 16 : index
        %swap3A_1024 = tpu.vector_load %arg12[%swap3A_1022, %swap3A_1023] {strides = array<i32>} : memref<128x128xf32, #tpu.memory_space<vmem>>, vector<16xf32>,
        tpu.vector_store %arg12[%swap3A_1022, %swap3A_1023], %mul3A_1021 {strides = array<i32>} : memref<128x128xf32, #tpu.memory_space<vmem>>, vector<16xf32>,
        %get3A_1025 = arith.index_cast %add3A_1005 : i32 to index
        %get3A_1026 = arith.constant 32 : index
        %get3A_1027 = tpu.vector_load %arg12[%get3A_1025, %get3A_1026] {strides = array<i32>} : memref<128x128xf32, #tpu.memory_space<vmem>>, vector<16xf32>,
        %mul3A_1028 = arith.mulf %get3A_1027, %gather3A_1010 : vector<16xf32>
        %swap3A_1029 = arith.index_cast %add3A_1005 : i32 to index
        %swap3A_1030 = arith.constant 32 : index
        %swap3A_1031 = tpu.vector_load %arg12[%swap3A_1029, %swap3A_1030] {strides = array<i32>} : memref<128x128xf32, #tpu.memory_space<vmem>>, vector<16xf32>,
        tpu.vector_store %arg12[%swap3A_1029, %swap3A_1030], %mul3A_1028 {strides = array<i32>} : memref<128x128xf32, #tpu.memory_space<vmem>>, vector<16xf32>,
        %get3A_1032 = arith.index_cast %add3A_1005 : i32 to index
        %get3A_1033 = arith.constant 48 : index
        %get3A_1034 = tpu.vector_load %arg12[%get3A_1032, %get3A_1033] {strides = array<i32>} : memref<128x128xf32, #tpu.memory_space<vmem>>, vector<16xf32>,
        %mul3A_1035 = arith.mulf %get3A_1034, %gather3A_1010 : vector<16xf32>
        %swap3A_1036 = arith.index_cast %add3A_1005 : i32 to index
        %swap3A_1037 = arith.constant 48 : index
        %swap3A_1038 = tpu.vector_load %arg12[%swap3A_1036, %swap3A_1037] {strides = array<i32>} : memref<128x128xf32, #tpu.memory_space<vmem>>, vector<16xf32>,
        tpu.vector_store %arg12[%swap3A_1036, %swap3A_1037], %mul3A_1035 {strides = array<i32>} : memref<128x128xf32, #tpu.memory_space<vmem>>, vector<16xf32>,
        %get3A_1039 = arith.index_cast %add3A_1005 : i32 to index
        %get3A_1040 = arith.constant 64 : index
        %get3A_1041 = tpu.vector_load %arg12[%get3A_1039, %get3A_1040] {strides = array<i32>} : memref<128x128xf32, #tpu.memory_space<vmem>>, vector<16xf32>,
        %mul3A_1042 = arith.mulf %get3A_1041, %gather3A_1010 : vector<16xf32>
        %swap3A_1043 = arith.index_cast %add3A_1005 : i32 to index
        %swap3A_1044 = arith.constant 64 : index
        %swap3A_1045 = tpu.vector_load %arg12[%swap3A_1043, %swap3A_1044] {strides = array<i32>} : memref<128x128xf32, #tpu.memory_space<vmem>>, vector<16xf32>,
        tpu.vector_store %arg12[%swap3A_1043, %swap3A_1044], %mul3A_1042 {strides = array<i32>} : memref<128x128xf32, #tpu.memory_space<vmem>>, vector<16xf32>,
        %get3A_1046 = arith.index_cast %add3A_1005 : i32 to index
        %get3A_1047 = arith.constant 80 : index
        %get3A_1048 = tpu.vector_load %arg12[%get3A_1046, %get3A_1047] {strides = array<i32>} : memref<128x128xf32, #tpu.memory_space<vmem>>, vector<16xf32>,
        %mul3A_1049 = arith.mulf %get3A_1048, %gather3A_1010 : vector<16xf32>
        %swap3A_1050 = arith.index_cast %add3A_1005 : i32 to index
        %swap3A_1051 = arith.constant 80 : index
        %swap3A_1052 = tpu.vector_load %arg12[%swap3A_1050, %swap3A_1051] {strides = array<i32>} : memref<128x128xf32, #tpu.memory_space<vmem>>, vector<16xf32>,
        tpu.vector_store %arg12[%swap3A_1050, %swap3A_1051], %mul3A_1049 {strides = array<i32>} : memref<128x128xf32, #tpu.memory_space<vmem>>, vector<16xf32>,
        %get3A_1053 = arith.index_cast %add3A_1005 : i32 to index
        %get3A_1054 = arith.constant 96 : index
        %get3A_1055 = tpu.vector_load %arg12[%get3A_1053, %get3A_1054] {strides = array<i32>} : memref<128x128xf32, #tpu.memory_space<vmem>>, vector<16xf32>,
        %mul3A_1056 = arith.mulf %get3A_1055, %gather3A_1010 : vector<16xf32>
        %swap3A_1057 = arith.index_cast %add3A_1005 : i32 to index
        %swap3A_1058 = arith.constant 96 : index
        %swap3A_1059 = tpu.vector_load %arg12[%swap3A_1057, %swap3A_1058] {strides = array<i32>} : memref<128x128xf32, #tpu.memory_space<vmem>>, vector<16xf32>,
        tpu.vector_store %arg12[%swap3A_1057, %swap3A_1058], %mul3A_1056 {strides = array<i32>} : memref<128x128xf32, #tpu.memory_space<vmem>>, vector<16xf32>,
        %get3A_1060 = arith.index_cast %add3A_1005 : i32 to index
        %get3A_1061 = arith.constant 112 : index
        %get3A_1062 = tpu.vector_load %arg12[%get3A_1060, %get3A_1061] {strides = array<i32>} : memref<128x128xf32, #tpu.memory_space<vmem>>, vector<16xf32>,
        %mul3A_1063 = arith.mulf %get3A_1062, %gather3A_1010 : vector<16xf32>
        %swap3A_1064 = arith.index_cast %add3A_1005 : i32 to index
        %swap3A_1065 = arith.constant 112 : index
        %swap3A_1066 = tpu.vector_load %arg12[%swap3A_1064, %swap3A_1065] {strides = array<i32>} : memref<128x128xf32, #tpu.memory_space<vmem>>, vector<16xf32>,
        tpu.vector_store %arg12[%swap3A_1064, %swap3A_1065], %mul3A_1063 {strides = array<i32>} : memref<128x128xf32, #tpu.memory_space<vmem>>, vector<16xf32>,
      }
      %scan3A_29 = arith.constant 8 : i32
      "tpu.region"() ({
        %run_scoped3A = tpu.sem_alloc : memref<!tpu.dma_semaphore, #tpu.memory_space<semaphore_mem>>
        %dma_start3A_30 = arith.constant 0 : i32
        %dma_start3A_31 = tpu.memref_slice %arg10[%scan3A_13, %dma_start3A_30] : memref<80x128xi32, #tpu.memory_space<vmem>> -> memref<1x128xi32, #tpu.memory_space<vmem>>
        %dma_start3A_32 = tpu.memref_squeeze %dma_start3A_31 : memref<1x128xi32, #tpu.memory_space<vmem>> -> memref<128xi32, #tpu.memory_space<vmem>>
        %dma_start3A_33 = arith.constant 0 : i32
        %dma_start3A_34 = arith.constant 0 : i32
        %dma_start3A_35 = tpu.memref_slice %arg8[%dma_start3A_33, %dma_start3A_34] : memref<10240x128xf32, #tpu.memory_space<vmem_shared>> -> memref<10240x128xf32, #tpu.memory_space<vmem_shared>>
        tpu.enqueue_indirect_dma source(%arg12 : memref<128x128xf32, #tpu.memory_space<vmem>>) target(%dma_start3A_35 : memref<10240x128xf32, #tpu.memory_space<vmem_shared>>) offsets(%dma_start3A_32 : memref<128xi32, #tpu.memory_space<vmem>>) semaphore(%run_scoped3A : memref<!tpu.dma_semaphore, #tpu.memory_space<semaphore_mem>>) {add = true}
        %dma_wait3A_36 = arith.constant 0 : i32
        %dma_wait3A_37 = tpu.memref_slice %arg10[%scan3A_13, %dma_wait3A_36] : memref<80x128xi32, #tpu.memory_space<vmem>> -> memref<1x128xi32, #tpu.memory_space<vmem>>
        %dma_wait3A_38 = tpu.memref_squeeze %dma_wait3A_37 : memref<1x128xi32, #tpu.memory_space<vmem>> -> memref<128xi32, #tpu.memory_space<vmem>>
        %dma_wait3A_39 = arith.constant 0 : i32
        %dma_wait3A_40 = arith.constant 0 : i32
        %dma_wait3A_41 = tpu.memref_slice %arg8[%dma_wait3A_39, %dma_wait3A_40] : memref<10240x128xf32, #tpu.memory_space<vmem_shared>> -> memref<10240x128xf32, #tpu.memory_space<vmem_shared>>
        tpu.wait_indirect_dma semaphore(%run_scoped3A : memref<!tpu.dma_semaphore, #tpu.memory_space<semaphore_mem>>) src(%arg12 : memref<128x128xf32, #tpu.memory_space<vmem>>) dst(%dma_wait3A_41 : memref<10240x128xf32, #tpu.memory_space<vmem_shared>>)
        tpu.yield
      }) : () -> ()
    }
    %scan3A_7 = arith.constant 80 : i32
    %barrier3A_8 = arith.constant 0 : index
    tpu.barrier barrier_id(%barrier3A_8)
    %mul3A_9 = arith.constant 640 : i32
    %mul3A_10 = arith.muli %arg1, %mul3A_9 : i32
    %mul3A_11 = arith.constant 640 : i32
    %mul3A_12 = arith.muli %arg1, %mul3A_11 : i32
    "tpu.region"() ({
      %run_scoped3A = tpu.sem_alloc : memref<!tpu.dma_semaphore, #tpu.memory_space<semaphore_mem>>
      %dma_start3A = arith.constant 0 : i32
      %dma_start3A_13 = tpu.memref_slice %arg7[%arg0, %mul3A_12, %dma_start3A] : memref<2x10240x128xf32, #tpu.memory_space<hbm>> -> memref<1x640x128xf32, #tpu.memory_space<hbm>>
      %dma_start3A_14 = tpu.memref_squeeze %dma_start3A_13 : memref<1x640x128xf32, #tpu.memory_space<hbm>> -> memref<640x128xf32, #tpu.memory_space<hbm>>
      %dma_start3A_15 = arith.constant 0 : i32
      %dma_start3A_16 = tpu.memref_slice %arg8[%mul3A_10, %dma_start3A_15] : memref<10240x128xf32, #tpu.memory_space<vmem_shared>> -> memref<640x128xf32, #tpu.memory_space<vmem_shared>>
      tpu.enqueue_dma source(%dma_start3A_16 : memref<640x128xf32, #tpu.memory_space<vmem_shared>>) target(%dma_start3A_14 : memref<640x128xf32, #tpu.memory_space<hbm>>) target_semaphore(%run_scoped3A : memref<!tpu.dma_semaphore, #tpu.memory_space<semaphore_mem>>)
      %dma_wait3A = arith.constant 0 : i32
      %dma_wait3A_17 = tpu.memref_slice %arg7[%arg0, %mul3A_12, %dma_wait3A] : memref<2x10240x128xf32, #tpu.memory_space<hbm>> -> memref<1x640x128xf32, #tpu.memory_space<hbm>>
      %dma_wait3A_18 = tpu.memref_squeeze %dma_wait3A_17 : memref<1x640x128xf32, #tpu.memory_space<hbm>> -> memref<640x128xf32, #tpu.memory_space<hbm>>
      %dma_wait3A_19 = arith.constant 0 : i32
      %dma_wait3A_20 = tpu.memref_slice %arg8[%mul3A_10, %dma_wait3A_19] : memref<10240x128xf32, #tpu.memory_space<vmem_shared>> -> memref<640x128xf32, #tpu.memory_space<vmem_shared>>
      tpu.wait_dma2 semaphore(%run_scoped3A : memref<!tpu.dma_semaphore, #tpu.memory_space<semaphore_mem>>) src(%dma_wait3A_20 : memref<640x128xf32, #tpu.memory_space<vmem_shared>>) dst(%dma_wait3A_18 : memref<640x128xf32, #tpu.memory_space<hbm>>)
      tpu.yield
    }) : () -> ()
    return
  }
}

#map = affine_map<(d0, d1) -> (0, 0)>
#map1 = affine_map<(d0, d1) -> (0, 0, 0)>
module attributes {stable_mosaic.version = 14 : i64} {
  func.func @_layer_body(%arg0: i32, %arg1: i32, %arg2: memref<10000x128xf32, #tpu.memory_space<hbm>>, %arg3: memref<32x80x128xi32, #tpu.memory_space<hbm>>, %arg4: memref<32x80x128xi32, #tpu.memory_space<hbm>>, %arg5: memref<32x10240xf32, #tpu.memory_space<hbm>>, %arg6: memref<640x128xf32, #tpu.memory_space<hbm>>, %arg7: memref<2x10240x128xf32, #tpu.memory_space<hbm>>, %arg8: memref<10240x128xf32, #tpu.memory_space<vmem_shared>>, %arg9: memref<80x128xi32, #tpu.memory_space<vmem>>, %arg10: memref<80x128xi32, #tpu.memory_space<vmem>>, %arg11: memref<10240xf32, #tpu.memory_space<vmem>>, %arg12: memref<128x128xf32, #tpu.memory_space<vmem>>, %arg13: memref<!tpu.dma_semaphore, #tpu.memory_space<semaphore_mem>>) attributes {dimension_semantics = [#tpu.dimension_semantics<core_parallel>, #tpu.dimension_semantics<subcore_parallel>], iteration_bounds = array<i64: 2, 16>, scalar_prefetch = 0 : i64, scratch_operands = 6 : i64, tpu.core_type = #tpu.core_type<sc_vector_subcore>, window_params = [{transform_indices = #map}, {transform_indices = #map1}, {transform_indices = #map1}, {transform_indices = #map}, {transform_indices = #map}, {transform_indices = #map1}]} {
    %mul3A = arith.constant 16 : i32
    %mul3A_0 = arith.muli %arg0, %mul3A : i32
    %add3A = arith.addi %mul3A_0, %arg1 : i32
    "tpu.region"() ({
      %run_scoped3A = tpu.sem_alloc : memref<!tpu.dma_semaphore, #tpu.memory_space<semaphore_mem>>
      %dma_start3A = arith.constant 0 : i32
      %dma_start3A_13 = arith.constant 0 : i32
      %dma_start3A_14 = tpu.memref_slice %arg3[%add3A, %dma_start3A, %dma_start3A_13] : memref<32x80x128xi32, #tpu.memory_space<hbm>> -> memref<1x80x128xi32, #tpu.memory_space<hbm>>
      %dma_start3A_15 = tpu.memref_squeeze %dma_start3A_14 : memref<1x80x128xi32, #tpu.memory_space<hbm>> -> memref<80x128xi32, #tpu.memory_space<hbm>>
      %dma_start3A_16 = arith.constant 0 : i32
      %dma_start3A_17 = arith.constant 0 : i32
      %dma_start3A_18 = tpu.memref_slice %arg3[%add3A, %dma_start3A_16, %dma_start3A_17] : memref<32x80x128xi32, #tpu.memory_space<hbm>> -> memref<1x80x128xi32, #tpu.memory_space<hbm>>
      %dma_start3A_19 = tpu.memref_squeeze %dma_start3A_18 : memref<1x80x128xi32, #tpu.memory_space<hbm>> -> memref<80x128xi32, #tpu.memory_space<hbm>>
      tpu.enqueue_dma source(%dma_start3A_19 : memref<80x128xi32, #tpu.memory_space<hbm>>) target(%arg9 : memref<80x128xi32, #tpu.memory_space<vmem>>) target_semaphore(%run_scoped3A : memref<!tpu.dma_semaphore, #tpu.memory_space<semaphore_mem>>)
      %dma_wait3A = arith.constant 0 : i32
      %dma_wait3A_20 = arith.constant 0 : i32
      %dma_wait3A_21 = tpu.memref_slice %arg3[%add3A, %dma_wait3A, %dma_wait3A_20] : memref<32x80x128xi32, #tpu.memory_space<hbm>> -> memref<1x80x128xi32, #tpu.memory_space<hbm>>
      %dma_wait3A_22 = tpu.memref_squeeze %dma_wait3A_21 : memref<1x80x128xi32, #tpu.memory_space<hbm>> -> memref<80x128xi32, #tpu.memory_space<hbm>>
      %dma_wait3A_23 = arith.constant 0 : i32
      %dma_wait3A_24 = arith.constant 0 : i32
      %dma_wait3A_25 = tpu.memref_slice %arg3[%add3A, %dma_wait3A_23, %dma_wait3A_24] : memref<32x80x128xi32, #tpu.memory_space<hbm>> -> memref<1x80x128xi32, #tpu.memory_space<hbm>>
      %dma_wait3A_26 = tpu.memref_squeeze %dma_wait3A_25 : memref<1x80x128xi32, #tpu.memory_space<hbm>> -> memref<80x128xi32, #tpu.memory_space<hbm>>
      tpu.wait_dma2 semaphore(%run_scoped3A : memref<!tpu.dma_semaphore, #tpu.memory_space<semaphore_mem>>) src(%dma_wait3A_26 : memref<80x128xi32, #tpu.memory_space<hbm>>) dst(%arg9 : memref<80x128xi32, #tpu.memory_space<vmem>>)
      tpu.yield
    }) : () -> ()
    "tpu.region"() ({
      %run_scoped3A = tpu.sem_alloc : memref<!tpu.dma_semaphore, #tpu.memory_space<semaphore_mem>>
      %dma_start3A = arith.constant 0 : i32
      %dma_start3A_13 = arith.constant 0 : i32
      %dma_start3A_14 = tpu.memref_slice %arg4[%add3A, %dma_start3A, %dma_start3A_13] : memref<32x80x128xi32, #tpu.memory_space<hbm>> -> memref<1x80x128xi32, #tpu.memory_space<hbm>>
      %dma_start3A_15 = tpu.memref_squeeze %dma_start3A_14 : memref<1x80x128xi32, #tpu.memory_space<hbm>> -> memref<80x128xi32, #tpu.memory_space<hbm>>
      %dma_start3A_16 = arith.constant 0 : i32
      %dma_start3A_17 = arith.constant 0 : i32
      %dma_start3A_18 = tpu.memref_slice %arg4[%add3A, %dma_start3A_16, %dma_start3A_17] : memref<32x80x128xi32, #tpu.memory_space<hbm>> -> memref<1x80x128xi32, #tpu.memory_space<hbm>>
      %dma_start3A_19 = tpu.memref_squeeze %dma_start3A_18 : memref<1x80x128xi32, #tpu.memory_space<hbm>> -> memref<80x128xi32, #tpu.memory_space<hbm>>
      tpu.enqueue_dma source(%dma_start3A_19 : memref<80x128xi32, #tpu.memory_space<hbm>>) target(%arg10 : memref<80x128xi32, #tpu.memory_space<vmem>>) target_semaphore(%run_scoped3A : memref<!tpu.dma_semaphore, #tpu.memory_space<semaphore_mem>>)
      %dma_wait3A = arith.constant 0 : i32
      %dma_wait3A_20 = arith.constant 0 : i32
      %dma_wait3A_21 = tpu.memref_slice %arg4[%add3A, %dma_wait3A, %dma_wait3A_20] : memref<32x80x128xi32, #tpu.memory_space<hbm>> -> memref<1x80x128xi32, #tpu.memory_space<hbm>>
      %dma_wait3A_22 = tpu.memref_squeeze %dma_wait3A_21 : memref<1x80x128xi32, #tpu.memory_space<hbm>> -> memref<80x128xi32, #tpu.memory_space<hbm>>
      %dma_wait3A_23 = arith.constant 0 : i32
      %dma_wait3A_24 = arith.constant 0 : i32
      %dma_wait3A_25 = tpu.memref_slice %arg4[%add3A, %dma_wait3A_23, %dma_wait3A_24] : memref<32x80x128xi32, #tpu.memory_space<hbm>> -> memref<1x80x128xi32, #tpu.memory_space<hbm>>
      %dma_wait3A_26 = tpu.memref_squeeze %dma_wait3A_25 : memref<1x80x128xi32, #tpu.memory_space<hbm>> -> memref<80x128xi32, #tpu.memory_space<hbm>>
      tpu.wait_dma2 semaphore(%run_scoped3A : memref<!tpu.dma_semaphore, #tpu.memory_space<semaphore_mem>>) src(%dma_wait3A_26 : memref<80x128xi32, #tpu.memory_space<hbm>>) dst(%arg10 : memref<80x128xi32, #tpu.memory_space<vmem>>)
      tpu.yield
    }) : () -> ()
    "tpu.region"() ({
      %run_scoped3A = tpu.sem_alloc : memref<!tpu.dma_semaphore, #tpu.memory_space<semaphore_mem>>
      %dma_start3A = arith.constant 0 : i32
      %dma_start3A_13 = tpu.memref_slice %arg5[%add3A, %dma_start3A] : memref<32x10240xf32, #tpu.memory_space<hbm>> -> memref<1x10240xf32, #tpu.memory_space<hbm>>
      %dma_start3A_14 = tpu.memref_squeeze %dma_start3A_13 : memref<1x10240xf32, #tpu.memory_space<hbm>> -> memref<10240xf32, #tpu.memory_space<hbm>>
      %dma_start3A_15 = arith.constant 0 : i32
      %dma_start3A_16 = tpu.memref_slice %arg5[%add3A, %dma_start3A_15] : memref<32x10240xf32, #tpu.memory_space<hbm>> -> memref<1x10240xf32, #tpu.memory_space<hbm>>
      %dma_start3A_17 = tpu.memref_squeeze %dma_start3A_16 : memref<1x10240xf32, #tpu.memory_space<hbm>> -> memref<10240xf32, #tpu.memory_space<hbm>>
      tpu.enqueue_dma source(%dma_start3A_17 : memref<10240xf32, #tpu.memory_space<hbm>>) target(%arg11 : memref<10240xf32, #tpu.memory_space<vmem>>) target_semaphore(%run_scoped3A : memref<!tpu.dma_semaphore, #tpu.memory_space<semaphore_mem>>)
      %dma_wait3A = arith.constant 0 : i32
      %dma_wait3A_18 = tpu.memref_slice %arg5[%add3A, %dma_wait3A] : memref<32x10240xf32, #tpu.memory_space<hbm>> -> memref<1x10240xf32, #tpu.memory_space<hbm>>
      %dma_wait3A_19 = tpu.memref_squeeze %dma_wait3A_18 : memref<1x10240xf32, #tpu.memory_space<hbm>> -> memref<10240xf32, #tpu.memory_space<hbm>>
      %dma_wait3A_20 = arith.constant 0 : i32
      %dma_wait3A_21 = tpu.memref_slice %arg5[%add3A, %dma_wait3A_20] : memref<32x10240xf32, #tpu.memory_space<hbm>> -> memref<1x10240xf32, #tpu.memory_space<hbm>>
      %dma_wait3A_22 = tpu.memref_squeeze %dma_wait3A_21 : memref<1x10240xf32, #tpu.memory_space<hbm>> -> memref<10240xf32, #tpu.memory_space<hbm>>
      tpu.wait_dma2 semaphore(%run_scoped3A : memref<!tpu.dma_semaphore, #tpu.memory_space<semaphore_mem>>) src(%dma_wait3A_22 : memref<10240xf32, #tpu.memory_space<hbm>>) dst(%arg11 : memref<10240xf32, #tpu.memory_space<vmem>>)
      tpu.yield
    }) : () -> ()
    %mul3A_1 = arith.constant 640 : i32
    %mul3A_2 = arith.muli %arg1, %mul3A_1 : i32
    "tpu.region"() ({
      %run_scoped3A = tpu.sem_alloc : memref<!tpu.dma_semaphore, #tpu.memory_space<semaphore_mem>>
      %dma_start3A = arith.constant 0 : i32
      %dma_start3A_13 = tpu.memref_slice %arg8[%mul3A_2, %dma_start3A] : memref<10240x128xf32, #tpu.memory_space<vmem_shared>> -> memref<640x128xf32, #tpu.memory_space<vmem_shared>>
      tpu.enqueue_dma source(%arg6 : memref<640x128xf32, #tpu.memory_space<hbm>>) target(%dma_start3A_13 : memref<640x128xf32, #tpu.memory_space<vmem_shared>>) target_semaphore(%run_scoped3A : memref<!tpu.dma_semaphore, #tpu.memory_space<semaphore_mem>>)
      %dma_wait3A = arith.constant 0 : i32
      %dma_wait3A_14 = tpu.memref_slice %arg8[%mul3A_2, %dma_wait3A] : memref<10240x128xf32, #tpu.memory_space<vmem_shared>> -> memref<640x128xf32, #tpu.memory_space<vmem_shared>>
      tpu.wait_dma2 semaphore(%run_scoped3A : memref<!tpu.dma_semaphore, #tpu.memory_space<semaphore_mem>>) src(%arg6 : memref<640x128xf32, #tpu.memory_space<hbm>>) dst(%dma_wait3A_14 : memref<640x128xf32, #tpu.memory_space<vmem_shared>>)
      tpu.yield
    }) : () -> ()
    %barrier3A = arith.constant 0 : index
    tpu.barrier barrier_id(%barrier3A)
    %scan3A = arith.constant 0 : i32
    %scan3A_3 = arith.constant 0 : i32
    %scan3A_4 = arith.constant 80 : i32
    %scan3A_5 = arith.addi %scan3A_3, %scan3A_4 : i32
    %scan3A_6 = arith.constant 1 : i32
    scf.for %scan3A_13 = %scan3A_3 to %scan3A_5 step %scan3A_6  : i32 {
      %dma_start3A = arith.constant 0 : i32
      %dma_start3A_14 = tpu.memref_slice %arg9[%scan3A_13, %dma_start3A] : memref<80x128xi32, #tpu.memory_space<vmem>> -> memref<1x128xi32, #tpu.memory_space<vmem>>
      %dma_start3A_15 = tpu.memref_squeeze %dma_start3A_14 : memref<1x128xi32, #tpu.memory_space<vmem>> -> memref<128xi32, #tpu.memory_space<vmem>>
      %dma_start3A_16 = arith.constant 0 : i32
      %dma_start3A_17 = arith.constant 0 : i32
      %dma_start3A_18 = tpu.memref_slice %arg2[%dma_start3A_16, %dma_start3A_17] : memref<10000x128xf32, #tpu.memory_space<hbm>> -> memref<10000x128xf32, #tpu.memory_space<hbm>>
      tpu.enqueue_indirect_dma source(%dma_start3A_18 : memref<10000x128xf32, #tpu.memory_space<hbm>>) target(%arg12 : memref<128x128xf32, #tpu.memory_space<vmem>>) offsets(%dma_start3A_15 : memref<128xi32, #tpu.memory_space<vmem>>) semaphore(%arg13 : memref<!tpu.dma_semaphore, #tpu.memory_space<semaphore_mem>>)
      %dma_wait3A = arith.constant 0 : i32
      %dma_wait3A_19 = tpu.memref_slice %arg9[%scan3A_13, %dma_wait3A] : memref<80x128xi32, #tpu.memory_space<vmem>> -> memref<1x128xi32, #tpu.memory_space<vmem>>
      %dma_wait3A_20 = tpu.memref_squeeze %dma_wait3A_19 : memref<1x128xi32, #tpu.memory_space<vmem>> -> memref<128xi32, #tpu.memory_space<vmem>>
      %dma_wait3A_21 = arith.constant 0 : i32
      %dma_wait3A_22 = arith.constant 0 : i32
      %dma_wait3A_23 = tpu.memref_slice %arg2[%dma_wait3A_21, %dma_wait3A_22] : memref<10000x128xf32, #tpu.memory_space<hbm>> -> memref<10000x128xf32, #tpu.memory_space<hbm>>
      tpu.wait_indirect_dma semaphore(%arg13 : memref<!tpu.dma_semaphore, #tpu.memory_space<semaphore_mem>>) src(%dma_wait3A_23 : memref<10000x128xf32, #tpu.memory_space<hbm>>) dst(%arg12 : memref<128x128xf32, #tpu.memory_space<vmem>>)
      %scan3A_24 = arith.constant 0 : i32
      %scan3A_25 = arith.constant 0 : i32
      %scan3A_26 = arith.constant 8 : i32
      %scan3A_27 = arith.addi %scan3A_25, %scan3A_26 : i32
      %scan3A_28 = arith.constant 1 : i32
      scf.for %scan3A_30 = %scan3A_25 to %scan3A_27 step %scan3A_28  : i32 {
        %mul3A_31 = arith.constant 16 : i32
        %mul3A_32 = arith.muli %scan3A_30, %mul3A_31 : i32
        %add3A_33 = arith.constant 0 : i32
        %add3A_34 = arith.addi %mul3A_32, %add3A_33 : i32
        %mul3A_35 = arith.constant 128 : i32
        %mul3A_36 = arith.muli %scan3A_13, %mul3A_35 : i32
        %add3A_37 = arith.addi %mul3A_36, %add3A_34 : i32
        %broadcast_in_dim3A = vector.broadcast %add3A_37 : i32 to vector<16xi32>
        %gather3A = tpu.vector_load_idx %arg11[%broadcast_in_dim3A] : memref<10240xf32, #tpu.memory_space<vmem>>[vector<16xi32>], vector<16xf32>,
        %get3A = arith.index_cast %add3A_34 : i32 to index
        %get3A_38 = arith.constant 0 : index
        %get3A_39 = tpu.vector_load %arg12[%get3A, %get3A_38] {strides = array<i32>} : memref<128x128xf32, #tpu.memory_space<vmem>>, vector<16xf32>,
        %mul3A_40 = arith.mulf %get3A_39, %gather3A : vector<16xf32>
        %swap3A = arith.index_cast %add3A_34 : i32 to index
        %swap3A_41 = arith.constant 0 : index
        %swap3A_42 = tpu.vector_load %arg12[%swap3A, %swap3A_41] {strides = array<i32>} : memref<128x128xf32, #tpu.memory_space<vmem>>, vector<16xf32>,
        tpu.vector_store %arg12[%swap3A, %swap3A_41], %mul3A_40 {strides = array<i32>} : memref<128x128xf32, #tpu.memory_space<vmem>>, vector<16xf32>,
        %get3A_43 = arith.index_cast %add3A_34 : i32 to index
        %get3A_44 = arith.constant 16 : index
        %get3A_45 = tpu.vector_load %arg12[%get3A_43, %get3A_44] {strides = array<i32>} : memref<128x128xf32, #tpu.memory_space<vmem>>, vector<16xf32>,
        %mul3A_46 = arith.mulf %get3A_45, %gather3A : vector<16xf32>
        %swap3A_47 = arith.index_cast %add3A_34 : i32 to index
        %swap3A_48 = arith.constant 16 : index
        %swap3A_49 = tpu.vector_load %arg12[%swap3A_47, %swap3A_48] {strides = array<i32>} : memref<128x128xf32, #tpu.memory_space<vmem>>, vector<16xf32>,
        tpu.vector_store %arg12[%swap3A_47, %swap3A_48], %mul3A_46 {strides = array<i32>} : memref<128x128xf32, #tpu.memory_space<vmem>>, vector<16xf32>,
        %get3A_50 = arith.index_cast %add3A_34 : i32 to index
        %get3A_51 = arith.constant 32 : index
        %get3A_52 = tpu.vector_load %arg12[%get3A_50, %get3A_51] {strides = array<i32>} : memref<128x128xf32, #tpu.memory_space<vmem>>, vector<16xf32>,
        %mul3A_53 = arith.mulf %get3A_52, %gather3A : vector<16xf32>
        %swap3A_54 = arith.index_cast %add3A_34 : i32 to index
        %swap3A_55 = arith.constant 32 : index
        %swap3A_56 = tpu.vector_load %arg12[%swap3A_54, %swap3A_55] {strides = array<i32>} : memref<128x128xf32, #tpu.memory_space<vmem>>, vector<16xf32>,
        tpu.vector_store %arg12[%swap3A_54, %swap3A_55], %mul3A_53 {strides = array<i32>} : memref<128x128xf32, #tpu.memory_space<vmem>>, vector<16xf32>,
        %get3A_57 = arith.index_cast %add3A_34 : i32 to index
        %get3A_58 = arith.constant 48 : index
        %get3A_59 = tpu.vector_load %arg12[%get3A_57, %get3A_58] {strides = array<i32>} : memref<128x128xf32, #tpu.memory_space<vmem>>, vector<16xf32>,
        %mul3A_60 = arith.mulf %get3A_59, %gather3A : vector<16xf32>
        %swap3A_61 = arith.index_cast %add3A_34 : i32 to index
        %swap3A_62 = arith.constant 48 : index
        %swap3A_63 = tpu.vector_load %arg12[%swap3A_61, %swap3A_62] {strides = array<i32>} : memref<128x128xf32, #tpu.memory_space<vmem>>, vector<16xf32>,
        tpu.vector_store %arg12[%swap3A_61, %swap3A_62], %mul3A_60 {strides = array<i32>} : memref<128x128xf32, #tpu.memory_space<vmem>>, vector<16xf32>,
        %get3A_64 = arith.index_cast %add3A_34 : i32 to index
        %get3A_65 = arith.constant 64 : index
        %get3A_66 = tpu.vector_load %arg12[%get3A_64, %get3A_65] {strides = array<i32>} : memref<128x128xf32, #tpu.memory_space<vmem>>, vector<16xf32>,
        %mul3A_67 = arith.mulf %get3A_66, %gather3A : vector<16xf32>
        %swap3A_68 = arith.index_cast %add3A_34 : i32 to index
        %swap3A_69 = arith.constant 64 : index
        %swap3A_70 = tpu.vector_load %arg12[%swap3A_68, %swap3A_69] {strides = array<i32>} : memref<128x128xf32, #tpu.memory_space<vmem>>, vector<16xf32>,
        tpu.vector_store %arg12[%swap3A_68, %swap3A_69], %mul3A_67 {strides = array<i32>} : memref<128x128xf32, #tpu.memory_space<vmem>>, vector<16xf32>,
        %get3A_71 = arith.index_cast %add3A_34 : i32 to index
        %get3A_72 = arith.constant 80 : index
        %get3A_73 = tpu.vector_load %arg12[%get3A_71, %get3A_72] {strides = array<i32>} : memref<128x128xf32, #tpu.memory_space<vmem>>, vector<16xf32>,
        %mul3A_74 = arith.mulf %get3A_73, %gather3A : vector<16xf32>
        %swap3A_75 = arith.index_cast %add3A_34 : i32 to index
        %swap3A_76 = arith.constant 80 : index
        %swap3A_77 = tpu.vector_load %arg12[%swap3A_75, %swap3A_76] {strides = array<i32>} : memref<128x128xf32, #tpu.memory_space<vmem>>, vector<16xf32>,
        tpu.vector_store %arg12[%swap3A_75, %swap3A_76], %mul3A_74 {strides = array<i32>} : memref<128x128xf32, #tpu.memory_space<vmem>>, vector<16xf32>,
        %get3A_78 = arith.index_cast %add3A_34 : i32 to index
        %get3A_79 = arith.constant 96 : index
        %get3A_80 = tpu.vector_load %arg12[%get3A_78, %get3A_79] {strides = array<i32>} : memref<128x128xf32, #tpu.memory_space<vmem>>, vector<16xf32>,
        %mul3A_81 = arith.mulf %get3A_80, %gather3A : vector<16xf32>
        %swap3A_82 = arith.index_cast %add3A_34 : i32 to index
        %swap3A_83 = arith.constant 96 : index
        %swap3A_84 = tpu.vector_load %arg12[%swap3A_82, %swap3A_83] {strides = array<i32>} : memref<128x128xf32, #tpu.memory_space<vmem>>, vector<16xf32>,
        tpu.vector_store %arg12[%swap3A_82, %swap3A_83], %mul3A_81 {strides = array<i32>} : memref<128x128xf32, #tpu.memory_space<vmem>>, vector<16xf32>,
        %get3A_85 = arith.index_cast %add3A_34 : i32 to index
        %get3A_86 = arith.constant 112 : index
        %get3A_87 = tpu.vector_load %arg12[%get3A_85, %get3A_86] {strides = array<i32>} : memref<128x128xf32, #tpu.memory_space<vmem>>, vector<16xf32>,
        %mul3A_88 = arith.mulf %get3A_87, %gather3A : vector<16xf32>
        %swap3A_89 = arith.index_cast %add3A_34 : i32 to index
        %swap3A_90 = arith.constant 112 : index
        %swap3A_91 = tpu.vector_load %arg12[%swap3A_89, %swap3A_90] {strides = array<i32>} : memref<128x128xf32, #tpu.memory_space<vmem>>, vector<16xf32>,
        tpu.vector_store %arg12[%swap3A_89, %swap3A_90], %mul3A_88 {strides = array<i32>} : memref<128x128xf32, #tpu.memory_space<vmem>>, vector<16xf32>,
        %mul3A_92 = arith.constant 16 : i32
        %mul3A_93 = arith.muli %scan3A_30, %mul3A_92 : i32
        %add3A_94 = arith.constant 1 : i32
        %add3A_95 = arith.addi %mul3A_93, %add3A_94 : i32
        %mul3A_96 = arith.constant 128 : i32
        %mul3A_97 = arith.muli %scan3A_13, %mul3A_96 : i32
        %add3A_98 = arith.addi %mul3A_97, %add3A_95 : i32
        %broadcast_in_dim3A_99 = vector.broadcast %add3A_98 : i32 to vector<16xi32>
        %gather3A_100 = tpu.vector_load_idx %arg11[%broadcast_in_dim3A_99] : memref<10240xf32, #tpu.memory_space<vmem>>[vector<16xi32>], vector<16xf32>,
        %get3A_101 = arith.index_cast %add3A_95 : i32 to index
        %get3A_102 = arith.constant 0 : index
        %get3A_103 = tpu.vector_load %arg12[%get3A_101, %get3A_102] {strides = array<i32>} : memref<128x128xf32, #tpu.memory_space<vmem>>, vector<16xf32>,
        %mul3A_104 = arith.mulf %get3A_103, %gather3A_100 : vector<16xf32>
        %swap3A_105 = arith.index_cast %add3A_95 : i32 to index
        %swap3A_106 = arith.constant 0 : index
        %swap3A_107 = tpu.vector_load %arg12[%swap3A_105, %swap3A_106] {strides = array<i32>} : memref<128x128xf32, #tpu.memory_space<vmem>>, vector<16xf32>,
        tpu.vector_store %arg12[%swap3A_105, %swap3A_106], %mul3A_104 {strides = array<i32>} : memref<128x128xf32, #tpu.memory_space<vmem>>, vector<16xf32>,
        %get3A_108 = arith.index_cast %add3A_95 : i32 to index
        %get3A_109 = arith.constant 16 : index
        %get3A_110 = tpu.vector_load %arg12[%get3A_108, %get3A_109] {strides = array<i32>} : memref<128x128xf32, #tpu.memory_space<vmem>>, vector<16xf32>,
        %mul3A_111 = arith.mulf %get3A_110, %gather3A_100 : vector<16xf32>
        %swap3A_112 = arith.index_cast %add3A_95 : i32 to index
        %swap3A_113 = arith.constant 16 : index
        %swap3A_114 = tpu.vector_load %arg12[%swap3A_112, %swap3A_113] {strides = array<i32>} : memref<128x128xf32, #tpu.memory_space<vmem>>, vector<16xf32>,
        tpu.vector_store %arg12[%swap3A_112, %swap3A_113], %mul3A_111 {strides = array<i32>} : memref<128x128xf32, #tpu.memory_space<vmem>>, vector<16xf32>,
        %get3A_115 = arith.index_cast %add3A_95 : i32 to index
        %get3A_116 = arith.constant 32 : index
        %get3A_117 = tpu.vector_load %arg12[%get3A_115, %get3A_116] {strides = array<i32>} : memref<128x128xf32, #tpu.memory_space<vmem>>, vector<16xf32>,
        %mul3A_118 = arith.mulf %get3A_117, %gather3A_100 : vector<16xf32>
        %swap3A_119 = arith.index_cast %add3A_95 : i32 to index
        %swap3A_120 = arith.constant 32 : index
        %swap3A_121 = tpu.vector_load %arg12[%swap3A_119, %swap3A_120] {strides = array<i32>} : memref<128x128xf32, #tpu.memory_space<vmem>>, vector<16xf32>,
        tpu.vector_store %arg12[%swap3A_119, %swap3A_120], %mul3A_118 {strides = array<i32>} : memref<128x128xf32, #tpu.memory_space<vmem>>, vector<16xf32>,
        %get3A_122 = arith.index_cast %add3A_95 : i32 to index
        %get3A_123 = arith.constant 48 : index
        %get3A_124 = tpu.vector_load %arg12[%get3A_122, %get3A_123] {strides = array<i32>} : memref<128x128xf32, #tpu.memory_space<vmem>>, vector<16xf32>,
        %mul3A_125 = arith.mulf %get3A_124, %gather3A_100 : vector<16xf32>
        %swap3A_126 = arith.index_cast %add3A_95 : i32 to index
        %swap3A_127 = arith.constant 48 : index
        %swap3A_128 = tpu.vector_load %arg12[%swap3A_126, %swap3A_127] {strides = array<i32>} : memref<128x128xf32, #tpu.memory_space<vmem>>, vector<16xf32>,
        tpu.vector_store %arg12[%swap3A_126, %swap3A_127], %mul3A_125 {strides = array<i32>} : memref<128x128xf32, #tpu.memory_space<vmem>>, vector<16xf32>,
        %get3A_129 = arith.index_cast %add3A_95 : i32 to index
        %get3A_130 = arith.constant 64 : index
        %get3A_131 = tpu.vector_load %arg12[%get3A_129, %get3A_130] {strides = array<i32>} : memref<128x128xf32, #tpu.memory_space<vmem>>, vector<16xf32>,
        %mul3A_132 = arith.mulf %get3A_131, %gather3A_100 : vector<16xf32>
        %swap3A_133 = arith.index_cast %add3A_95 : i32 to index
        %swap3A_134 = arith.constant 64 : index
        %swap3A_135 = tpu.vector_load %arg12[%swap3A_133, %swap3A_134] {strides = array<i32>} : memref<128x128xf32, #tpu.memory_space<vmem>>, vector<16xf32>,
        tpu.vector_store %arg12[%swap3A_133, %swap3A_134], %mul3A_132 {strides = array<i32>} : memref<128x128xf32, #tpu.memory_space<vmem>>, vector<16xf32>,
        %get3A_136 = arith.index_cast %add3A_95 : i32 to index
        %get3A_137 = arith.constant 80 : index
        %get3A_138 = tpu.vector_load %arg12[%get3A_136, %get3A_137] {strides = array<i32>} : memref<128x128xf32, #tpu.memory_space<vmem>>, vector<16xf32>,
        %mul3A_139 = arith.mulf %get3A_138, %gather3A_100 : vector<16xf32>
        %swap3A_140 = arith.index_cast %add3A_95 : i32 to index
        %swap3A_141 = arith.constant 80 : index
        %swap3A_142 = tpu.vector_load %arg12[%swap3A_140, %swap3A_141] {strides = array<i32>} : memref<128x128xf32, #tpu.memory_space<vmem>>, vector<16xf32>,
        tpu.vector_store %arg12[%swap3A_140, %swap3A_141], %mul3A_139 {strides = array<i32>} : memref<128x128xf32, #tpu.memory_space<vmem>>, vector<16xf32>,
        %get3A_143 = arith.index_cast %add3A_95 : i32 to index
        %get3A_144 = arith.constant 96 : index
        %get3A_145 = tpu.vector_load %arg12[%get3A_143, %get3A_144] {strides = array<i32>} : memref<128x128xf32, #tpu.memory_space<vmem>>, vector<16xf32>,
        %mul3A_146 = arith.mulf %get3A_145, %gather3A_100 : vector<16xf32>
        %swap3A_147 = arith.index_cast %add3A_95 : i32 to index
        %swap3A_148 = arith.constant 96 : index
        %swap3A_149 = tpu.vector_load %arg12[%swap3A_147, %swap3A_148] {strides = array<i32>} : memref<128x128xf32, #tpu.memory_space<vmem>>, vector<16xf32>,
        tpu.vector_store %arg12[%swap3A_147, %swap3A_148], %mul3A_146 {strides = array<i32>} : memref<128x128xf32, #tpu.memory_space<vmem>>, vector<16xf32>,
        %get3A_150 = arith.index_cast %add3A_95 : i32 to index
        %get3A_151 = arith.constant 112 : index
        %get3A_152 = tpu.vector_load %arg12[%get3A_150, %get3A_151] {strides = array<i32>} : memref<128x128xf32, #tpu.memory_space<vmem>>, vector<16xf32>,
        %mul3A_153 = arith.mulf %get3A_152, %gather3A_100 : vector<16xf32>
        %swap3A_154 = arith.index_cast %add3A_95 : i32 to index
        %swap3A_155 = arith.constant 112 : index
        %swap3A_156 = tpu.vector_load %arg12[%swap3A_154, %swap3A_155] {strides = array<i32>} : memref<128x128xf32, #tpu.memory_space<vmem>>, vector<16xf32>,
        tpu.vector_store %arg12[%swap3A_154, %swap3A_155], %mul3A_153 {strides = array<i32>} : memref<128x128xf32, #tpu.memory_space<vmem>>, vector<16xf32>,
        %mul3A_157 = arith.constant 16 : i32
        %mul3A_158 = arith.muli %scan3A_30, %mul3A_157 : i32
        %add3A_159 = arith.constant 2 : i32
        %add3A_160 = arith.addi %mul3A_158, %add3A_159 : i32
        %mul3A_161 = arith.constant 128 : i32
        %mul3A_162 = arith.muli %scan3A_13, %mul3A_161 : i32
        %add3A_163 = arith.addi %mul3A_162, %add3A_160 : i32
        %broadcast_in_dim3A_164 = vector.broadcast %add3A_163 : i32 to vector<16xi32>
        %gather3A_165 = tpu.vector_load_idx %arg11[%broadcast_in_dim3A_164] : memref<10240xf32, #tpu.memory_space<vmem>>[vector<16xi32>], vector<16xf32>,
        %get3A_166 = arith.index_cast %add3A_160 : i32 to index
        %get3A_167 = arith.constant 0 : index
        %get3A_168 = tpu.vector_load %arg12[%get3A_166, %get3A_167] {strides = array<i32>} : memref<128x128xf32, #tpu.memory_space<vmem>>, vector<16xf32>,
        %mul3A_169 = arith.mulf %get3A_168, %gather3A_165 : vector<16xf32>
        %swap3A_170 = arith.index_cast %add3A_160 : i32 to index
        %swap3A_171 = arith.constant 0 : index
        %swap3A_172 = tpu.vector_load %arg12[%swap3A_170, %swap3A_171] {strides = array<i32>} : memref<128x128xf32, #tpu.memory_space<vmem>>, vector<16xf32>,
        tpu.vector_store %arg12[%swap3A_170, %swap3A_171], %mul3A_169 {strides = array<i32>} : memref<128x128xf32, #tpu.memory_space<vmem>>, vector<16xf32>,
        %get3A_173 = arith.index_cast %add3A_160 : i32 to index
        %get3A_174 = arith.constant 16 : index
        %get3A_175 = tpu.vector_load %arg12[%get3A_173, %get3A_174] {strides = array<i32>} : memref<128x128xf32, #tpu.memory_space<vmem>>, vector<16xf32>,
        %mul3A_176 = arith.mulf %get3A_175, %gather3A_165 : vector<16xf32>
        %swap3A_177 = arith.index_cast %add3A_160 : i32 to index
        %swap3A_178 = arith.constant 16 : index
        %swap3A_179 = tpu.vector_load %arg12[%swap3A_177, %swap3A_178] {strides = array<i32>} : memref<128x128xf32, #tpu.memory_space<vmem>>, vector<16xf32>,
        tpu.vector_store %arg12[%swap3A_177, %swap3A_178], %mul3A_176 {strides = array<i32>} : memref<128x128xf32, #tpu.memory_space<vmem>>, vector<16xf32>,
        %get3A_180 = arith.index_cast %add3A_160 : i32 to index
        %get3A_181 = arith.constant 32 : index
        %get3A_182 = tpu.vector_load %arg12[%get3A_180, %get3A_181] {strides = array<i32>} : memref<128x128xf32, #tpu.memory_space<vmem>>, vector<16xf32>,
        %mul3A_183 = arith.mulf %get3A_182, %gather3A_165 : vector<16xf32>
        %swap3A_184 = arith.index_cast %add3A_160 : i32 to index
        %swap3A_185 = arith.constant 32 : index
        %swap3A_186 = tpu.vector_load %arg12[%swap3A_184, %swap3A_185] {strides = array<i32>} : memref<128x128xf32, #tpu.memory_space<vmem>>, vector<16xf32>,
        tpu.vector_store %arg12[%swap3A_184, %swap3A_185], %mul3A_183 {strides = array<i32>} : memref<128x128xf32, #tpu.memory_space<vmem>>, vector<16xf32>,
        %get3A_187 = arith.index_cast %add3A_160 : i32 to index
        %get3A_188 = arith.constant 48 : index
        %get3A_189 = tpu.vector_load %arg12[%get3A_187, %get3A_188] {strides = array<i32>} : memref<128x128xf32, #tpu.memory_space<vmem>>, vector<16xf32>,
        %mul3A_190 = arith.mulf %get3A_189, %gather3A_165 : vector<16xf32>
        %swap3A_191 = arith.index_cast %add3A_160 : i32 to index
        %swap3A_192 = arith.constant 48 : index
        %swap3A_193 = tpu.vector_load %arg12[%swap3A_191, %swap3A_192] {strides = array<i32>} : memref<128x128xf32, #tpu.memory_space<vmem>>, vector<16xf32>,
        tpu.vector_store %arg12[%swap3A_191, %swap3A_192], %mul3A_190 {strides = array<i32>} : memref<128x128xf32, #tpu.memory_space<vmem>>, vector<16xf32>,
        %get3A_194 = arith.index_cast %add3A_160 : i32 to index
        %get3A_195 = arith.constant 64 : index
        %get3A_196 = tpu.vector_load %arg12[%get3A_194, %get3A_195] {strides = array<i32>} : memref<128x128xf32, #tpu.memory_space<vmem>>, vector<16xf32>,
        %mul3A_197 = arith.mulf %get3A_196, %gather3A_165 : vector<16xf32>
        %swap3A_198 = arith.index_cast %add3A_160 : i32 to index
        %swap3A_199 = arith.constant 64 : index
        %swap3A_200 = tpu.vector_load %arg12[%swap3A_198, %swap3A_199] {strides = array<i32>} : memref<128x128xf32, #tpu.memory_space<vmem>>, vector<16xf32>,
        tpu.vector_store %arg12[%swap3A_198, %swap3A_199], %mul3A_197 {strides = array<i32>} : memref<128x128xf32, #tpu.memory_space<vmem>>, vector<16xf32>,
        %get3A_201 = arith.index_cast %add3A_160 : i32 to index
        %get3A_202 = arith.constant 80 : index
        %get3A_203 = tpu.vector_load %arg12[%get3A_201, %get3A_202] {strides = array<i32>} : memref<128x128xf32, #tpu.memory_space<vmem>>, vector<16xf32>,
        %mul3A_204 = arith.mulf %get3A_203, %gather3A_165 : vector<16xf32>
        %swap3A_205 = arith.index_cast %add3A_160 : i32 to index
        %swap3A_206 = arith.constant 80 : index
        %swap3A_207 = tpu.vector_load %arg12[%swap3A_205, %swap3A_206] {strides = array<i32>} : memref<128x128xf32, #tpu.memory_space<vmem>>, vector<16xf32>,
        tpu.vector_store %arg12[%swap3A_205, %swap3A_206], %mul3A_204 {strides = array<i32>} : memref<128x128xf32, #tpu.memory_space<vmem>>, vector<16xf32>,
        %get3A_208 = arith.index_cast %add3A_160 : i32 to index
        %get3A_209 = arith.constant 96 : index
        %get3A_210 = tpu.vector_load %arg12[%get3A_208, %get3A_209] {strides = array<i32>} : memref<128x128xf32, #tpu.memory_space<vmem>>, vector<16xf32>,
        %mul3A_211 = arith.mulf %get3A_210, %gather3A_165 : vector<16xf32>
        %swap3A_212 = arith.index_cast %add3A_160 : i32 to index
        %swap3A_213 = arith.constant 96 : index
        %swap3A_214 = tpu.vector_load %arg12[%swap3A_212, %swap3A_213] {strides = array<i32>} : memref<128x128xf32, #tpu.memory_space<vmem>>, vector<16xf32>,
        tpu.vector_store %arg12[%swap3A_212, %swap3A_213], %mul3A_211 {strides = array<i32>} : memref<128x128xf32, #tpu.memory_space<vmem>>, vector<16xf32>,
        %get3A_215 = arith.index_cast %add3A_160 : i32 to index
        %get3A_216 = arith.constant 112 : index
        %get3A_217 = tpu.vector_load %arg12[%get3A_215, %get3A_216] {strides = array<i32>} : memref<128x128xf32, #tpu.memory_space<vmem>>, vector<16xf32>,
        %mul3A_218 = arith.mulf %get3A_217, %gather3A_165 : vector<16xf32>
        %swap3A_219 = arith.index_cast %add3A_160 : i32 to index
        %swap3A_220 = arith.constant 112 : index
        %swap3A_221 = tpu.vector_load %arg12[%swap3A_219, %swap3A_220] {strides = array<i32>} : memref<128x128xf32, #tpu.memory_space<vmem>>, vector<16xf32>,
        tpu.vector_store %arg12[%swap3A_219, %swap3A_220], %mul3A_218 {strides = array<i32>} : memref<128x128xf32, #tpu.memory_space<vmem>>, vector<16xf32>,
        %mul3A_222 = arith.constant 16 : i32
        %mul3A_223 = arith.muli %scan3A_30, %mul3A_222 : i32
        %add3A_224 = arith.constant 3 : i32
        %add3A_225 = arith.addi %mul3A_223, %add3A_224 : i32
        %mul3A_226 = arith.constant 128 : i32
        %mul3A_227 = arith.muli %scan3A_13, %mul3A_226 : i32
        %add3A_228 = arith.addi %mul3A_227, %add3A_225 : i32
        %broadcast_in_dim3A_229 = vector.broadcast %add3A_228 : i32 to vector<16xi32>
        %gather3A_230 = tpu.vector_load_idx %arg11[%broadcast_in_dim3A_229] : memref<10240xf32, #tpu.memory_space<vmem>>[vector<16xi32>], vector<16xf32>,
        %get3A_231 = arith.index_cast %add3A_225 : i32 to index
        %get3A_232 = arith.constant 0 : index
        %get3A_233 = tpu.vector_load %arg12[%get3A_231, %get3A_232] {strides = array<i32>} : memref<128x128xf32, #tpu.memory_space<vmem>>, vector<16xf32>,
        %mul3A_234 = arith.mulf %get3A_233, %gather3A_230 : vector<16xf32>
        %swap3A_235 = arith.index_cast %add3A_225 : i32 to index
        %swap3A_236 = arith.constant 0 : index
        %swap3A_237 = tpu.vector_load %arg12[%swap3A_235, %swap3A_236] {strides = array<i32>} : memref<128x128xf32, #tpu.memory_space<vmem>>, vector<16xf32>,
        tpu.vector_store %arg12[%swap3A_235, %swap3A_236], %mul3A_234 {strides = array<i32>} : memref<128x128xf32, #tpu.memory_space<vmem>>, vector<16xf32>,
        %get3A_238 = arith.index_cast %add3A_225 : i32 to index
        %get3A_239 = arith.constant 16 : index
        %get3A_240 = tpu.vector_load %arg12[%get3A_238, %get3A_239] {strides = array<i32>} : memref<128x128xf32, #tpu.memory_space<vmem>>, vector<16xf32>,
        %mul3A_241 = arith.mulf %get3A_240, %gather3A_230 : vector<16xf32>
        %swap3A_242 = arith.index_cast %add3A_225 : i32 to index
        %swap3A_243 = arith.constant 16 : index
        %swap3A_244 = tpu.vector_load %arg12[%swap3A_242, %swap3A_243] {strides = array<i32>} : memref<128x128xf32, #tpu.memory_space<vmem>>, vector<16xf32>,
        tpu.vector_store %arg12[%swap3A_242, %swap3A_243], %mul3A_241 {strides = array<i32>} : memref<128x128xf32, #tpu.memory_space<vmem>>, vector<16xf32>,
        %get3A_245 = arith.index_cast %add3A_225 : i32 to index
        %get3A_246 = arith.constant 32 : index
        %get3A_247 = tpu.vector_load %arg12[%get3A_245, %get3A_246] {strides = array<i32>} : memref<128x128xf32, #tpu.memory_space<vmem>>, vector<16xf32>,
        %mul3A_248 = arith.mulf %get3A_247, %gather3A_230 : vector<16xf32>
        %swap3A_249 = arith.index_cast %add3A_225 : i32 to index
        %swap3A_250 = arith.constant 32 : index
        %swap3A_251 = tpu.vector_load %arg12[%swap3A_249, %swap3A_250] {strides = array<i32>} : memref<128x128xf32, #tpu.memory_space<vmem>>, vector<16xf32>,
        tpu.vector_store %arg12[%swap3A_249, %swap3A_250], %mul3A_248 {strides = array<i32>} : memref<128x128xf32, #tpu.memory_space<vmem>>, vector<16xf32>,
        %get3A_252 = arith.index_cast %add3A_225 : i32 to index
        %get3A_253 = arith.constant 48 : index
        %get3A_254 = tpu.vector_load %arg12[%get3A_252, %get3A_253] {strides = array<i32>} : memref<128x128xf32, #tpu.memory_space<vmem>>, vector<16xf32>,
        %mul3A_255 = arith.mulf %get3A_254, %gather3A_230 : vector<16xf32>
        %swap3A_256 = arith.index_cast %add3A_225 : i32 to index
        %swap3A_257 = arith.constant 48 : index
        %swap3A_258 = tpu.vector_load %arg12[%swap3A_256, %swap3A_257] {strides = array<i32>} : memref<128x128xf32, #tpu.memory_space<vmem>>, vector<16xf32>,
        tpu.vector_store %arg12[%swap3A_256, %swap3A_257], %mul3A_255 {strides = array<i32>} : memref<128x128xf32, #tpu.memory_space<vmem>>, vector<16xf32>,
        %get3A_259 = arith.index_cast %add3A_225 : i32 to index
        %get3A_260 = arith.constant 64 : index
        %get3A_261 = tpu.vector_load %arg12[%get3A_259, %get3A_260] {strides = array<i32>} : memref<128x128xf32, #tpu.memory_space<vmem>>, vector<16xf32>,
        %mul3A_262 = arith.mulf %get3A_261, %gather3A_230 : vector<16xf32>
        %swap3A_263 = arith.index_cast %add3A_225 : i32 to index
        %swap3A_264 = arith.constant 64 : index
        %swap3A_265 = tpu.vector_load %arg12[%swap3A_263, %swap3A_264] {strides = array<i32>} : memref<128x128xf32, #tpu.memory_space<vmem>>, vector<16xf32>,
        tpu.vector_store %arg12[%swap3A_263, %swap3A_264], %mul3A_262 {strides = array<i32>} : memref<128x128xf32, #tpu.memory_space<vmem>>, vector<16xf32>,
        %get3A_266 = arith.index_cast %add3A_225 : i32 to index
        %get3A_267 = arith.constant 80 : index
        %get3A_268 = tpu.vector_load %arg12[%get3A_266, %get3A_267] {strides = array<i32>} : memref<128x128xf32, #tpu.memory_space<vmem>>, vector<16xf32>,
        %mul3A_269 = arith.mulf %get3A_268, %gather3A_230 : vector<16xf32>
        %swap3A_270 = arith.index_cast %add3A_225 : i32 to index
        %swap3A_271 = arith.constant 80 : index
        %swap3A_272 = tpu.vector_load %arg12[%swap3A_270, %swap3A_271] {strides = array<i32>} : memref<128x128xf32, #tpu.memory_space<vmem>>, vector<16xf32>,
        tpu.vector_store %arg12[%swap3A_270, %swap3A_271], %mul3A_269 {strides = array<i32>} : memref<128x128xf32, #tpu.memory_space<vmem>>, vector<16xf32>,
        %get3A_273 = arith.index_cast %add3A_225 : i32 to index
        %get3A_274 = arith.constant 96 : index
        %get3A_275 = tpu.vector_load %arg12[%get3A_273, %get3A_274] {strides = array<i32>} : memref<128x128xf32, #tpu.memory_space<vmem>>, vector<16xf32>,
        %mul3A_276 = arith.mulf %get3A_275, %gather3A_230 : vector<16xf32>
        %swap3A_277 = arith.index_cast %add3A_225 : i32 to index
        %swap3A_278 = arith.constant 96 : index
        %swap3A_279 = tpu.vector_load %arg12[%swap3A_277, %swap3A_278] {strides = array<i32>} : memref<128x128xf32, #tpu.memory_space<vmem>>, vector<16xf32>,
        tpu.vector_store %arg12[%swap3A_277, %swap3A_278], %mul3A_276 {strides = array<i32>} : memref<128x128xf32, #tpu.memory_space<vmem>>, vector<16xf32>,
        %get3A_280 = arith.index_cast %add3A_225 : i32 to index
        %get3A_281 = arith.constant 112 : index
        %get3A_282 = tpu.vector_load %arg12[%get3A_280, %get3A_281] {strides = array<i32>} : memref<128x128xf32, #tpu.memory_space<vmem>>, vector<16xf32>,
        %mul3A_283 = arith.mulf %get3A_282, %gather3A_230 : vector<16xf32>
        %swap3A_284 = arith.index_cast %add3A_225 : i32 to index
        %swap3A_285 = arith.constant 112 : index
        %swap3A_286 = tpu.vector_load %arg12[%swap3A_284, %swap3A_285] {strides = array<i32>} : memref<128x128xf32, #tpu.memory_space<vmem>>, vector<16xf32>,
        tpu.vector_store %arg12[%swap3A_284, %swap3A_285], %mul3A_283 {strides = array<i32>} : memref<128x128xf32, #tpu.memory_space<vmem>>, vector<16xf32>,
        %mul3A_287 = arith.constant 16 : i32
        %mul3A_288 = arith.muli %scan3A_30, %mul3A_287 : i32
        %add3A_289 = arith.constant 4 : i32
        %add3A_290 = arith.addi %mul3A_288, %add3A_289 : i32
        %mul3A_291 = arith.constant 128 : i32
        %mul3A_292 = arith.muli %scan3A_13, %mul3A_291 : i32
        %add3A_293 = arith.addi %mul3A_292, %add3A_290 : i32
        %broadcast_in_dim3A_294 = vector.broadcast %add3A_293 : i32 to vector<16xi32>
        %gather3A_295 = tpu.vector_load_idx %arg11[%broadcast_in_dim3A_294] : memref<10240xf32, #tpu.memory_space<vmem>>[vector<16xi32>], vector<16xf32>,
        %get3A_296 = arith.index_cast %add3A_290 : i32 to index
        %get3A_297 = arith.constant 0 : index
        %get3A_298 = tpu.vector_load %arg12[%get3A_296, %get3A_297] {strides = array<i32>} : memref<128x128xf32, #tpu.memory_space<vmem>>, vector<16xf32>,
        %mul3A_299 = arith.mulf %get3A_298, %gather3A_295 : vector<16xf32>
        %swap3A_300 = arith.index_cast %add3A_290 : i32 to index
        %swap3A_301 = arith.constant 0 : index
        %swap3A_302 = tpu.vector_load %arg12[%swap3A_300, %swap3A_301] {strides = array<i32>} : memref<128x128xf32, #tpu.memory_space<vmem>>, vector<16xf32>,
        tpu.vector_store %arg12[%swap3A_300, %swap3A_301], %mul3A_299 {strides = array<i32>} : memref<128x128xf32, #tpu.memory_space<vmem>>, vector<16xf32>,
        %get3A_303 = arith.index_cast %add3A_290 : i32 to index
        %get3A_304 = arith.constant 16 : index
        %get3A_305 = tpu.vector_load %arg12[%get3A_303, %get3A_304] {strides = array<i32>} : memref<128x128xf32, #tpu.memory_space<vmem>>, vector<16xf32>,
        %mul3A_306 = arith.mulf %get3A_305, %gather3A_295 : vector<16xf32>
        %swap3A_307 = arith.index_cast %add3A_290 : i32 to index
        %swap3A_308 = arith.constant 16 : index
        %swap3A_309 = tpu.vector_load %arg12[%swap3A_307, %swap3A_308] {strides = array<i32>} : memref<128x128xf32, #tpu.memory_space<vmem>>, vector<16xf32>,
        tpu.vector_store %arg12[%swap3A_307, %swap3A_308], %mul3A_306 {strides = array<i32>} : memref<128x128xf32, #tpu.memory_space<vmem>>, vector<16xf32>,
        %get3A_310 = arith.index_cast %add3A_290 : i32 to index
        %get3A_311 = arith.constant 32 : index
        %get3A_312 = tpu.vector_load %arg12[%get3A_310, %get3A_311] {strides = array<i32>} : memref<128x128xf32, #tpu.memory_space<vmem>>, vector<16xf32>,
        %mul3A_313 = arith.mulf %get3A_312, %gather3A_295 : vector<16xf32>
        %swap3A_314 = arith.index_cast %add3A_290 : i32 to index
        %swap3A_315 = arith.constant 32 : index
        %swap3A_316 = tpu.vector_load %arg12[%swap3A_314, %swap3A_315] {strides = array<i32>} : memref<128x128xf32, #tpu.memory_space<vmem>>, vector<16xf32>,
        tpu.vector_store %arg12[%swap3A_314, %swap3A_315], %mul3A_313 {strides = array<i32>} : memref<128x128xf32, #tpu.memory_space<vmem>>, vector<16xf32>,
        %get3A_317 = arith.index_cast %add3A_290 : i32 to index
        %get3A_318 = arith.constant 48 : index
        %get3A_319 = tpu.vector_load %arg12[%get3A_317, %get3A_318] {strides = array<i32>} : memref<128x128xf32, #tpu.memory_space<vmem>>, vector<16xf32>,
        %mul3A_320 = arith.mulf %get3A_319, %gather3A_295 : vector<16xf32>
        %swap3A_321 = arith.index_cast %add3A_290 : i32 to index
        %swap3A_322 = arith.constant 48 : index
        %swap3A_323 = tpu.vector_load %arg12[%swap3A_321, %swap3A_322] {strides = array<i32>} : memref<128x128xf32, #tpu.memory_space<vmem>>, vector<16xf32>,
        tpu.vector_store %arg12[%swap3A_321, %swap3A_322], %mul3A_320 {strides = array<i32>} : memref<128x128xf32, #tpu.memory_space<vmem>>, vector<16xf32>,
        %get3A_324 = arith.index_cast %add3A_290 : i32 to index
        %get3A_325 = arith.constant 64 : index
        %get3A_326 = tpu.vector_load %arg12[%get3A_324, %get3A_325] {strides = array<i32>} : memref<128x128xf32, #tpu.memory_space<vmem>>, vector<16xf32>,
        %mul3A_327 = arith.mulf %get3A_326, %gather3A_295 : vector<16xf32>
        %swap3A_328 = arith.index_cast %add3A_290 : i32 to index
        %swap3A_329 = arith.constant 64 : index
        %swap3A_330 = tpu.vector_load %arg12[%swap3A_328, %swap3A_329] {strides = array<i32>} : memref<128x128xf32, #tpu.memory_space<vmem>>, vector<16xf32>,
        tpu.vector_store %arg12[%swap3A_328, %swap3A_329], %mul3A_327 {strides = array<i32>} : memref<128x128xf32, #tpu.memory_space<vmem>>, vector<16xf32>,
        %get3A_331 = arith.index_cast %add3A_290 : i32 to index
        %get3A_332 = arith.constant 80 : index
        %get3A_333 = tpu.vector_load %arg12[%get3A_331, %get3A_332] {strides = array<i32>} : memref<128x128xf32, #tpu.memory_space<vmem>>, vector<16xf32>,
        %mul3A_334 = arith.mulf %get3A_333, %gather3A_295 : vector<16xf32>
        %swap3A_335 = arith.index_cast %add3A_290 : i32 to index
        %swap3A_336 = arith.constant 80 : index
        %swap3A_337 = tpu.vector_load %arg12[%swap3A_335, %swap3A_336] {strides = array<i32>} : memref<128x128xf32, #tpu.memory_space<vmem>>, vector<16xf32>,
        tpu.vector_store %arg12[%swap3A_335, %swap3A_336], %mul3A_334 {strides = array<i32>} : memref<128x128xf32, #tpu.memory_space<vmem>>, vector<16xf32>,
        %get3A_338 = arith.index_cast %add3A_290 : i32 to index
        %get3A_339 = arith.constant 96 : index
        %get3A_340 = tpu.vector_load %arg12[%get3A_338, %get3A_339] {strides = array<i32>} : memref<128x128xf32, #tpu.memory_space<vmem>>, vector<16xf32>,
        %mul3A_341 = arith.mulf %get3A_340, %gather3A_295 : vector<16xf32>
        %swap3A_342 = arith.index_cast %add3A_290 : i32 to index
        %swap3A_343 = arith.constant 96 : index
        %swap3A_344 = tpu.vector_load %arg12[%swap3A_342, %swap3A_343] {strides = array<i32>} : memref<128x128xf32, #tpu.memory_space<vmem>>, vector<16xf32>,
        tpu.vector_store %arg12[%swap3A_342, %swap3A_343], %mul3A_341 {strides = array<i32>} : memref<128x128xf32, #tpu.memory_space<vmem>>, vector<16xf32>,
        %get3A_345 = arith.index_cast %add3A_290 : i32 to index
        %get3A_346 = arith.constant 112 : index
        %get3A_347 = tpu.vector_load %arg12[%get3A_345, %get3A_346] {strides = array<i32>} : memref<128x128xf32, #tpu.memory_space<vmem>>, vector<16xf32>,
        %mul3A_348 = arith.mulf %get3A_347, %gather3A_295 : vector<16xf32>
        %swap3A_349 = arith.index_cast %add3A_290 : i32 to index
        %swap3A_350 = arith.constant 112 : index
        %swap3A_351 = tpu.vector_load %arg12[%swap3A_349, %swap3A_350] {strides = array<i32>} : memref<128x128xf32, #tpu.memory_space<vmem>>, vector<16xf32>,
        tpu.vector_store %arg12[%swap3A_349, %swap3A_350], %mul3A_348 {strides = array<i32>} : memref<128x128xf32, #tpu.memory_space<vmem>>, vector<16xf32>,
        %mul3A_352 = arith.constant 16 : i32
        %mul3A_353 = arith.muli %scan3A_30, %mul3A_352 : i32
        %add3A_354 = arith.constant 5 : i32
        %add3A_355 = arith.addi %mul3A_353, %add3A_354 : i32
        %mul3A_356 = arith.constant 128 : i32
        %mul3A_357 = arith.muli %scan3A_13, %mul3A_356 : i32
        %add3A_358 = arith.addi %mul3A_357, %add3A_355 : i32
        %broadcast_in_dim3A_359 = vector.broadcast %add3A_358 : i32 to vector<16xi32>
        %gather3A_360 = tpu.vector_load_idx %arg11[%broadcast_in_dim3A_359] : memref<10240xf32, #tpu.memory_space<vmem>>[vector<16xi32>], vector<16xf32>,
        %get3A_361 = arith.index_cast %add3A_355 : i32 to index
        %get3A_362 = arith.constant 0 : index
        %get3A_363 = tpu.vector_load %arg12[%get3A_361, %get3A_362] {strides = array<i32>} : memref<128x128xf32, #tpu.memory_space<vmem>>, vector<16xf32>,
        %mul3A_364 = arith.mulf %get3A_363, %gather3A_360 : vector<16xf32>
        %swap3A_365 = arith.index_cast %add3A_355 : i32 to index
        %swap3A_366 = arith.constant 0 : index
        %swap3A_367 = tpu.vector_load %arg12[%swap3A_365, %swap3A_366] {strides = array<i32>} : memref<128x128xf32, #tpu.memory_space<vmem>>, vector<16xf32>,
        tpu.vector_store %arg12[%swap3A_365, %swap3A_366], %mul3A_364 {strides = array<i32>} : memref<128x128xf32, #tpu.memory_space<vmem>>, vector<16xf32>,
        %get3A_368 = arith.index_cast %add3A_355 : i32 to index
        %get3A_369 = arith.constant 16 : index
        %get3A_370 = tpu.vector_load %arg12[%get3A_368, %get3A_369] {strides = array<i32>} : memref<128x128xf32, #tpu.memory_space<vmem>>, vector<16xf32>,
        %mul3A_371 = arith.mulf %get3A_370, %gather3A_360 : vector<16xf32>
        %swap3A_372 = arith.index_cast %add3A_355 : i32 to index
        %swap3A_373 = arith.constant 16 : index
        %swap3A_374 = tpu.vector_load %arg12[%swap3A_372, %swap3A_373] {strides = array<i32>} : memref<128x128xf32, #tpu.memory_space<vmem>>, vector<16xf32>,
        tpu.vector_store %arg12[%swap3A_372, %swap3A_373], %mul3A_371 {strides = array<i32>} : memref<128x128xf32, #tpu.memory_space<vmem>>, vector<16xf32>,
        %get3A_375 = arith.index_cast %add3A_355 : i32 to index
        %get3A_376 = arith.constant 32 : index
        %get3A_377 = tpu.vector_load %arg12[%get3A_375, %get3A_376] {strides = array<i32>} : memref<128x128xf32, #tpu.memory_space<vmem>>, vector<16xf32>,
        %mul3A_378 = arith.mulf %get3A_377, %gather3A_360 : vector<16xf32>
        %swap3A_379 = arith.index_cast %add3A_355 : i32 to index
        %swap3A_380 = arith.constant 32 : index
        %swap3A_381 = tpu.vector_load %arg12[%swap3A_379, %swap3A_380] {strides = array<i32>} : memref<128x128xf32, #tpu.memory_space<vmem>>, vector<16xf32>,
        tpu.vector_store %arg12[%swap3A_379, %swap3A_380], %mul3A_378 {strides = array<i32>} : memref<128x128xf32, #tpu.memory_space<vmem>>, vector<16xf32>,
        %get3A_382 = arith.index_cast %add3A_355 : i32 to index
        %get3A_383 = arith.constant 48 : index
        %get3A_384 = tpu.vector_load %arg12[%get3A_382, %get3A_383] {strides = array<i32>} : memref<128x128xf32, #tpu.memory_space<vmem>>, vector<16xf32>,
        %mul3A_385 = arith.mulf %get3A_384, %gather3A_360 : vector<16xf32>
        %swap3A_386 = arith.index_cast %add3A_355 : i32 to index
        %swap3A_387 = arith.constant 48 : index
        %swap3A_388 = tpu.vector_load %arg12[%swap3A_386, %swap3A_387] {strides = array<i32>} : memref<128x128xf32, #tpu.memory_space<vmem>>, vector<16xf32>,
        tpu.vector_store %arg12[%swap3A_386, %swap3A_387], %mul3A_385 {strides = array<i32>} : memref<128x128xf32, #tpu.memory_space<vmem>>, vector<16xf32>,
        %get3A_389 = arith.index_cast %add3A_355 : i32 to index
        %get3A_390 = arith.constant 64 : index
        %get3A_391 = tpu.vector_load %arg12[%get3A_389, %get3A_390] {strides = array<i32>} : memref<128x128xf32, #tpu.memory_space<vmem>>, vector<16xf32>,
        %mul3A_392 = arith.mulf %get3A_391, %gather3A_360 : vector<16xf32>
        %swap3A_393 = arith.index_cast %add3A_355 : i32 to index
        %swap3A_394 = arith.constant 64 : index
        %swap3A_395 = tpu.vector_load %arg12[%swap3A_393, %swap3A_394] {strides = array<i32>} : memref<128x128xf32, #tpu.memory_space<vmem>>, vector<16xf32>,
        tpu.vector_store %arg12[%swap3A_393, %swap3A_394], %mul3A_392 {strides = array<i32>} : memref<128x128xf32, #tpu.memory_space<vmem>>, vector<16xf32>,
        %get3A_396 = arith.index_cast %add3A_355 : i32 to index
        %get3A_397 = arith.constant 80 : index
        %get3A_398 = tpu.vector_load %arg12[%get3A_396, %get3A_397] {strides = array<i32>} : memref<128x128xf32, #tpu.memory_space<vmem>>, vector<16xf32>,
        %mul3A_399 = arith.mulf %get3A_398, %gather3A_360 : vector<16xf32>
        %swap3A_400 = arith.index_cast %add3A_355 : i32 to index
        %swap3A_401 = arith.constant 80 : index
        %swap3A_402 = tpu.vector_load %arg12[%swap3A_400, %swap3A_401] {strides = array<i32>} : memref<128x128xf32, #tpu.memory_space<vmem>>, vector<16xf32>,
        tpu.vector_store %arg12[%swap3A_400, %swap3A_401], %mul3A_399 {strides = array<i32>} : memref<128x128xf32, #tpu.memory_space<vmem>>, vector<16xf32>,
        %get3A_403 = arith.index_cast %add3A_355 : i32 to index
        %get3A_404 = arith.constant 96 : index
        %get3A_405 = tpu.vector_load %arg12[%get3A_403, %get3A_404] {strides = array<i32>} : memref<128x128xf32, #tpu.memory_space<vmem>>, vector<16xf32>,
        %mul3A_406 = arith.mulf %get3A_405, %gather3A_360 : vector<16xf32>
        %swap3A_407 = arith.index_cast %add3A_355 : i32 to index
        %swap3A_408 = arith.constant 96 : index
        %swap3A_409 = tpu.vector_load %arg12[%swap3A_407, %swap3A_408] {strides = array<i32>} : memref<128x128xf32, #tpu.memory_space<vmem>>, vector<16xf32>,
        tpu.vector_store %arg12[%swap3A_407, %swap3A_408], %mul3A_406 {strides = array<i32>} : memref<128x128xf32, #tpu.memory_space<vmem>>, vector<16xf32>,
        %get3A_410 = arith.index_cast %add3A_355 : i32 to index
        %get3A_411 = arith.constant 112 : index
        %get3A_412 = tpu.vector_load %arg12[%get3A_410, %get3A_411] {strides = array<i32>} : memref<128x128xf32, #tpu.memory_space<vmem>>, vector<16xf32>,
        %mul3A_413 = arith.mulf %get3A_412, %gather3A_360 : vector<16xf32>
        %swap3A_414 = arith.index_cast %add3A_355 : i32 to index
        %swap3A_415 = arith.constant 112 : index
        %swap3A_416 = tpu.vector_load %arg12[%swap3A_414, %swap3A_415] {strides = array<i32>} : memref<128x128xf32, #tpu.memory_space<vmem>>, vector<16xf32>,
        tpu.vector_store %arg12[%swap3A_414, %swap3A_415], %mul3A_413 {strides = array<i32>} : memref<128x128xf32, #tpu.memory_space<vmem>>, vector<16xf32>,
        %mul3A_417 = arith.constant 16 : i32
        %mul3A_418 = arith.muli %scan3A_30, %mul3A_417 : i32
        %add3A_419 = arith.constant 6 : i32
        %add3A_420 = arith.addi %mul3A_418, %add3A_419 : i32
        %mul3A_421 = arith.constant 128 : i32
        %mul3A_422 = arith.muli %scan3A_13, %mul3A_421 : i32
        %add3A_423 = arith.addi %mul3A_422, %add3A_420 : i32
        %broadcast_in_dim3A_424 = vector.broadcast %add3A_423 : i32 to vector<16xi32>
        %gather3A_425 = tpu.vector_load_idx %arg11[%broadcast_in_dim3A_424] : memref<10240xf32, #tpu.memory_space<vmem>>[vector<16xi32>], vector<16xf32>,
        %get3A_426 = arith.index_cast %add3A_420 : i32 to index
        %get3A_427 = arith.constant 0 : index
        %get3A_428 = tpu.vector_load %arg12[%get3A_426, %get3A_427] {strides = array<i32>} : memref<128x128xf32, #tpu.memory_space<vmem>>, vector<16xf32>,
        %mul3A_429 = arith.mulf %get3A_428, %gather3A_425 : vector<16xf32>
        %swap3A_430 = arith.index_cast %add3A_420 : i32 to index
        %swap3A_431 = arith.constant 0 : index
        %swap3A_432 = tpu.vector_load %arg12[%swap3A_430, %swap3A_431] {strides = array<i32>} : memref<128x128xf32, #tpu.memory_space<vmem>>, vector<16xf32>,
        tpu.vector_store %arg12[%swap3A_430, %swap3A_431], %mul3A_429 {strides = array<i32>} : memref<128x128xf32, #tpu.memory_space<vmem>>, vector<16xf32>,
        %get3A_433 = arith.index_cast %add3A_420 : i32 to index
        %get3A_434 = arith.constant 16 : index
        %get3A_435 = tpu.vector_load %arg12[%get3A_433, %get3A_434] {strides = array<i32>} : memref<128x128xf32, #tpu.memory_space<vmem>>, vector<16xf32>,
        %mul3A_436 = arith.mulf %get3A_435, %gather3A_425 : vector<16xf32>
        %swap3A_437 = arith.index_cast %add3A_420 : i32 to index
        %swap3A_438 = arith.constant 16 : index
        %swap3A_439 = tpu.vector_load %arg12[%swap3A_437, %swap3A_438] {strides = array<i32>} : memref<128x128xf32, #tpu.memory_space<vmem>>, vector<16xf32>,
        tpu.vector_store %arg12[%swap3A_437, %swap3A_438], %mul3A_436 {strides = array<i32>} : memref<128x128xf32, #tpu.memory_space<vmem>>, vector<16xf32>,
        %get3A_440 = arith.index_cast %add3A_420 : i32 to index
        %get3A_441 = arith.constant 32 : index
        %get3A_442 = tpu.vector_load %arg12[%get3A_440, %get3A_441] {strides = array<i32>} : memref<128x128xf32, #tpu.memory_space<vmem>>, vector<16xf32>,
        %mul3A_443 = arith.mulf %get3A_442, %gather3A_425 : vector<16xf32>
        %swap3A_444 = arith.index_cast %add3A_420 : i32 to index
        %swap3A_445 = arith.constant 32 : index
        %swap3A_446 = tpu.vector_load %arg12[%swap3A_444, %swap3A_445] {strides = array<i32>} : memref<128x128xf32, #tpu.memory_space<vmem>>, vector<16xf32>,
        tpu.vector_store %arg12[%swap3A_444, %swap3A_445], %mul3A_443 {strides = array<i32>} : memref<128x128xf32, #tpu.memory_space<vmem>>, vector<16xf32>,
        %get3A_447 = arith.index_cast %add3A_420 : i32 to index
        %get3A_448 = arith.constant 48 : index
        %get3A_449 = tpu.vector_load %arg12[%get3A_447, %get3A_448] {strides = array<i32>} : memref<128x128xf32, #tpu.memory_space<vmem>>, vector<16xf32>,
        %mul3A_450 = arith.mulf %get3A_449, %gather3A_425 : vector<16xf32>
        %swap3A_451 = arith.index_cast %add3A_420 : i32 to index
        %swap3A_452 = arith.constant 48 : index
        %swap3A_453 = tpu.vector_load %arg12[%swap3A_451, %swap3A_452] {strides = array<i32>} : memref<128x128xf32, #tpu.memory_space<vmem>>, vector<16xf32>,
        tpu.vector_store %arg12[%swap3A_451, %swap3A_452], %mul3A_450 {strides = array<i32>} : memref<128x128xf32, #tpu.memory_space<vmem>>, vector<16xf32>,
        %get3A_454 = arith.index_cast %add3A_420 : i32 to index
        %get3A_455 = arith.constant 64 : index
        %get3A_456 = tpu.vector_load %arg12[%get3A_454, %get3A_455] {strides = array<i32>} : memref<128x128xf32, #tpu.memory_space<vmem>>, vector<16xf32>,
        %mul3A_457 = arith.mulf %get3A_456, %gather3A_425 : vector<16xf32>
        %swap3A_458 = arith.index_cast %add3A_420 : i32 to index
        %swap3A_459 = arith.constant 64 : index
        %swap3A_460 = tpu.vector_load %arg12[%swap3A_458, %swap3A_459] {strides = array<i32>} : memref<128x128xf32, #tpu.memory_space<vmem>>, vector<16xf32>,
        tpu.vector_store %arg12[%swap3A_458, %swap3A_459], %mul3A_457 {strides = array<i32>} : memref<128x128xf32, #tpu.memory_space<vmem>>, vector<16xf32>,
        %get3A_461 = arith.index_cast %add3A_420 : i32 to index
        %get3A_462 = arith.constant 80 : index
        %get3A_463 = tpu.vector_load %arg12[%get3A_461, %get3A_462] {strides = array<i32>} : memref<128x128xf32, #tpu.memory_space<vmem>>, vector<16xf32>,
        %mul3A_464 = arith.mulf %get3A_463, %gather3A_425 : vector<16xf32>
        %swap3A_465 = arith.index_cast %add3A_420 : i32 to index
        %swap3A_466 = arith.constant 80 : index
        %swap3A_467 = tpu.vector_load %arg12[%swap3A_465, %swap3A_466] {strides = array<i32>} : memref<128x128xf32, #tpu.memory_space<vmem>>, vector<16xf32>,
        tpu.vector_store %arg12[%swap3A_465, %swap3A_466], %mul3A_464 {strides = array<i32>} : memref<128x128xf32, #tpu.memory_space<vmem>>, vector<16xf32>,
        %get3A_468 = arith.index_cast %add3A_420 : i32 to index
        %get3A_469 = arith.constant 96 : index
        %get3A_470 = tpu.vector_load %arg12[%get3A_468, %get3A_469] {strides = array<i32>} : memref<128x128xf32, #tpu.memory_space<vmem>>, vector<16xf32>,
        %mul3A_471 = arith.mulf %get3A_470, %gather3A_425 : vector<16xf32>
        %swap3A_472 = arith.index_cast %add3A_420 : i32 to index
        %swap3A_473 = arith.constant 96 : index
        %swap3A_474 = tpu.vector_load %arg12[%swap3A_472, %swap3A_473] {strides = array<i32>} : memref<128x128xf32, #tpu.memory_space<vmem>>, vector<16xf32>,
        tpu.vector_store %arg12[%swap3A_472, %swap3A_473], %mul3A_471 {strides = array<i32>} : memref<128x128xf32, #tpu.memory_space<vmem>>, vector<16xf32>,
        %get3A_475 = arith.index_cast %add3A_420 : i32 to index
        %get3A_476 = arith.constant 112 : index
        %get3A_477 = tpu.vector_load %arg12[%get3A_475, %get3A_476] {strides = array<i32>} : memref<128x128xf32, #tpu.memory_space<vmem>>, vector<16xf32>,
        %mul3A_478 = arith.mulf %get3A_477, %gather3A_425 : vector<16xf32>
        %swap3A_479 = arith.index_cast %add3A_420 : i32 to index
        %swap3A_480 = arith.constant 112 : index
        %swap3A_481 = tpu.vector_load %arg12[%swap3A_479, %swap3A_480] {strides = array<i32>} : memref<128x128xf32, #tpu.memory_space<vmem>>, vector<16xf32>,
        tpu.vector_store %arg12[%swap3A_479, %swap3A_480], %mul3A_478 {strides = array<i32>} : memref<128x128xf32, #tpu.memory_space<vmem>>, vector<16xf32>,
        %mul3A_482 = arith.constant 16 : i32
        %mul3A_483 = arith.muli %scan3A_30, %mul3A_482 : i32
        %add3A_484 = arith.constant 7 : i32
        %add3A_485 = arith.addi %mul3A_483, %add3A_484 : i32
        %mul3A_486 = arith.constant 128 : i32
        %mul3A_487 = arith.muli %scan3A_13, %mul3A_486 : i32
        %add3A_488 = arith.addi %mul3A_487, %add3A_485 : i32
        %broadcast_in_dim3A_489 = vector.broadcast %add3A_488 : i32 to vector<16xi32>
        %gather3A_490 = tpu.vector_load_idx %arg11[%broadcast_in_dim3A_489] : memref<10240xf32, #tpu.memory_space<vmem>>[vector<16xi32>], vector<16xf32>,
        %get3A_491 = arith.index_cast %add3A_485 : i32 to index
        %get3A_492 = arith.constant 0 : index
        %get3A_493 = tpu.vector_load %arg12[%get3A_491, %get3A_492] {strides = array<i32>} : memref<128x128xf32, #tpu.memory_space<vmem>>, vector<16xf32>,
        %mul3A_494 = arith.mulf %get3A_493, %gather3A_490 : vector<16xf32>
        %swap3A_495 = arith.index_cast %add3A_485 : i32 to index
        %swap3A_496 = arith.constant 0 : index
        %swap3A_497 = tpu.vector_load %arg12[%swap3A_495, %swap3A_496] {strides = array<i32>} : memref<128x128xf32, #tpu.memory_space<vmem>>, vector<16xf32>,
        tpu.vector_store %arg12[%swap3A_495, %swap3A_496], %mul3A_494 {strides = array<i32>} : memref<128x128xf32, #tpu.memory_space<vmem>>, vector<16xf32>,
        %get3A_498 = arith.index_cast %add3A_485 : i32 to index
        %get3A_499 = arith.constant 16 : index
        %get3A_500 = tpu.vector_load %arg12[%get3A_498, %get3A_499] {strides = array<i32>} : memref<128x128xf32, #tpu.memory_space<vmem>>, vector<16xf32>,
        %mul3A_501 = arith.mulf %get3A_500, %gather3A_490 : vector<16xf32>
        %swap3A_502 = arith.index_cast %add3A_485 : i32 to index
        %swap3A_503 = arith.constant 16 : index
        %swap3A_504 = tpu.vector_load %arg12[%swap3A_502, %swap3A_503] {strides = array<i32>} : memref<128x128xf32, #tpu.memory_space<vmem>>, vector<16xf32>,
        tpu.vector_store %arg12[%swap3A_502, %swap3A_503], %mul3A_501 {strides = array<i32>} : memref<128x128xf32, #tpu.memory_space<vmem>>, vector<16xf32>,
        %get3A_505 = arith.index_cast %add3A_485 : i32 to index
        %get3A_506 = arith.constant 32 : index
        %get3A_507 = tpu.vector_load %arg12[%get3A_505, %get3A_506] {strides = array<i32>} : memref<128x128xf32, #tpu.memory_space<vmem>>, vector<16xf32>,
        %mul3A_508 = arith.mulf %get3A_507, %gather3A_490 : vector<16xf32>
        %swap3A_509 = arith.index_cast %add3A_485 : i32 to index
        %swap3A_510 = arith.constant 32 : index
        %swap3A_511 = tpu.vector_load %arg12[%swap3A_509, %swap3A_510] {strides = array<i32>} : memref<128x128xf32, #tpu.memory_space<vmem>>, vector<16xf32>,
        tpu.vector_store %arg12[%swap3A_509, %swap3A_510], %mul3A_508 {strides = array<i32>} : memref<128x128xf32, #tpu.memory_space<vmem>>, vector<16xf32>,
        %get3A_512 = arith.index_cast %add3A_485 : i32 to index
        %get3A_513 = arith.constant 48 : index
        %get3A_514 = tpu.vector_load %arg12[%get3A_512, %get3A_513] {strides = array<i32>} : memref<128x128xf32, #tpu.memory_space<vmem>>, vector<16xf32>,
        %mul3A_515 = arith.mulf %get3A_514, %gather3A_490 : vector<16xf32>
        %swap3A_516 = arith.index_cast %add3A_485 : i32 to index
        %swap3A_517 = arith.constant 48 : index
        %swap3A_518 = tpu.vector_load %arg12[%swap3A_516, %swap3A_517] {strides = array<i32>} : memref<128x128xf32, #tpu.memory_space<vmem>>, vector<16xf32>,
        tpu.vector_store %arg12[%swap3A_516, %swap3A_517], %mul3A_515 {strides = array<i32>} : memref<128x128xf32, #tpu.memory_space<vmem>>, vector<16xf32>,
        %get3A_519 = arith.index_cast %add3A_485 : i32 to index
        %get3A_520 = arith.constant 64 : index
        %get3A_521 = tpu.vector_load %arg12[%get3A_519, %get3A_520] {strides = array<i32>} : memref<128x128xf32, #tpu.memory_space<vmem>>, vector<16xf32>,
        %mul3A_522 = arith.mulf %get3A_521, %gather3A_490 : vector<16xf32>
        %swap3A_523 = arith.index_cast %add3A_485 : i32 to index
        %swap3A_524 = arith.constant 64 : index
        %swap3A_525 = tpu.vector_load %arg12[%swap3A_523, %swap3A_524] {strides = array<i32>} : memref<128x128xf32, #tpu.memory_space<vmem>>, vector<16xf32>,
        tpu.vector_store %arg12[%swap3A_523, %swap3A_524], %mul3A_522 {strides = array<i32>} : memref<128x128xf32, #tpu.memory_space<vmem>>, vector<16xf32>,
        %get3A_526 = arith.index_cast %add3A_485 : i32 to index
        %get3A_527 = arith.constant 80 : index
        %get3A_528 = tpu.vector_load %arg12[%get3A_526, %get3A_527] {strides = array<i32>} : memref<128x128xf32, #tpu.memory_space<vmem>>, vector<16xf32>,
        %mul3A_529 = arith.mulf %get3A_528, %gather3A_490 : vector<16xf32>
        %swap3A_530 = arith.index_cast %add3A_485 : i32 to index
        %swap3A_531 = arith.constant 80 : index
        %swap3A_532 = tpu.vector_load %arg12[%swap3A_530, %swap3A_531] {strides = array<i32>} : memref<128x128xf32, #tpu.memory_space<vmem>>, vector<16xf32>,
        tpu.vector_store %arg12[%swap3A_530, %swap3A_531], %mul3A_529 {strides = array<i32>} : memref<128x128xf32, #tpu.memory_space<vmem>>, vector<16xf32>,
        %get3A_533 = arith.index_cast %add3A_485 : i32 to index
        %get3A_534 = arith.constant 96 : index
        %get3A_535 = tpu.vector_load %arg12[%get3A_533, %get3A_534] {strides = array<i32>} : memref<128x128xf32, #tpu.memory_space<vmem>>, vector<16xf32>,
        %mul3A_536 = arith.mulf %get3A_535, %gather3A_490 : vector<16xf32>
        %swap3A_537 = arith.index_cast %add3A_485 : i32 to index
        %swap3A_538 = arith.constant 96 : index
        %swap3A_539 = tpu.vector_load %arg12[%swap3A_537, %swap3A_538] {strides = array<i32>} : memref<128x128xf32, #tpu.memory_space<vmem>>, vector<16xf32>,
        tpu.vector_store %arg12[%swap3A_537, %swap3A_538], %mul3A_536 {strides = array<i32>} : memref<128x128xf32, #tpu.memory_space<vmem>>, vector<16xf32>,
        %get3A_540 = arith.index_cast %add3A_485 : i32 to index
        %get3A_541 = arith.constant 112 : index
        %get3A_542 = tpu.vector_load %arg12[%get3A_540, %get3A_541] {strides = array<i32>} : memref<128x128xf32, #tpu.memory_space<vmem>>, vector<16xf32>,
        %mul3A_543 = arith.mulf %get3A_542, %gather3A_490 : vector<16xf32>
        %swap3A_544 = arith.index_cast %add3A_485 : i32 to index
        %swap3A_545 = arith.constant 112 : index
        %swap3A_546 = tpu.vector_load %arg12[%swap3A_544, %swap3A_545] {strides = array<i32>} : memref<128x128xf32, #tpu.memory_space<vmem>>, vector<16xf32>,
        tpu.vector_store %arg12[%swap3A_544, %swap3A_545], %mul3A_543 {strides = array<i32>} : memref<128x128xf32, #tpu.memory_space<vmem>>, vector<16xf32>,
        %mul3A_547 = arith.constant 16 : i32
        %mul3A_548 = arith.muli %scan3A_30, %mul3A_547 : i32
        %add3A_549 = arith.constant 8 : i32
        %add3A_550 = arith.addi %mul3A_548, %add3A_549 : i32
        %mul3A_551 = arith.constant 128 : i32
        %mul3A_552 = arith.muli %scan3A_13, %mul3A_551 : i32
        %add3A_553 = arith.addi %mul3A_552, %add3A_550 : i32
        %broadcast_in_dim3A_554 = vector.broadcast %add3A_553 : i32 to vector<16xi32>
        %gather3A_555 = tpu.vector_load_idx %arg11[%broadcast_in_dim3A_554] : memref<10240xf32, #tpu.memory_space<vmem>>[vector<16xi32>], vector<16xf32>,
        %get3A_556 = arith.index_cast %add3A_550 : i32 to index
        %get3A_557 = arith.constant 0 : index
        %get3A_558 = tpu.vector_load %arg12[%get3A_556, %get3A_557] {strides = array<i32>} : memref<128x128xf32, #tpu.memory_space<vmem>>, vector<16xf32>,
        %mul3A_559 = arith.mulf %get3A_558, %gather3A_555 : vector<16xf32>
        %swap3A_560 = arith.index_cast %add3A_550 : i32 to index
        %swap3A_561 = arith.constant 0 : index
        %swap3A_562 = tpu.vector_load %arg12[%swap3A_560, %swap3A_561] {strides = array<i32>} : memref<128x128xf32, #tpu.memory_space<vmem>>, vector<16xf32>,
        tpu.vector_store %arg12[%swap3A_560, %swap3A_561], %mul3A_559 {strides = array<i32>} : memref<128x128xf32, #tpu.memory_space<vmem>>, vector<16xf32>,
        %get3A_563 = arith.index_cast %add3A_550 : i32 to index
        %get3A_564 = arith.constant 16 : index
        %get3A_565 = tpu.vector_load %arg12[%get3A_563, %get3A_564] {strides = array<i32>} : memref<128x128xf32, #tpu.memory_space<vmem>>, vector<16xf32>,
        %mul3A_566 = arith.mulf %get3A_565, %gather3A_555 : vector<16xf32>
        %swap3A_567 = arith.index_cast %add3A_550 : i32 to index
        %swap3A_568 = arith.constant 16 : index
        %swap3A_569 = tpu.vector_load %arg12[%swap3A_567, %swap3A_568] {strides = array<i32>} : memref<128x128xf32, #tpu.memory_space<vmem>>, vector<16xf32>,
        tpu.vector_store %arg12[%swap3A_567, %swap3A_568], %mul3A_566 {strides = array<i32>} : memref<128x128xf32, #tpu.memory_space<vmem>>, vector<16xf32>,
        %get3A_570 = arith.index_cast %add3A_550 : i32 to index
        %get3A_571 = arith.constant 32 : index
        %get3A_572 = tpu.vector_load %arg12[%get3A_570, %get3A_571] {strides = array<i32>} : memref<128x128xf32, #tpu.memory_space<vmem>>, vector<16xf32>,
        %mul3A_573 = arith.mulf %get3A_572, %gather3A_555 : vector<16xf32>
        %swap3A_574 = arith.index_cast %add3A_550 : i32 to index
        %swap3A_575 = arith.constant 32 : index
        %swap3A_576 = tpu.vector_load %arg12[%swap3A_574, %swap3A_575] {strides = array<i32>} : memref<128x128xf32, #tpu.memory_space<vmem>>, vector<16xf32>,
        tpu.vector_store %arg12[%swap3A_574, %swap3A_575], %mul3A_573 {strides = array<i32>} : memref<128x128xf32, #tpu.memory_space<vmem>>, vector<16xf32>,
        %get3A_577 = arith.index_cast %add3A_550 : i32 to index
        %get3A_578 = arith.constant 48 : index
        %get3A_579 = tpu.vector_load %arg12[%get3A_577, %get3A_578] {strides = array<i32>} : memref<128x128xf32, #tpu.memory_space<vmem>>, vector<16xf32>,
        %mul3A_580 = arith.mulf %get3A_579, %gather3A_555 : vector<16xf32>
        %swap3A_581 = arith.index_cast %add3A_550 : i32 to index
        %swap3A_582 = arith.constant 48 : index
        %swap3A_583 = tpu.vector_load %arg12[%swap3A_581, %swap3A_582] {strides = array<i32>} : memref<128x128xf32, #tpu.memory_space<vmem>>, vector<16xf32>,
        tpu.vector_store %arg12[%swap3A_581, %swap3A_582], %mul3A_580 {strides = array<i32>} : memref<128x128xf32, #tpu.memory_space<vmem>>, vector<16xf32>,
        %get3A_584 = arith.index_cast %add3A_550 : i32 to index
        %get3A_585 = arith.constant 64 : index
        %get3A_586 = tpu.vector_load %arg12[%get3A_584, %get3A_585] {strides = array<i32>} : memref<128x128xf32, #tpu.memory_space<vmem>>, vector<16xf32>,
        %mul3A_587 = arith.mulf %get3A_586, %gather3A_555 : vector<16xf32>
        %swap3A_588 = arith.index_cast %add3A_550 : i32 to index
        %swap3A_589 = arith.constant 64 : index
        %swap3A_590 = tpu.vector_load %arg12[%swap3A_588, %swap3A_589] {strides = array<i32>} : memref<128x128xf32, #tpu.memory_space<vmem>>, vector<16xf32>,
        tpu.vector_store %arg12[%swap3A_588, %swap3A_589], %mul3A_587 {strides = array<i32>} : memref<128x128xf32, #tpu.memory_space<vmem>>, vector<16xf32>,
        %get3A_591 = arith.index_cast %add3A_550 : i32 to index
        %get3A_592 = arith.constant 80 : index
        %get3A_593 = tpu.vector_load %arg12[%get3A_591, %get3A_592] {strides = array<i32>} : memref<128x128xf32, #tpu.memory_space<vmem>>, vector<16xf32>,
        %mul3A_594 = arith.mulf %get3A_593, %gather3A_555 : vector<16xf32>
        %swap3A_595 = arith.index_cast %add3A_550 : i32 to index
        %swap3A_596 = arith.constant 80 : index
        %swap3A_597 = tpu.vector_load %arg12[%swap3A_595, %swap3A_596] {strides = array<i32>} : memref<128x128xf32, #tpu.memory_space<vmem>>, vector<16xf32>,
        tpu.vector_store %arg12[%swap3A_595, %swap3A_596], %mul3A_594 {strides = array<i32>} : memref<128x128xf32, #tpu.memory_space<vmem>>, vector<16xf32>,
        %get3A_598 = arith.index_cast %add3A_550 : i32 to index
        %get3A_599 = arith.constant 96 : index
        %get3A_600 = tpu.vector_load %arg12[%get3A_598, %get3A_599] {strides = array<i32>} : memref<128x128xf32, #tpu.memory_space<vmem>>, vector<16xf32>,
        %mul3A_601 = arith.mulf %get3A_600, %gather3A_555 : vector<16xf32>
        %swap3A_602 = arith.index_cast %add3A_550 : i32 to index
        %swap3A_603 = arith.constant 96 : index
        %swap3A_604 = tpu.vector_load %arg12[%swap3A_602, %swap3A_603] {strides = array<i32>} : memref<128x128xf32, #tpu.memory_space<vmem>>, vector<16xf32>,
        tpu.vector_store %arg12[%swap3A_602, %swap3A_603], %mul3A_601 {strides = array<i32>} : memref<128x128xf32, #tpu.memory_space<vmem>>, vector<16xf32>,
        %get3A_605 = arith.index_cast %add3A_550 : i32 to index
        %get3A_606 = arith.constant 112 : index
        %get3A_607 = tpu.vector_load %arg12[%get3A_605, %get3A_606] {strides = array<i32>} : memref<128x128xf32, #tpu.memory_space<vmem>>, vector<16xf32>,
        %mul3A_608 = arith.mulf %get3A_607, %gather3A_555 : vector<16xf32>
        %swap3A_609 = arith.index_cast %add3A_550 : i32 to index
        %swap3A_610 = arith.constant 112 : index
        %swap3A_611 = tpu.vector_load %arg12[%swap3A_609, %swap3A_610] {strides = array<i32>} : memref<128x128xf32, #tpu.memory_space<vmem>>, vector<16xf32>,
        tpu.vector_store %arg12[%swap3A_609, %swap3A_610], %mul3A_608 {strides = array<i32>} : memref<128x128xf32, #tpu.memory_space<vmem>>, vector<16xf32>,
        %mul3A_612 = arith.constant 16 : i32
        %mul3A_613 = arith.muli %scan3A_30, %mul3A_612 : i32
        %add3A_614 = arith.constant 9 : i32
        %add3A_615 = arith.addi %mul3A_613, %add3A_614 : i32
        %mul3A_616 = arith.constant 128 : i32
        %mul3A_617 = arith.muli %scan3A_13, %mul3A_616 : i32
        %add3A_618 = arith.addi %mul3A_617, %add3A_615 : i32
        %broadcast_in_dim3A_619 = vector.broadcast %add3A_618 : i32 to vector<16xi32>
        %gather3A_620 = tpu.vector_load_idx %arg11[%broadcast_in_dim3A_619] : memref<10240xf32, #tpu.memory_space<vmem>>[vector<16xi32>], vector<16xf32>,
        %get3A_621 = arith.index_cast %add3A_615 : i32 to index
        %get3A_622 = arith.constant 0 : index
        %get3A_623 = tpu.vector_load %arg12[%get3A_621, %get3A_622] {strides = array<i32>} : memref<128x128xf32, #tpu.memory_space<vmem>>, vector<16xf32>,
        %mul3A_624 = arith.mulf %get3A_623, %gather3A_620 : vector<16xf32>
        %swap3A_625 = arith.index_cast %add3A_615 : i32 to index
        %swap3A_626 = arith.constant 0 : index
        %swap3A_627 = tpu.vector_load %arg12[%swap3A_625, %swap3A_626] {strides = array<i32>} : memref<128x128xf32, #tpu.memory_space<vmem>>, vector<16xf32>,
        tpu.vector_store %arg12[%swap3A_625, %swap3A_626], %mul3A_624 {strides = array<i32>} : memref<128x128xf32, #tpu.memory_space<vmem>>, vector<16xf32>,
        %get3A_628 = arith.index_cast %add3A_615 : i32 to index
        %get3A_629 = arith.constant 16 : index
        %get3A_630 = tpu.vector_load %arg12[%get3A_628, %get3A_629] {strides = array<i32>} : memref<128x128xf32, #tpu.memory_space<vmem>>, vector<16xf32>,
        %mul3A_631 = arith.mulf %get3A_630, %gather3A_620 : vector<16xf32>
        %swap3A_632 = arith.index_cast %add3A_615 : i32 to index
        %swap3A_633 = arith.constant 16 : index
        %swap3A_634 = tpu.vector_load %arg12[%swap3A_632, %swap3A_633] {strides = array<i32>} : memref<128x128xf32, #tpu.memory_space<vmem>>, vector<16xf32>,
        tpu.vector_store %arg12[%swap3A_632, %swap3A_633], %mul3A_631 {strides = array<i32>} : memref<128x128xf32, #tpu.memory_space<vmem>>, vector<16xf32>,
        %get3A_635 = arith.index_cast %add3A_615 : i32 to index
        %get3A_636 = arith.constant 32 : index
        %get3A_637 = tpu.vector_load %arg12[%get3A_635, %get3A_636] {strides = array<i32>} : memref<128x128xf32, #tpu.memory_space<vmem>>, vector<16xf32>,
        %mul3A_638 = arith.mulf %get3A_637, %gather3A_620 : vector<16xf32>
        %swap3A_639 = arith.index_cast %add3A_615 : i32 to index
        %swap3A_640 = arith.constant 32 : index
        %swap3A_641 = tpu.vector_load %arg12[%swap3A_639, %swap3A_640] {strides = array<i32>} : memref<128x128xf32, #tpu.memory_space<vmem>>, vector<16xf32>,
        tpu.vector_store %arg12[%swap3A_639, %swap3A_640], %mul3A_638 {strides = array<i32>} : memref<128x128xf32, #tpu.memory_space<vmem>>, vector<16xf32>,
        %get3A_642 = arith.index_cast %add3A_615 : i32 to index
        %get3A_643 = arith.constant 48 : index
        %get3A_644 = tpu.vector_load %arg12[%get3A_642, %get3A_643] {strides = array<i32>} : memref<128x128xf32, #tpu.memory_space<vmem>>, vector<16xf32>,
        %mul3A_645 = arith.mulf %get3A_644, %gather3A_620 : vector<16xf32>
        %swap3A_646 = arith.index_cast %add3A_615 : i32 to index
        %swap3A_647 = arith.constant 48 : index
        %swap3A_648 = tpu.vector_load %arg12[%swap3A_646, %swap3A_647] {strides = array<i32>} : memref<128x128xf32, #tpu.memory_space<vmem>>, vector<16xf32>,
        tpu.vector_store %arg12[%swap3A_646, %swap3A_647], %mul3A_645 {strides = array<i32>} : memref<128x128xf32, #tpu.memory_space<vmem>>, vector<16xf32>,
        %get3A_649 = arith.index_cast %add3A_615 : i32 to index
        %get3A_650 = arith.constant 64 : index
        %get3A_651 = tpu.vector_load %arg12[%get3A_649, %get3A_650] {strides = array<i32>} : memref<128x128xf32, #tpu.memory_space<vmem>>, vector<16xf32>,
        %mul3A_652 = arith.mulf %get3A_651, %gather3A_620 : vector<16xf32>
        %swap3A_653 = arith.index_cast %add3A_615 : i32 to index
        %swap3A_654 = arith.constant 64 : index
        %swap3A_655 = tpu.vector_load %arg12[%swap3A_653, %swap3A_654] {strides = array<i32>} : memref<128x128xf32, #tpu.memory_space<vmem>>, vector<16xf32>,
        tpu.vector_store %arg12[%swap3A_653, %swap3A_654], %mul3A_652 {strides = array<i32>} : memref<128x128xf32, #tpu.memory_space<vmem>>, vector<16xf32>,
        %get3A_656 = arith.index_cast %add3A_615 : i32 to index
        %get3A_657 = arith.constant 80 : index
        %get3A_658 = tpu.vector_load %arg12[%get3A_656, %get3A_657] {strides = array<i32>} : memref<128x128xf32, #tpu.memory_space<vmem>>, vector<16xf32>,
        %mul3A_659 = arith.mulf %get3A_658, %gather3A_620 : vector<16xf32>
        %swap3A_660 = arith.index_cast %add3A_615 : i32 to index
        %swap3A_661 = arith.constant 80 : index
        %swap3A_662 = tpu.vector_load %arg12[%swap3A_660, %swap3A_661] {strides = array<i32>} : memref<128x128xf32, #tpu.memory_space<vmem>>, vector<16xf32>,
        tpu.vector_store %arg12[%swap3A_660, %swap3A_661], %mul3A_659 {strides = array<i32>} : memref<128x128xf32, #tpu.memory_space<vmem>>, vector<16xf32>,
        %get3A_663 = arith.index_cast %add3A_615 : i32 to index
        %get3A_664 = arith.constant 96 : index
        %get3A_665 = tpu.vector_load %arg12[%get3A_663, %get3A_664] {strides = array<i32>} : memref<128x128xf32, #tpu.memory_space<vmem>>, vector<16xf32>,
        %mul3A_666 = arith.mulf %get3A_665, %gather3A_620 : vector<16xf32>
        %swap3A_667 = arith.index_cast %add3A_615 : i32 to index
        %swap3A_668 = arith.constant 96 : index
        %swap3A_669 = tpu.vector_load %arg12[%swap3A_667, %swap3A_668] {strides = array<i32>} : memref<128x128xf32, #tpu.memory_space<vmem>>, vector<16xf32>,
        tpu.vector_store %arg12[%swap3A_667, %swap3A_668], %mul3A_666 {strides = array<i32>} : memref<128x128xf32, #tpu.memory_space<vmem>>, vector<16xf32>,
        %get3A_670 = arith.index_cast %add3A_615 : i32 to index
        %get3A_671 = arith.constant 112 : index
        %get3A_672 = tpu.vector_load %arg12[%get3A_670, %get3A_671] {strides = array<i32>} : memref<128x128xf32, #tpu.memory_space<vmem>>, vector<16xf32>,
        %mul3A_673 = arith.mulf %get3A_672, %gather3A_620 : vector<16xf32>
        %swap3A_674 = arith.index_cast %add3A_615 : i32 to index
        %swap3A_675 = arith.constant 112 : index
        %swap3A_676 = tpu.vector_load %arg12[%swap3A_674, %swap3A_675] {strides = array<i32>} : memref<128x128xf32, #tpu.memory_space<vmem>>, vector<16xf32>,
        tpu.vector_store %arg12[%swap3A_674, %swap3A_675], %mul3A_673 {strides = array<i32>} : memref<128x128xf32, #tpu.memory_space<vmem>>, vector<16xf32>,
        %mul3A_677 = arith.constant 16 : i32
        %mul3A_678 = arith.muli %scan3A_30, %mul3A_677 : i32
        %add3A_679 = arith.constant 10 : i32
        %add3A_680 = arith.addi %mul3A_678, %add3A_679 : i32
        %mul3A_681 = arith.constant 128 : i32
        %mul3A_682 = arith.muli %scan3A_13, %mul3A_681 : i32
        %add3A_683 = arith.addi %mul3A_682, %add3A_680 : i32
        %broadcast_in_dim3A_684 = vector.broadcast %add3A_683 : i32 to vector<16xi32>
        %gather3A_685 = tpu.vector_load_idx %arg11[%broadcast_in_dim3A_684] : memref<10240xf32, #tpu.memory_space<vmem>>[vector<16xi32>], vector<16xf32>,
        %get3A_686 = arith.index_cast %add3A_680 : i32 to index
        %get3A_687 = arith.constant 0 : index
        %get3A_688 = tpu.vector_load %arg12[%get3A_686, %get3A_687] {strides = array<i32>} : memref<128x128xf32, #tpu.memory_space<vmem>>, vector<16xf32>,
        %mul3A_689 = arith.mulf %get3A_688, %gather3A_685 : vector<16xf32>
        %swap3A_690 = arith.index_cast %add3A_680 : i32 to index
        %swap3A_691 = arith.constant 0 : index
        %swap3A_692 = tpu.vector_load %arg12[%swap3A_690, %swap3A_691] {strides = array<i32>} : memref<128x128xf32, #tpu.memory_space<vmem>>, vector<16xf32>,
        tpu.vector_store %arg12[%swap3A_690, %swap3A_691], %mul3A_689 {strides = array<i32>} : memref<128x128xf32, #tpu.memory_space<vmem>>, vector<16xf32>,
        %get3A_693 = arith.index_cast %add3A_680 : i32 to index
        %get3A_694 = arith.constant 16 : index
        %get3A_695 = tpu.vector_load %arg12[%get3A_693, %get3A_694] {strides = array<i32>} : memref<128x128xf32, #tpu.memory_space<vmem>>, vector<16xf32>,
        %mul3A_696 = arith.mulf %get3A_695, %gather3A_685 : vector<16xf32>
        %swap3A_697 = arith.index_cast %add3A_680 : i32 to index
        %swap3A_698 = arith.constant 16 : index
        %swap3A_699 = tpu.vector_load %arg12[%swap3A_697, %swap3A_698] {strides = array<i32>} : memref<128x128xf32, #tpu.memory_space<vmem>>, vector<16xf32>,
        tpu.vector_store %arg12[%swap3A_697, %swap3A_698], %mul3A_696 {strides = array<i32>} : memref<128x128xf32, #tpu.memory_space<vmem>>, vector<16xf32>,
        %get3A_700 = arith.index_cast %add3A_680 : i32 to index
        %get3A_701 = arith.constant 32 : index
        %get3A_702 = tpu.vector_load %arg12[%get3A_700, %get3A_701] {strides = array<i32>} : memref<128x128xf32, #tpu.memory_space<vmem>>, vector<16xf32>,
        %mul3A_703 = arith.mulf %get3A_702, %gather3A_685 : vector<16xf32>
        %swap3A_704 = arith.index_cast %add3A_680 : i32 to index
        %swap3A_705 = arith.constant 32 : index
        %swap3A_706 = tpu.vector_load %arg12[%swap3A_704, %swap3A_705] {strides = array<i32>} : memref<128x128xf32, #tpu.memory_space<vmem>>, vector<16xf32>,
        tpu.vector_store %arg12[%swap3A_704, %swap3A_705], %mul3A_703 {strides = array<i32>} : memref<128x128xf32, #tpu.memory_space<vmem>>, vector<16xf32>,
        %get3A_707 = arith.index_cast %add3A_680 : i32 to index
        %get3A_708 = arith.constant 48 : index
        %get3A_709 = tpu.vector_load %arg12[%get3A_707, %get3A_708] {strides = array<i32>} : memref<128x128xf32, #tpu.memory_space<vmem>>, vector<16xf32>,
        %mul3A_710 = arith.mulf %get3A_709, %gather3A_685 : vector<16xf32>
        %swap3A_711 = arith.index_cast %add3A_680 : i32 to index
        %swap3A_712 = arith.constant 48 : index
        %swap3A_713 = tpu.vector_load %arg12[%swap3A_711, %swap3A_712] {strides = array<i32>} : memref<128x128xf32, #tpu.memory_space<vmem>>, vector<16xf32>,
        tpu.vector_store %arg12[%swap3A_711, %swap3A_712], %mul3A_710 {strides = array<i32>} : memref<128x128xf32, #tpu.memory_space<vmem>>, vector<16xf32>,
        %get3A_714 = arith.index_cast %add3A_680 : i32 to index
        %get3A_715 = arith.constant 64 : index
        %get3A_716 = tpu.vector_load %arg12[%get3A_714, %get3A_715] {strides = array<i32>} : memref<128x128xf32, #tpu.memory_space<vmem>>, vector<16xf32>,
        %mul3A_717 = arith.mulf %get3A_716, %gather3A_685 : vector<16xf32>
        %swap3A_718 = arith.index_cast %add3A_680 : i32 to index
        %swap3A_719 = arith.constant 64 : index
        %swap3A_720 = tpu.vector_load %arg12[%swap3A_718, %swap3A_719] {strides = array<i32>} : memref<128x128xf32, #tpu.memory_space<vmem>>, vector<16xf32>,
        tpu.vector_store %arg12[%swap3A_718, %swap3A_719], %mul3A_717 {strides = array<i32>} : memref<128x128xf32, #tpu.memory_space<vmem>>, vector<16xf32>,
        %get3A_721 = arith.index_cast %add3A_680 : i32 to index
        %get3A_722 = arith.constant 80 : index
        %get3A_723 = tpu.vector_load %arg12[%get3A_721, %get3A_722] {strides = array<i32>} : memref<128x128xf32, #tpu.memory_space<vmem>>, vector<16xf32>,
        %mul3A_724 = arith.mulf %get3A_723, %gather3A_685 : vector<16xf32>
        %swap3A_725 = arith.index_cast %add3A_680 : i32 to index
        %swap3A_726 = arith.constant 80 : index
        %swap3A_727 = tpu.vector_load %arg12[%swap3A_725, %swap3A_726] {strides = array<i32>} : memref<128x128xf32, #tpu.memory_space<vmem>>, vector<16xf32>,
        tpu.vector_store %arg12[%swap3A_725, %swap3A_726], %mul3A_724 {strides = array<i32>} : memref<128x128xf32, #tpu.memory_space<vmem>>, vector<16xf32>,
        %get3A_728 = arith.index_cast %add3A_680 : i32 to index
        %get3A_729 = arith.constant 96 : index
        %get3A_730 = tpu.vector_load %arg12[%get3A_728, %get3A_729] {strides = array<i32>} : memref<128x128xf32, #tpu.memory_space<vmem>>, vector<16xf32>,
        %mul3A_731 = arith.mulf %get3A_730, %gather3A_685 : vector<16xf32>
        %swap3A_732 = arith.index_cast %add3A_680 : i32 to index
        %swap3A_733 = arith.constant 96 : index
        %swap3A_734 = tpu.vector_load %arg12[%swap3A_732, %swap3A_733] {strides = array<i32>} : memref<128x128xf32, #tpu.memory_space<vmem>>, vector<16xf32>,
        tpu.vector_store %arg12[%swap3A_732, %swap3A_733], %mul3A_731 {strides = array<i32>} : memref<128x128xf32, #tpu.memory_space<vmem>>, vector<16xf32>,
        %get3A_735 = arith.index_cast %add3A_680 : i32 to index
        %get3A_736 = arith.constant 112 : index
        %get3A_737 = tpu.vector_load %arg12[%get3A_735, %get3A_736] {strides = array<i32>} : memref<128x128xf32, #tpu.memory_space<vmem>>, vector<16xf32>,
        %mul3A_738 = arith.mulf %get3A_737, %gather3A_685 : vector<16xf32>
        %swap3A_739 = arith.index_cast %add3A_680 : i32 to index
        %swap3A_740 = arith.constant 112 : index
        %swap3A_741 = tpu.vector_load %arg12[%swap3A_739, %swap3A_740] {strides = array<i32>} : memref<128x128xf32, #tpu.memory_space<vmem>>, vector<16xf32>,
        tpu.vector_store %arg12[%swap3A_739, %swap3A_740], %mul3A_738 {strides = array<i32>} : memref<128x128xf32, #tpu.memory_space<vmem>>, vector<16xf32>,
        %mul3A_742 = arith.constant 16 : i32
        %mul3A_743 = arith.muli %scan3A_30, %mul3A_742 : i32
        %add3A_744 = arith.constant 11 : i32
        %add3A_745 = arith.addi %mul3A_743, %add3A_744 : i32
        %mul3A_746 = arith.constant 128 : i32
        %mul3A_747 = arith.muli %scan3A_13, %mul3A_746 : i32
        %add3A_748 = arith.addi %mul3A_747, %add3A_745 : i32
        %broadcast_in_dim3A_749 = vector.broadcast %add3A_748 : i32 to vector<16xi32>
        %gather3A_750 = tpu.vector_load_idx %arg11[%broadcast_in_dim3A_749] : memref<10240xf32, #tpu.memory_space<vmem>>[vector<16xi32>], vector<16xf32>,
        %get3A_751 = arith.index_cast %add3A_745 : i32 to index
        %get3A_752 = arith.constant 0 : index
        %get3A_753 = tpu.vector_load %arg12[%get3A_751, %get3A_752] {strides = array<i32>} : memref<128x128xf32, #tpu.memory_space<vmem>>, vector<16xf32>,
        %mul3A_754 = arith.mulf %get3A_753, %gather3A_750 : vector<16xf32>
        %swap3A_755 = arith.index_cast %add3A_745 : i32 to index
        %swap3A_756 = arith.constant 0 : index
        %swap3A_757 = tpu.vector_load %arg12[%swap3A_755, %swap3A_756] {strides = array<i32>} : memref<128x128xf32, #tpu.memory_space<vmem>>, vector<16xf32>,
        tpu.vector_store %arg12[%swap3A_755, %swap3A_756], %mul3A_754 {strides = array<i32>} : memref<128x128xf32, #tpu.memory_space<vmem>>, vector<16xf32>,
        %get3A_758 = arith.index_cast %add3A_745 : i32 to index
        %get3A_759 = arith.constant 16 : index
        %get3A_760 = tpu.vector_load %arg12[%get3A_758, %get3A_759] {strides = array<i32>} : memref<128x128xf32, #tpu.memory_space<vmem>>, vector<16xf32>,
        %mul3A_761 = arith.mulf %get3A_760, %gather3A_750 : vector<16xf32>
        %swap3A_762 = arith.index_cast %add3A_745 : i32 to index
        %swap3A_763 = arith.constant 16 : index
        %swap3A_764 = tpu.vector_load %arg12[%swap3A_762, %swap3A_763] {strides = array<i32>} : memref<128x128xf32, #tpu.memory_space<vmem>>, vector<16xf32>,
        tpu.vector_store %arg12[%swap3A_762, %swap3A_763], %mul3A_761 {strides = array<i32>} : memref<128x128xf32, #tpu.memory_space<vmem>>, vector<16xf32>,
        %get3A_765 = arith.index_cast %add3A_745 : i32 to index
        %get3A_766 = arith.constant 32 : index
        %get3A_767 = tpu.vector_load %arg12[%get3A_765, %get3A_766] {strides = array<i32>} : memref<128x128xf32, #tpu.memory_space<vmem>>, vector<16xf32>,
        %mul3A_768 = arith.mulf %get3A_767, %gather3A_750 : vector<16xf32>
        %swap3A_769 = arith.index_cast %add3A_745 : i32 to index
        %swap3A_770 = arith.constant 32 : index
        %swap3A_771 = tpu.vector_load %arg12[%swap3A_769, %swap3A_770] {strides = array<i32>} : memref<128x128xf32, #tpu.memory_space<vmem>>, vector<16xf32>,
        tpu.vector_store %arg12[%swap3A_769, %swap3A_770], %mul3A_768 {strides = array<i32>} : memref<128x128xf32, #tpu.memory_space<vmem>>, vector<16xf32>,
        %get3A_772 = arith.index_cast %add3A_745 : i32 to index
        %get3A_773 = arith.constant 48 : index
        %get3A_774 = tpu.vector_load %arg12[%get3A_772, %get3A_773] {strides = array<i32>} : memref<128x128xf32, #tpu.memory_space<vmem>>, vector<16xf32>,
        %mul3A_775 = arith.mulf %get3A_774, %gather3A_750 : vector<16xf32>
        %swap3A_776 = arith.index_cast %add3A_745 : i32 to index
        %swap3A_777 = arith.constant 48 : index
        %swap3A_778 = tpu.vector_load %arg12[%swap3A_776, %swap3A_777] {strides = array<i32>} : memref<128x128xf32, #tpu.memory_space<vmem>>, vector<16xf32>,
        tpu.vector_store %arg12[%swap3A_776, %swap3A_777], %mul3A_775 {strides = array<i32>} : memref<128x128xf32, #tpu.memory_space<vmem>>, vector<16xf32>,
        %get3A_779 = arith.index_cast %add3A_745 : i32 to index
        %get3A_780 = arith.constant 64 : index
        %get3A_781 = tpu.vector_load %arg12[%get3A_779, %get3A_780] {strides = array<i32>} : memref<128x128xf32, #tpu.memory_space<vmem>>, vector<16xf32>,
        %mul3A_782 = arith.mulf %get3A_781, %gather3A_750 : vector<16xf32>
        %swap3A_783 = arith.index_cast %add3A_745 : i32 to index
        %swap3A_784 = arith.constant 64 : index
        %swap3A_785 = tpu.vector_load %arg12[%swap3A_783, %swap3A_784] {strides = array<i32>} : memref<128x128xf32, #tpu.memory_space<vmem>>, vector<16xf32>,
        tpu.vector_store %arg12[%swap3A_783, %swap3A_784], %mul3A_782 {strides = array<i32>} : memref<128x128xf32, #tpu.memory_space<vmem>>, vector<16xf32>,
        %get3A_786 = arith.index_cast %add3A_745 : i32 to index
        %get3A_787 = arith.constant 80 : index
        %get3A_788 = tpu.vector_load %arg12[%get3A_786, %get3A_787] {strides = array<i32>} : memref<128x128xf32, #tpu.memory_space<vmem>>, vector<16xf32>,
        %mul3A_789 = arith.mulf %get3A_788, %gather3A_750 : vector<16xf32>
        %swap3A_790 = arith.index_cast %add3A_745 : i32 to index
        %swap3A_791 = arith.constant 80 : index
        %swap3A_792 = tpu.vector_load %arg12[%swap3A_790, %swap3A_791] {strides = array<i32>} : memref<128x128xf32, #tpu.memory_space<vmem>>, vector<16xf32>,
        tpu.vector_store %arg12[%swap3A_790, %swap3A_791], %mul3A_789 {strides = array<i32>} : memref<128x128xf32, #tpu.memory_space<vmem>>, vector<16xf32>,
        %get3A_793 = arith.index_cast %add3A_745 : i32 to index
        %get3A_794 = arith.constant 96 : index
        %get3A_795 = tpu.vector_load %arg12[%get3A_793, %get3A_794] {strides = array<i32>} : memref<128x128xf32, #tpu.memory_space<vmem>>, vector<16xf32>,
        %mul3A_796 = arith.mulf %get3A_795, %gather3A_750 : vector<16xf32>
        %swap3A_797 = arith.index_cast %add3A_745 : i32 to index
        %swap3A_798 = arith.constant 96 : index
        %swap3A_799 = tpu.vector_load %arg12[%swap3A_797, %swap3A_798] {strides = array<i32>} : memref<128x128xf32, #tpu.memory_space<vmem>>, vector<16xf32>,
        tpu.vector_store %arg12[%swap3A_797, %swap3A_798], %mul3A_796 {strides = array<i32>} : memref<128x128xf32, #tpu.memory_space<vmem>>, vector<16xf32>,
        %get3A_800 = arith.index_cast %add3A_745 : i32 to index
        %get3A_801 = arith.constant 112 : index
        %get3A_802 = tpu.vector_load %arg12[%get3A_800, %get3A_801] {strides = array<i32>} : memref<128x128xf32, #tpu.memory_space<vmem>>, vector<16xf32>,
        %mul3A_803 = arith.mulf %get3A_802, %gather3A_750 : vector<16xf32>
        %swap3A_804 = arith.index_cast %add3A_745 : i32 to index
        %swap3A_805 = arith.constant 112 : index
        %swap3A_806 = tpu.vector_load %arg12[%swap3A_804, %swap3A_805] {strides = array<i32>} : memref<128x128xf32, #tpu.memory_space<vmem>>, vector<16xf32>,
        tpu.vector_store %arg12[%swap3A_804, %swap3A_805], %mul3A_803 {strides = array<i32>} : memref<128x128xf32, #tpu.memory_space<vmem>>, vector<16xf32>,
        %mul3A_807 = arith.constant 16 : i32
        %mul3A_808 = arith.muli %scan3A_30, %mul3A_807 : i32
        %add3A_809 = arith.constant 12 : i32
        %add3A_810 = arith.addi %mul3A_808, %add3A_809 : i32
        %mul3A_811 = arith.constant 128 : i32
        %mul3A_812 = arith.muli %scan3A_13, %mul3A_811 : i32
        %add3A_813 = arith.addi %mul3A_812, %add3A_810 : i32
        %broadcast_in_dim3A_814 = vector.broadcast %add3A_813 : i32 to vector<16xi32>
        %gather3A_815 = tpu.vector_load_idx %arg11[%broadcast_in_dim3A_814] : memref<10240xf32, #tpu.memory_space<vmem>>[vector<16xi32>], vector<16xf32>,
        %get3A_816 = arith.index_cast %add3A_810 : i32 to index
        %get3A_817 = arith.constant 0 : index
        %get3A_818 = tpu.vector_load %arg12[%get3A_816, %get3A_817] {strides = array<i32>} : memref<128x128xf32, #tpu.memory_space<vmem>>, vector<16xf32>,
        %mul3A_819 = arith.mulf %get3A_818, %gather3A_815 : vector<16xf32>
        %swap3A_820 = arith.index_cast %add3A_810 : i32 to index
        %swap3A_821 = arith.constant 0 : index
        %swap3A_822 = tpu.vector_load %arg12[%swap3A_820, %swap3A_821] {strides = array<i32>} : memref<128x128xf32, #tpu.memory_space<vmem>>, vector<16xf32>,
        tpu.vector_store %arg12[%swap3A_820, %swap3A_821], %mul3A_819 {strides = array<i32>} : memref<128x128xf32, #tpu.memory_space<vmem>>, vector<16xf32>,
        %get3A_823 = arith.index_cast %add3A_810 : i32 to index
        %get3A_824 = arith.constant 16 : index
        %get3A_825 = tpu.vector_load %arg12[%get3A_823, %get3A_824] {strides = array<i32>} : memref<128x128xf32, #tpu.memory_space<vmem>>, vector<16xf32>,
        %mul3A_826 = arith.mulf %get3A_825, %gather3A_815 : vector<16xf32>
        %swap3A_827 = arith.index_cast %add3A_810 : i32 to index
        %swap3A_828 = arith.constant 16 : index
        %swap3A_829 = tpu.vector_load %arg12[%swap3A_827, %swap3A_828] {strides = array<i32>} : memref<128x128xf32, #tpu.memory_space<vmem>>, vector<16xf32>,
        tpu.vector_store %arg12[%swap3A_827, %swap3A_828], %mul3A_826 {strides = array<i32>} : memref<128x128xf32, #tpu.memory_space<vmem>>, vector<16xf32>,
        %get3A_830 = arith.index_cast %add3A_810 : i32 to index
        %get3A_831 = arith.constant 32 : index
        %get3A_832 = tpu.vector_load %arg12[%get3A_830, %get3A_831] {strides = array<i32>} : memref<128x128xf32, #tpu.memory_space<vmem>>, vector<16xf32>,
        %mul3A_833 = arith.mulf %get3A_832, %gather3A_815 : vector<16xf32>
        %swap3A_834 = arith.index_cast %add3A_810 : i32 to index
        %swap3A_835 = arith.constant 32 : index
        %swap3A_836 = tpu.vector_load %arg12[%swap3A_834, %swap3A_835] {strides = array<i32>} : memref<128x128xf32, #tpu.memory_space<vmem>>, vector<16xf32>,
        tpu.vector_store %arg12[%swap3A_834, %swap3A_835], %mul3A_833 {strides = array<i32>} : memref<128x128xf32, #tpu.memory_space<vmem>>, vector<16xf32>,
        %get3A_837 = arith.index_cast %add3A_810 : i32 to index
        %get3A_838 = arith.constant 48 : index
        %get3A_839 = tpu.vector_load %arg12[%get3A_837, %get3A_838] {strides = array<i32>} : memref<128x128xf32, #tpu.memory_space<vmem>>, vector<16xf32>,
        %mul3A_840 = arith.mulf %get3A_839, %gather3A_815 : vector<16xf32>
        %swap3A_841 = arith.index_cast %add3A_810 : i32 to index
        %swap3A_842 = arith.constant 48 : index
        %swap3A_843 = tpu.vector_load %arg12[%swap3A_841, %swap3A_842] {strides = array<i32>} : memref<128x128xf32, #tpu.memory_space<vmem>>, vector<16xf32>,
        tpu.vector_store %arg12[%swap3A_841, %swap3A_842], %mul3A_840 {strides = array<i32>} : memref<128x128xf32, #tpu.memory_space<vmem>>, vector<16xf32>,
        %get3A_844 = arith.index_cast %add3A_810 : i32 to index
        %get3A_845 = arith.constant 64 : index
        %get3A_846 = tpu.vector_load %arg12[%get3A_844, %get3A_845] {strides = array<i32>} : memref<128x128xf32, #tpu.memory_space<vmem>>, vector<16xf32>,
        %mul3A_847 = arith.mulf %get3A_846, %gather3A_815 : vector<16xf32>
        %swap3A_848 = arith.index_cast %add3A_810 : i32 to index
        %swap3A_849 = arith.constant 64 : index
        %swap3A_850 = tpu.vector_load %arg12[%swap3A_848, %swap3A_849] {strides = array<i32>} : memref<128x128xf32, #tpu.memory_space<vmem>>, vector<16xf32>,
        tpu.vector_store %arg12[%swap3A_848, %swap3A_849], %mul3A_847 {strides = array<i32>} : memref<128x128xf32, #tpu.memory_space<vmem>>, vector<16xf32>,
        %get3A_851 = arith.index_cast %add3A_810 : i32 to index
        %get3A_852 = arith.constant 80 : index
        %get3A_853 = tpu.vector_load %arg12[%get3A_851, %get3A_852] {strides = array<i32>} : memref<128x128xf32, #tpu.memory_space<vmem>>, vector<16xf32>,
        %mul3A_854 = arith.mulf %get3A_853, %gather3A_815 : vector<16xf32>
        %swap3A_855 = arith.index_cast %add3A_810 : i32 to index
        %swap3A_856 = arith.constant 80 : index
        %swap3A_857 = tpu.vector_load %arg12[%swap3A_855, %swap3A_856] {strides = array<i32>} : memref<128x128xf32, #tpu.memory_space<vmem>>, vector<16xf32>,
        tpu.vector_store %arg12[%swap3A_855, %swap3A_856], %mul3A_854 {strides = array<i32>} : memref<128x128xf32, #tpu.memory_space<vmem>>, vector<16xf32>,
        %get3A_858 = arith.index_cast %add3A_810 : i32 to index
        %get3A_859 = arith.constant 96 : index
        %get3A_860 = tpu.vector_load %arg12[%get3A_858, %get3A_859] {strides = array<i32>} : memref<128x128xf32, #tpu.memory_space<vmem>>, vector<16xf32>,
        %mul3A_861 = arith.mulf %get3A_860, %gather3A_815 : vector<16xf32>
        %swap3A_862 = arith.index_cast %add3A_810 : i32 to index
        %swap3A_863 = arith.constant 96 : index
        %swap3A_864 = tpu.vector_load %arg12[%swap3A_862, %swap3A_863] {strides = array<i32>} : memref<128x128xf32, #tpu.memory_space<vmem>>, vector<16xf32>,
        tpu.vector_store %arg12[%swap3A_862, %swap3A_863], %mul3A_861 {strides = array<i32>} : memref<128x128xf32, #tpu.memory_space<vmem>>, vector<16xf32>,
        %get3A_865 = arith.index_cast %add3A_810 : i32 to index
        %get3A_866 = arith.constant 112 : index
        %get3A_867 = tpu.vector_load %arg12[%get3A_865, %get3A_866] {strides = array<i32>} : memref<128x128xf32, #tpu.memory_space<vmem>>, vector<16xf32>,
        %mul3A_868 = arith.mulf %get3A_867, %gather3A_815 : vector<16xf32>
        %swap3A_869 = arith.index_cast %add3A_810 : i32 to index
        %swap3A_870 = arith.constant 112 : index
        %swap3A_871 = tpu.vector_load %arg12[%swap3A_869, %swap3A_870] {strides = array<i32>} : memref<128x128xf32, #tpu.memory_space<vmem>>, vector<16xf32>,
        tpu.vector_store %arg12[%swap3A_869, %swap3A_870], %mul3A_868 {strides = array<i32>} : memref<128x128xf32, #tpu.memory_space<vmem>>, vector<16xf32>,
        %mul3A_872 = arith.constant 16 : i32
        %mul3A_873 = arith.muli %scan3A_30, %mul3A_872 : i32
        %add3A_874 = arith.constant 13 : i32
        %add3A_875 = arith.addi %mul3A_873, %add3A_874 : i32
        %mul3A_876 = arith.constant 128 : i32
        %mul3A_877 = arith.muli %scan3A_13, %mul3A_876 : i32
        %add3A_878 = arith.addi %mul3A_877, %add3A_875 : i32
        %broadcast_in_dim3A_879 = vector.broadcast %add3A_878 : i32 to vector<16xi32>
        %gather3A_880 = tpu.vector_load_idx %arg11[%broadcast_in_dim3A_879] : memref<10240xf32, #tpu.memory_space<vmem>>[vector<16xi32>], vector<16xf32>,
        %get3A_881 = arith.index_cast %add3A_875 : i32 to index
        %get3A_882 = arith.constant 0 : index
        %get3A_883 = tpu.vector_load %arg12[%get3A_881, %get3A_882] {strides = array<i32>} : memref<128x128xf32, #tpu.memory_space<vmem>>, vector<16xf32>,
        %mul3A_884 = arith.mulf %get3A_883, %gather3A_880 : vector<16xf32>
        %swap3A_885 = arith.index_cast %add3A_875 : i32 to index
        %swap3A_886 = arith.constant 0 : index
        %swap3A_887 = tpu.vector_load %arg12[%swap3A_885, %swap3A_886] {strides = array<i32>} : memref<128x128xf32, #tpu.memory_space<vmem>>, vector<16xf32>,
        tpu.vector_store %arg12[%swap3A_885, %swap3A_886], %mul3A_884 {strides = array<i32>} : memref<128x128xf32, #tpu.memory_space<vmem>>, vector<16xf32>,
        %get3A_888 = arith.index_cast %add3A_875 : i32 to index
        %get3A_889 = arith.constant 16 : index
        %get3A_890 = tpu.vector_load %arg12[%get3A_888, %get3A_889] {strides = array<i32>} : memref<128x128xf32, #tpu.memory_space<vmem>>, vector<16xf32>,
        %mul3A_891 = arith.mulf %get3A_890, %gather3A_880 : vector<16xf32>
        %swap3A_892 = arith.index_cast %add3A_875 : i32 to index
        %swap3A_893 = arith.constant 16 : index
        %swap3A_894 = tpu.vector_load %arg12[%swap3A_892, %swap3A_893] {strides = array<i32>} : memref<128x128xf32, #tpu.memory_space<vmem>>, vector<16xf32>,
        tpu.vector_store %arg12[%swap3A_892, %swap3A_893], %mul3A_891 {strides = array<i32>} : memref<128x128xf32, #tpu.memory_space<vmem>>, vector<16xf32>,
        %get3A_895 = arith.index_cast %add3A_875 : i32 to index
        %get3A_896 = arith.constant 32 : index
        %get3A_897 = tpu.vector_load %arg12[%get3A_895, %get3A_896] {strides = array<i32>} : memref<128x128xf32, #tpu.memory_space<vmem>>, vector<16xf32>,
        %mul3A_898 = arith.mulf %get3A_897, %gather3A_880 : vector<16xf32>
        %swap3A_899 = arith.index_cast %add3A_875 : i32 to index
        %swap3A_900 = arith.constant 32 : index
        %swap3A_901 = tpu.vector_load %arg12[%swap3A_899, %swap3A_900] {strides = array<i32>} : memref<128x128xf32, #tpu.memory_space<vmem>>, vector<16xf32>,
        tpu.vector_store %arg12[%swap3A_899, %swap3A_900], %mul3A_898 {strides = array<i32>} : memref<128x128xf32, #tpu.memory_space<vmem>>, vector<16xf32>,
        %get3A_902 = arith.index_cast %add3A_875 : i32 to index
        %get3A_903 = arith.constant 48 : index
        %get3A_904 = tpu.vector_load %arg12[%get3A_902, %get3A_903] {strides = array<i32>} : memref<128x128xf32, #tpu.memory_space<vmem>>, vector<16xf32>,
        %mul3A_905 = arith.mulf %get3A_904, %gather3A_880 : vector<16xf32>
        %swap3A_906 = arith.index_cast %add3A_875 : i32 to index
        %swap3A_907 = arith.constant 48 : index
        %swap3A_908 = tpu.vector_load %arg12[%swap3A_906, %swap3A_907] {strides = array<i32>} : memref<128x128xf32, #tpu.memory_space<vmem>>, vector<16xf32>,
        tpu.vector_store %arg12[%swap3A_906, %swap3A_907], %mul3A_905 {strides = array<i32>} : memref<128x128xf32, #tpu.memory_space<vmem>>, vector<16xf32>,
        %get3A_909 = arith.index_cast %add3A_875 : i32 to index
        %get3A_910 = arith.constant 64 : index
        %get3A_911 = tpu.vector_load %arg12[%get3A_909, %get3A_910] {strides = array<i32>} : memref<128x128xf32, #tpu.memory_space<vmem>>, vector<16xf32>,
        %mul3A_912 = arith.mulf %get3A_911, %gather3A_880 : vector<16xf32>
        %swap3A_913 = arith.index_cast %add3A_875 : i32 to index
        %swap3A_914 = arith.constant 64 : index
        %swap3A_915 = tpu.vector_load %arg12[%swap3A_913, %swap3A_914] {strides = array<i32>} : memref<128x128xf32, #tpu.memory_space<vmem>>, vector<16xf32>,
        tpu.vector_store %arg12[%swap3A_913, %swap3A_914], %mul3A_912 {strides = array<i32>} : memref<128x128xf32, #tpu.memory_space<vmem>>, vector<16xf32>,
        %get3A_916 = arith.index_cast %add3A_875 : i32 to index
        %get3A_917 = arith.constant 80 : index
        %get3A_918 = tpu.vector_load %arg12[%get3A_916, %get3A_917] {strides = array<i32>} : memref<128x128xf32, #tpu.memory_space<vmem>>, vector<16xf32>,
        %mul3A_919 = arith.mulf %get3A_918, %gather3A_880 : vector<16xf32>
        %swap3A_920 = arith.index_cast %add3A_875 : i32 to index
        %swap3A_921 = arith.constant 80 : index
        %swap3A_922 = tpu.vector_load %arg12[%swap3A_920, %swap3A_921] {strides = array<i32>} : memref<128x128xf32, #tpu.memory_space<vmem>>, vector<16xf32>,
        tpu.vector_store %arg12[%swap3A_920, %swap3A_921], %mul3A_919 {strides = array<i32>} : memref<128x128xf32, #tpu.memory_space<vmem>>, vector<16xf32>,
        %get3A_923 = arith.index_cast %add3A_875 : i32 to index
        %get3A_924 = arith.constant 96 : index
        %get3A_925 = tpu.vector_load %arg12[%get3A_923, %get3A_924] {strides = array<i32>} : memref<128x128xf32, #tpu.memory_space<vmem>>, vector<16xf32>,
        %mul3A_926 = arith.mulf %get3A_925, %gather3A_880 : vector<16xf32>
        %swap3A_927 = arith.index_cast %add3A_875 : i32 to index
        %swap3A_928 = arith.constant 96 : index
        %swap3A_929 = tpu.vector_load %arg12[%swap3A_927, %swap3A_928] {strides = array<i32>} : memref<128x128xf32, #tpu.memory_space<vmem>>, vector<16xf32>,
        tpu.vector_store %arg12[%swap3A_927, %swap3A_928], %mul3A_926 {strides = array<i32>} : memref<128x128xf32, #tpu.memory_space<vmem>>, vector<16xf32>,
        %get3A_930 = arith.index_cast %add3A_875 : i32 to index
        %get3A_931 = arith.constant 112 : index
        %get3A_932 = tpu.vector_load %arg12[%get3A_930, %get3A_931] {strides = array<i32>} : memref<128x128xf32, #tpu.memory_space<vmem>>, vector<16xf32>,
        %mul3A_933 = arith.mulf %get3A_932, %gather3A_880 : vector<16xf32>
        %swap3A_934 = arith.index_cast %add3A_875 : i32 to index
        %swap3A_935 = arith.constant 112 : index
        %swap3A_936 = tpu.vector_load %arg12[%swap3A_934, %swap3A_935] {strides = array<i32>} : memref<128x128xf32, #tpu.memory_space<vmem>>, vector<16xf32>,
        tpu.vector_store %arg12[%swap3A_934, %swap3A_935], %mul3A_933 {strides = array<i32>} : memref<128x128xf32, #tpu.memory_space<vmem>>, vector<16xf32>,
        %mul3A_937 = arith.constant 16 : i32
        %mul3A_938 = arith.muli %scan3A_30, %mul3A_937 : i32
        %add3A_939 = arith.constant 14 : i32
        %add3A_940 = arith.addi %mul3A_938, %add3A_939 : i32
        %mul3A_941 = arith.constant 128 : i32
        %mul3A_942 = arith.muli %scan3A_13, %mul3A_941 : i32
        %add3A_943 = arith.addi %mul3A_942, %add3A_940 : i32
        %broadcast_in_dim3A_944 = vector.broadcast %add3A_943 : i32 to vector<16xi32>
        %gather3A_945 = tpu.vector_load_idx %arg11[%broadcast_in_dim3A_944] : memref<10240xf32, #tpu.memory_space<vmem>>[vector<16xi32>], vector<16xf32>,
        %get3A_946 = arith.index_cast %add3A_940 : i32 to index
        %get3A_947 = arith.constant 0 : index
        %get3A_948 = tpu.vector_load %arg12[%get3A_946, %get3A_947] {strides = array<i32>} : memref<128x128xf32, #tpu.memory_space<vmem>>, vector<16xf32>,
        %mul3A_949 = arith.mulf %get3A_948, %gather3A_945 : vector<16xf32>
        %swap3A_950 = arith.index_cast %add3A_940 : i32 to index
        %swap3A_951 = arith.constant 0 : index
        %swap3A_952 = tpu.vector_load %arg12[%swap3A_950, %swap3A_951] {strides = array<i32>} : memref<128x128xf32, #tpu.memory_space<vmem>>, vector<16xf32>,
        tpu.vector_store %arg12[%swap3A_950, %swap3A_951], %mul3A_949 {strides = array<i32>} : memref<128x128xf32, #tpu.memory_space<vmem>>, vector<16xf32>,
        %get3A_953 = arith.index_cast %add3A_940 : i32 to index
        %get3A_954 = arith.constant 16 : index
        %get3A_955 = tpu.vector_load %arg12[%get3A_953, %get3A_954] {strides = array<i32>} : memref<128x128xf32, #tpu.memory_space<vmem>>, vector<16xf32>,
        %mul3A_956 = arith.mulf %get3A_955, %gather3A_945 : vector<16xf32>
        %swap3A_957 = arith.index_cast %add3A_940 : i32 to index
        %swap3A_958 = arith.constant 16 : index
        %swap3A_959 = tpu.vector_load %arg12[%swap3A_957, %swap3A_958] {strides = array<i32>} : memref<128x128xf32, #tpu.memory_space<vmem>>, vector<16xf32>,
        tpu.vector_store %arg12[%swap3A_957, %swap3A_958], %mul3A_956 {strides = array<i32>} : memref<128x128xf32, #tpu.memory_space<vmem>>, vector<16xf32>,
        %get3A_960 = arith.index_cast %add3A_940 : i32 to index
        %get3A_961 = arith.constant 32 : index
        %get3A_962 = tpu.vector_load %arg12[%get3A_960, %get3A_961] {strides = array<i32>} : memref<128x128xf32, #tpu.memory_space<vmem>>, vector<16xf32>,
        %mul3A_963 = arith.mulf %get3A_962, %gather3A_945 : vector<16xf32>
        %swap3A_964 = arith.index_cast %add3A_940 : i32 to index
        %swap3A_965 = arith.constant 32 : index
        %swap3A_966 = tpu.vector_load %arg12[%swap3A_964, %swap3A_965] {strides = array<i32>} : memref<128x128xf32, #tpu.memory_space<vmem>>, vector<16xf32>,
        tpu.vector_store %arg12[%swap3A_964, %swap3A_965], %mul3A_963 {strides = array<i32>} : memref<128x128xf32, #tpu.memory_space<vmem>>, vector<16xf32>,
        %get3A_967 = arith.index_cast %add3A_940 : i32 to index
        %get3A_968 = arith.constant 48 : index
        %get3A_969 = tpu.vector_load %arg12[%get3A_967, %get3A_968] {strides = array<i32>} : memref<128x128xf32, #tpu.memory_space<vmem>>, vector<16xf32>,
        %mul3A_970 = arith.mulf %get3A_969, %gather3A_945 : vector<16xf32>
        %swap3A_971 = arith.index_cast %add3A_940 : i32 to index
        %swap3A_972 = arith.constant 48 : index
        %swap3A_973 = tpu.vector_load %arg12[%swap3A_971, %swap3A_972] {strides = array<i32>} : memref<128x128xf32, #tpu.memory_space<vmem>>, vector<16xf32>,
        tpu.vector_store %arg12[%swap3A_971, %swap3A_972], %mul3A_970 {strides = array<i32>} : memref<128x128xf32, #tpu.memory_space<vmem>>, vector<16xf32>,
        %get3A_974 = arith.index_cast %add3A_940 : i32 to index
        %get3A_975 = arith.constant 64 : index
        %get3A_976 = tpu.vector_load %arg12[%get3A_974, %get3A_975] {strides = array<i32>} : memref<128x128xf32, #tpu.memory_space<vmem>>, vector<16xf32>,
        %mul3A_977 = arith.mulf %get3A_976, %gather3A_945 : vector<16xf32>
        %swap3A_978 = arith.index_cast %add3A_940 : i32 to index
        %swap3A_979 = arith.constant 64 : index
        %swap3A_980 = tpu.vector_load %arg12[%swap3A_978, %swap3A_979] {strides = array<i32>} : memref<128x128xf32, #tpu.memory_space<vmem>>, vector<16xf32>,
        tpu.vector_store %arg12[%swap3A_978, %swap3A_979], %mul3A_977 {strides = array<i32>} : memref<128x128xf32, #tpu.memory_space<vmem>>, vector<16xf32>,
        %get3A_981 = arith.index_cast %add3A_940 : i32 to index
        %get3A_982 = arith.constant 80 : index
        %get3A_983 = tpu.vector_load %arg12[%get3A_981, %get3A_982] {strides = array<i32>} : memref<128x128xf32, #tpu.memory_space<vmem>>, vector<16xf32>,
        %mul3A_984 = arith.mulf %get3A_983, %gather3A_945 : vector<16xf32>
        %swap3A_985 = arith.index_cast %add3A_940 : i32 to index
        %swap3A_986 = arith.constant 80 : index
        %swap3A_987 = tpu.vector_load %arg12[%swap3A_985, %swap3A_986] {strides = array<i32>} : memref<128x128xf32, #tpu.memory_space<vmem>>, vector<16xf32>,
        tpu.vector_store %arg12[%swap3A_985, %swap3A_986], %mul3A_984 {strides = array<i32>} : memref<128x128xf32, #tpu.memory_space<vmem>>, vector<16xf32>,
        %get3A_988 = arith.index_cast %add3A_940 : i32 to index
        %get3A_989 = arith.constant 96 : index
        %get3A_990 = tpu.vector_load %arg12[%get3A_988, %get3A_989] {strides = array<i32>} : memref<128x128xf32, #tpu.memory_space<vmem>>, vector<16xf32>,
        %mul3A_991 = arith.mulf %get3A_990, %gather3A_945 : vector<16xf32>
        %swap3A_992 = arith.index_cast %add3A_940 : i32 to index
        %swap3A_993 = arith.constant 96 : index
        %swap3A_994 = tpu.vector_load %arg12[%swap3A_992, %swap3A_993] {strides = array<i32>} : memref<128x128xf32, #tpu.memory_space<vmem>>, vector<16xf32>,
        tpu.vector_store %arg12[%swap3A_992, %swap3A_993], %mul3A_991 {strides = array<i32>} : memref<128x128xf32, #tpu.memory_space<vmem>>, vector<16xf32>,
        %get3A_995 = arith.index_cast %add3A_940 : i32 to index
        %get3A_996 = arith.constant 112 : index
        %get3A_997 = tpu.vector_load %arg12[%get3A_995, %get3A_996] {strides = array<i32>} : memref<128x128xf32, #tpu.memory_space<vmem>>, vector<16xf32>,
        %mul3A_998 = arith.mulf %get3A_997, %gather3A_945 : vector<16xf32>
        %swap3A_999 = arith.index_cast %add3A_940 : i32 to index
        %swap3A_1000 = arith.constant 112 : index
        %swap3A_1001 = tpu.vector_load %arg12[%swap3A_999, %swap3A_1000] {strides = array<i32>} : memref<128x128xf32, #tpu.memory_space<vmem>>, vector<16xf32>,
        tpu.vector_store %arg12[%swap3A_999, %swap3A_1000], %mul3A_998 {strides = array<i32>} : memref<128x128xf32, #tpu.memory_space<vmem>>, vector<16xf32>,
        %mul3A_1002 = arith.constant 16 : i32
        %mul3A_1003 = arith.muli %scan3A_30, %mul3A_1002 : i32
        %add3A_1004 = arith.constant 15 : i32
        %add3A_1005 = arith.addi %mul3A_1003, %add3A_1004 : i32
        %mul3A_1006 = arith.constant 128 : i32
        %mul3A_1007 = arith.muli %scan3A_13, %mul3A_1006 : i32
        %add3A_1008 = arith.addi %mul3A_1007, %add3A_1005 : i32
        %broadcast_in_dim3A_1009 = vector.broadcast %add3A_1008 : i32 to vector<16xi32>
        %gather3A_1010 = tpu.vector_load_idx %arg11[%broadcast_in_dim3A_1009] : memref<10240xf32, #tpu.memory_space<vmem>>[vector<16xi32>], vector<16xf32>,
        %get3A_1011 = arith.index_cast %add3A_1005 : i32 to index
        %get3A_1012 = arith.constant 0 : index
        %get3A_1013 = tpu.vector_load %arg12[%get3A_1011, %get3A_1012] {strides = array<i32>} : memref<128x128xf32, #tpu.memory_space<vmem>>, vector<16xf32>,
        %mul3A_1014 = arith.mulf %get3A_1013, %gather3A_1010 : vector<16xf32>
        %swap3A_1015 = arith.index_cast %add3A_1005 : i32 to index
        %swap3A_1016 = arith.constant 0 : index
        %swap3A_1017 = tpu.vector_load %arg12[%swap3A_1015, %swap3A_1016] {strides = array<i32>} : memref<128x128xf32, #tpu.memory_space<vmem>>, vector<16xf32>,
        tpu.vector_store %arg12[%swap3A_1015, %swap3A_1016], %mul3A_1014 {strides = array<i32>} : memref<128x128xf32, #tpu.memory_space<vmem>>, vector<16xf32>,
        %get3A_1018 = arith.index_cast %add3A_1005 : i32 to index
        %get3A_1019 = arith.constant 16 : index
        %get3A_1020 = tpu.vector_load %arg12[%get3A_1018, %get3A_1019] {strides = array<i32>} : memref<128x128xf32, #tpu.memory_space<vmem>>, vector<16xf32>,
        %mul3A_1021 = arith.mulf %get3A_1020, %gather3A_1010 : vector<16xf32>
        %swap3A_1022 = arith.index_cast %add3A_1005 : i32 to index
        %swap3A_1023 = arith.constant 16 : index
        %swap3A_1024 = tpu.vector_load %arg12[%swap3A_1022, %swap3A_1023] {strides = array<i32>} : memref<128x128xf32, #tpu.memory_space<vmem>>, vector<16xf32>,
        tpu.vector_store %arg12[%swap3A_1022, %swap3A_1023], %mul3A_1021 {strides = array<i32>} : memref<128x128xf32, #tpu.memory_space<vmem>>, vector<16xf32>,
        %get3A_1025 = arith.index_cast %add3A_1005 : i32 to index
        %get3A_1026 = arith.constant 32 : index
        %get3A_1027 = tpu.vector_load %arg12[%get3A_1025, %get3A_1026] {strides = array<i32>} : memref<128x128xf32, #tpu.memory_space<vmem>>, vector<16xf32>,
        %mul3A_1028 = arith.mulf %get3A_1027, %gather3A_1010 : vector<16xf32>
        %swap3A_1029 = arith.index_cast %add3A_1005 : i32 to index
        %swap3A_1030 = arith.constant 32 : index
        %swap3A_1031 = tpu.vector_load %arg12[%swap3A_1029, %swap3A_1030] {strides = array<i32>} : memref<128x128xf32, #tpu.memory_space<vmem>>, vector<16xf32>,
        tpu.vector_store %arg12[%swap3A_1029, %swap3A_1030], %mul3A_1028 {strides = array<i32>} : memref<128x128xf32, #tpu.memory_space<vmem>>, vector<16xf32>,
        %get3A_1032 = arith.index_cast %add3A_1005 : i32 to index
        %get3A_1033 = arith.constant 48 : index
        %get3A_1034 = tpu.vector_load %arg12[%get3A_1032, %get3A_1033] {strides = array<i32>} : memref<128x128xf32, #tpu.memory_space<vmem>>, vector<16xf32>,
        %mul3A_1035 = arith.mulf %get3A_1034, %gather3A_1010 : vector<16xf32>
        %swap3A_1036 = arith.index_cast %add3A_1005 : i32 to index
        %swap3A_1037 = arith.constant 48 : index
        %swap3A_1038 = tpu.vector_load %arg12[%swap3A_1036, %swap3A_1037] {strides = array<i32>} : memref<128x128xf32, #tpu.memory_space<vmem>>, vector<16xf32>,
        tpu.vector_store %arg12[%swap3A_1036, %swap3A_1037], %mul3A_1035 {strides = array<i32>} : memref<128x128xf32, #tpu.memory_space<vmem>>, vector<16xf32>,
        %get3A_1039 = arith.index_cast %add3A_1005 : i32 to index
        %get3A_1040 = arith.constant 64 : index
        %get3A_1041 = tpu.vector_load %arg12[%get3A_1039, %get3A_1040] {strides = array<i32>} : memref<128x128xf32, #tpu.memory_space<vmem>>, vector<16xf32>,
        %mul3A_1042 = arith.mulf %get3A_1041, %gather3A_1010 : vector<16xf32>
        %swap3A_1043 = arith.index_cast %add3A_1005 : i32 to index
        %swap3A_1044 = arith.constant 64 : index
        %swap3A_1045 = tpu.vector_load %arg12[%swap3A_1043, %swap3A_1044] {strides = array<i32>} : memref<128x128xf32, #tpu.memory_space<vmem>>, vector<16xf32>,
        tpu.vector_store %arg12[%swap3A_1043, %swap3A_1044], %mul3A_1042 {strides = array<i32>} : memref<128x128xf32, #tpu.memory_space<vmem>>, vector<16xf32>,
        %get3A_1046 = arith.index_cast %add3A_1005 : i32 to index
        %get3A_1047 = arith.constant 80 : index
        %get3A_1048 = tpu.vector_load %arg12[%get3A_1046, %get3A_1047] {strides = array<i32>} : memref<128x128xf32, #tpu.memory_space<vmem>>, vector<16xf32>,
        %mul3A_1049 = arith.mulf %get3A_1048, %gather3A_1010 : vector<16xf32>
        %swap3A_1050 = arith.index_cast %add3A_1005 : i32 to index
        %swap3A_1051 = arith.constant 80 : index
        %swap3A_1052 = tpu.vector_load %arg12[%swap3A_1050, %swap3A_1051] {strides = array<i32>} : memref<128x128xf32, #tpu.memory_space<vmem>>, vector<16xf32>,
        tpu.vector_store %arg12[%swap3A_1050, %swap3A_1051], %mul3A_1049 {strides = array<i32>} : memref<128x128xf32, #tpu.memory_space<vmem>>, vector<16xf32>,
        %get3A_1053 = arith.index_cast %add3A_1005 : i32 to index
        %get3A_1054 = arith.constant 96 : index
        %get3A_1055 = tpu.vector_load %arg12[%get3A_1053, %get3A_1054] {strides = array<i32>} : memref<128x128xf32, #tpu.memory_space<vmem>>, vector<16xf32>,
        %mul3A_1056 = arith.mulf %get3A_1055, %gather3A_1010 : vector<16xf32>
        %swap3A_1057 = arith.index_cast %add3A_1005 : i32 to index
        %swap3A_1058 = arith.constant 96 : index
        %swap3A_1059 = tpu.vector_load %arg12[%swap3A_1057, %swap3A_1058] {strides = array<i32>} : memref<128x128xf32, #tpu.memory_space<vmem>>, vector<16xf32>,
        tpu.vector_store %arg12[%swap3A_1057, %swap3A_1058], %mul3A_1056 {strides = array<i32>} : memref<128x128xf32, #tpu.memory_space<vmem>>, vector<16xf32>,
        %get3A_1060 = arith.index_cast %add3A_1005 : i32 to index
        %get3A_1061 = arith.constant 112 : index
        %get3A_1062 = tpu.vector_load %arg12[%get3A_1060, %get3A_1061] {strides = array<i32>} : memref<128x128xf32, #tpu.memory_space<vmem>>, vector<16xf32>,
        %mul3A_1063 = arith.mulf %get3A_1062, %gather3A_1010 : vector<16xf32>
        %swap3A_1064 = arith.index_cast %add3A_1005 : i32 to index
        %swap3A_1065 = arith.constant 112 : index
        %swap3A_1066 = tpu.vector_load %arg12[%swap3A_1064, %swap3A_1065] {strides = array<i32>} : memref<128x128xf32, #tpu.memory_space<vmem>>, vector<16xf32>,
        tpu.vector_store %arg12[%swap3A_1064, %swap3A_1065], %mul3A_1063 {strides = array<i32>} : memref<128x128xf32, #tpu.memory_space<vmem>>, vector<16xf32>,
      }
      %scan3A_29 = arith.constant 8 : i32
      "tpu.region"() ({
        %run_scoped3A = tpu.sem_alloc : memref<!tpu.dma_semaphore, #tpu.memory_space<semaphore_mem>>
        %dma_start3A_30 = arith.constant 0 : i32
        %dma_start3A_31 = tpu.memref_slice %arg10[%scan3A_13, %dma_start3A_30] : memref<80x128xi32, #tpu.memory_space<vmem>> -> memref<1x128xi32, #tpu.memory_space<vmem>>
        %dma_start3A_32 = tpu.memref_squeeze %dma_start3A_31 : memref<1x128xi32, #tpu.memory_space<vmem>> -> memref<128xi32, #tpu.memory_space<vmem>>
        %dma_start3A_33 = arith.constant 0 : i32
        %dma_start3A_34 = arith.constant 0 : i32
        %dma_start3A_35 = tpu.memref_slice %arg8[%dma_start3A_33, %dma_start3A_34] : memref<10240x128xf32, #tpu.memory_space<vmem_shared>> -> memref<10240x128xf32, #tpu.memory_space<vmem_shared>>
        tpu.enqueue_indirect_dma source(%arg12 : memref<128x128xf32, #tpu.memory_space<vmem>>) target(%dma_start3A_35 : memref<10240x128xf32, #tpu.memory_space<vmem_shared>>) offsets(%dma_start3A_32 : memref<128xi32, #tpu.memory_space<vmem>>) semaphore(%run_scoped3A : memref<!tpu.dma_semaphore, #tpu.memory_space<semaphore_mem>>) {add = true}
        %dma_wait3A_36 = arith.constant 0 : i32
        %dma_wait3A_37 = tpu.memref_slice %arg10[%scan3A_13, %dma_wait3A_36] : memref<80x128xi32, #tpu.memory_space<vmem>> -> memref<1x128xi32, #tpu.memory_space<vmem>>
        %dma_wait3A_38 = tpu.memref_squeeze %dma_wait3A_37 : memref<1x128xi32, #tpu.memory_space<vmem>> -> memref<128xi32, #tpu.memory_space<vmem>>
        %dma_wait3A_39 = arith.constant 0 : i32
        %dma_wait3A_40 = arith.constant 0 : i32
        %dma_wait3A_41 = tpu.memref_slice %arg8[%dma_wait3A_39, %dma_wait3A_40] : memref<10240x128xf32, #tpu.memory_space<vmem_shared>> -> memref<10240x128xf32, #tpu.memory_space<vmem_shared>>
        tpu.wait_indirect_dma semaphore(%run_scoped3A : memref<!tpu.dma_semaphore, #tpu.memory_space<semaphore_mem>>) src(%arg12 : memref<128x128xf32, #tpu.memory_space<vmem>>) dst(%dma_wait3A_41 : memref<10240x128xf32, #tpu.memory_space<vmem_shared>>)
        tpu.yield
      }) : () -> ()
    }
    %scan3A_7 = arith.constant 80 : i32
    %barrier3A_8 = arith.constant 0 : index
    tpu.barrier barrier_id(%barrier3A_8)
    %mul3A_9 = arith.constant 640 : i32
    %mul3A_10 = arith.muli %arg1, %mul3A_9 : i32
    %mul3A_11 = arith.constant 640 : i32
    %mul3A_12 = arith.muli %arg1, %mul3A_11 : i32
    "tpu.region"() ({
      %run_scoped3A = tpu.sem_alloc : memref<!tpu.dma_semaphore, #tpu.memory_space<semaphore_mem>>
      %dma_start3A = arith.constant 0 : i32
      %dma_start3A_13 = tpu.memref_slice %arg7[%arg0, %mul3A_12, %dma_start3A] : memref<2x10240x128xf32, #tpu.memory_space<hbm>> -> memref<1x640x128xf32, #tpu.memory_space<hbm>>
      %dma_start3A_14 = tpu.memref_squeeze %dma_start3A_13 : memref<1x640x128xf32, #tpu.memory_space<hbm>> -> memref<640x128xf32, #tpu.memory_space<hbm>>
      %dma_start3A_15 = arith.constant 0 : i32
      %dma_start3A_16 = tpu.memref_slice %arg8[%mul3A_10, %dma_start3A_15] : memref<10240x128xf32, #tpu.memory_space<vmem_shared>> -> memref<640x128xf32, #tpu.memory_space<vmem_shared>>
      tpu.enqueue_dma source(%dma_start3A_16 : memref<640x128xf32, #tpu.memory_space<vmem_shared>>) target(%dma_start3A_14 : memref<640x128xf32, #tpu.memory_space<hbm>>) target_semaphore(%run_scoped3A : memref<!tpu.dma_semaphore, #tpu.memory_space<semaphore_mem>>)
      %dma_wait3A = arith.constant 0 : i32
      %dma_wait3A_17 = tpu.memref_slice %arg7[%arg0, %mul3A_12, %dma_wait3A] : memref<2x10240x128xf32, #tpu.memory_space<hbm>> -> memref<1x640x128xf32, #tpu.memory_space<hbm>>
      %dma_wait3A_18 = tpu.memref_squeeze %dma_wait3A_17 : memref<1x640x128xf32, #tpu.memory_space<hbm>> -> memref<640x128xf32, #tpu.memory_space<hbm>>
      %dma_wait3A_19 = arith.constant 0 : i32
      %dma_wait3A_20 = tpu.memref_slice %arg8[%mul3A_10, %dma_wait3A_19] : memref<10240x128xf32, #tpu.memory_space<vmem_shared>> -> memref<640x128xf32, #tpu.memory_space<vmem_shared>>
      tpu.wait_dma2 semaphore(%run_scoped3A : memref<!tpu.dma_semaphore, #tpu.memory_space<semaphore_mem>>) src(%dma_wait3A_20 : memref<640x128xf32, #tpu.memory_space<vmem_shared>>) dst(%dma_wait3A_18 : memref<640x128xf32, #tpu.memory_space<hbm>>)
      tpu.yield
    }) : () -> ()
    return
  }
}

module attributes {stable_mosaic.version = 14 : i64} {
  func.func @_combine_body(%arg0: i32, %arg1: memref<2x1000x128xf32, #tpu.memory_space<vmem>>, %arg2: memref<1000x128xf32, #tpu.memory_space<vmem>>) attributes {dimension_semantics = [#tpu.dimension_semantics<arbitrary>], iteration_bounds = array<i64: 10>, scalar_prefetch = 0 : i64, scratch_operands = 0 : i64, tpu.core_type = #tpu.core_type<tc>, window_params = [{transform_indices = @transform_0, window_bounds = array<i64: 2, 1000, 128>}, {transform_indices = @transform_1, window_bounds = array<i64: 1000, 128>}]} {
    %get3A = arith.constant 0 : index
    %get3A_0 = arith.constant 0 : index
    %get3A_1 = arith.constant 0 : index
    %get3A_2 = vector.load %arg1[%get3A, %get3A_0, %get3A_1] : memref<2x1000x128xf32, #tpu.memory_space<vmem>>, vector<1x1000x128xf32>
    %get3A_3 = vector.shape_cast %get3A_2 : vector<1x1000x128xf32> to vector<1000x128xf32>
    %get3A_4 = arith.constant 1 : index
    %get3A_5 = arith.constant 0 : index
    %get3A_6 = arith.constant 0 : index
    %get3A_7 = vector.load %arg1[%get3A_4, %get3A_5, %get3A_6] : memref<2x1000x128xf32, #tpu.memory_space<vmem>>, vector<1x1000x128xf32>
    %get3A_8 = vector.shape_cast %get3A_7 : vector<1x1000x128xf32> to vector<1000x128xf32>
    %add3A = arith.addf %get3A_3, %get3A_8 : vector<1000x128xf32>
    %swap3A = arith.constant 0 : index
    %swap3A_9 = arith.constant 0 : index
    %swap3A_10 = vector.load %arg2[%swap3A, %swap3A_9] : memref<1000x128xf32, #tpu.memory_space<vmem>>, vector<1000x128xf32>
    tpu.vector_store %arg2[%swap3A, %swap3A_9], %add3A {strides = array<i32>} : memref<1000x128xf32, #tpu.memory_space<vmem>>, vector<1000x128xf32>,
    return
  }
  func.func @transform_0(%arg0: i32) -> (i32, i32, i32) {
    %c0_i32 = arith.constant 0 : i32
    %c0_i32_0 = arith.constant 0 : i32
    %c0_i32_1 = arith.constant 0 : i32
    return %c0_i32, %arg0, %c0_i32_0 : i32, i32, i32
  }
  func.func @transform_1(%arg0: i32) -> (i32, i32) {
    %c0_i32 = arith.constant 0 : i32
    %c0_i32_0 = arith.constant 0 : i32
    return %arg0, %c0_i32 : i32, i32
  }
}

module attributes {stable_mosaic.version = 14 : i64} {
  func.func @_final_body(%arg0: i32, %arg1: memref<1000x128xf32, #tpu.memory_space<vmem>>, %arg2: memref<1000x128xf32, #tpu.memory_space<vmem>>, %arg3: memref<2x1000x128xf32, #tpu.memory_space<vmem>>, %arg4: memref<1000x128xf32, #tpu.memory_space<vmem>>) attributes {dimension_semantics = [#tpu.dimension_semantics<arbitrary>], iteration_bounds = array<i64: 10>, scalar_prefetch = 0 : i64, scratch_operands = 0 : i64, tpu.core_type = #tpu.core_type<tc>, window_params = [{transform_indices = @transform_0, window_bounds = array<i64: 1000, 128>}, {transform_indices = @transform_1, window_bounds = array<i64: 1000, 128>}, {transform_indices = @transform_2, window_bounds = array<i64: 2, 1000, 128>}, {transform_indices = @transform_3, window_bounds = array<i64: 1000, 128>}]} {
    %get3A = arith.constant 0 : index
    %get3A_0 = arith.constant 0 : index
    %get3A_1 = vector.load %arg1[%get3A, %get3A_0] : memref<1000x128xf32, #tpu.memory_space<vmem>>, vector<1000x128xf32>
    %get3A_2 = arith.constant 0 : index
    %get3A_3 = arith.constant 0 : index
    %get3A_4 = vector.load %arg2[%get3A_2, %get3A_3] : memref<1000x128xf32, #tpu.memory_space<vmem>>, vector<1000x128xf32>
    %add3A = arith.addf %get3A_1, %get3A_4 : vector<1000x128xf32>
    %get3A_5 = arith.constant 0 : index
    %get3A_6 = arith.constant 0 : index
    %get3A_7 = arith.constant 0 : index
    %get3A_8 = vector.load %arg3[%get3A_5, %get3A_6, %get3A_7] : memref<2x1000x128xf32, #tpu.memory_space<vmem>>, vector<1x1000x128xf32>
    %get3A_9 = vector.shape_cast %get3A_8 : vector<1x1000x128xf32> to vector<1000x128xf32>
    %add3A_10 = arith.addf %add3A, %get3A_9 : vector<1000x128xf32>
    %get3A_11 = arith.constant 1 : index
    %get3A_12 = arith.constant 0 : index
    %get3A_13 = arith.constant 0 : index
    %get3A_14 = vector.load %arg3[%get3A_11, %get3A_12, %get3A_13] : memref<2x1000x128xf32, #tpu.memory_space<vmem>>, vector<1x1000x128xf32>
    %get3A_15 = vector.shape_cast %get3A_14 : vector<1x1000x128xf32> to vector<1000x128xf32>
    %add3A_16 = arith.addf %add3A_10, %get3A_15 : vector<1000x128xf32>
    %mul3A = arith.constant 0.333333343 : f32
    %mul3A_17 = vector.broadcast %mul3A : f32 to vector<1000x128xf32>
    %mul3A_18 = arith.mulf %add3A_16, %mul3A_17 : vector<1000x128xf32>
    %swap3A = arith.constant 0 : index
    %swap3A_19 = arith.constant 0 : index
    %swap3A_20 = vector.load %arg4[%swap3A, %swap3A_19] : memref<1000x128xf32, #tpu.memory_space<vmem>>, vector<1000x128xf32>
    tpu.vector_store %arg4[%swap3A, %swap3A_19], %mul3A_18 {strides = array<i32>} : memref<1000x128xf32, #tpu.memory_space<vmem>>, vector<1000x128xf32>,
    return
  }
  func.func @transform_0(%arg0: i32) -> (i32, i32) {
    %c0_i32 = arith.constant 0 : i32
    %c0_i32_0 = arith.constant 0 : i32
    return %arg0, %c0_i32 : i32, i32
  }
  func.func @transform_1(%arg0: i32) -> (i32, i32) {
    %c0_i32 = arith.constant 0 : i32
    %c0_i32_0 = arith.constant 0 : i32
    return %arg0, %c0_i32 : i32, i32
  }
  func.func @transform_2(%arg0: i32) -> (i32, i32, i32) {
    %c0_i32 = arith.constant 0 : i32
    %c0_i32_0 = arith.constant 0 : i32
    %c0_i32_1 = arith.constant 0 : i32
    return %c0_i32, %arg0, %c0_i32_0 : i32, i32, i32
  }
  func.func @transform_3(%arg0: i32) -> (i32, i32) {
    %c0_i32 = arith.constant 0 : i32
    %c0_i32_0 = arith.constant 0 : i32
    return %arg0, %c0_i32 : i32, i32
  }
}

</mosaic_0001>

<sc_bundles>
// kernel: kernel.6.cloned.1.call-start
scs
__scs_entry_jumppad:
0x0: {  	(pc) =	sbr.rel $0x88, $3  }
0x1: {  	(tag) =	ssettag $0x0;
	lr =	simm.s32 $0x1  }
0x2: {  	[smem:$0x3F9E] =	sst lr;
	_ =	strace $0xD0000000  }
0x3: {  	_ = 	snop  }
0x4: {  	_ = 	snop  }
0x5: {  	_ = 	snop  }
0x6: {  	_ = 	snop  }
0x7: {  	_ = 	snop  }
__scs_overlays_trampoline_lowered:
0x8: {  	[smem:$0x3FAD] =	sst s0  }
0x9: {  	[smem:$0x3FAE] =	sst s1  }
0xa: {  	[smem:$0x3FAF] =	sst s2  }
0xb: {  	[smem:$0x3FB0] =	sst s3  }
0xc: {  	[smem:$0x3FB1] =	sst s4  }
0xd: {  	[smem:$0x3FB2] =	sst s5  }
0xe: {  	[smem:$0x3FB3] =	sst s6  }
0xf: {  	[smem:$0x3FB4] =	sst s7  }
0x10: {  	[smem:$0x3FB5] =	sst s8  }
0x11: {  	[smem:$0x3FB6] =	sst s9;
	s0 =	simm.s32 @!p0 $0x0  }
0x12: {  	s1 =	sld [smem:$0x3F9C];
	s0 =	simm.s32 @p0 $0x1  }
0x13: {  	[smem:$0x3FB7] =	sst s0;
	s0 =	simm.s32 @!p1 $0x0  }
0x14: {  	s2 =	sld [smem:$0x3F9B];
	s0 =	simm.s32 @p1 $0x1  }
0x15: {  	[smem:$0x3FB8] =	sst s0;
	s0 =	simm.s32 @!p2 $0x0  }
0x16: {  	s3 =	sld [smem:$0x3FDB];
	s0 =	simm.s32 @p2 $0x1  }
0x17: {  	s4 =	simm.s32 $0x1BF5;
	[smem:$0x3FBA] =	sst s0  }
0x18: {  	s0 =	sld [smem:$0x3F9D];
	_ =	swait.ge [sflag:s4], $0x0  }
0x19: {  	s7 =	sld [smem:$0x3F9E]  }
0x1a: {  	s8 =	sadd.s32 $0xFFFFE003, lr  }
0x1b: {  	s9 =	sadd.s32 $0xFFFFFEF7, lr;
	s5 =	simm.s32 $0xFFFFFFFF;
	p2 =	slt.u32 s8, $0xFFFFF086  }
0x1c: {  	p1 =	slt.u32 s9, $0xF7A;
	s5 =	simm.s32 @!p2 $0x0  }
0x1d: {  	s5 =	simm.s32 @p1 $0x1;
	p0 =	seq.s32 s7, s2  }
0x1e: {  	s7 =	smul.u32 @!p0 $0xF7A, s2;
	p2 =	seq.s32 @!p0 s5, $0x0  }
0x1f: {  	s9 =	smul.u32 $0xF7A, s1;
	s8 =	simm.s32 @!p0 $0x1BF5;
	p2 =	por !p2, p0  }
0x20: {  	[sflag:s8] =	ssyncset.s32 @!p0 $0xFFFFF086;
	s6 =	sadd.s32 @!p0 s3, s7;
	s7 =	simm.s32 @!p0 $0x108  }
0x21: {  	s3 =	sadd.s32 s3, s9;
	s6 =	sadd.s32 @!p0 $0x88, s6;
	s7 =	simm.s32 @p2 $0x1082  }
0x22: {  	[simem:s7], [sflag:s8] =	dma.local @!p0 [hbm:s6], $0xF7A  }
0x23: {  	s9 =	sor.u32 $0xD0000000, s2;
	s6 =	simm.s32 $0x108;
	_ =	swait.ge @!p0 [sflag:s8], $0x0  }
0x24: {  	s3 =	sadd.s32 $0x88, s3;
	s6 =	simm.s32 @!p1 $0x1082;
	[sflag:s4] =	ssyncset.s32 $0xFFFFF086  }
0x25: {  	[simem:s6], [sflag:s4] =	dma.local [hbm:s3], $0xF7A  }
0x26: {  	[smem:$0x3F9E] =	sst s1;
	(tag) =	ssettag s2;
	_ =	strace s9  }
0x27: {  	s1 =	sld [smem:$0x3FAE]  }
0x28: {  	s2 =	sld [smem:$0x3FAF]  }
0x29: {  	s4 =	sld [smem:$0x3FB1]  }
0x2a: {  	p0 =	seq.s32 s5, $0x0;
	s5 =	sld [smem:$0x3FB2]  }
0x2b: {  	s6 =	sld [smem:$0x3FB3]  }
0x2c: {  	s7 =	sld [smem:$0x3FB4]  }
0x2d: {  	s3 =	simm.s32 $0x108;
	s8 =	sld [smem:$0x3FB5]  }
0x2e: {  	s3 =	simm.s32 @!p0 $0x1082;
	s9 =	sld [smem:$0x3FB6]  }
0x2f: {  	lr =	sadd.s32 s0, s3;
	s0 =	sld [smem:$0x3FAD]  }
0x30: {  	s3 =	sld [smem:$0x3FB0]  }
0x31: {  	[smem:$0x3FB9] =	sst s10  }
0x32: {  	s10 =	sld [smem:$0x3FB7];
	_ =	sdelay $0x3  }
0x33: {  	p0 =	seq.s32 s10, $0x1;
	s10 =	sld [smem:$0x3FB9];
	_ =	sdelay $0x3  }
0x34: {  	[smem:$0x3FB9] =	sst s10  }
0x35: {  	s10 =	sld [smem:$0x3FB8];
	_ =	sdelay $0x3  }
0x36: {  	p1 =	seq.s32 s10, $0x1;
	s10 =	sld [smem:$0x3FB9];
	_ =	sdelay $0x3  }
0x37: {  	[smem:$0x3FB9] =	sst s10  }
0x38: {  	s10 =	sld [smem:$0x3FBA]  }
0x39: {  	_ = 	snop;
	(pc) =	sbr.ind lr, $3  }
0x3a: {  	_ = 	snop  }
0x3b: {  	_ = 	snop  }
0x3c: {  	p2 =	seq.s32 s10, $0x1;
	s10 =	sld [smem:$0x3FB9]  }
0x3d: {  	_ =	shalt  }
0x3e: {  	_ =	shalt  }
0x3f: {  	_ =	shalt  }
0x40: {  	_ =	shalt  }
0x41: {  	_ =	shalt  }
0x42: {  	_ =	shalt  }
0x43: {  	_ =	shalt  }
0x44: {  	_ =	shalt  }
0x45: {  	_ =	shalt  }
0x46: {  	_ =	shalt  }
0x47: {  	_ =	shalt  }
0x48: {  	_ =	shalt  }
0x49: {  	_ =	shalt  }
0x4a: {  	_ =	shalt  }
0x4b: {  	_ =	shalt  }
0x4c: {  	_ =	shalt  }
0x4d: {  	_ =	shalt  }
0x4e: {  	_ =	shalt  }
0x4f: {  	_ =	shalt  }
0x50: {  	_ =	shalt  }
0x51: {  	_ =	shalt  }
0x52: {  	_ =	shalt  }
0x53: {  	_ =	shalt  }
0x54: {  	_ =	shalt  }
0x55: {  	_ =	shalt  }
0x56: {  	_ =	shalt  }
0x57: {  	_ =	shalt  }
0x58: {  	_ =	shalt  }
0x59: {  	_ =	shalt  }
0x5a: {  	_ =	shalt  }
0x5b: {  	_ =	shalt  }
0x5c: {  	_ =	shalt  }
0x5d: {  	_ =	shalt  }
0x5e: {  	_ =	shalt  }
0x5f: {  	_ =	shalt  }
0x60: {  	_ =	shalt  }
0x61: {  	_ =	shalt  }
0x62: {  	_ =	shalt  }
0x63: {  	_ =	shalt  }
0x64: {  	_ =	shalt  }
0x65: {  	_ =	shalt  }
0x66: {  	_ =	shalt  }
0x67: {  	_ =	shalt  }
0x68: {  	_ =	shalt  }
0x69: {  	_ =	shalt  }
0x6a: {  	_ =	shalt  }
0x6b: {  	_ =	shalt  }
0x6c: {  	_ =	shalt  }
0x6d: {  	_ =	shalt  }
0x6e: {  	_ =	shalt  }
0x6f: {  	_ =	shalt  }
0x70: {  	_ =	shalt  }
0x71: {  	_ =	shalt  }
0x72: {  	_ =	shalt  }
0x73: {  	_ =	shalt  }
0x74: {  	_ =	shalt  }
0x75: {  	_ =	shalt  }
0x76: {  	_ =	shalt  }
0x77: {  	_ =	shalt  }
0x78: {  	_ =	shalt  }
0x79: {  	_ =	shalt  }
0x7a: {  	_ =	shalt  }
0x7b: {  	_ =	shalt  }
0x7c: {  	_ =	shalt  }
0x7d: {  	_ =	shalt  }
0x7e: {  	_ =	shalt  }
0x7f: {  	_ =	shalt  }
0x80: {  	_ =	shalt  }
0x81: {  	_ =	shalt  }
0x82: {  	_ =	shalt  }
0x83: {  	_ =	shalt  }
0x84: {  	_ =	shalt  }
0x85: {  	_ =	shalt  }
0x86: {  	_ =	shalt  }
0x87: {  	_ =	shalt  }
.Lfunc_end0:
.L_simem_size_0:
called_computation_lowered:
.L_overlay_start_0:
0x88: {  	s2 =	sld [smem:$0x3FD9]  }
0x89: {  	s3 =	sld [smem:$0x3FFE];
	_ =	sdelay $0x1  }
0x8a: {  	s1 =	srdreg.scid  }
0x8b: {  	s0 =	sand.u32 $0x1, s1  }
0x8c: {  	s17 =	sshll.u32 s0, $0xA;
	s2 =	sadd.s32 s3, s2  }
0x8d: {  	s2 =	sadd.s32 s2, s17  }
0x8e: {  	[smem:$0x3FC5] =	sst s2  }
0x8f: {  	_ = 	snop  }
0x90: {  	s2 =	sld [smem:$0x3FC9];
	(tm) =	ssettm $0x1  }
0x91: {  	s18 =	sld [smem:$0x3FFB];
	_ =	sdelay $0x3  }
0x92: {  	_ =	strace s18  }
0x93: {  	s3 =	sld [smem:$0x3FFC];
	_ =	sdelay $0x3  }
0x94: {  	_ =	strace s3  }
0x95: {  	s3 =	sld [smem:$0x3FFD];
	_ =	sdelay $0x3  }
0x96: {  	_ =	strace s3  }
0x97: {  	_ =	strace $0x8FFFFFFF  }
0x98: {  	s19 =	sld [smem:$0x3FDB];
	_ =	sdelay $0x1  }
0x99: {  	s4 =	simm.s32 $_scs_section_size  }
0x9a: {  	s5 =	simm.s32 $_size__tile_overlayer_lowered;
	s6 =	simm.s32 $_tile_overlayer_lowered  }
0x9b: {  	s22 =	simm.s32 $0x1BFF;
	s21 =	sshll.u32 s6, $0x1;
	s3 =	sadd.s32 s4, s19  }
0x9c: {  	s7 =	simm.s32 $0x0;
	s20 =	sshll.u32 s5, $0x1;
	s5 =	sadd.s32 s21, s3  }
0x9d: {  	[timem:s7], [sflag:s22] =	dma.local [hbm:s5], s20  }
0x9e: {  	_ =	swait.ge [sflag:s22], s20  }
0x9f: {  	s4 =	ssub.s32 $0x0, s20;
	[sflag:s22] =	ssyncset.done $0x0  }
0xa0: {  	[sflag:s22] =	ssyncadd.s32 s4;
	_ =	sdelay $0x1  }
0xa1: {  	s23 =	simm.s32 $0x1B8B  }
0xa2: {  	_ =	swait.ge [sflag:s23], $0x1  }
0xa3: {  	[sflag:s23] =	ssyncset.done $0x0  }
0xa4: {  	s25 =	simm.s32 $0x1B8E;
	s24 =	sld [smem:$0x3FFE];
	[sflag:s23] =	ssyncadd.s32 $0xFFFFFFFF  }
0xa5: {  	s26 =	simm.s32 $execute0_lowered;
	[smem:$0x3FD2] =	sst s25  }
0xa6: {  	s5 =	sshll.u32 s26, $0x1;
	_ =	strace $0x80000046;
	[dreg:$0x1] =	wrdreg $0xFFFFFFFF  }
0xa7: {  	s28 =	simm.s32 $_size_execute0_lowered;
	s3 =	sadd.s32 s3, s5;
	[dreg:$0x0] =	wrdreg $0x0  }
0xa8: {  	s5 =	sshll.u32 s28, $0x1;
	[dreg:$0x2] =	wrdreg s3  }
0xa9: {  	[dreg:$0x3] =	wrdreg s5  }
0xaa: {  	[dreg:$0x4] =	wrdreg $0xC0  }
0xab: {  	_ =	task [dreg:s7], $0x5FFFF  }
0xac: {  	[dreg:$0x1] =	wrdreg $0xFFFFFFFF  }
0xad: {  	[dreg:$0x0] =	wrdreg $0x60  }
0xae: {  	[dreg:$0x2] =	wrdreg s2  }
0xaf: {  	[dreg:$0x3] =	wrdreg s24  }
0xb0: {  	[dreg:$0x4] =	wrdreg $0x0  }
0xb1: {  	[dreg:$0x5] =	wrdreg $0x9  }
0xb2: {  	_ =	task.clear_ibuf [dreg:s7], $0x6FFFF;
	_ =	strace $0x90000046  }
0xb3: {  	s29 =	simm.s32 $0x9;
	_ =	strace $0x80000048  }
0xb4: {  	_ =	swait.ge [sflag:s29], $0x1  }
0xb5: {  	[sflag:s29] =	ssyncadd.s32 $0xFFFFFFFF  }
0xb6: {  	_ =	strace $0x90000048  }
0xb7: {  	_ =	sfence  }
0xb8: {  	s30 =	sld [smem:$0x0];
	_ =	sdelay $0x2  }
0xb9: {  	s31 =	sshll.u32 s1, $0xD;
	s1 =	sshrl.u32 s1, $0x2  }
0xba: {  	s3 =	sand.u32 $0x4000, s31;
	s1 =	sadd.s32 s1, s30  }
0xbb: {  	s0 =	sor.u32 s3, s0;
	s1 =	sshll.u32 s1, $0x11  }
0xbc: {  	s0 =	sor.u32 s1, s0  }
0xbd: {  	s0 =	sadd.s32 $0x8F2B, s0  }
0xbe: {  	[sflag:s0] =	ssyncadd.remote.s32 $0x1  }
0xbf: {  	_ =	sfence.sel $0xFFFF  }
0xc0: {  	[dreg:$0x0] =	wrdreg $0xFFFFFFFF;
	(pc) =	sbr.abs _section_cstart, $3  }
0xc1: {  	[dreg:$0x1] =	wrdreg $0xFFFFFFFF  }
0xc2: {  	_ =	task.clear_ibuf [dreg:s7], $0x2FFFF;
	_ =	strace $0x9FFFFFFF  }
0xc3: {  	(tm) =	ssettm $0x7FFFFFFF  }
tec
execute0_lowered:
.L_overlay_start_1:
0x0: {  	(tag) =	ssettag $0x1  }
0x1: {  	s1 =	rddreg [dreg:$0x0]  }
0x2: {  	s7 =	rddreg [dreg:$0x1]  }
0x3: {  	s0 =	srdreg.scid;
	s3 =	rddreg [dreg:$0x2];
	s14 =	simm.s32 $0x80  }
0x4: {  	s15 =	simm.s32 $0x400;
	s16 =	simm.s32 $0x19000;
	s19 =	simm.s32 $0x1B800  }
0x5: {  	s20 =	simm.s32 $0x1;
	s21 =	simm.s32 $0x0;
	s6 =	sand.u32 $0x1, s0  }
0x6: {  	s0 =	stileid.u32;
	s2 =	sshll.u32 s6, $0x4;
	s29 =	smul.u32 $0x140000, s6  }
0x7: {  	s8 =	sshll.u32 s0, $0x7;
	s10 =	smul.u32 $0x14000, s0;
	s6 =	ssub.s32 $0x2, s6  }
0x8: {  	s12 =	smul.u32 $0x50000, s0;
	s17 =	sshll.u32 s0, $0x6;
	s4 =	sor.u32 s0, s2  }
0x9: {  	s8 =	sand.u32 $0x380, s8;
	s30 =	sshrl.u32 s6, $0x1;
	s17 =	sor.u32 $0x1C02, s17  }
0xa: {  	s2 =	sshrl.u32 s4, $0x3;
	s9 =	smul.u32 $0x500, s4;
	s4 =	simm.s32 $0x0  }
0xb: {  	s31 =	sshrl.u32 s12, $0x2;
	s5 =	smul.u32 $0x14000, s2;
	s2 =	rddreg [dreg:$0x3]  }
0xc: {  	s12 =	simm.s32 $0x2;
	[smem:$0x7FF] =	sst s4;
	s18 =	sadd.s32 s31, s3  }
0xd: {  	_ =	strace $0x80000047;
	s9 =	sadd.s32 s9, s7;
	s18 =	sshrl.u32 s18, $0x3  }
0xe: {  	s5 =	sor.u32 s8, s5;
	s8 =	sadd.s32 s10, s29;
	s10 =	ssub.s32 s6, s30  }
0xf: {  	s6 =	sadd.s32 $0x15200, s9;
	s5 =	sshrl.u32 s5, $0x3;
	s8 =	sshrl.u32 s8, $0x3  }
0x10: {  	s10 =	smax.u32 s10, $0x1;
	s11 =	sadd.s32 s5, s7;
	s5 =	sadd.s32 $0x1F200, s7  }
0x11: {  	s13 =	sadd.s32 s8, s7;
	s7 =	sadd.s32 $0xB200, s9;
	s8 =	sadd.s32 $0x1200, s11  }
0x12: {  	s9 =	sadd.s32 $0x21A00, s13;
	s11 =	simm.s32 $0x14000;
	s13 =	simm.s32 $0x16800  }
.LBB2_1:
0x13: {  	[tilespmem:s11], [sflag:$0x2] =	stream.linear.gather [hbm4b:s6+s4], $0x2800, $0x38;
	[tilespmem:$0x1F800] =	vst v63  }
0x14: {  	_ =	swait.ge [sflag:s12], $0x2800  }
0x15: {  	[sflag:s12] =	ssyncset.done $0x0  }
0x16: {  	[sflag:s12] =	ssyncadd.s32 $0xFFFFD800  }
0x17: {  	[tilespmem:s13], [sflag:$0x2] =	stream.linear.gather [hbm4b:s7+s4], $0x2800, $0x38;
	[tilespmem:$0x1F800] =	vst v63  }
0x18: {  	_ =	swait.ge [sflag:s12], $0x2800  }
0x19: {  	[sflag:s12] =	ssyncset.done $0x0  }
0x1a: {  	[sflag:s12] =	ssyncadd.s32 $0xFFFFD800  }
0x1b: {  	[tilespmem:s16], [sflag:$0x2] =	stream.strided.gather [hbm4b:s8+s14], $0x2800, s15, s14, $0x38;
	[tilespmem:$0x1F800] =	vst v63  }
0x1c: {  	_ =	swait.ge [sflag:s12], $0x2800  }
0x1d: {  	[sflag:s12] =	ssyncset.done $0x0  }
0x1e: {  	[sflag:s12] =	ssyncadd.s32 $0xFFFFD800  }
0x1f: {  	[spmem:s18], [sflag:s17] =	dma.local [hbm:s5], $0x2800  }
0x20: {  	_ =	swait.ge [sflag:s12], $0x2800  }
0x21: {  	[sflag:s12] =	ssyncset.done $0x0  }
0x22: {  	[sflag:s12] =	ssyncadd.s32 $0xFFFFD800  }
0x23: {  	s22 =	simm.s32 $0x0;
	[bflag:$0x0] =	sbarrier.arrive $0xFFFF  }
.LBB2_2:
0x24: {  	s23 =	sshll.u32 s22, $0x7  }
0x25: {  	s24 =	sadd.s32 $0x14000, s23  }
0x26: {  	[tilespmem:s19], [sflag:$0x1] =	stream.indirect.gather [hbm4b:s1+s14], $0x80, s24, s14, $0xb8;
	[tilespmem:$0x1F800] =	vst v63  }
0x27: {  	_ =	swait.ge [sflag:s20], $0x4000  }
0x28: {  	[sflag:s20] =	ssyncset.done $0x0  }
0x29: {  	s24 =	simm.s32 $0x0;
	[sflag:s20] =	ssyncadd.s32 $0xFFFFC000  }
.LBB2_3:
0x2a: {  	s25 =	sshll.u32 s24, $0x4  }
0x2b: {  	s26 =	sor.u32 s23, s25  }
0x2c: {  	v0 =	vmov s26  }
0x2d: {  	v0 =	vand.u32 $0xFFFFFFF0, v0  }
0x2e: {  	v0 =	vbroadcast v0, $0x0;
	_ =	sdelay $0x2  }
0x2f: {  	s28 =	sshll.u32 s24, $0xB  }
0x30: {  	s26 =	sand.u32 $0x3FFFF800, s28  }
0x31: {  	v1 =	vld [tilespmem:s26+$0x1B800]  }
0x32: {  	v0 =	vld.idx.msk [tilespmem:v0+s16+$0x0], $0xffff  }
0x33: {  	v2 =	vld [tilespmem:s26+$0x1B810]  }
0x34: {  	v3 =	vld [tilespmem:s26+$0x1B820]  }
0x35: {  	v4 =	vld [tilespmem:s26+$0x1B830]  }
0x36: {  	v5 =	vld [tilespmem:s26+$0x1B840]  }
0x37: {  	v6 =	vld [tilespmem:s26+$0x1B850];
	v1 =	vmul.f32 v1, v0  }
0x38: {  	s28 =	sor.u32 $0x1, s25;
	v7 =	vld [tilespmem:s26+$0x1B860];
	v2 =	vmul.f32 v2, v0  }
0x39: {  	s29 =	sor.u32 s23, s28;
	v24 =	vld [tilespmem:s26+$0x1B870];
	v23 =	vmul.f32 v3, v0;
	[tilespmem:s26+$0x1B800] =	vst v1  }
0x3a: {  	v8 =	vmov s29;
	v25 =	vmul.f32 v4, v0;
	[tilespmem:s26+$0x1B810] =	vst v2  }
0x3b: {  	v26 =	vand.u32 $0xFFFFFFF1, v8;
	v27 =	vmul.f32 v5, v0;
	[tilespmem:s26+$0x1B820] =	vst v23  }
0x3c: {  	v4 =	vbroadcast v26, $0x0;
	v28 =	vmul.f32 v6, v0;
	[tilespmem:s26+$0x1B830] =	vst v25  }
0x3d: {  	v29 =	vmul.f32 v7, v0;
	[tilespmem:s26+$0x1B840] =	vst v27  }
0x3e: {  	v0 =	vmul.f32 v24, v0;
	[tilespmem:s26+$0x1B850] =	vst v28  }
0x3f: {  	s29 =	sshll.u32 s28, $0x7;
	[tilespmem:s26+$0x1B860] =	vst v29  }
0x40: {  	[tilespmem:s26+$0x1B870] =	vst v0;
	s26 =	sand.u32 $0x3FFFF880, s29  }
0x41: {  	v1 =	vld [tilespmem:s26+$0x1B800]  }
0x42: {  	v0 =	vld.idx.msk [tilespmem:v4+s16+$0x0], $0xffff  }
0x43: {  	v2 =	vld [tilespmem:s26+$0x1B810]  }
0x44: {  	v30 =	vld [tilespmem:s26+$0x1B820]  }
0x45: {  	v31 =	vld [tilespmem:s26+$0x1B830]  }
0x46: {  	v32 =	vld [tilespmem:s26+$0x1B840]  }
0x47: {  	s30 =	sor.u32 $0x2, s25;
	v33 =	vld [tilespmem:s26+$0x1B850];
	v1 =	vmul.f32 v1, v0  }
0x48: {  	s31 =	sor.u32 s23, s30;
	v34 =	vld [tilespmem:s26+$0x1B860];
	v2 =	vmul.f32 v2, v0  }
0x49: {  	v37 =	vmov s31;
	v36 =	vld [tilespmem:s26+$0x1B870];
	v35 =	vmul.f32 v30, v0;
	[tilespmem:s26+$0x1B800] =	vst v1  }
0x4a: {  	v39 =	vand.u32 $0xFFFFFFF2, v37;
	v38 =	vmul.f32 v31, v0;
	[tilespmem:s26+$0x1B810] =	vst v2  }
0x4b: {  	v4 =	vbroadcast v39, $0x0;
	v40 =	vmul.f32 v32, v0;
	[tilespmem:s26+$0x1B820] =	vst v35  }
0x4c: {  	v41 =	vmul.f32 v33, v0;
	[tilespmem:s26+$0x1B830] =	vst v38  }
0x4d: {  	v42 =	vmul.f32 v34, v0;
	[tilespmem:s26+$0x1B840] =	vst v40  }
0x4e: {  	v0 =	vmul.f32 v36, v0;
	[tilespmem:s26+$0x1B850] =	vst v41  }
0x4f: {  	[tilespmem:s26+$0x1B860] =	vst v42  }
0x50: {  	s29 =	sshll.u32 s30, $0x7;
	[tilespmem:s26+$0x1B870] =	vst v0  }
0x51: {  	s26 =	sand.u32 $0x3FFFF900, s29;
	v0 =	vld.idx.msk [tilespmem:v4+s16+$0x0], $0xffff  }
0x52: {  	v1 =	vld [tilespmem:s26+$0x1B800]  }
0x53: {  	v2 =	vld [tilespmem:s26+$0x1B810]  }
0x54: {  	v43 =	vld [tilespmem:s26+$0x1B820]  }
0x55: {  	v44 =	vld [tilespmem:s26+$0x1B830]  }
0x56: {  	v45 =	vld [tilespmem:s26+$0x1B840]  }
0x57: {  	s30 =	sor.u32 $0x3, s25;
	v46 =	vld [tilespmem:s26+$0x1B850];
	v1 =	vmul.f32 v1, v0  }
0x58: {  	s31 =	sor.u32 s23, s30;
	v47 =	vld [tilespmem:s26+$0x1B860];
	v2 =	vmul.f32 v2, v0  }
0x59: {  	v50 =	vmov s31;
	v49 =	vld [tilespmem:s26+$0x1B870];
	v48 =	vmul.f32 v43, v0;
	[tilespmem:s26+$0x1B800] =	vst v1  }
0x5a: {  	v52 =	vand.u32 $0xFFFFFFF3, v50;
	v51 =	vmul.f32 v44, v0;
	[tilespmem:s26+$0x1B810] =	vst v2  }
0x5b: {  	v4 =	vbroadcast v52, $0x0;
	v53 =	vmul.f32 v45, v0;
	[tilespmem:s26+$0x1B820] =	vst v48  }
0x5c: {  	v54 =	vmul.f32 v46, v0;
	[tilespmem:s26+$0x1B830] =	vst v51  }
0x5d: {  	v55 =	vmul.f32 v47, v0;
	[tilespmem:s26+$0x1B840] =	vst v53  }
0x5e: {  	v0 =	vmul.f32 v49, v0;
	[tilespmem:s26+$0x1B850] =	vst v54  }
0x5f: {  	[tilespmem:s26+$0x1B860] =	vst v55  }
0x60: {  	s29 =	sshll.u32 s30, $0x7;
	[tilespmem:s26+$0x1B870] =	vst v0  }
0x61: {  	s26 =	sand.u32 $0x3FFFF980, s29;
	v0 =	vld.idx.msk [tilespmem:v4+s16+$0x0], $0xffff  }
0x62: {  	v1 =	vld [tilespmem:s26+$0x1B800]  }
0x63: {  	v2 =	vld [tilespmem:s26+$0x1B810]  }
0x64: {  	v56 =	vld [tilespmem:s26+$0x1B820]  }
0x65: {  	v57 =	vld [tilespmem:s26+$0x1B830]  }
0x66: {  	v58 =	vld [tilespmem:s26+$0x1B840]  }
0x67: {  	s30 =	sor.u32 $0x4, s25;
	v59 =	vld [tilespmem:s26+$0x1B850];
	v1 =	vmul.f32 v1, v0  }
0x68: {  	s31 =	sor.u32 s23, s30;
	v60 =	vld [tilespmem:s26+$0x1B860];
	v2 =	vmul.f32 v2, v0  }
0x69: {  	v63 =	vmov s31;
	v62 =	vld [tilespmem:s26+$0x1B870];
	v61 =	vmul.f32 v56, v0;
	[tilespmem:s26+$0x1B800] =	vst v1  }
0x6a: {  	v13 =	vand.u32 $0xFFFFFFF4, v63;
	v12 =	vmul.f32 v57, v0;
	[tilespmem:s26+$0x1B810] =	vst v2  }
0x6b: {  	v4 =	vbroadcast v13, $0x0;
	v14 =	vmul.f32 v58, v0;
	[tilespmem:s26+$0x1B820] =	vst v61  }
0x6c: {  	v15 =	vmul.f32 v59, v0;
	[tilespmem:s26+$0x1B830] =	vst v12  }
0x6d: {  	v16 =	vmul.f32 v60, v0;
	[tilespmem:s26+$0x1B840] =	vst v14  }
0x6e: {  	v0 =	vmul.f32 v62, v0;
	[tilespmem:s26+$0x1B850] =	vst v15  }
0x6f: {  	[tilespmem:s26+$0x1B860] =	vst v16  }
0x70: {  	s29 =	sshll.u32 s30, $0x7;
	[tilespmem:s26+$0x1B870] =	vst v0  }
0x71: {  	s26 =	sand.u32 $0x3FFFFA00, s29;
	v0 =	vld.idx.msk [tilespmem:v4+s16+$0x0], $0xffff  }
0x72: {  	v1 =	vld [tilespmem:s26+$0x1B800]  }
0x73: {  	v2 =	vld [tilespmem:s26+$0x1B810]  }
0x74: {  	v17 =	vld [tilespmem:s26+$0x1B820]  }
0x75: {  	v18 =	vld [tilespmem:s26+$0x1B830]  }
0x76: {  	v19 =	vld [tilespmem:s26+$0x1B840]  }
0x77: {  	s30 =	sor.u32 $0x5, s25;
	v20 =	vld [tilespmem:s26+$0x1B850];
	v1 =	vmul.f32 v1, v0  }
0x78: {  	s31 =	sor.u32 s23, s30;
	v21 =	vld [tilespmem:s26+$0x1B860];
	v2 =	vmul.f32 v2, v0  }
0x79: {  	v24 =	vmov s31;
	v23 =	vld [tilespmem:s26+$0x1B870];
	v22 =	vmul.f32 v17, v0;
	[tilespmem:s26+$0x1B800] =	vst v1  }
0x7a: {  	v26 =	vand.u32 $0xFFFFFFF5, v24;
	v25 =	vmul.f32 v18, v0;
	[tilespmem:s26+$0x1B810] =	vst v2  }
0x7b: {  	v4 =	vbroadcast v26, $0x0;
	v27 =	vmul.f32 v19, v0;
	[tilespmem:s26+$0x1B820] =	vst v22  }
0x7c: {  	v28 =	vmul.f32 v20, v0;
	[tilespmem:s26+$0x1B830] =	vst v25  }
0x7d: {  	v29 =	vmul.f32 v21, v0;
	[tilespmem:s26+$0x1B840] =	vst v27  }
0x7e: {  	v0 =	vmul.f32 v23, v0;
	[tilespmem:s26+$0x1B850] =	vst v28  }
0x7f: {  	[tilespmem:s26+$0x1B860] =	vst v29  }
0x80: {  	s29 =	sshll.u32 s30, $0x7;
	[tilespmem:s26+$0x1B870] =	vst v0  }
0x81: {  	s26 =	sand.u32 $0x3FFFFA80, s29;
	v0 =	vld.idx.msk [tilespmem:v4+s16+$0x0], $0xffff  }
0x82: {  	v1 =	vld [tilespmem:s26+$0x1B800]  }
0x83: {  	v2 =	vld [tilespmem:s26+$0x1B810]  }
0x84: {  	v30 =	vld [tilespmem:s26+$0x1B820]  }
0x85: {  	v31 =	vld [tilespmem:s26+$0x1B830]  }
0x86: {  	v32 =	vld [tilespmem:s26+$0x1B840]  }
0x87: {  	s30 =	sor.u32 $0x6, s25;
	v33 =	vld [tilespmem:s26+$0x1B850];
	v1 =	vmul.f32 v1, v0  }
0x88: {  	s31 =	sor.u32 s23, s30;
	v34 =	vld [tilespmem:s26+$0x1B860];
	v2 =	vmul.f32 v2, v0  }
0x89: {  	v37 =	vmov s31;
	v36 =	vld [tilespmem:s26+$0x1B870];
	v35 =	vmul.f32 v30, v0;
	[tilespmem:s26+$0x1B800] =	vst v1  }
0x8a: {  	v39 =	vand.u32 $0xFFFFFFF6, v37;
	v38 =	vmul.f32 v31, v0;
	[tilespmem:s26+$0x1B810] =	vst v2  }
0x8b: {  	v4 =	vbroadcast v39, $0x0;
	v40 =	vmul.f32 v32, v0;
	[tilespmem:s26+$0x1B820] =	vst v35  }
0x8c: {  	v41 =	vmul.f32 v33, v0;
	[tilespmem:s26+$0x1B830] =	vst v38  }
0x8d: {  	v42 =	vmul.f32 v34, v0;
	[tilespmem:s26+$0x1B840] =	vst v40  }
0x8e: {  	v0 =	vmul.f32 v36, v0;
	[tilespmem:s26+$0x1B850] =	vst v41  }
0x8f: {  	[tilespmem:s26+$0x1B860] =	vst v42  }
0x90: {  	s29 =	sshll.u32 s30, $0x7;
	[tilespmem:s26+$0x1B870] =	vst v0  }
0x91: {  	s26 =	sand.u32 $0x3FFFFB00, s29;
	v0 =	vld.idx.msk [tilespmem:v4+s16+$0x0], $0xffff  }
0x92: {  	v1 =	vld [tilespmem:s26+$0x1B800]  }
0x93: {  	v2 =	vld [tilespmem:s26+$0x1B810]  }
0x94: {  	v43 =	vld [tilespmem:s26+$0x1B820]  }
0x95: {  	v44 =	vld [tilespmem:s26+$0x1B830]  }
0x96: {  	v45 =	vld [tilespmem:s26+$0x1B840]  }
0x97: {  	s30 =	sor.u32 $0x7, s25;
	v46 =	vld [tilespmem:s26+$0x1B850];
	v1 =	vmul.f32 v1, v0  }
0x98: {  	s31 =	sor.u32 s23, s30;
	v47 =	vld [tilespmem:s26+$0x1B860];
	v2 =	vmul.f32 v2, v0  }
0x99: {  	v50 =	vmov s31;
	v49 =	vld [tilespmem:s26+$0x1B870];
	v48 =	vmul.f32 v43, v0;
	[tilespmem:s26+$0x1B800] =	vst v1  }
0x9a: {  	v52 =	vand.u32 $0xFFFFFFF7, v50;
	v51 =	vmul.f32 v44, v0;
	[tilespmem:s26+$0x1B810] =	vst v2  }
0x9b: {  	v4 =	vbroadcast v52, $0x0;
	v53 =	vmul.f32 v45, v0;
	[tilespmem:s26+$0x1B820] =	vst v48  }
0x9c: {  	v54 =	vmul.f32 v46, v0;
	[tilespmem:s26+$0x1B830] =	vst v51  }
0x9d: {  	v55 =	vmul.f32 v47, v0;
	[tilespmem:s26+$0x1B840] =	vst v53  }
0x9e: {  	v0 =	vmul.f32 v49, v0;
	[tilespmem:s26+$0x1B850] =	vst v54  }
0x9f: {  	[tilespmem:s26+$0x1B860] =	vst v55  }
0xa0: {  	s29 =	sshll.u32 s30, $0x7;
	[tilespmem:s26+$0x1B870] =	vst v0  }
0xa1: {  	s26 =	sand.u32 $0x3FFFFB80, s29;
	v0 =	vld.idx.msk [tilespmem:v4+s16+$0x0], $0xffff  }
0xa2: {  	v1 =	vld [tilespmem:s26+$0x1B800]  }
0xa3: {  	v2 =	vld [tilespmem:s26+$0x1B810]  }
0xa4: {  	v56 =	vld [tilespmem:s26+$0x1B820]  }
0xa5: {  	v57 =	vld [tilespmem:s26+$0x1B830]  }
0xa6: {  	v58 =	vld [tilespmem:s26+$0x1B840]  }
0xa7: {  	s30 =	sor.u32 $0x8, s25;
	v59 =	vld [tilespmem:s26+$0x1B850];
	v1 =	vmul.f32 v1, v0  }
0xa8: {  	s31 =	sor.u32 s23, s30;
	v60 =	vld [tilespmem:s26+$0x1B860];
	v2 =	vmul.f32 v2, v0  }
0xa9: {  	v63 =	vmov s31;
	v62 =	vld [tilespmem:s26+$0x1B870];
	v61 =	vmul.f32 v56, v0;
	[tilespmem:s26+$0x1B800] =	vst v1  }
0xaa: {  	v13 =	vand.u32 $0xFFFFFFF8, v63;
	v12 =	vmul.f32 v57, v0;
	[tilespmem:s26+$0x1B810] =	vst v2  }
0xab: {  	v4 =	vbroadcast v13, $0x0;
	v14 =	vmul.f32 v58, v0;
	[tilespmem:s26+$0x1B820] =	vst v61  }
0xac: {  	v15 =	vmul.f32 v59, v0;
	[tilespmem:s26+$0x1B830] =	vst v12  }
0xad: {  	v16 =	vmul.f32 v60, v0;
	[tilespmem:s26+$0x1B840] =	vst v14  }
0xae: {  	v0 =	vmul.f32 v62, v0;
	[tilespmem:s26+$0x1B850] =	vst v15  }
0xaf: {  	[tilespmem:s26+$0x1B860] =	vst v16  }
0xb0: {  	s29 =	sshll.u32 s30, $0x7;
	[tilespmem:s26+$0x1B870] =	vst v0  }
0xb1: {  	s26 =	sand.u32 $0x3FFFFC00, s29;
	v0 =	vld.idx.msk [tilespmem:v4+s16+$0x0], $0xffff  }
0xb2: {  	v1 =	vld [tilespmem:s26+$0x1B800]  }
0xb3: {  	v2 =	vld [tilespmem:s26+$0x1B810]  }
0xb4: {  	v17 =	vld [tilespmem:s26+$0x1B820]  }
0xb5: {  	v18 =	vld [tilespmem:s26+$0x1B830]  }
0xb6: {  	v19 =	vld [tilespmem:s26+$0x1B840]  }
0xb7: {  	s30 =	sor.u32 $0x9, s25;
	v20 =	vld [tilespmem:s26+$0x1B850];
	v1 =	vmul.f32 v1, v0  }
0xb8: {  	s31 =	sor.u32 s23, s30;
	v21 =	vld [tilespmem:s26+$0x1B860];
	v2 =	vmul.f32 v2, v0  }
0xb9: {  	v24 =	vmov s31;
	v23 =	vld [tilespmem:s26+$0x1B870];
	v22 =	vmul.f32 v17, v0;
	[tilespmem:s26+$0x1B800] =	vst v1  }
0xba: {  	v26 =	vand.u32 $0xFFFFFFF9, v24;
	v25 =	vmul.f32 v18, v0;
	[tilespmem:s26+$0x1B810] =	vst v2  }
0xbb: {  	v4 =	vbroadcast v26, $0x0;
	v27 =	vmul.f32 v19, v0;
	[tilespmem:s26+$0x1B820] =	vst v22  }
0xbc: {  	v28 =	vmul.f32 v20, v0;
	[tilespmem:s26+$0x1B830] =	vst v25  }
0xbd: {  	v29 =	vmul.f32 v21, v0;
	[tilespmem:s26+$0x1B840] =	vst v27  }
0xbe: {  	v0 =	vmul.f32 v23, v0;
	[tilespmem:s26+$0x1B850] =	vst v28  }
0xbf: {  	[tilespmem:s26+$0x1B860] =	vst v29  }
0xc0: {  	s29 =	sshll.u32 s30, $0x7;
	[tilespmem:s26+$0x1B870] =	vst v0  }
0xc1: {  	s26 =	sand.u32 $0x3FFFFC80, s29;
	v0 =	vld.idx.msk [tilespmem:v4+s16+$0x0], $0xffff  }
0xc2: {  	v1 =	vld [tilespmem:s26+$0x1B800]  }
0xc3: {  	v2 =	vld [tilespmem:s26+$0x1B810]  }
0xc4: {  	v30 =	vld [tilespmem:s26+$0x1B820]  }
0xc5: {  	v31 =	vld [tilespmem:s26+$0x1B830]  }
0xc6: {  	v32 =	vld [tilespmem:s26+$0x1B840]  }
0xc7: {  	s30 =	sor.u32 $0xA, s25;
	v33 =	vld [tilespmem:s26+$0x1B850];
	v1 =	vmul.f32 v1, v0  }
0xc8: {  	s31 =	sor.u32 s23, s30;
	v34 =	vld [tilespmem:s26+$0x1B860];
	v2 =	vmul.f32 v2, v0  }
0xc9: {  	v37 =	vmov s31;
	v36 =	vld [tilespmem:s26+$0x1B870];
	v35 =	vmul.f32 v30, v0;
	[tilespmem:s26+$0x1B800] =	vst v1  }
0xca: {  	v39 =	vand.u32 $0xFFFFFFFA, v37;
	v38 =	vmul.f32 v31, v0;
	[tilespmem:s26+$0x1B810] =	vst v2  }
0xcb: {  	v4 =	vbroadcast v39, $0x0;
	v40 =	vmul.f32 v32, v0;
	[tilespmem:s26+$0x1B820] =	vst v35  }
0xcc: {  	v41 =	vmul.f32 v33, v0;
	[tilespmem:s26+$0x1B830] =	vst v38  }
0xcd: {  	v42 =	vmul.f32 v34, v0;
	[tilespmem:s26+$0x1B840] =	vst v40  }
0xce: {  	v0 =	vmul.f32 v36, v0;
	[tilespmem:s26+$0x1B850] =	vst v41  }
0xcf: {  	[tilespmem:s26+$0x1B860] =	vst v42  }
0xd0: {  	s29 =	sshll.u32 s30, $0x7;
	[tilespmem:s26+$0x1B870] =	vst v0  }
0xd1: {  	s26 =	sand.u32 $0x3FFFFD00, s29;
	v0 =	vld.idx.msk [tilespmem:v4+s16+$0x0], $0xffff  }
0xd2: {  	v1 =	vld [tilespmem:s26+$0x1B800]  }
0xd3: {  	v2 =	vld [tilespmem:s26+$0x1B810]  }
0xd4: {  	v43 =	vld [tilespmem:s26+$0x1B820]  }
0xd5: {  	v44 =	vld [tilespmem:s26+$0x1B830]  }
0xd6: {  	v45 =	vld [tilespmem:s26+$0x1B840]  }
0xd7: {  	s30 =	sor.u32 $0xB, s25;
	v46 =	vld [tilespmem:s26+$0x1B850];
	v1 =	vmul.f32 v1, v0  }
0xd8: {  	s31 =	sor.u32 s23, s30;
	v47 =	vld [tilespmem:s26+$0x1B860];
	v2 =	vmul.f32 v2, v0  }
0xd9: {  	v50 =	vmov s31;
	v49 =	vld [tilespmem:s26+$0x1B870];
	v48 =	vmul.f32 v43, v0;
	[tilespmem:s26+$0x1B800] =	vst v1  }
0xda: {  	v52 =	vand.u32 $0xFFFFFFFB, v50;
	v51 =	vmul.f32 v44, v0;
	[tilespmem:s26+$0x1B810] =	vst v2  }
0xdb: {  	v4 =	vbroadcast v52, $0x0;
	v53 =	vmul.f32 v45, v0;
	[tilespmem:s26+$0x1B820] =	vst v48  }
0xdc: {  	v54 =	vmul.f32 v46, v0;
	[tilespmem:s26+$0x1B830] =	vst v51  }
0xdd: {  	v55 =	vmul.f32 v47, v0;
	[tilespmem:s26+$0x1B840] =	vst v53  }
0xde: {  	v0 =	vmul.f32 v49, v0;
	[tilespmem:s26+$0x1B850] =	vst v54  }
0xdf: {  	[tilespmem:s26+$0x1B860] =	vst v55  }
0xe0: {  	s29 =	sshll.u32 s30, $0x7;
	[tilespmem:s26+$0x1B870] =	vst v0  }
0xe1: {  	s26 =	sand.u32 $0x3FFFFD80, s29;
	v0 =	vld.idx.msk [tilespmem:v4+s16+$0x0], $0xffff  }
0xe2: {  	v1 =	vld [tilespmem:s26+$0x1B800]  }
0xe3: {  	v2 =	vld [tilespmem:s26+$0x1B810]  }
0xe4: {  	v56 =	vld [tilespmem:s26+$0x1B820]  }
0xe5: {  	v57 =	vld [tilespmem:s26+$0x1B830]  }
0xe6: {  	v58 =	vld [tilespmem:s26+$0x1B840]  }
0xe7: {  	s30 =	sor.u32 $0xC, s25;
	v59 =	vld [tilespmem:s26+$0x1B850];
	v1 =	vmul.f32 v1, v0  }
0xe8: {  	s31 =	sor.u32 s23, s30;
	v60 =	vld [tilespmem:s26+$0x1B860];
	v2 =	vmul.f32 v2, v0  }
0xe9: {  	v63 =	vmov s31;
	v62 =	vld [tilespmem:s26+$0x1B870];
	v61 =	vmul.f32 v56, v0;
	[tilespmem:s26+$0x1B800] =	vst v1  }
0xea: {  	v11 =	vand.u32 $0xFFFFFFFC, v63;
	v10 =	vmul.f32 v57, v0;
	[tilespmem:s26+$0x1B810] =	vst v2  }
0xeb: {  	v4 =	vbroadcast v11, $0x0;
	v12 =	vmul.f32 v58, v0;
	[tilespmem:s26+$0x1B820] =	vst v61  }
0xec: {  	v13 =	vmul.f32 v59, v0;
	[tilespmem:s26+$0x1B830] =	vst v10  }
0xed: {  	v14 =	vmul.f32 v60, v0;
	[tilespmem:s26+$0x1B840] =	vst v12  }
0xee: {  	v0 =	vmul.f32 v62, v0;
	[tilespmem:s26+$0x1B850] =	vst v13  }
0xef: {  	[tilespmem:s26+$0x1B860] =	vst v14  }
0xf0: {  	s29 =	sshll.u32 s30, $0x7;
	[tilespmem:s26+$0x1B870] =	vst v0  }
0xf1: {  	s26 =	sand.u32 $0x3FFFFE00, s29;
	v0 =	vld.idx.msk [tilespmem:v4+s16+$0x0], $0xffff  }
0xf2: {  	v1 =	vld [tilespmem:s26+$0x1B800]  }
0xf3: {  	v2 =	vld [tilespmem:s26+$0x1B810]  }
0xf4: {  	v15 =	vld [tilespmem:s26+$0x1B820]  }
0xf5: {  	v16 =	vld [tilespmem:s26+$0x1B830]  }
0xf6: {  	v17 =	vld [tilespmem:s26+$0x1B840]  }
0xf7: {  	s30 =	sor.u32 $0xD, s25;
	v18 =	vld [tilespmem:s26+$0x1B850];
	v1 =	vmul.f32 v1, v0  }
0xf8: {  	s31 =	sor.u32 s23, s30;
	v19 =	vld [tilespmem:s26+$0x1B860];
	v2 =	vmul.f32 v2, v0  }
0xf9: {  	v20 =	vmov s31;
	v22 =	vld [tilespmem:s26+$0x1B870];
	v21 =	vmul.f32 v15, v0;
	[tilespmem:s26+$0x1B800] =	vst v1  }
0xfa: {  	v24 =	vand.u32 $0xFFFFFFFD, v20;
	v23 =	vmul.f32 v16, v0;
	[tilespmem:s26+$0x1B810] =	vst v2  }
0xfb: {  	v4 =	vbroadcast v24, $0x0;
	v25 =	vmul.f32 v17, v0;
	[tilespmem:s26+$0x1B820] =	vst v21  }
0xfc: {  	v26 =	vmul.f32 v18, v0;
	[tilespmem:s26+$0x1B830] =	vst v23  }
0xfd: {  	v27 =	vmul.f32 v19, v0;
	[tilespmem:s26+$0x1B840] =	vst v25  }
0xfe: {  	v0 =	vmul.f32 v22, v0;
	[tilespmem:s26+$0x1B850] =	vst v26  }
0xff: {  	[tilespmem:s26+$0x1B860] =	vst v27  }
0x100: {  	s30 =	sshll.u32 s30, $0x7;
	[tilespmem:s26+$0x1B870] =	vst v0  }
0x101: {  	s26 =	sand.u32 $0x3FFFFE80, s30;
	v0 =	vld.idx.msk [tilespmem:v4+s16+$0x0], $0xffff  }
0x102: {  	v1 =	vld [tilespmem:s26+$0x1B800]  }
0x103: {  	v2 =	vld [tilespmem:s26+$0x1B810]  }
0x104: {  	v28 =	vld [tilespmem:s26+$0x1B820]  }
0x105: {  	v29 =	vld [tilespmem:s26+$0x1B830]  }
0x106: {  	v30 =	vld [tilespmem:s26+$0x1B840]  }
0x107: {  	s25 =	sor.u32 $0xE, s25;
	v31 =	vld [tilespmem:s26+$0x1B850];
	v1 =	vmul.f32 v1, v0  }
0x108: {  	s31 =	sor.u32 s23, s25;
	v32 =	vld [tilespmem:s26+$0x1B860];
	v2 =	vmul.f32 v2, v0  }
0x109: {  	v35 =	vmov s31;
	v34 =	vld [tilespmem:s26+$0x1B870];
	v33 =	vmul.f32 v28, v0;
	[tilespmem:s26+$0x1B800] =	vst v1  }
0x10a: {  	v37 =	vand.u32 $0xFFFFFFFE, v35;
	v36 =	vmul.f32 v29, v0;
	[tilespmem:s26+$0x1B810] =	vst v2  }
0x10b: {  	v4 =	vbroadcast v37, $0x0;
	v38 =	vmul.f32 v30, v0;
	[tilespmem:s26+$0x1B820] =	vst v33  }
0x10c: {  	v39 =	vmul.f32 v31, v0;
	[tilespmem:s26+$0x1B830] =	vst v36  }
0x10d: {  	v40 =	vmul.f32 v32, v0;
	[tilespmem:s26+$0x1B840] =	vst v38  }
0x10e: {  	v0 =	vmul.f32 v34, v0;
	[tilespmem:s26+$0x1B850] =	vst v39  }
0x10f: {  	[tilespmem:s26+$0x1B860] =	vst v40  }
0x110: {  	s25 =	sshll.u32 s25, $0x7;
	[tilespmem:s26+$0x1B870] =	vst v0  }
0x111: {  	s25 =	sand.u32 $0x3FFFFF00, s25;
	v0 =	vld.idx.msk [tilespmem:v4+s16+$0x0], $0xffff  }
0x112: {  	v1 =	vld [tilespmem:s25+$0x1B800]  }
0x113: {  	v2 =	vld [tilespmem:s25+$0x1B810]  }
0x114: {  	v41 =	vld [tilespmem:s25+$0x1B820]  }
0x115: {  	v42 =	vld [tilespmem:s25+$0x1B830]  }
0x116: {  	v43 =	vld [tilespmem:s25+$0x1B840]  }
0x117: {  	v44 =	vld [tilespmem:s25+$0x1B850];
	v1 =	vmul.f32 v1, v0  }
0x118: {  	v45 =	vld [tilespmem:s25+$0x1B860];
	v2 =	vmul.f32 v2, v0  }
0x119: {  	v47 =	vld [tilespmem:s25+$0x1B870];
	v46 =	vmul.f32 v41, v0;
	[tilespmem:s25+$0x1B800] =	vst v1  }
0x11a: {  	s29 =	sshllo.u32 s24, $0x4;
	v48 =	vmul.f32 v42, v0;
	[tilespmem:s25+$0x1B810] =	vst v2  }
0x11b: {  	s30 =	sor.u32 s23, s29;
	v49 =	vmul.f32 v43, v0;
	[tilespmem:s25+$0x1B820] =	vst v46  }
0x11c: {  	v51 =	vmov s30;
	v50 =	vmul.f32 v44, v0;
	[tilespmem:s25+$0x1B830] =	vst v48  }
0x11d: {  	v52 =	vmul.f32 v45, v0;
	[tilespmem:s25+$0x1B840] =	vst v49  }
0x11e: {  	v0 =	vmul.f32 v47, v0;
	[tilespmem:s25+$0x1B850] =	vst v50  }
0x11f: {  	[tilespmem:s25+$0x1B860] =	vst v52  }
0x120: {  	s31 =	sshll.u32 s29, $0x7;
	[tilespmem:s25+$0x1B870] =	vst v0  }
0x121: {  	s25 =	sand.u32 $0x3FFFFF80, s31;
	v0 =	vld.idx.msk [tilespmem:v51+s16+$0x0], $0xffff  }
0x122: {  	v1 =	vld [tilespmem:s25+$0x1B800]  }
0x123: {  	v2 =	vld [tilespmem:s25+$0x1B810]  }
0x124: {  	v53 =	vld [tilespmem:s25+$0x1B820]  }
0x125: {  	v54 =	vld [tilespmem:s25+$0x1B830]  }
0x126: {  	v55 =	vld [tilespmem:s25+$0x1B840]  }
0x127: {  	v56 =	vld [tilespmem:s25+$0x1B850];
	v1 =	vmul.f32 v1, v0  }
0x128: {  	v57 =	vld [tilespmem:s25+$0x1B860];
	v2 =	vmul.f32 v2, v0  }
0x129: {  	v59 =	vld [tilespmem:s25+$0x1B870];
	v58 =	vmul.f32 v53, v0;
	[tilespmem:s25+$0x1B800] =	vst v1  }
0x12a: {  	v60 =	vmul.f32 v54, v0;
	[tilespmem:s25+$0x1B810] =	vst v2  }
0x12b: {  	p0 =	sne.s32 s24, $0x7;
	v61 =	vmul.f32 v55, v0;
	[tilespmem:s25+$0x1B820] =	vst v58  }
.Ltmp0:
0x12c: {  	v62 =	vmul.f32 v56, v0;
	[tilespmem:s25+$0x1B830] =	vst v60;
	(pc) =	sbr.rel @p0 .LBB2_3-.Ltmp0, $4  }
0x12d: {  	v63 =	vmul.f32 v57, v0;
	[tilespmem:s25+$0x1B840] =	vst v61  }
0x12e: {  	v0 =	vmul.f32 v59, v0;
	[tilespmem:s25+$0x1B850] =	vst v62  }
0x12f: {  	[tilespmem:s25+$0x1B860] =	vst v63  }
0x130: {  	s24 =	sadd.s32 $0x1, s24;
	[tilespmem:s25+$0x1B870] =	vst v0  }
0x131: {  	s22 =	sadd.s32 $0x1, s22  }
0x132: {  	p0 =	sne.s32 s22, $0x50  }
.Ltmp1:
0x133: {  	s23 =	sadd.s32 $0x16800, s23;
	(pc) =	sbr.rel @p0 .LBB2_2-.Ltmp1, $4  }
0x134: {  	[spmem:s3] =	stream.indirect.scatter.add.f32 [tilespmem:s19], [sflag:$0x2], $0x80, s23, s14, $0xb8;
	[tilespmem:$0x1F800] =	vst v63  }
0x135: {  	_ =	swait.ge [sflag:s12], $0x4000  }
0x136: {  	[sflag:s12] =	ssyncset.done $0x0  }
0x137: {  	[sflag:s12] =	ssyncadd.s32 $0xFFFFC000  }
0x138: {  	s21 =	sadd.s32 $0x1, s21  }
0x139: {  	p0 =	sne.s32 s21, s10  }
.Ltmp2:
0x13a: {  	[bflag:$0x0] =	sbarrier.arrive $0xFFFF;
	(pc) =	sbr.rel @p0 .LBB2_1-.Ltmp2, $4  }
0x13b: {  	[hbm:s9], [sflag:s17] =	dma.local [spmem:s18], $0x2800  }
0x13c: {  	_ =	swait.ge [sflag:s12], $0x2800  }
0x13d: {  	[sflag:s12] =	ssyncset.done $0x0  }
0x13e: {  	[sflag:s12] =	ssyncadd.s32 $0xFFFFD800  }
0x13f: {  	_ =	sfence.sel $0x180000  }
0x140: {  	[bflag:$0x0] =	sbarrier.arrive $0xFFFF  }
0x141: {  	p0 =	sne.s32 s0, $0x0;
	_ =	strace $0x90000047  }
0x142: {  	s0 =	sadd.s32 @!p0 $0x100000, s2;
	[bflag:$0x2] =	sbarrier.arrive $0xFFFF  }
0x143: {  	[sflag:s0] =	ssyncadd.tile.s32 @!p0 $0x1;
	_ =	shalt  }
.Lfunc_end2:
_tile_overlayer_lowered:
.L_overlay_start_2:
0x144: {  	(tag) =	ssettag $0x2  }
0x145: {  	s0 =	rddreg [dreg:$0x0];
	s2 =	stileid.u32  }
0x146: {  	s1 =	rddreg [dreg:$0x1];
	p0 =	sne.s32 s2, $0x0  }
0x147: {  	s3 =	rddreg [dreg:$0x2];
	[bflag:$0x3] =	sbarrier.arrive $0xFFFF;
	s2 =	simm.s32 @!p0 $0x1C02  }
0x148: {  	[timem:s3], [sflag:s2] =	dma.local @!p0 [hbm:s0], s1  }
0x149: {  	s0 =	simm.s32 @!p0 $0x2  }
0x14a: {  	_ =	swait.ge @!p0 [sflag:s0], s1  }
0x14b: {  	s1 =	ssub.s32 @!p0 $0x0, s1;
	[sflag:s0] =	ssyncset.done @!p0 $0x0  }
0x14c: {  	[sflag:s0] =	ssyncadd.s32 @!p0 s1  }
0x14d: {  	[bflag:$0x3] =	sbarrier.arrive $0xFFFF  }
0x14e: {  	_ =	shalt  }

// kernel: kernel.9.cloned.1.call-start
scs
__scs_entry_jumppad:
0x0: {  	(pc) =	sbr.rel $0x88, $3  }
0x1: {  	(tag) =	ssettag $0x0;
	lr =	simm.s32 $0x1  }
0x2: {  	[smem:$0x3F9E] =	sst lr;
	_ =	strace $0xD0000000  }
0x3: {  	_ = 	snop  }
0x4: {  	_ = 	snop  }
0x5: {  	_ = 	snop  }
0x6: {  	_ = 	snop  }
0x7: {  	_ = 	snop  }
__scs_overlays_trampoline_lowered:
0x8: {  	[smem:$0x3FAD] =	sst s0  }
0x9: {  	[smem:$0x3FAE] =	sst s1  }
0xa: {  	[smem:$0x3FAF] =	sst s2  }
0xb: {  	[smem:$0x3FB0] =	sst s3  }
0xc: {  	[smem:$0x3FB1] =	sst s4  }
0xd: {  	[smem:$0x3FB2] =	sst s5  }
0xe: {  	[smem:$0x3FB3] =	sst s6  }
0xf: {  	[smem:$0x3FB4] =	sst s7  }
0x10: {  	[smem:$0x3FB5] =	sst s8  }
0x11: {  	[smem:$0x3FB6] =	sst s9;
	s0 =	simm.s32 @!p0 $0x0  }
0x12: {  	s1 =	sld [smem:$0x3F9C];
	s0 =	simm.s32 @p0 $0x1  }
0x13: {  	[smem:$0x3FB7] =	sst s0;
	s0 =	simm.s32 @!p1 $0x0  }
0x14: {  	s2 =	sld [smem:$0x3F9B];
	s0 =	simm.s32 @p1 $0x1  }
0x15: {  	[smem:$0x3FB8] =	sst s0;
	s0 =	simm.s32 @!p2 $0x0  }
0x16: {  	s3 =	sld [smem:$0x3FDB];
	s0 =	simm.s32 @p2 $0x1  }
0x17: {  	s4 =	simm.s32 $0x1BF5;
	[smem:$0x3FBA] =	sst s0  }
0x18: {  	s0 =	sld [smem:$0x3F9D];
	_ =	swait.ge [sflag:s4], $0x0  }
0x19: {  	s7 =	sld [smem:$0x3F9E]  }
0x1a: {  	s8 =	sadd.s32 $0xFFFFE003, lr  }
0x1b: {  	s9 =	sadd.s32 $0xFFFFFEF7, lr;
	s5 =	simm.s32 $0xFFFFFFFF;
	p2 =	slt.u32 s8, $0xFFFFF086  }
0x1c: {  	p1 =	slt.u32 s9, $0xF7A;
	s5 =	simm.s32 @!p2 $0x0  }
0x1d: {  	s5 =	simm.s32 @p1 $0x1;
	p0 =	seq.s32 s7, s2  }
0x1e: {  	s7 =	smul.u32 @!p0 $0xF7A, s2;
	p2 =	seq.s32 @!p0 s5, $0x0  }
0x1f: {  	s9 =	smul.u32 $0xF7A, s1;
	s8 =	simm.s32 @!p0 $0x1BF5;
	p2 =	por !p2, p0  }
0x20: {  	[sflag:s8] =	ssyncset.s32 @!p0 $0xFFFFF086;
	s6 =	sadd.s32 @!p0 s3, s7;
	s7 =	simm.s32 @!p0 $0x108  }
0x21: {  	s3 =	sadd.s32 s3, s9;
	s6 =	sadd.s32 @!p0 $0x88, s6;
	s7 =	simm.s32 @p2 $0x1082  }
0x22: {  	[simem:s7], [sflag:s8] =	dma.local @!p0 [hbm:s6], $0xF7A  }
0x23: {  	s9 =	sor.u32 $0xD0000000, s2;
	s6 =	simm.s32 $0x108;
	_ =	swait.ge @!p0 [sflag:s8], $0x0  }
0x24: {  	s3 =	sadd.s32 $0x88, s3;
	s6 =	simm.s32 @!p1 $0x1082;
	[sflag:s4] =	ssyncset.s32 $0xFFFFF086  }
0x25: {  	[simem:s6], [sflag:s4] =	dma.local [hbm:s3], $0xF7A  }
0x26: {  	[smem:$0x3F9E] =	sst s1;
	(tag) =	ssettag s2;
	_ =	strace s9  }
0x27: {  	s1 =	sld [smem:$0x3FAE]  }
0x28: {  	s2 =	sld [smem:$0x3FAF]  }
0x29: {  	s4 =	sld [smem:$0x3FB1]  }
0x2a: {  	p0 =	seq.s32 s5, $0x0;
	s5 =	sld [smem:$0x3FB2]  }
0x2b: {  	s6 =	sld [smem:$0x3FB3]  }
0x2c: {  	s7 =	sld [smem:$0x3FB4]  }
0x2d: {  	s3 =	simm.s32 $0x108;
	s8 =	sld [smem:$0x3FB5]  }
0x2e: {  	s3 =	simm.s32 @!p0 $0x1082;
	s9 =	sld [smem:$0x3FB6]  }
0x2f: {  	lr =	sadd.s32 s0, s3;
	s0 =	sld [smem:$0x3FAD]  }
0x30: {  	s3 =	sld [smem:$0x3FB0]  }
0x31: {  	[smem:$0x3FB9] =	sst s10  }
0x32: {  	s10 =	sld [smem:$0x3FB7];
	_ =	sdelay $0x3  }
0x33: {  	p0 =	seq.s32 s10, $0x1;
	s10 =	sld [smem:$0x3FB9];
	_ =	sdelay $0x3  }
0x34: {  	[smem:$0x3FB9] =	sst s10  }
0x35: {  	s10 =	sld [smem:$0x3FB8];
	_ =	sdelay $0x3  }
0x36: {  	p1 =	seq.s32 s10, $0x1;
	s10 =	sld [smem:$0x3FB9];
	_ =	sdelay $0x3  }
0x37: {  	[smem:$0x3FB9] =	sst s10  }
0x38: {  	s10 =	sld [smem:$0x3FBA]  }
0x39: {  	_ = 	snop;
	(pc) =	sbr.ind lr, $3  }
0x3a: {  	_ = 	snop  }
0x3b: {  	_ = 	snop  }
0x3c: {  	p2 =	seq.s32 s10, $0x1;
	s10 =	sld [smem:$0x3FB9]  }
0x3d: {  	_ =	shalt  }
0x3e: {  	_ =	shalt  }
0x3f: {  	_ =	shalt  }
0x40: {  	_ =	shalt  }
0x41: {  	_ =	shalt  }
0x42: {  	_ =	shalt  }
0x43: {  	_ =	shalt  }
0x44: {  	_ =	shalt  }
0x45: {  	_ =	shalt  }
0x46: {  	_ =	shalt  }
0x47: {  	_ =	shalt  }
0x48: {  	_ =	shalt  }
0x49: {  	_ =	shalt  }
0x4a: {  	_ =	shalt  }
0x4b: {  	_ =	shalt  }
0x4c: {  	_ =	shalt  }
0x4d: {  	_ =	shalt  }
0x4e: {  	_ =	shalt  }
0x4f: {  	_ =	shalt  }
0x50: {  	_ =	shalt  }
0x51: {  	_ =	shalt  }
0x52: {  	_ =	shalt  }
0x53: {  	_ =	shalt  }
0x54: {  	_ =	shalt  }
0x55: {  	_ =	shalt  }
0x56: {  	_ =	shalt  }
0x57: {  	_ =	shalt  }
0x58: {  	_ =	shalt  }
0x59: {  	_ =	shalt  }
0x5a: {  	_ =	shalt  }
0x5b: {  	_ =	shalt  }
0x5c: {  	_ =	shalt  }
0x5d: {  	_ =	shalt  }
0x5e: {  	_ =	shalt  }
0x5f: {  	_ =	shalt  }
0x60: {  	_ =	shalt  }
0x61: {  	_ =	shalt  }
0x62: {  	_ =	shalt  }
0x63: {  	_ =	shalt  }
0x64: {  	_ =	shalt  }
0x65: {  	_ =	shalt  }
0x66: {  	_ =	shalt  }
0x67: {  	_ =	shalt  }
0x68: {  	_ =	shalt  }
0x69: {  	_ =	shalt  }
0x6a: {  	_ =	shalt  }
0x6b: {  	_ =	shalt  }
0x6c: {  	_ =	shalt  }
0x6d: {  	_ =	shalt  }
0x6e: {  	_ =	shalt  }
0x6f: {  	_ =	shalt  }
0x70: {  	_ =	shalt  }
0x71: {  	_ =	shalt  }
0x72: {  	_ =	shalt  }
0x73: {  	_ =	shalt  }
0x74: {  	_ =	shalt  }
0x75: {  	_ =	shalt  }
0x76: {  	_ =	shalt  }
0x77: {  	_ =	shalt  }
0x78: {  	_ =	shalt  }
0x79: {  	_ =	shalt  }
0x7a: {  	_ =	shalt  }
0x7b: {  	_ =	shalt  }
0x7c: {  	_ =	shalt  }
0x7d: {  	_ =	shalt  }
0x7e: {  	_ =	shalt  }
0x7f: {  	_ =	shalt  }
0x80: {  	_ =	shalt  }
0x81: {  	_ =	shalt  }
0x82: {  	_ =	shalt  }
0x83: {  	_ =	shalt  }
0x84: {  	_ =	shalt  }
0x85: {  	_ =	shalt  }
0x86: {  	_ =	shalt  }
0x87: {  	_ =	shalt  }
.Lfunc_end0:
.L_simem_size_0:
called_computation.1_lowered:
.L_overlay_start_0:
0x88: {  	s2 =	sld [smem:$0x3FD9]  }
0x89: {  	s3 =	sld [smem:$0x3FFE];
	_ =	sdelay $0x1  }
0x8a: {  	s1 =	srdreg.scid  }
0x8b: {  	s0 =	sand.u32 $0x1, s1  }
0x8c: {  	s17 =	sshll.u32 s0, $0xA;
	s2 =	sadd.s32 s3, s2  }
0x8d: {  	s2 =	sadd.s32 s2, s17  }
0x8e: {  	[smem:$0x3FC5] =	sst s2  }
0x8f: {  	_ = 	snop  }
0x90: {  	s2 =	sld [smem:$0x3FD0];
	(tm) =	ssettm $0x1  }
0x91: {  	s18 =	sld [smem:$0x3FFB];
	_ =	sdelay $0x3  }
0x92: {  	_ =	strace s18  }
0x93: {  	s3 =	sld [smem:$0x3FFC];
	_ =	sdelay $0x3  }
0x94: {  	_ =	strace s3  }
0x95: {  	s3 =	sld [smem:$0x3FFD];
	_ =	sdelay $0x3  }
0x96: {  	_ =	strace s3  }
0x97: {  	_ =	strace $0x8FFFFFFF  }
0x98: {  	s19 =	sld [smem:$0x3FDB];
	_ =	sdelay $0x1  }
0x99: {  	s4 =	simm.s32 $_scs_section_size  }
0x9a: {  	s5 =	simm.s32 $_size__tile_overlayer_lowered;
	s6 =	simm.s32 $_tile_overlayer_lowered  }
0x9b: {  	s22 =	simm.s32 $0x1BFF;
	s21 =	sshll.u32 s6, $0x1;
	s3 =	sadd.s32 s4, s19  }
0x9c: {  	s7 =	simm.s32 $0x0;
	s20 =	sshll.u32 s5, $0x1;
	s5 =	sadd.s32 s21, s3  }
0x9d: {  	[timem:s7], [sflag:s22] =	dma.local [hbm:s5], s20  }
0x9e: {  	_ =	swait.ge [sflag:s22], s20  }
0x9f: {  	s4 =	ssub.s32 $0x0, s20;
	[sflag:s22] =	ssyncset.done $0x0  }
0xa0: {  	[sflag:s22] =	ssyncadd.s32 s4;
	_ =	sdelay $0x1  }
0xa1: {  	s23 =	simm.s32 $0x1B8B  }
0xa2: {  	_ =	swait.ge [sflag:s23], $0x1  }
0xa3: {  	[sflag:s23] =	ssyncset.done $0x0  }
0xa4: {  	s25 =	simm.s32 $0x1B8E;
	s24 =	sld [smem:$0x3FFE];
	[sflag:s23] =	ssyncadd.s32 $0xFFFFFFFF  }
0xa5: {  	s26 =	simm.s32 $execute0_lowered;
	[smem:$0x3FD2] =	sst s25  }
0xa6: {  	s5 =	sshll.u32 s26, $0x1;
	_ =	strace $0x80000049;
	[dreg:$0x1] =	wrdreg $0xFFFFFFFF  }
0xa7: {  	s28 =	simm.s32 $_size_execute0_lowered;
	s3 =	sadd.s32 s3, s5;
	[dreg:$0x0] =	wrdreg $0x0  }
0xa8: {  	s5 =	sshll.u32 s28, $0x1;
	[dreg:$0x2] =	wrdreg s3  }
0xa9: {  	[dreg:$0x3] =	wrdreg s5  }
0xaa: {  	[dreg:$0x4] =	wrdreg $0xC0  }
0xab: {  	_ =	task [dreg:s7], $0x5FFFF  }
0xac: {  	[dreg:$0x1] =	wrdreg $0xFFFFFFFF  }
0xad: {  	[dreg:$0x0] =	wrdreg $0x60  }
0xae: {  	[dreg:$0x2] =	wrdreg s2  }
0xaf: {  	[dreg:$0x3] =	wrdreg s24  }
0xb0: {  	[dreg:$0x4] =	wrdreg $0x0  }
0xb1: {  	[dreg:$0x5] =	wrdreg $0x9  }
0xb2: {  	_ =	task.clear_ibuf [dreg:s7], $0x6FFFF;
	_ =	strace $0x90000049  }
0xb3: {  	s29 =	simm.s32 $0x9;
	_ =	strace $0x8000004B  }
0xb4: {  	_ =	swait.ge [sflag:s29], $0x1  }
0xb5: {  	[sflag:s29] =	ssyncadd.s32 $0xFFFFFFFF  }
0xb6: {  	_ =	strace $0x9000004B  }
0xb7: {  	_ =	sfence  }
0xb8: {  	s30 =	sld [smem:$0x0];
	_ =	sdelay $0x2  }
0xb9: {  	s31 =	sshll.u32 s1, $0xD;
	s1 =	sshrl.u32 s1, $0x2  }
0xba: {  	s3 =	sand.u32 $0x4000, s31;
	s1 =	sadd.s32 s1, s30  }
0xbb: {  	s0 =	sor.u32 s3, s0;
	s1 =	sshll.u32 s1, $0x11  }
0xbc: {  	s0 =	sor.u32 s1, s0  }
0xbd: {  	s0 =	sadd.s32 $0x8F2B, s0  }
0xbe: {  	[sflag:s0] =	ssyncadd.remote.s32 $0x1  }
0xbf: {  	_ =	sfence.sel $0xFFFF  }
0xc0: {  	[dreg:$0x0] =	wrdreg $0xFFFFFFFF;
	(pc) =	sbr.abs _section_cstart, $3  }
0xc1: {  	[dreg:$0x1] =	wrdreg $0xFFFFFFFF  }
0xc2: {  	_ =	task.clear_ibuf [dreg:s7], $0x2FFFF;
	_ =	strace $0x9FFFFFFF  }
0xc3: {  	(tm) =	ssettm $0x7FFFFFFF  }
tec
execute0_lowered:
.L_overlay_start_1:
0x0: {  	(tag) =	ssettag $0x1  }
0x1: {  	s1 =	rddreg [dreg:$0x0]  }
0x2: {  	s7 =	rddreg [dreg:$0x1]  }
0x3: {  	s0 =	srdreg.scid;
	s3 =	rddreg [dreg:$0x2];
	s14 =	simm.s32 $0x80  }
0x4: {  	s15 =	simm.s32 $0x400;
	s16 =	simm.s32 $0x19000;
	s19 =	simm.s32 $0x1B800  }
0x5: {  	s20 =	simm.s32 $0x1;
	s21 =	simm.s32 $0x0;
	s6 =	sand.u32 $0x1, s0  }
0x6: {  	s0 =	stileid.u32;
	s2 =	sshll.u32 s6, $0x4;
	s29 =	smul.u32 $0x140000, s6  }
0x7: {  	s8 =	sshll.u32 s0, $0x7;
	s10 =	smul.u32 $0x14000, s0;
	s6 =	ssub.s32 $0x2, s6  }
0x8: {  	s12 =	smul.u32 $0x50000, s0;
	s17 =	sshll.u32 s0, $0x6;
	s4 =	sor.u32 s0, s2  }
0x9: {  	s8 =	sand.u32 $0x380, s8;
	s30 =	sshrl.u32 s6, $0x1;
	s17 =	sor.u32 $0x1C02, s17  }
0xa: {  	s2 =	sshrl.u32 s4, $0x3;
	s9 =	smul.u32 $0x500, s4;
	s4 =	simm.s32 $0x0  }
0xb: {  	s31 =	sshrl.u32 s12, $0x2;
	s5 =	smul.u32 $0x14000, s2;
	s2 =	rddreg [dreg:$0x3]  }
0xc: {  	s12 =	simm.s32 $0x2;
	[smem:$0x7FF] =	sst s4;
	s18 =	sadd.s32 s31, s3  }
0xd: {  	_ =	strace $0x8000004A;
	s9 =	sadd.s32 s9, s7;
	s18 =	sshrl.u32 s18, $0x3  }
0xe: {  	s5 =	sor.u32 s8, s5;
	s8 =	sadd.s32 s10, s29;
	s10 =	ssub.s32 s6, s30  }
0xf: {  	s6 =	sadd.s32 $0x15200, s9;
	s5 =	sshrl.u32 s5, $0x3;
	s8 =	sshrl.u32 s8, $0x3  }
0x10: {  	s10 =	smax.u32 s10, $0x1;
	s11 =	sadd.s32 s5, s7;
	s5 =	sadd.s32 $0x1F200, s7  }
0x11: {  	s13 =	sadd.s32 s8, s7;
	s7 =	sadd.s32 $0xB200, s9;
	s8 =	sadd.s32 $0x1200, s11  }
0x12: {  	s9 =	sadd.s32 $0x21A00, s13;
	s11 =	simm.s32 $0x14000;
	s13 =	simm.s32 $0x16800  }
.LBB2_1:
0x13: {  	[tilespmem:s11], [sflag:$0x2] =	stream.linear.gather [hbm4b:s6+s4], $0x2800, $0x38;
	[tilespmem:$0x1F800] =	vst v63  }
0x14: {  	_ =	swait.ge [sflag:s12], $0x2800  }
0x15: {  	[sflag:s12] =	ssyncset.done $0x0  }
0x16: {  	[sflag:s12] =	ssyncadd.s32 $0xFFFFD800  }
0x17: {  	[tilespmem:s13], [sflag:$0x2] =	stream.linear.gather [hbm4b:s7+s4], $0x2800, $0x38;
	[tilespmem:$0x1F800] =	vst v63  }
0x18: {  	_ =	swait.ge [sflag:s12], $0x2800  }
0x19: {  	[sflag:s12] =	ssyncset.done $0x0  }
0x1a: {  	[sflag:s12] =	ssyncadd.s32 $0xFFFFD800  }
0x1b: {  	[tilespmem:s16], [sflag:$0x2] =	stream.strided.gather [hbm4b:s8+s14], $0x2800, s15, s14, $0x38;
	[tilespmem:$0x1F800] =	vst v63  }
0x1c: {  	_ =	swait.ge [sflag:s12], $0x2800  }
0x1d: {  	[sflag:s12] =	ssyncset.done $0x0  }
0x1e: {  	[sflag:s12] =	ssyncadd.s32 $0xFFFFD800  }
0x1f: {  	[spmem:s18], [sflag:s17] =	dma.local [hbm:s5], $0x2800  }
0x20: {  	_ =	swait.ge [sflag:s12], $0x2800  }
0x21: {  	[sflag:s12] =	ssyncset.done $0x0  }
0x22: {  	[sflag:s12] =	ssyncadd.s32 $0xFFFFD800  }
0x23: {  	s22 =	simm.s32 $0x0;
	[bflag:$0x0] =	sbarrier.arrive $0xFFFF  }
.LBB2_2:
0x24: {  	s23 =	sshll.u32 s22, $0x7  }
0x25: {  	s24 =	sadd.s32 $0x14000, s23  }
0x26: {  	[tilespmem:s19], [sflag:$0x1] =	stream.indirect.gather [hbm4b:s1+s14], $0x80, s24, s14, $0xb8;
	[tilespmem:$0x1F800] =	vst v63  }
0x27: {  	_ =	swait.ge [sflag:s20], $0x4000  }
0x28: {  	[sflag:s20] =	ssyncset.done $0x0  }
0x29: {  	s24 =	simm.s32 $0x0;
	[sflag:s20] =	ssyncadd.s32 $0xFFFFC000  }
.LBB2_3:
0x2a: {  	s25 =	sshll.u32 s24, $0x4  }
0x2b: {  	s26 =	sor.u32 s23, s25  }
0x2c: {  	v0 =	vmov s26  }
0x2d: {  	v0 =	vand.u32 $0xFFFFFFF0, v0  }
0x2e: {  	v0 =	vbroadcast v0, $0x0;
	_ =	sdelay $0x2  }
0x2f: {  	s28 =	sshll.u32 s24, $0xB  }
0x30: {  	s26 =	sand.u32 $0x3FFFF800, s28  }
0x31: {  	v1 =	vld [tilespmem:s26+$0x1B800]  }
0x32: {  	v0 =	vld.idx.msk [tilespmem:v0+s16+$0x0], $0xffff  }
0x33: {  	v2 =	vld [tilespmem:s26+$0x1B810]  }
0x34: {  	v3 =	vld [tilespmem:s26+$0x1B820]  }
0x35: {  	v4 =	vld [tilespmem:s26+$0x1B830]  }
0x36: {  	v5 =	vld [tilespmem:s26+$0x1B840]  }
0x37: {  	v6 =	vld [tilespmem:s26+$0x1B850];
	v1 =	vmul.f32 v1, v0  }
0x38: {  	s28 =	sor.u32 $0x1, s25;
	v7 =	vld [tilespmem:s26+$0x1B860];
	v2 =	vmul.f32 v2, v0  }
0x39: {  	s29 =	sor.u32 s23, s28;
	v24 =	vld [tilespmem:s26+$0x1B870];
	v23 =	vmul.f32 v3, v0;
	[tilespmem:s26+$0x1B800] =	vst v1  }
0x3a: {  	v8 =	vmov s29;
	v25 =	vmul.f32 v4, v0;
	[tilespmem:s26+$0x1B810] =	vst v2  }
0x3b: {  	v26 =	vand.u32 $0xFFFFFFF1, v8;
	v27 =	vmul.f32 v5, v0;
	[tilespmem:s26+$0x1B820] =	vst v23  }
0x3c: {  	v4 =	vbroadcast v26, $0x0;
	v28 =	vmul.f32 v6, v0;
	[tilespmem:s26+$0x1B830] =	vst v25  }
0x3d: {  	v29 =	vmul.f32 v7, v0;
	[tilespmem:s26+$0x1B840] =	vst v27  }
0x3e: {  	v0 =	vmul.f32 v24, v0;
	[tilespmem:s26+$0x1B850] =	vst v28  }
0x3f: {  	s29 =	sshll.u32 s28, $0x7;
	[tilespmem:s26+$0x1B860] =	vst v29  }
0x40: {  	[tilespmem:s26+$0x1B870] =	vst v0;
	s26 =	sand.u32 $0x3FFFF880, s29  }
0x41: {  	v1 =	vld [tilespmem:s26+$0x1B800]  }
0x42: {  	v0 =	vld.idx.msk [tilespmem:v4+s16+$0x0], $0xffff  }
0x43: {  	v2 =	vld [tilespmem:s26+$0x1B810]  }
0x44: {  	v30 =	vld [tilespmem:s26+$0x1B820]  }
0x45: {  	v31 =	vld [tilespmem:s26+$0x1B830]  }
0x46: {  	v32 =	vld [tilespmem:s26+$0x1B840]  }
0x47: {  	s30 =	sor.u32 $0x2, s25;
	v33 =	vld [tilespmem:s26+$0x1B850];
	v1 =	vmul.f32 v1, v0  }
0x48: {  	s31 =	sor.u32 s23, s30;
	v34 =	vld [tilespmem:s26+$0x1B860];
	v2 =	vmul.f32 v2, v0  }
0x49: {  	v37 =	vmov s31;
	v36 =	vld [tilespmem:s26+$0x1B870];
	v35 =	vmul.f32 v30, v0;
	[tilespmem:s26+$0x1B800] =	vst v1  }
0x4a: {  	v39 =	vand.u32 $0xFFFFFFF2, v37;
	v38 =	vmul.f32 v31, v0;
	[tilespmem:s26+$0x1B810] =	vst v2  }
0x4b: {  	v4 =	vbroadcast v39, $0x0;
	v40 =	vmul.f32 v32, v0;
	[tilespmem:s26+$0x1B820] =	vst v35  }
0x4c: {  	v41 =	vmul.f32 v33, v0;
	[tilespmem:s26+$0x1B830] =	vst v38  }
0x4d: {  	v42 =	vmul.f32 v34, v0;
	[tilespmem:s26+$0x1B840] =	vst v40  }
0x4e: {  	v0 =	vmul.f32 v36, v0;
	[tilespmem:s26+$0x1B850] =	vst v41  }
0x4f: {  	[tilespmem:s26+$0x1B860] =	vst v42  }
0x50: {  	s29 =	sshll.u32 s30, $0x7;
	[tilespmem:s26+$0x1B870] =	vst v0  }
0x51: {  	s26 =	sand.u32 $0x3FFFF900, s29;
	v0 =	vld.idx.msk [tilespmem:v4+s16+$0x0], $0xffff  }
0x52: {  	v1 =	vld [tilespmem:s26+$0x1B800]  }
0x53: {  	v2 =	vld [tilespmem:s26+$0x1B810]  }
0x54: {  	v43 =	vld [tilespmem:s26+$0x1B820]  }
0x55: {  	v44 =	vld [tilespmem:s26+$0x1B830]  }
0x56: {  	v45 =	vld [tilespmem:s26+$0x1B840]  }
0x57: {  	s30 =	sor.u32 $0x3, s25;
	v46 =	vld [tilespmem:s26+$0x1B850];
	v1 =	vmul.f32 v1, v0  }
0x58: {  	s31 =	sor.u32 s23, s30;
	v47 =	vld [tilespmem:s26+$0x1B860];
	v2 =	vmul.f32 v2, v0  }
0x59: {  	v50 =	vmov s31;
	v49 =	vld [tilespmem:s26+$0x1B870];
	v48 =	vmul.f32 v43, v0;
	[tilespmem:s26+$0x1B800] =	vst v1  }
0x5a: {  	v52 =	vand.u32 $0xFFFFFFF3, v50;
	v51 =	vmul.f32 v44, v0;
	[tilespmem:s26+$0x1B810] =	vst v2  }
0x5b: {  	v4 =	vbroadcast v52, $0x0;
	v53 =	vmul.f32 v45, v0;
	[tilespmem:s26+$0x1B820] =	vst v48  }
0x5c: {  	v54 =	vmul.f32 v46, v0;
	[tilespmem:s26+$0x1B830] =	vst v51  }
0x5d: {  	v55 =	vmul.f32 v47, v0;
	[tilespmem:s26+$0x1B840] =	vst v53  }
0x5e: {  	v0 =	vmul.f32 v49, v0;
	[tilespmem:s26+$0x1B850] =	vst v54  }
0x5f: {  	[tilespmem:s26+$0x1B860] =	vst v55  }
0x60: {  	s29 =	sshll.u32 s30, $0x7;
	[tilespmem:s26+$0x1B870] =	vst v0  }
0x61: {  	s26 =	sand.u32 $0x3FFFF980, s29;
	v0 =	vld.idx.msk [tilespmem:v4+s16+$0x0], $0xffff  }
0x62: {  	v1 =	vld [tilespmem:s26+$0x1B800]  }
0x63: {  	v2 =	vld [tilespmem:s26+$0x1B810]  }
0x64: {  	v56 =	vld [tilespmem:s26+$0x1B820]  }
0x65: {  	v57 =	vld [tilespmem:s26+$0x1B830]  }
0x66: {  	v58 =	vld [tilespmem:s26+$0x1B840]  }
0x67: {  	s30 =	sor.u32 $0x4, s25;
	v59 =	vld [tilespmem:s26+$0x1B850];
	v1 =	vmul.f32 v1, v0  }
0x68: {  	s31 =	sor.u32 s23, s30;
	v60 =	vld [tilespmem:s26+$0x1B860];
	v2 =	vmul.f32 v2, v0  }
0x69: {  	v63 =	vmov s31;
	v62 =	vld [tilespmem:s26+$0x1B870];
	v61 =	vmul.f32 v56, v0;
	[tilespmem:s26+$0x1B800] =	vst v1  }
0x6a: {  	v13 =	vand.u32 $0xFFFFFFF4, v63;
	v12 =	vmul.f32 v57, v0;
	[tilespmem:s26+$0x1B810] =	vst v2  }
0x6b: {  	v4 =	vbroadcast v13, $0x0;
	v14 =	vmul.f32 v58, v0;
	[tilespmem:s26+$0x1B820] =	vst v61  }
0x6c: {  	v15 =	vmul.f32 v59, v0;
	[tilespmem:s26+$0x1B830] =	vst v12  }
0x6d: {  	v16 =	vmul.f32 v60, v0;
	[tilespmem:s26+$0x1B840] =	vst v14  }
0x6e: {  	v0 =	vmul.f32 v62, v0;
	[tilespmem:s26+$0x1B850] =	vst v15  }
0x6f: {  	[tilespmem:s26+$0x1B860] =	vst v16  }
0x70: {  	s29 =	sshll.u32 s30, $0x7;
	[tilespmem:s26+$0x1B870] =	vst v0  }
0x71: {  	s26 =	sand.u32 $0x3FFFFA00, s29;
	v0 =	vld.idx.msk [tilespmem:v4+s16+$0x0], $0xffff  }
0x72: {  	v1 =	vld [tilespmem:s26+$0x1B800]  }
0x73: {  	v2 =	vld [tilespmem:s26+$0x1B810]  }
0x74: {  	v17 =	vld [tilespmem:s26+$0x1B820]  }
0x75: {  	v18 =	vld [tilespmem:s26+$0x1B830]  }
0x76: {  	v19 =	vld [tilespmem:s26+$0x1B840]  }
0x77: {  	s30 =	sor.u32 $0x5, s25;
	v20 =	vld [tilespmem:s26+$0x1B850];
	v1 =	vmul.f32 v1, v0  }
0x78: {  	s31 =	sor.u32 s23, s30;
	v21 =	vld [tilespmem:s26+$0x1B860];
	v2 =	vmul.f32 v2, v0  }
0x79: {  	v24 =	vmov s31;
	v23 =	vld [tilespmem:s26+$0x1B870];
	v22 =	vmul.f32 v17, v0;
	[tilespmem:s26+$0x1B800] =	vst v1  }
0x7a: {  	v26 =	vand.u32 $0xFFFFFFF5, v24;
	v25 =	vmul.f32 v18, v0;
	[tilespmem:s26+$0x1B810] =	vst v2  }
0x7b: {  	v4 =	vbroadcast v26, $0x0;
	v27 =	vmul.f32 v19, v0;
	[tilespmem:s26+$0x1B820] =	vst v22  }
0x7c: {  	v28 =	vmul.f32 v20, v0;
	[tilespmem:s26+$0x1B830] =	vst v25  }
0x7d: {  	v29 =	vmul.f32 v21, v0;
	[tilespmem:s26+$0x1B840] =	vst v27  }
0x7e: {  	v0 =	vmul.f32 v23, v0;
	[tilespmem:s26+$0x1B850] =	vst v28  }
0x7f: {  	[tilespmem:s26+$0x1B860] =	vst v29  }
0x80: {  	s29 =	sshll.u32 s30, $0x7;
	[tilespmem:s26+$0x1B870] =	vst v0  }
0x81: {  	s26 =	sand.u32 $0x3FFFFA80, s29;
	v0 =	vld.idx.msk [tilespmem:v4+s16+$0x0], $0xffff  }
0x82: {  	v1 =	vld [tilespmem:s26+$0x1B800]  }
0x83: {  	v2 =	vld [tilespmem:s26+$0x1B810]  }
0x84: {  	v30 =	vld [tilespmem:s26+$0x1B820]  }
0x85: {  	v31 =	vld [tilespmem:s26+$0x1B830]  }
0x86: {  	v32 =	vld [tilespmem:s26+$0x1B840]  }
0x87: {  	s30 =	sor.u32 $0x6, s25;
	v33 =	vld [tilespmem:s26+$0x1B850];
	v1 =	vmul.f32 v1, v0  }
0x88: {  	s31 =	sor.u32 s23, s30;
	v34 =	vld [tilespmem:s26+$0x1B860];
	v2 =	vmul.f32 v2, v0  }
0x89: {  	v37 =	vmov s31;
	v36 =	vld [tilespmem:s26+$0x1B870];
	v35 =	vmul.f32 v30, v0;
	[tilespmem:s26+$0x1B800] =	vst v1  }
0x8a: {  	v39 =	vand.u32 $0xFFFFFFF6, v37;
	v38 =	vmul.f32 v31, v0;
	[tilespmem:s26+$0x1B810] =	vst v2  }
0x8b: {  	v4 =	vbroadcast v39, $0x0;
	v40 =	vmul.f32 v32, v0;
	[tilespmem:s26+$0x1B820] =	vst v35  }
0x8c: {  	v41 =	vmul.f32 v33, v0;
	[tilespmem:s26+$0x1B830] =	vst v38  }
0x8d: {  	v42 =	vmul.f32 v34, v0;
	[tilespmem:s26+$0x1B840] =	vst v40  }
0x8e: {  	v0 =	vmul.f32 v36, v0;
	[tilespmem:s26+$0x1B850] =	vst v41  }
0x8f: {  	[tilespmem:s26+$0x1B860] =	vst v42  }
0x90: {  	s29 =	sshll.u32 s30, $0x7;
	[tilespmem:s26+$0x1B870] =	vst v0  }
0x91: {  	s26 =	sand.u32 $0x3FFFFB00, s29;
	v0 =	vld.idx.msk [tilespmem:v4+s16+$0x0], $0xffff  }
0x92: {  	v1 =	vld [tilespmem:s26+$0x1B800]  }
0x93: {  	v2 =	vld [tilespmem:s26+$0x1B810]  }
0x94: {  	v43 =	vld [tilespmem:s26+$0x1B820]  }
0x95: {  	v44 =	vld [tilespmem:s26+$0x1B830]  }
0x96: {  	v45 =	vld [tilespmem:s26+$0x1B840]  }
0x97: {  	s30 =	sor.u32 $0x7, s25;
	v46 =	vld [tilespmem:s26+$0x1B850];
	v1 =	vmul.f32 v1, v0  }
0x98: {  	s31 =	sor.u32 s23, s30;
	v47 =	vld [tilespmem:s26+$0x1B860];
	v2 =	vmul.f32 v2, v0  }
0x99: {  	v50 =	vmov s31;
	v49 =	vld [tilespmem:s26+$0x1B870];
	v48 =	vmul.f32 v43, v0;
	[tilespmem:s26+$0x1B800] =	vst v1  }
0x9a: {  	v52 =	vand.u32 $0xFFFFFFF7, v50;
	v51 =	vmul.f32 v44, v0;
	[tilespmem:s26+$0x1B810] =	vst v2  }
0x9b: {  	v4 =	vbroadcast v52, $0x0;
	v53 =	vmul.f32 v45, v0;
	[tilespmem:s26+$0x1B820] =	vst v48  }
0x9c: {  	v54 =	vmul.f32 v46, v0;
	[tilespmem:s26+$0x1B830] =	vst v51  }
0x9d: {  	v55 =	vmul.f32 v47, v0;
	[tilespmem:s26+$0x1B840] =	vst v53  }
0x9e: {  	v0 =	vmul.f32 v49, v0;
	[tilespmem:s26+$0x1B850] =	vst v54  }
0x9f: {  	[tilespmem:s26+$0x1B860] =	vst v55  }
0xa0: {  	s29 =	sshll.u32 s30, $0x7;
	[tilespmem:s26+$0x1B870] =	vst v0  }
0xa1: {  	s26 =	sand.u32 $0x3FFFFB80, s29;
	v0 =	vld.idx.msk [tilespmem:v4+s16+$0x0], $0xffff  }
0xa2: {  	v1 =	vld [tilespmem:s26+$0x1B800]  }
0xa3: {  	v2 =	vld [tilespmem:s26+$0x1B810]  }
0xa4: {  	v56 =	vld [tilespmem:s26+$0x1B820]  }
0xa5: {  	v57 =	vld [tilespmem:s26+$0x1B830]  }
0xa6: {  	v58 =	vld [tilespmem:s26+$0x1B840]  }
0xa7: {  	s30 =	sor.u32 $0x8, s25;
	v59 =	vld [tilespmem:s26+$0x1B850];
	v1 =	vmul.f32 v1, v0  }
0xa8: {  	s31 =	sor.u32 s23, s30;
	v60 =	vld [tilespmem:s26+$0x1B860];
	v2 =	vmul.f32 v2, v0  }
0xa9: {  	v63 =	vmov s31;
	v62 =	vld [tilespmem:s26+$0x1B870];
	v61 =	vmul.f32 v56, v0;
	[tilespmem:s26+$0x1B800] =	vst v1  }
0xaa: {  	v13 =	vand.u32 $0xFFFFFFF8, v63;
	v12 =	vmul.f32 v57, v0;
	[tilespmem:s26+$0x1B810] =	vst v2  }
0xab: {  	v4 =	vbroadcast v13, $0x0;
	v14 =	vmul.f32 v58, v0;
	[tilespmem:s26+$0x1B820] =	vst v61  }
0xac: {  	v15 =	vmul.f32 v59, v0;
	[tilespmem:s26+$0x1B830] =	vst v12  }
0xad: {  	v16 =	vmul.f32 v60, v0;
	[tilespmem:s26+$0x1B840] =	vst v14  }
0xae: {  	v0 =	vmul.f32 v62, v0;
	[tilespmem:s26+$0x1B850] =	vst v15  }
0xaf: {  	[tilespmem:s26+$0x1B860] =	vst v16  }
0xb0: {  	s29 =	sshll.u32 s30, $0x7;
	[tilespmem:s26+$0x1B870] =	vst v0  }
0xb1: {  	s26 =	sand.u32 $0x3FFFFC00, s29;
	v0 =	vld.idx.msk [tilespmem:v4+s16+$0x0], $0xffff  }
0xb2: {  	v1 =	vld [tilespmem:s26+$0x1B800]  }
0xb3: {  	v2 =	vld [tilespmem:s26+$0x1B810]  }
0xb4: {  	v17 =	vld [tilespmem:s26+$0x1B820]  }
0xb5: {  	v18 =	vld [tilespmem:s26+$0x1B830]  }
0xb6: {  	v19 =	vld [tilespmem:s26+$0x1B840]  }
0xb7: {  	s30 =	sor.u32 $0x9, s25;
	v20 =	vld [tilespmem:s26+$0x1B850];
	v1 =	vmul.f32 v1, v0  }
0xb8: {  	s31 =	sor.u32 s23, s30;
	v21 =	vld [tilespmem:s26+$0x1B860];
	v2 =	vmul.f32 v2, v0  }
0xb9: {  	v24 =	vmov s31;
	v23 =	vld [tilespmem:s26+$0x1B870];
	v22 =	vmul.f32 v17, v0;
	[tilespmem:s26+$0x1B800] =	vst v1  }
0xba: {  	v26 =	vand.u32 $0xFFFFFFF9, v24;
	v25 =	vmul.f32 v18, v0;
	[tilespmem:s26+$0x1B810] =	vst v2  }
0xbb: {  	v4 =	vbroadcast v26, $0x0;
	v27 =	vmul.f32 v19, v0;
	[tilespmem:s26+$0x1B820] =	vst v22  }
0xbc: {  	v28 =	vmul.f32 v20, v0;
	[tilespmem:s26+$0x1B830] =	vst v25  }
0xbd: {  	v29 =	vmul.f32 v21, v0;
	[tilespmem:s26+$0x1B840] =	vst v27  }
0xbe: {  	v0 =	vmul.f32 v23, v0;
	[tilespmem:s26+$0x1B850] =	vst v28  }
0xbf: {  	[tilespmem:s26+$0x1B860] =	vst v29  }
0xc0: {  	s29 =	sshll.u32 s30, $0x7;
	[tilespmem:s26+$0x1B870] =	vst v0  }
0xc1: {  	s26 =	sand.u32 $0x3FFFFC80, s29;
	v0 =	vld.idx.msk [tilespmem:v4+s16+$0x0], $0xffff  }
0xc2: {  	v1 =	vld [tilespmem:s26+$0x1B800]  }
0xc3: {  	v2 =	vld [tilespmem:s26+$0x1B810]  }
0xc4: {  	v30 =	vld [tilespmem:s26+$0x1B820]  }
0xc5: {  	v31 =	vld [tilespmem:s26+$0x1B830]  }
0xc6: {  	v32 =	vld [tilespmem:s26+$0x1B840]  }
0xc7: {  	s30 =	sor.u32 $0xA, s25;
	v33 =	vld [tilespmem:s26+$0x1B850];
	v1 =	vmul.f32 v1, v0  }
0xc8: {  	s31 =	sor.u32 s23, s30;
	v34 =	vld [tilespmem:s26+$0x1B860];
	v2 =	vmul.f32 v2, v0  }
0xc9: {  	v37 =	vmov s31;
	v36 =	vld [tilespmem:s26+$0x1B870];
	v35 =	vmul.f32 v30, v0;
	[tilespmem:s26+$0x1B800] =	vst v1  }
0xca: {  	v39 =	vand.u32 $0xFFFFFFFA, v37;
	v38 =	vmul.f32 v31, v0;
	[tilespmem:s26+$0x1B810] =	vst v2  }
0xcb: {  	v4 =	vbroadcast v39, $0x0;
	v40 =	vmul.f32 v32, v0;
	[tilespmem:s26+$0x1B820] =	vst v35  }
0xcc: {  	v41 =	vmul.f32 v33, v0;
	[tilespmem:s26+$0x1B830] =	vst v38  }
0xcd: {  	v42 =	vmul.f32 v34, v0;
	[tilespmem:s26+$0x1B840] =	vst v40  }
0xce: {  	v0 =	vmul.f32 v36, v0;
	[tilespmem:s26+$0x1B850] =	vst v41  }
0xcf: {  	[tilespmem:s26+$0x1B860] =	vst v42  }
0xd0: {  	s29 =	sshll.u32 s30, $0x7;
	[tilespmem:s26+$0x1B870] =	vst v0  }
0xd1: {  	s26 =	sand.u32 $0x3FFFFD00, s29;
	v0 =	vld.idx.msk [tilespmem:v4+s16+$0x0], $0xffff  }
0xd2: {  	v1 =	vld [tilespmem:s26+$0x1B800]  }
0xd3: {  	v2 =	vld [tilespmem:s26+$0x1B810]  }
0xd4: {  	v43 =	vld [tilespmem:s26+$0x1B820]  }
0xd5: {  	v44 =	vld [tilespmem:s26+$0x1B830]  }
0xd6: {  	v45 =	vld [tilespmem:s26+$0x1B840]  }
0xd7: {  	s30 =	sor.u32 $0xB, s25;
	v46 =	vld [tilespmem:s26+$0x1B850];
	v1 =	vmul.f32 v1, v0  }
0xd8: {  	s31 =	sor.u32 s23, s30;
	v47 =	vld [tilespmem:s26+$0x1B860];
	v2 =	vmul.f32 v2, v0  }
0xd9: {  	v50 =	vmov s31;
	v49 =	vld [tilespmem:s26+$0x1B870];
	v48 =	vmul.f32 v43, v0;
	[tilespmem:s26+$0x1B800] =	vst v1  }
0xda: {  	v52 =	vand.u32 $0xFFFFFFFB, v50;
	v51 =	vmul.f32 v44, v0;
	[tilespmem:s26+$0x1B810] =	vst v2  }
0xdb: {  	v4 =	vbroadcast v52, $0x0;
	v53 =	vmul.f32 v45, v0;
	[tilespmem:s26+$0x1B820] =	vst v48  }
0xdc: {  	v54 =	vmul.f32 v46, v0;
	[tilespmem:s26+$0x1B830] =	vst v51  }
0xdd: {  	v55 =	vmul.f32 v47, v0;
	[tilespmem:s26+$0x1B840] =	vst v53  }
0xde: {  	v0 =	vmul.f32 v49, v0;
	[tilespmem:s26+$0x1B850] =	vst v54  }
0xdf: {  	[tilespmem:s26+$0x1B860] =	vst v55  }
0xe0: {  	s29 =	sshll.u32 s30, $0x7;
	[tilespmem:s26+$0x1B870] =	vst v0  }
0xe1: {  	s26 =	sand.u32 $0x3FFFFD80, s29;
	v0 =	vld.idx.msk [tilespmem:v4+s16+$0x0], $0xffff  }
0xe2: {  	v1 =	vld [tilespmem:s26+$0x1B800]  }
0xe3: {  	v2 =	vld [tilespmem:s26+$0x1B810]  }
0xe4: {  	v56 =	vld [tilespmem:s26+$0x1B820]  }
0xe5: {  	v57 =	vld [tilespmem:s26+$0x1B830]  }
0xe6: {  	v58 =	vld [tilespmem:s26+$0x1B840]  }
0xe7: {  	s30 =	sor.u32 $0xC, s25;
	v59 =	vld [tilespmem:s26+$0x1B850];
	v1 =	vmul.f32 v1, v0  }
0xe8: {  	s31 =	sor.u32 s23, s30;
	v60 =	vld [tilespmem:s26+$0x1B860];
	v2 =	vmul.f32 v2, v0  }
0xe9: {  	v63 =	vmov s31;
	v62 =	vld [tilespmem:s26+$0x1B870];
	v61 =	vmul.f32 v56, v0;
	[tilespmem:s26+$0x1B800] =	vst v1  }
0xea: {  	v11 =	vand.u32 $0xFFFFFFFC, v63;
	v10 =	vmul.f32 v57, v0;
	[tilespmem:s26+$0x1B810] =	vst v2  }
0xeb: {  	v4 =	vbroadcast v11, $0x0;
	v12 =	vmul.f32 v58, v0;
	[tilespmem:s26+$0x1B820] =	vst v61  }
0xec: {  	v13 =	vmul.f32 v59, v0;
	[tilespmem:s26+$0x1B830] =	vst v10  }
0xed: {  	v14 =	vmul.f32 v60, v0;
	[tilespmem:s26+$0x1B840] =	vst v12  }
0xee: {  	v0 =	vmul.f32 v62, v0;
	[tilespmem:s26+$0x1B850] =	vst v13  }
0xef: {  	[tilespmem:s26+$0x1B860] =	vst v14  }
0xf0: {  	s29 =	sshll.u32 s30, $0x7;
	[tilespmem:s26+$0x1B870] =	vst v0  }
0xf1: {  	s26 =	sand.u32 $0x3FFFFE00, s29;
	v0 =	vld.idx.msk [tilespmem:v4+s16+$0x0], $0xffff  }
0xf2: {  	v1 =	vld [tilespmem:s26+$0x1B800]  }
0xf3: {  	v2 =	vld [tilespmem:s26+$0x1B810]  }
0xf4: {  	v15 =	vld [tilespmem:s26+$0x1B820]  }
0xf5: {  	v16 =	vld [tilespmem:s26+$0x1B830]  }
0xf6: {  	v17 =	vld [tilespmem:s26+$0x1B840]  }
0xf7: {  	s30 =	sor.u32 $0xD, s25;
	v18 =	vld [tilespmem:s26+$0x1B850];
	v1 =	vmul.f32 v1, v0  }
0xf8: {  	s31 =	sor.u32 s23, s30;
	v19 =	vld [tilespmem:s26+$0x1B860];
	v2 =	vmul.f32 v2, v0  }
0xf9: {  	v20 =	vmov s31;
	v22 =	vld [tilespmem:s26+$0x1B870];
	v21 =	vmul.f32 v15, v0;
	[tilespmem:s26+$0x1B800] =	vst v1  }
0xfa: {  	v24 =	vand.u32 $0xFFFFFFFD, v20;
	v23 =	vmul.f32 v16, v0;
	[tilespmem:s26+$0x1B810] =	vst v2  }
0xfb: {  	v4 =	vbroadcast v24, $0x0;
	v25 =	vmul.f32 v17, v0;
	[tilespmem:s26+$0x1B820] =	vst v21  }
0xfc: {  	v26 =	vmul.f32 v18, v0;
	[tilespmem:s26+$0x1B830] =	vst v23  }
0xfd: {  	v27 =	vmul.f32 v19, v0;
	[tilespmem:s26+$0x1B840] =	vst v25  }
0xfe: {  	v0 =	vmul.f32 v22, v0;
	[tilespmem:s26+$0x1B850] =	vst v26  }
0xff: {  	[tilespmem:s26+$0x1B860] =	vst v27  }
0x100: {  	s30 =	sshll.u32 s30, $0x7;
	[tilespmem:s26+$0x1B870] =	vst v0  }
0x101: {  	s26 =	sand.u32 $0x3FFFFE80, s30;
	v0 =	vld.idx.msk [tilespmem:v4+s16+$0x0], $0xffff  }
0x102: {  	v1 =	vld [tilespmem:s26+$0x1B800]  }
0x103: {  	v2 =	vld [tilespmem:s26+$0x1B810]  }
0x104: {  	v28 =	vld [tilespmem:s26+$0x1B820]  }
0x105: {  	v29 =	vld [tilespmem:s26+$0x1B830]  }
0x106: {  	v30 =	vld [tilespmem:s26+$0x1B840]  }
0x107: {  	s25 =	sor.u32 $0xE, s25;
	v31 =	vld [tilespmem:s26+$0x1B850];
	v1 =	vmul.f32 v1, v0  }
0x108: {  	s31 =	sor.u32 s23, s25;
	v32 =	vld [tilespmem:s26+$0x1B860];
	v2 =	vmul.f32 v2, v0  }
0x109: {  	v35 =	vmov s31;
	v34 =	vld [tilespmem:s26+$0x1B870];
	v33 =	vmul.f32 v28, v0;
	[tilespmem:s26+$0x1B800] =	vst v1  }
0x10a: {  	v37 =	vand.u32 $0xFFFFFFFE, v35;
	v36 =	vmul.f32 v29, v0;
	[tilespmem:s26+$0x1B810] =	vst v2  }
0x10b: {  	v4 =	vbroadcast v37, $0x0;
	v38 =	vmul.f32 v30, v0;
	[tilespmem:s26+$0x1B820] =	vst v33  }
0x10c: {  	v39 =	vmul.f32 v31, v0;
	[tilespmem:s26+$0x1B830] =	vst v36  }
0x10d: {  	v40 =	vmul.f32 v32, v0;
	[tilespmem:s26+$0x1B840] =	vst v38  }
0x10e: {  	v0 =	vmul.f32 v34, v0;
	[tilespmem:s26+$0x1B850] =	vst v39  }
0x10f: {  	[tilespmem:s26+$0x1B860] =	vst v40  }
0x110: {  	s25 =	sshll.u32 s25, $0x7;
	[tilespmem:s26+$0x1B870] =	vst v0  }
0x111: {  	s25 =	sand.u32 $0x3FFFFF00, s25;
	v0 =	vld.idx.msk [tilespmem:v4+s16+$0x0], $0xffff  }
0x112: {  	v1 =	vld [tilespmem:s25+$0x1B800]  }
0x113: {  	v2 =	vld [tilespmem:s25+$0x1B810]  }
0x114: {  	v41 =	vld [tilespmem:s25+$0x1B820]  }
0x115: {  	v42 =	vld [tilespmem:s25+$0x1B830]  }
0x116: {  	v43 =	vld [tilespmem:s25+$0x1B840]  }
0x117: {  	v44 =	vld [tilespmem:s25+$0x1B850];
	v1 =	vmul.f32 v1, v0  }
0x118: {  	v45 =	vld [tilespmem:s25+$0x1B860];
	v2 =	vmul.f32 v2, v0  }
0x119: {  	v47 =	vld [tilespmem:s25+$0x1B870];
	v46 =	vmul.f32 v41, v0;
	[tilespmem:s25+$0x1B800] =	vst v1  }
0x11a: {  	s29 =	sshllo.u32 s24, $0x4;
	v48 =	vmul.f32 v42, v0;
	[tilespmem:s25+$0x1B810] =	vst v2  }
0x11b: {  	s30 =	sor.u32 s23, s29;
	v49 =	vmul.f32 v43, v0;
	[tilespmem:s25+$0x1B820] =	vst v46  }
0x11c: {  	v51 =	vmov s30;
	v50 =	vmul.f32 v44, v0;
	[tilespmem:s25+$0x1B830] =	vst v48  }
0x11d: {  	v52 =	vmul.f32 v45, v0;
	[tilespmem:s25+$0x1B840] =	vst v49  }
0x11e: {  	v0 =	vmul.f32 v47, v0;
	[tilespmem:s25+$0x1B850] =	vst v50  }
0x11f: {  	[tilespmem:s25+$0x1B860] =	vst v52  }
0x120: {  	s31 =	sshll.u32 s29, $0x7;
	[tilespmem:s25+$0x1B870] =	vst v0  }
0x121: {  	s25 =	sand.u32 $0x3FFFFF80, s31;
	v0 =	vld.idx.msk [tilespmem:v51+s16+$0x0], $0xffff  }
0x122: {  	v1 =	vld [tilespmem:s25+$0x1B800]  }
0x123: {  	v2 =	vld [tilespmem:s25+$0x1B810]  }
0x124: {  	v53 =	vld [tilespmem:s25+$0x1B820]  }
0x125: {  	v54 =	vld [tilespmem:s25+$0x1B830]  }
0x126: {  	v55 =	vld [tilespmem:s25+$0x1B840]  }
0x127: {  	v56 =	vld [tilespmem:s25+$0x1B850];
	v1 =	vmul.f32 v1, v0  }
0x128: {  	v57 =	vld [tilespmem:s25+$0x1B860];
	v2 =	vmul.f32 v2, v0  }
0x129: {  	v59 =	vld [tilespmem:s25+$0x1B870];
	v58 =	vmul.f32 v53, v0;
	[tilespmem:s25+$0x1B800] =	vst v1  }
0x12a: {  	v60 =	vmul.f32 v54, v0;
	[tilespmem:s25+$0x1B810] =	vst v2  }
0x12b: {  	p0 =	sne.s32 s24, $0x7;
	v61 =	vmul.f32 v55, v0;
	[tilespmem:s25+$0x1B820] =	vst v58  }
.Ltmp0:
0x12c: {  	v62 =	vmul.f32 v56, v0;
	[tilespmem:s25+$0x1B830] =	vst v60;
	(pc) =	sbr.rel @p0 .LBB2_3-.Ltmp0, $4  }
0x12d: {  	v63 =	vmul.f32 v57, v0;
	[tilespmem:s25+$0x1B840] =	vst v61  }
0x12e: {  	v0 =	vmul.f32 v59, v0;
	[tilespmem:s25+$0x1B850] =	vst v62  }
0x12f: {  	[tilespmem:s25+$0x1B860] =	vst v63  }
0x130: {  	s24 =	sadd.s32 $0x1, s24;
	[tilespmem:s25+$0x1B870] =	vst v0  }
0x131: {  	s22 =	sadd.s32 $0x1, s22  }
0x132: {  	p0 =	sne.s32 s22, $0x50  }
.Ltmp1:
0x133: {  	s23 =	sadd.s32 $0x16800, s23;
	(pc) =	sbr.rel @p0 .LBB2_2-.Ltmp1, $4  }
0x134: {  	[spmem:s3] =	stream.indirect.scatter.add.f32 [tilespmem:s19], [sflag:$0x2], $0x80, s23, s14, $0xb8;
	[tilespmem:$0x1F800] =	vst v63  }
0x135: {  	_ =	swait.ge [sflag:s12], $0x4000  }
0x136: {  	[sflag:s12] =	ssyncset.done $0x0  }
0x137: {  	[sflag:s12] =	ssyncadd.s32 $0xFFFFC000  }
0x138: {  	s21 =	sadd.s32 $0x1, s21  }
0x139: {  	p0 =	sne.s32 s21, s10  }
.Ltmp2:
0x13a: {  	[bflag:$0x0] =	sbarrier.arrive $0xFFFF;
	(pc) =	sbr.rel @p0 .LBB2_1-.Ltmp2, $4  }
0x13b: {  	[hbm:s9], [sflag:s17] =	dma.local [spmem:s18], $0x2800  }
0x13c: {  	_ =	swait.ge [sflag:s12], $0x2800  }
0x13d: {  	[sflag:s12] =	ssyncset.done $0x0  }
0x13e: {  	[sflag:s12] =	ssyncadd.s32 $0xFFFFD800  }
0x13f: {  	_ =	sfence.sel $0x180000  }
0x140: {  	[bflag:$0x0] =	sbarrier.arrive $0xFFFF  }
0x141: {  	p0 =	sne.s32 s0, $0x0;
	_ =	strace $0x9000004A  }
0x142: {  	s0 =	sadd.s32 @!p0 $0x100000, s2;
	[bflag:$0x2] =	sbarrier.arrive $0xFFFF  }
0x143: {  	[sflag:s0] =	ssyncadd.tile.s32 @!p0 $0x1;
	_ =	shalt  }
.Lfunc_end2:
_tile_overlayer_lowered:
.L_overlay_start_2:
0x144: {  	(tag) =	ssettag $0x2  }
0x145: {  	s0 =	rddreg [dreg:$0x0];
	s2 =	stileid.u32  }
0x146: {  	s1 =	rddreg [dreg:$0x1];
	p0 =	sne.s32 s2, $0x0  }
0x147: {  	s3 =	rddreg [dreg:$0x2];
	[bflag:$0x3] =	sbarrier.arrive $0xFFFF;
	s2 =	simm.s32 @!p0 $0x1C02  }
0x148: {  	[timem:s3], [sflag:s2] =	dma.local @!p0 [hbm:s0], s1  }
0x149: {  	s0 =	simm.s32 @!p0 $0x2  }
0x14a: {  	_ =	swait.ge @!p0 [sflag:s0], s1  }
0x14b: {  	s1 =	ssub.s32 @!p0 $0x0, s1;
	[sflag:s0] =	ssyncset.done @!p0 $0x0  }
0x14c: {  	[sflag:s0] =	ssyncadd.s32 @!p0 s1  }
0x14d: {  	[bflag:$0x3] =	sbarrier.arrive $0xFFFF  }
0x14e: {  	_ =	shalt  }

</sc_bundles>
